<compile_context>
chip_gen: v7x
topology: tpu7x:2x2x1
jax: 0.10.2.dev20260603
libtpu: 0.0.44.dev20260713+nightly
codegen_flags: <defaults>
</compile_context>

<pallas_src>
import functools
import jax
import jax.numpy as jnp
from jax import lax
from jax.experimental import pallas as pl
from jax.experimental.pallas import tpu as pltpu
from jax.experimental.pallas import tpu_sc as plsc

_V = 1000000
_D = 32
_B = 16384
_NC = 2
_NS = 16
_NW = _NC * _NS
_BPW = _B // _NW
_LANE = 16

_K1W = 1536
_LPT = 31232
_NWIN = 20
_TAIL0 = _NW * _LPT
_CHUNK = 128


_NCOLS = 7812
_CGRP = 16
_ROWS = _NCOLS * _D
_RSTRIDE = _NCOLS * 1024


def _detile_kernel(table_hbm, lin_hbm, buf, dummy_v, rsems, wsems):
    wid = lax.axis_index("s") * _NC + lax.axis_index("c")
    r = wid // 8
    k = wid % 8
    ncols = _NCOLS // 8
    c0 = k * ncols
    nb = ncols // _CGRP

    def fire_reads(t, b):
        cbase = c0 + t * _CGRP
        for u in range(_CGRP):
            pltpu.async_copy(
                table_hbm.at[r, :, pl.ds((cbase + u) * 128, 128)],
                buf.at[b, pl.ds(u * 8, 8), :],
                rsems.at[b],
            )

    def fire_write(t, b):
        row0 = (r * _NCOLS + c0 + t * _CGRP) * 8
        pltpu.async_copy(
            buf.at[b],
            lin_hbm.at[pl.ds(row0, _CGRP * 8), :],
            wsems.at[b],
        )

    def drain(sem):
        pltpu.make_async_copy(
            lin_hbm.at[pl.ds(0, _CGRP * 8), :], dummy_v, sem
        ).wait()

    def body(t, carry):
        b = t % 3
        bn = (t + 2) % 3
        @pl.when(t >= 1)
        def _():
            drain(wsems.at[bn])
        @pl.when(t + 2 < nb)
        def _():
            fire_reads(t + 2, bn)
        drain(rsems.at[b])
        fire_write(t, b)
        return carry

    fire_reads(0, 0)
    fire_reads(1, 1)
    lax.fori_loop(0, nb, body, 0)
    drain(wsems.at[(nb - 1) % 3])

    @pl.when(k == 0)
    def _():
        nleft = _NCOLS - 8 * ncols
        copies = []
        for u in range(nleft):
            copies.append(
                pltpu.async_copy(
                    table_hbm.at[r, :, pl.ds((8 * ncols + u) * 128, 128)],
                    buf.at[0, pl.ds(u * 8, 8), :],
                    rsems.at[0],
                )
            )
        for c in copies:
            c.wait()
        pltpu.async_copy(
            buf.at[0, pl.ds(0, nleft * 8), :],
            lin_hbm.at[pl.ds((r * _NCOLS + 8 * ncols) * 8, nleft * 8), :],
            wsems.at[0],
        ).wait()


_TBASE = _V - 64


def _gather_kernel(x_hbm, lin_hbm, tail_hbm, out_hbm, idx_v, off_v, rows_v, tail_v, gdummy_v, sems):
    wid = lax.axis_index("s") * _NC + lax.axis_index("c")
    base = wid * _BPW
    pltpu.sync_copy(x_hbm.at[pl.ds(base, _BPW)], idx_v)
    pltpu.sync_copy(tail_hbm, tail_v)

    def offsets(j, carry):
        c = (j // 8) * _RSTRIDE + (j % 8) * 128
        for v in range(_BPW // _LANE):
            xi = idx_v[pl.ds(v * _LANE, _LANE)]
            b = ((xi >> 7) << 10) | (xi & 127)
            off_v[j, pl.ds(v * _LANE, _LANE)] = b + c
        return carry

    lax.fori_loop(0, _D, offsets, 0)

    def gdrain(sem):
        pltpu.make_async_copy(
            lin_hbm.at[pl.ds(0, 8 * _CHUNK)], gdummy_v, sem
        ).wait()

    def gather(g, carry):
        b = g % 2
        @pl.when(g >= 2)
        def _():
            gdrain(sems.at[b])
        for u in range(8):
            k = g * 8 + u
            j = k // 4
            p0 = (k % 4) * _CHUNK
            pltpu.async_copy(
                lin_hbm.at[off_v.at[j, pl.ds(p0, _CHUNK)]],
                rows_v.at[j, pl.ds(p0, _CHUNK)],
                sems.at[b],
            )
        return carry

    nbat = (_D * _BPW // _CHUNK) // 8
    lax.fori_loop(0, nbat, gather, 0)
    gdrain(sems.at[0])
    gdrain(sems.at[1])

    def patch(v, carry):
        xi = idx_v[pl.ds(v * _LANE, _LANE)]
        m = xi >= _TBASE
        t = jnp.maximum(xi - _TBASE, 0)
        pidx = lax.iota(jnp.int32, _LANE) + v * _LANE
        for j in range(_D):
            js = jnp.full((_LANE,), j, jnp.int32)
            val = plsc.load_gather(tail_v, [t, js])
            plsc.store_scatter(rows_v, [js, pidx], val, mask=m)
        return carry

    lax.fori_loop(0, _BPW // _LANE, patch, 0)
    pltpu.sync_copy(rows_v, out_hbm.at[:, pl.ds(base, _BPW)])


@jax.jit
def _embedding_lookup(x, params):
    mesh = plsc.VectorSubcoreMesh(core_axis_name="c", subcore_axis_name="s")
    detile = functools.partial(
        pl.kernel,
        mesh=mesh,
        out_type=jax.ShapeDtypeStruct((_ROWS, 128), jnp.float32),
        scratch_types=[
            pltpu.VMEM((3, _CGRP * 8, 128), jnp.float32),
            pltpu.VMEM((_CGRP * 8, 128), jnp.float32),
            pltpu.SemaphoreType.DMA((3,)),
            pltpu.SemaphoreType.DMA((3,)),
        ],
    )(_detile_kernel)
    gather = functools.partial(
        pl.kernel,
        mesh=mesh,
        out_type=jax.ShapeDtypeStruct((_D, _B), jnp.float32),
        scratch_types=[
            pltpu.VMEM((_BPW,), jnp.int32),
            pltpu.VMEM((_D, _BPW), jnp.int32),
            pltpu.VMEM((_D, _BPW), jnp.float32),
            pltpu.VMEM((64, _D), jnp.float32),
            pltpu.VMEM((8 * _CHUNK,), jnp.float32),
            pltpu.SemaphoreType.DMA((2,)),
        ],
        compiler_params=pltpu.CompilerParams(
            use_tc_tiling_on_sc=False, needs_layout_passes=False
        ),
    )(_gather_kernel)
    lin2 = detile(params.T.reshape(_D // 8, 8, _V))
    lin = lin2.reshape(_ROWS * 128)
    tail = params[_TBASE:, :]
    out_t = gather(x.astype(jnp.int32), lin, tail)
    return out_t.T


def kernel(x, params):
    return _embedding_lookup(x, params)

# --- scband reference (transcript-rebuilt; emitter-appended) ---
"""Pipeline reference for scband-embedding-76510547411221 (READ-ONLY COPY).

The authoritative reference and input builder live on the scoring server;
editing this copy changes nothing except your own understanding.
"""

import jax, jax.numpy as jnp
import numpy as np

NUM_EMBEDDINGS = 1000000
EMBED_DIM = 32
BATCH = 16384


def setup_inputs(seed: int = 0) -> dict:
    key = jax.random.key(seed)
    k_idx, k_tab = jax.random.split(key)
    x = jax.random.randint(k_idx, (BATCH,), 0, NUM_EMBEDDINGS, dtype=jnp.int64 if jax.config.jax_enable_x64 else jnp.int32)
    std = 2.0 / (NUM_EMBEDDINGS + EMBED_DIM)
    # trunc_normal_(mean=0, std=std, a=-3*std, b=3*std)
    params = std * jax.random.truncated_normal(k_tab, -3.0, 3.0, (NUM_EMBEDDINGS, EMBED_DIM), dtype=jnp.float32)
    return {"x": x, "params": params}


def reference(x, params):
    # torch.index_select(self.params, 0, x) -> gather rows
    return jnp.take(params, x, axis=0)

if __name__ == "__main__":
    import jax
    _d = setup_inputs()
    print(jax.jit(kernel)(*tuple(_d.values())))

</pallas_src>

<mosaic_0001>
#map = affine_map<(d0, d1) -> (0, 0, 0)>
#map1 = affine_map<(d0, d1) -> (0, 0)>
module attributes {stable_mosaic.version = 14 : i64} {
  func.func @_detile_kernel(%arg0: i32, %arg1: i32, %arg2: memref<4x8x1000000xf32, #tpu.memory_space<hbm>>, %arg3: memref<249984x128xf32, #tpu.memory_space<hbm>>, %arg4: memref<3x128x128xf32, #tpu.memory_space<vmem>>, %arg5: memref<128x128xf32, #tpu.memory_space<vmem>>, %arg6: memref<3x!tpu.dma_semaphore, #tpu.memory_space<semaphore_mem>>, %arg7: memref<3x!tpu.dma_semaphore, #tpu.memory_space<semaphore_mem>>) attributes {dimension_semantics = [#tpu.dimension_semantics<core_parallel>, #tpu.dimension_semantics<subcore_parallel>], iteration_bounds = array<i64: 2, 16>, scalar_prefetch = 0 : i64, scratch_operands = 4 : i64, tpu.core_type = #tpu.core_type<sc_vector_subcore>, window_params = [{transform_indices = #map}, {transform_indices = #map1}]} {
    %mul3A = arith.constant 2 : i32
    %mul3A_0 = arith.muli %arg1, %mul3A : i32
    %add3A = arith.addi %mul3A_0, %arg0 : i32
    %jit3A = arith.constant 8 : i32
    %div3A = arith.divsi %add3A, %jit3A : i32
    %sign3A = arith.constant 0 : i32
    %sign3A_1 = arith.cmpi sgt, %add3A, %sign3A : i32
    %sign3A_2 = arith.extui %sign3A_1 : i1 to i32
    %sign3A_3 = arith.constant 0 : i32
    %sign3A_4 = arith.cmpi slt, %add3A, %sign3A_3 : i32
    %sign3A_5 = arith.extui %sign3A_4 : i1 to i32
    %sign3A_6 = arith.subi %sign3A_2, %sign3A_5 : i32
    %sign3A_7 = arith.constant 0 : i32
    %sign3A_8 = arith.cmpi sgt, %jit3A, %sign3A_7 : i32
    %sign3A_9 = arith.extui %sign3A_8 : i1 to i32
    %sign3A_10 = arith.constant 0 : i32
    %sign3A_11 = arith.cmpi slt, %jit3A, %sign3A_10 : i32
    %sign3A_12 = arith.extui %sign3A_11 : i1 to i32
    %sign3A_13 = arith.subi %sign3A_9, %sign3A_12 : i32
    %ne3A = arith.cmpi ne, %sign3A_6, %sign3A_13 : i32
    %rem3A = arith.remsi %add3A, %jit3A : i32
    %ne3A_14 = arith.constant 0 : i32
    %ne3A_15 = arith.cmpi ne, %rem3A, %ne3A_14 : i32
    %and3A = arith.andi %ne3A, %ne3A_15 : i1
    %sub3A = arith.constant 1 : i32
    %sub3A_16 = arith.subi %div3A, %sub3A : i32
    %select_n3A = arith.select %and3A, %sub3A_16, %div3A : i32
    %jit3A_17 = arith.constant 8 : i32
    %eq3A = arith.constant 0 : i32
    %eq3A_18 = arith.cmpi eq, %jit3A_17, %eq3A : i32
    %jit3A_19 = arith.constant 1 : i32
    %select_n3A_20 = arith.select %eq3A_18, %jit3A_19, %jit3A_17 : i32
    %rem3A_21 = arith.remsi %add3A, %select_n3A_20 : i32
    %ne3A_22 = arith.constant 0 : i32
    %ne3A_23 = arith.cmpi ne, %rem3A_21, %ne3A_22 : i32
    %lt3A = arith.constant 0 : i32
    %lt3A_24 = arith.cmpi slt, %rem3A_21, %lt3A : i32
    %lt3A_25 = arith.constant 0 : i32
    %lt3A_26 = arith.cmpi slt, %select_n3A_20, %lt3A_25 : i32
    %ne3A_27 = arith.xori %lt3A_24, %lt3A_26 : i1
    %and3A_28 = arith.andi %ne3A_27, %ne3A_23 : i1
    %add3A_29 = arith.addi %rem3A_21, %select_n3A_20 : i32
    %select_n3A_30 = arith.select %and3A_28, %add3A_29, %rem3A_21 : i32
    %mul3A_31 = arith.constant 976 : i32
    %mul3A_32 = arith.muli %select_n3A_30, %mul3A_31 : i32
    %add3A_33 = arith.constant 0 : i32
    %add3A_34 = arith.addi %mul3A_32, %add3A_33 : i32
    %add3A_35 = arith.constant 0 : i32
    %add3A_36 = arith.addi %add3A_34, %add3A_35 : i32
    %mul3A_37 = arith.constant 128 : i32
    %mul3A_38 = arith.muli %add3A_36, %mul3A_37 : i32
    %dma_start3A = arith.constant 0 : i32
    %dma_start3A_39 = arith.constant 0 : i32
    %dma_start3A_40 = arith.constant 0 : i32
    %dma_start3A_41 = arith.constant 0 : i32
    %dma_start3A_42 = tpu.memref_slice %arg4[%dma_start3A, %dma_start3A_40, %dma_start3A_41] : memref<3x128x128xf32, #tpu.memory_space<vmem>> -> memref<1x8x128xf32, #tpu.memory_space<vmem>>
    %dma_start3A_43 = tpu.memref_squeeze %dma_start3A_42 : memref<1x8x128xf32, #tpu.memory_space<vmem>> -> memref<8x128xf32, #tpu.memory_space<vmem>>
    %dma_start3A_44 = arith.constant 0 : i32
    %dma_start3A_45 = tpu.memref_slice %arg2[%select_n3A, %dma_start3A_44, %mul3A_38] : memref<4x8x1000000xf32, #tpu.memory_space<hbm>> -> memref<1x8x128xf32, #tpu.memory_space<hbm>>
    %dma_start3A_46 = tpu.memref_squeeze %dma_start3A_45 : memref<1x8x128xf32, #tpu.memory_space<hbm>> -> memref<8x128xf32, #tpu.memory_space<hbm>>
    %dma_start3A_47 = tpu.memref_slice %arg6[%dma_start3A_39] : memref<3x!tpu.dma_semaphore, #tpu.memory_space<semaphore_mem>> -> memref<1x!tpu.dma_semaphore, #tpu.memory_space<semaphore_mem>>
    %dma_start3A_48 = tpu.memref_squeeze %dma_start3A_47 : memref<1x!tpu.dma_semaphore, #tpu.memory_space<semaphore_mem>> -> memref<!tpu.dma_semaphore, #tpu.memory_space<semaphore_mem>>
    %dma_start3A_49 = arith.constant 0 : i32
    %dma_start3A_50 = arith.constant 0 : i32
    %dma_start3A_51 = tpu.memref_slice %arg4[%dma_start3A, %dma_start3A_49, %dma_start3A_50] : memref<3x128x128xf32, #tpu.memory_space<vmem>> -> memref<1x8x128xf32, #tpu.memory_space<vmem>>
    %dma_start3A_52 = tpu.memref_squeeze %dma_start3A_51 : memref<1x8x128xf32, #tpu.memory_space<vmem>> -> memref<8x128xf32, #tpu.memory_space<vmem>>
    %dma_start3A_53 = arith.constant 0 : i32
    %dma_start3A_54 = tpu.memref_slice %arg2[%select_n3A, %dma_start3A_53, %mul3A_38] : memref<4x8x1000000xf32, #tpu.memory_space<hbm>> -> memref<1x8x128xf32, #tpu.memory_space<hbm>>
    %dma_start3A_55 = tpu.memref_squeeze %dma_start3A_54 : memref<1x8x128xf32, #tpu.memory_space<hbm>> -> memref<8x128xf32, #tpu.memory_space<hbm>>
    tpu.enqueue_dma source(%dma_start3A_55 : memref<8x128xf32, #tpu.memory_space<hbm>>) target(%dma_start3A_52 : memref<8x128xf32, #tpu.memory_space<vmem>>) target_semaphore(%dma_start3A_48 : memref<!tpu.dma_semaphore, #tpu.memory_space<semaphore_mem>>)
    %add3A_56 = arith.constant 1 : i32
    %add3A_57 = arith.addi %add3A_34, %add3A_56 : i32
    %mul3A_58 = arith.constant 128 : i32
    %mul3A_59 = arith.muli %add3A_57, %mul3A_58 : i32
    %dma_start3A_60 = arith.constant 0 : i32
    %dma_start3A_61 = arith.constant 0 : i32
    %dma_start3A_62 = arith.constant 8 : i32
    %dma_start3A_63 = arith.constant 0 : i32
    %dma_start3A_64 = tpu.memref_slice %arg4[%dma_start3A_60, %dma_start3A_62, %dma_start3A_63] : memref<3x128x128xf32, #tpu.memory_space<vmem>> -> memref<1x8x128xf32, #tpu.memory_space<vmem>>
    %dma_start3A_65 = tpu.memref_squeeze %dma_start3A_64 : memref<1x8x128xf32, #tpu.memory_space<vmem>> -> memref<8x128xf32, #tpu.memory_space<vmem>>
    %dma_start3A_66 = arith.constant 0 : i32
    %dma_start3A_67 = tpu.memref_slice %arg2[%select_n3A, %dma_start3A_66, %mul3A_59] : memref<4x8x1000000xf32, #tpu.memory_space<hbm>> -> memref<1x8x128xf32, #tpu.memory_space<hbm>>
    %dma_start3A_68 = tpu.memref_squeeze %dma_start3A_67 : memref<1x8x128xf32, #tpu.memory_space<hbm>> -> memref<8x128xf32, #tpu.memory_space<hbm>>
    %dma_start3A_69 = tpu.memref_slice %arg6[%dma_start3A_61] : memref<3x!tpu.dma_semaphore, #tpu.memory_space<semaphore_mem>> -> memref<1x!tpu.dma_semaphore, #tpu.memory_space<semaphore_mem>>
    %dma_start3A_70 = tpu.memref_squeeze %dma_start3A_69 : memref<1x!tpu.dma_semaphore, #tpu.memory_space<semaphore_mem>> -> memref<!tpu.dma_semaphore, #tpu.memory_space<semaphore_mem>>
    %dma_start3A_71 = arith.constant 8 : i32
    %dma_start3A_72 = arith.constant 0 : i32
    %dma_start3A_73 = tpu.memref_slice %arg4[%dma_start3A_60, %dma_start3A_71, %dma_start3A_72] : memref<3x128x128xf32, #tpu.memory_space<vmem>> -> memref<1x8x128xf32, #tpu.memory_space<vmem>>
    %dma_start3A_74 = tpu.memref_squeeze %dma_start3A_73 : memref<1x8x128xf32, #tpu.memory_space<vmem>> -> memref<8x128xf32, #tpu.memory_space<vmem>>
    %dma_start3A_75 = arith.constant 0 : i32
    %dma_start3A_76 = tpu.memref_slice %arg2[%select_n3A, %dma_start3A_75, %mul3A_59] : memref<4x8x1000000xf32, #tpu.memory_space<hbm>> -> memref<1x8x128xf32, #tpu.memory_space<hbm>>
    %dma_start3A_77 = tpu.memref_squeeze %dma_start3A_76 : memref<1x8x128xf32, #tpu.memory_space<hbm>> -> memref<8x128xf32, #tpu.memory_space<hbm>>
    tpu.enqueue_dma source(%dma_start3A_77 : memref<8x128xf32, #tpu.memory_space<hbm>>) target(%dma_start3A_74 : memref<8x128xf32, #tpu.memory_space<vmem>>) target_semaphore(%dma_start3A_70 : memref<!tpu.dma_semaphore, #tpu.memory_space<semaphore_mem>>)
    %add3A_78 = arith.constant 2 : i32
    %add3A_79 = arith.addi %add3A_34, %add3A_78 : i32
    %mul3A_80 = arith.constant 128 : i32
    %mul3A_81 = arith.muli %add3A_79, %mul3A_80 : i32
    %dma_start3A_82 = arith.constant 0 : i32
    %dma_start3A_83 = arith.constant 0 : i32
    %dma_start3A_84 = arith.constant 16 : i32
    %dma_start3A_85 = arith.constant 0 : i32
    %dma_start3A_86 = tpu.memref_slice %arg4[%dma_start3A_82, %dma_start3A_84, %dma_start3A_85] : memref<3x128x128xf32, #tpu.memory_space<vmem>> -> memref<1x8x128xf32, #tpu.memory_space<vmem>>
    %dma_start3A_87 = tpu.memref_squeeze %dma_start3A_86 : memref<1x8x128xf32, #tpu.memory_space<vmem>> -> memref<8x128xf32, #tpu.memory_space<vmem>>
    %dma_start3A_88 = arith.constant 0 : i32
    %dma_start3A_89 = tpu.memref_slice %arg2[%select_n3A, %dma_start3A_88, %mul3A_81] : memref<4x8x1000000xf32, #tpu.memory_space<hbm>> -> memref<1x8x128xf32, #tpu.memory_space<hbm>>
    %dma_start3A_90 = tpu.memref_squeeze %dma_start3A_89 : memref<1x8x128xf32, #tpu.memory_space<hbm>> -> memref<8x128xf32, #tpu.memory_space<hbm>>
    %dma_start3A_91 = tpu.memref_slice %arg6[%dma_start3A_83] : memref<3x!tpu.dma_semaphore, #tpu.memory_space<semaphore_mem>> -> memref<1x!tpu.dma_semaphore, #tpu.memory_space<semaphore_mem>>
    %dma_start3A_92 = tpu.memref_squeeze %dma_start3A_91 : memref<1x!tpu.dma_semaphore, #tpu.memory_space<semaphore_mem>> -> memref<!tpu.dma_semaphore, #tpu.memory_space<semaphore_mem>>
    %dma_start3A_93 = arith.constant 16 : i32
    %dma_start3A_94 = arith.constant 0 : i32
    %dma_start3A_95 = tpu.memref_slice %arg4[%dma_start3A_82, %dma_start3A_93, %dma_start3A_94] : memref<3x128x128xf32, #tpu.memory_space<vmem>> -> memref<1x8x128xf32, #tpu.memory_space<vmem>>
    %dma_start3A_96 = tpu.memref_squeeze %dma_start3A_95 : memref<1x8x128xf32, #tpu.memory_space<vmem>> -> memref<8x128xf32, #tpu.memory_space<vmem>>
    %dma_start3A_97 = arith.constant 0 : i32
    %dma_start3A_98 = tpu.memref_slice %arg2[%select_n3A, %dma_start3A_97, %mul3A_81] : memref<4x8x1000000xf32, #tpu.memory_space<hbm>> -> memref<1x8x128xf32, #tpu.memory_space<hbm>>
    %dma_start3A_99 = tpu.memref_squeeze %dma_start3A_98 : memref<1x8x128xf32, #tpu.memory_space<hbm>> -> memref<8x128xf32, #tpu.memory_space<hbm>>
    tpu.enqueue_dma source(%dma_start3A_99 : memref<8x128xf32, #tpu.memory_space<hbm>>) target(%dma_start3A_96 : memref<8x128xf32, #tpu.memory_space<vmem>>) target_semaphore(%dma_start3A_92 : memref<!tpu.dma_semaphore, #tpu.memory_space<semaphore_mem>>)
    %add3A_100 = arith.constant 3 : i32
    %add3A_101 = arith.addi %add3A_34, %add3A_100 : i32
    %mul3A_102 = arith.constant 128 : i32
    %mul3A_103 = arith.muli %add3A_101, %mul3A_102 : i32
    %dma_start3A_104 = arith.constant 0 : i32
    %dma_start3A_105 = arith.constant 0 : i32
    %dma_start3A_106 = arith.constant 24 : i32
    %dma_start3A_107 = arith.constant 0 : i32
    %dma_start3A_108 = tpu.memref_slice %arg4[%dma_start3A_104, %dma_start3A_106, %dma_start3A_107] : memref<3x128x128xf32, #tpu.memory_space<vmem>> -> memref<1x8x128xf32, #tpu.memory_space<vmem>>
    %dma_start3A_109 = tpu.memref_squeeze %dma_start3A_108 : memref<1x8x128xf32, #tpu.memory_space<vmem>> -> memref<8x128xf32, #tpu.memory_space<vmem>>
    %dma_start3A_110 = arith.constant 0 : i32
    %dma_start3A_111 = tpu.memref_slice %arg2[%select_n3A, %dma_start3A_110, %mul3A_103] : memref<4x8x1000000xf32, #tpu.memory_space<hbm>> -> memref<1x8x128xf32, #tpu.memory_space<hbm>>
    %dma_start3A_112 = tpu.memref_squeeze %dma_start3A_111 : memref<1x8x128xf32, #tpu.memory_space<hbm>> -> memref<8x128xf32, #tpu.memory_space<hbm>>
    %dma_start3A_113 = tpu.memref_slice %arg6[%dma_start3A_105] : memref<3x!tpu.dma_semaphore, #tpu.memory_space<semaphore_mem>> -> memref<1x!tpu.dma_semaphore, #tpu.memory_space<semaphore_mem>>
    %dma_start3A_114 = tpu.memref_squeeze %dma_start3A_113 : memref<1x!tpu.dma_semaphore, #tpu.memory_space<semaphore_mem>> -> memref<!tpu.dma_semaphore, #tpu.memory_space<semaphore_mem>>
    %dma_start3A_115 = arith.constant 24 : i32
    %dma_start3A_116 = arith.constant 0 : i32
    %dma_start3A_117 = tpu.memref_slice %arg4[%dma_start3A_104, %dma_start3A_115, %dma_start3A_116] : memref<3x128x128xf32, #tpu.memory_space<vmem>> -> memref<1x8x128xf32, #tpu.memory_space<vmem>>
    %dma_start3A_118 = tpu.memref_squeeze %dma_start3A_117 : memref<1x8x128xf32, #tpu.memory_space<vmem>> -> memref<8x128xf32, #tpu.memory_space<vmem>>
    %dma_start3A_119 = arith.constant 0 : i32
    %dma_start3A_120 = tpu.memref_slice %arg2[%select_n3A, %dma_start3A_119, %mul3A_103] : memref<4x8x1000000xf32, #tpu.memory_space<hbm>> -> memref<1x8x128xf32, #tpu.memory_space<hbm>>
    %dma_start3A_121 = tpu.memref_squeeze %dma_start3A_120 : memref<1x8x128xf32, #tpu.memory_space<hbm>> -> memref<8x128xf32, #tpu.memory_space<hbm>>
    tpu.enqueue_dma source(%dma_start3A_121 : memref<8x128xf32, #tpu.memory_space<hbm>>) target(%dma_start3A_118 : memref<8x128xf32, #tpu.memory_space<vmem>>) target_semaphore(%dma_start3A_114 : memref<!tpu.dma_semaphore, #tpu.memory_space<semaphore_mem>>)
    %add3A_122 = arith.constant 4 : i32
    %add3A_123 = arith.addi %add3A_34, %add3A_122 : i32
    %mul3A_124 = arith.constant 128 : i32
    %mul3A_125 = arith.muli %add3A_123, %mul3A_124 : i32
    %dma_start3A_126 = arith.constant 0 : i32
    %dma_start3A_127 = arith.constant 0 : i32
    %dma_start3A_128 = arith.constant 32 : i32
    %dma_start3A_129 = arith.constant 0 : i32
    %dma_start3A_130 = tpu.memref_slice %arg4[%dma_start3A_126, %dma_start3A_128, %dma_start3A_129] : memref<3x128x128xf32, #tpu.memory_space<vmem>> -> memref<1x8x128xf32, #tpu.memory_space<vmem>>
    %dma_start3A_131 = tpu.memref_squeeze %dma_start3A_130 : memref<1x8x128xf32, #tpu.memory_space<vmem>> -> memref<8x128xf32, #tpu.memory_space<vmem>>
    %dma_start3A_132 = arith.constant 0 : i32
    %dma_start3A_133 = tpu.memref_slice %arg2[%select_n3A, %dma_start3A_132, %mul3A_125] : memref<4x8x1000000xf32, #tpu.memory_space<hbm>> -> memref<1x8x128xf32, #tpu.memory_space<hbm>>
    %dma_start3A_134 = tpu.memref_squeeze %dma_start3A_133 : memref<1x8x128xf32, #tpu.memory_space<hbm>> -> memref<8x128xf32, #tpu.memory_space<hbm>>
    %dma_start3A_135 = tpu.memref_slice %arg6[%dma_start3A_127] : memref<3x!tpu.dma_semaphore, #tpu.memory_space<semaphore_mem>> -> memref<1x!tpu.dma_semaphore, #tpu.memory_space<semaphore_mem>>
    %dma_start3A_136 = tpu.memref_squeeze %dma_start3A_135 : memref<1x!tpu.dma_semaphore, #tpu.memory_space<semaphore_mem>> -> memref<!tpu.dma_semaphore, #tpu.memory_space<semaphore_mem>>
    %dma_start3A_137 = arith.constant 32 : i32
    %dma_start3A_138 = arith.constant 0 : i32
    %dma_start3A_139 = tpu.memref_slice %arg4[%dma_start3A_126, %dma_start3A_137, %dma_start3A_138] : memref<3x128x128xf32, #tpu.memory_space<vmem>> -> memref<1x8x128xf32, #tpu.memory_space<vmem>>
    %dma_start3A_140 = tpu.memref_squeeze %dma_start3A_139 : memref<1x8x128xf32, #tpu.memory_space<vmem>> -> memref<8x128xf32, #tpu.memory_space<vmem>>
    %dma_start3A_141 = arith.constant 0 : i32
    %dma_start3A_142 = tpu.memref_slice %arg2[%select_n3A, %dma_start3A_141, %mul3A_125] : memref<4x8x1000000xf32, #tpu.memory_space<hbm>> -> memref<1x8x128xf32, #tpu.memory_space<hbm>>
    %dma_start3A_143 = tpu.memref_squeeze %dma_start3A_142 : memref<1x8x128xf32, #tpu.memory_space<hbm>> -> memref<8x128xf32, #tpu.memory_space<hbm>>
    tpu.enqueue_dma source(%dma_start3A_143 : memref<8x128xf32, #tpu.memory_space<hbm>>) target(%dma_start3A_140 : memref<8x128xf32, #tpu.memory_space<vmem>>) target_semaphore(%dma_start3A_136 : memref<!tpu.dma_semaphore, #tpu.memory_space<semaphore_mem>>)
    %add3A_144 = arith.constant 5 : i32
    %add3A_145 = arith.addi %add3A_34, %add3A_144 : i32
    %mul3A_146 = arith.constant 128 : i32
    %mul3A_147 = arith.muli %add3A_145, %mul3A_146 : i32
    %dma_start3A_148 = arith.constant 0 : i32
    %dma_start3A_149 = arith.constant 0 : i32
    %dma_start3A_150 = arith.constant 40 : i32
    %dma_start3A_151 = arith.constant 0 : i32
    %dma_start3A_152 = tpu.memref_slice %arg4[%dma_start3A_148, %dma_start3A_150, %dma_start3A_151] : memref<3x128x128xf32, #tpu.memory_space<vmem>> -> memref<1x8x128xf32, #tpu.memory_space<vmem>>
    %dma_start3A_153 = tpu.memref_squeeze %dma_start3A_152 : memref<1x8x128xf32, #tpu.memory_space<vmem>> -> memref<8x128xf32, #tpu.memory_space<vmem>>
    %dma_start3A_154 = arith.constant 0 : i32
    %dma_start3A_155 = tpu.memref_slice %arg2[%select_n3A, %dma_start3A_154, %mul3A_147] : memref<4x8x1000000xf32, #tpu.memory_space<hbm>> -> memref<1x8x128xf32, #tpu.memory_space<hbm>>
    %dma_start3A_156 = tpu.memref_squeeze %dma_start3A_155 : memref<1x8x128xf32, #tpu.memory_space<hbm>> -> memref<8x128xf32, #tpu.memory_space<hbm>>
    %dma_start3A_157 = tpu.memref_slice %arg6[%dma_start3A_149] : memref<3x!tpu.dma_semaphore, #tpu.memory_space<semaphore_mem>> -> memref<1x!tpu.dma_semaphore, #tpu.memory_space<semaphore_mem>>
    %dma_start3A_158 = tpu.memref_squeeze %dma_start3A_157 : memref<1x!tpu.dma_semaphore, #tpu.memory_space<semaphore_mem>> -> memref<!tpu.dma_semaphore, #tpu.memory_space<semaphore_mem>>
    %dma_start3A_159 = arith.constant 40 : i32
    %dma_start3A_160 = arith.constant 0 : i32
    %dma_start3A_161 = tpu.memref_slice %arg4[%dma_start3A_148, %dma_start3A_159, %dma_start3A_160] : memref<3x128x128xf32, #tpu.memory_space<vmem>> -> memref<1x8x128xf32, #tpu.memory_space<vmem>>
    %dma_start3A_162 = tpu.memref_squeeze %dma_start3A_161 : memref<1x8x128xf32, #tpu.memory_space<vmem>> -> memref<8x128xf32, #tpu.memory_space<vmem>>
    %dma_start3A_163 = arith.constant 0 : i32
    %dma_start3A_164 = tpu.memref_slice %arg2[%select_n3A, %dma_start3A_163, %mul3A_147] : memref<4x8x1000000xf32, #tpu.memory_space<hbm>> -> memref<1x8x128xf32, #tpu.memory_space<hbm>>
    %dma_start3A_165 = tpu.memref_squeeze %dma_start3A_164 : memref<1x8x128xf32, #tpu.memory_space<hbm>> -> memref<8x128xf32, #tpu.memory_space<hbm>>
    tpu.enqueue_dma source(%dma_start3A_165 : memref<8x128xf32, #tpu.memory_space<hbm>>) target(%dma_start3A_162 : memref<8x128xf32, #tpu.memory_space<vmem>>) target_semaphore(%dma_start3A_158 : memref<!tpu.dma_semaphore, #tpu.memory_space<semaphore_mem>>)
    %add3A_166 = arith.constant 6 : i32
    %add3A_167 = arith.addi %add3A_34, %add3A_166 : i32
    %mul3A_168 = arith.constant 128 : i32
    %mul3A_169 = arith.muli %add3A_167, %mul3A_168 : i32
    %dma_start3A_170 = arith.constant 0 : i32
    %dma_start3A_171 = arith.constant 0 : i32
    %dma_start3A_172 = arith.constant 48 : i32
    %dma_start3A_173 = arith.constant 0 : i32
    %dma_start3A_174 = tpu.memref_slice %arg4[%dma_start3A_170, %dma_start3A_172, %dma_start3A_173] : memref<3x128x128xf32, #tpu.memory_space<vmem>> -> memref<1x8x128xf32, #tpu.memory_space<vmem>>
    %dma_start3A_175 = tpu.memref_squeeze %dma_start3A_174 : memref<1x8x128xf32, #tpu.memory_space<vmem>> -> memref<8x128xf32, #tpu.memory_space<vmem>>
    %dma_start3A_176 = arith.constant 0 : i32
    %dma_start3A_177 = tpu.memref_slice %arg2[%select_n3A, %dma_start3A_176, %mul3A_169] : memref<4x8x1000000xf32, #tpu.memory_space<hbm>> -> memref<1x8x128xf32, #tpu.memory_space<hbm>>
    %dma_start3A_178 = tpu.memref_squeeze %dma_start3A_177 : memref<1x8x128xf32, #tpu.memory_space<hbm>> -> memref<8x128xf32, #tpu.memory_space<hbm>>
    %dma_start3A_179 = tpu.memref_slice %arg6[%dma_start3A_171] : memref<3x!tpu.dma_semaphore, #tpu.memory_space<semaphore_mem>> -> memref<1x!tpu.dma_semaphore, #tpu.memory_space<semaphore_mem>>
    %dma_start3A_180 = tpu.memref_squeeze %dma_start3A_179 : memref<1x!tpu.dma_semaphore, #tpu.memory_space<semaphore_mem>> -> memref<!tpu.dma_semaphore, #tpu.memory_space<semaphore_mem>>
    %dma_start3A_181 = arith.constant 48 : i32
    %dma_start3A_182 = arith.constant 0 : i32
    %dma_start3A_183 = tpu.memref_slice %arg4[%dma_start3A_170, %dma_start3A_181, %dma_start3A_182] : memref<3x128x128xf32, #tpu.memory_space<vmem>> -> memref<1x8x128xf32, #tpu.memory_space<vmem>>
    %dma_start3A_184 = tpu.memref_squeeze %dma_start3A_183 : memref<1x8x128xf32, #tpu.memory_space<vmem>> -> memref<8x128xf32, #tpu.memory_space<vmem>>
    %dma_start3A_185 = arith.constant 0 : i32
    %dma_start3A_186 = tpu.memref_slice %arg2[%select_n3A, %dma_start3A_185, %mul3A_169] : memref<4x8x1000000xf32, #tpu.memory_space<hbm>> -> memref<1x8x128xf32, #tpu.memory_space<hbm>>
    %dma_start3A_187 = tpu.memref_squeeze %dma_start3A_186 : memref<1x8x128xf32, #tpu.memory_space<hbm>> -> memref<8x128xf32, #tpu.memory_space<hbm>>
    tpu.enqueue_dma source(%dma_start3A_187 : memref<8x128xf32, #tpu.memory_space<hbm>>) target(%dma_start3A_184 : memref<8x128xf32, #tpu.memory_space<vmem>>) target_semaphore(%dma_start3A_180 : memref<!tpu.dma_semaphore, #tpu.memory_space<semaphore_mem>>)
    %add3A_188 = arith.constant 7 : i32
    %add3A_189 = arith.addi %add3A_34, %add3A_188 : i32
    %mul3A_190 = arith.constant 128 : i32
    %mul3A_191 = arith.muli %add3A_189, %mul3A_190 : i32
    %dma_start3A_192 = arith.constant 0 : i32
    %dma_start3A_193 = arith.constant 0 : i32
    %dma_start3A_194 = arith.constant 56 : i32
    %dma_start3A_195 = arith.constant 0 : i32
    %dma_start3A_196 = tpu.memref_slice %arg4[%dma_start3A_192, %dma_start3A_194, %dma_start3A_195] : memref<3x128x128xf32, #tpu.memory_space<vmem>> -> memref<1x8x128xf32, #tpu.memory_space<vmem>>
    %dma_start3A_197 = tpu.memref_squeeze %dma_start3A_196 : memref<1x8x128xf32, #tpu.memory_space<vmem>> -> memref<8x128xf32, #tpu.memory_space<vmem>>
    %dma_start3A_198 = arith.constant 0 : i32
    %dma_start3A_199 = tpu.memref_slice %arg2[%select_n3A, %dma_start3A_198, %mul3A_191] : memref<4x8x1000000xf32, #tpu.memory_space<hbm>> -> memref<1x8x128xf32, #tpu.memory_space<hbm>>
    %dma_start3A_200 = tpu.memref_squeeze %dma_start3A_199 : memref<1x8x128xf32, #tpu.memory_space<hbm>> -> memref<8x128xf32, #tpu.memory_space<hbm>>
    %dma_start3A_201 = tpu.memref_slice %arg6[%dma_start3A_193] : memref<3x!tpu.dma_semaphore, #tpu.memory_space<semaphore_mem>> -> memref<1x!tpu.dma_semaphore, #tpu.memory_space<semaphore_mem>>
    %dma_start3A_202 = tpu.memref_squeeze %dma_start3A_201 : memref<1x!tpu.dma_semaphore, #tpu.memory_space<semaphore_mem>> -> memref<!tpu.dma_semaphore, #tpu.memory_space<semaphore_mem>>
    %dma_start3A_203 = arith.constant 56 : i32
    %dma_start3A_204 = arith.constant 0 : i32
    %dma_start3A_205 = tpu.memref_slice %arg4[%dma_start3A_192, %dma_start3A_203, %dma_start3A_204] : memref<3x128x128xf32, #tpu.memory_space<vmem>> -> memref<1x8x128xf32, #tpu.memory_space<vmem>>
    %dma_start3A_206 = tpu.memref_squeeze %dma_start3A_205 : memref<1x8x128xf32, #tpu.memory_space<vmem>> -> memref<8x128xf32, #tpu.memory_space<vmem>>
    %dma_start3A_207 = arith.constant 0 : i32
    %dma_start3A_208 = tpu.memref_slice %arg2[%select_n3A, %dma_start3A_207, %mul3A_191] : memref<4x8x1000000xf32, #tpu.memory_space<hbm>> -> memref<1x8x128xf32, #tpu.memory_space<hbm>>
    %dma_start3A_209 = tpu.memref_squeeze %dma_start3A_208 : memref<1x8x128xf32, #tpu.memory_space<hbm>> -> memref<8x128xf32, #tpu.memory_space<hbm>>
    tpu.enqueue_dma source(%dma_start3A_209 : memref<8x128xf32, #tpu.memory_space<hbm>>) target(%dma_start3A_206 : memref<8x128xf32, #tpu.memory_space<vmem>>) target_semaphore(%dma_start3A_202 : memref<!tpu.dma_semaphore, #tpu.memory_space<semaphore_mem>>)
    %add3A_210 = arith.constant 8 : i32
    %add3A_211 = arith.addi %add3A_34, %add3A_210 : i32
    %mul3A_212 = arith.constant 128 : i32
    %mul3A_213 = arith.muli %add3A_211, %mul3A_212 : i32
    %dma_start3A_214 = arith.constant 0 : i32
    %dma_start3A_215 = arith.constant 0 : i32
    %dma_start3A_216 = arith.constant 64 : i32
    %dma_start3A_217 = arith.constant 0 : i32
    %dma_start3A_218 = tpu.memref_slice %arg4[%dma_start3A_214, %dma_start3A_216, %dma_start3A_217] : memref<3x128x128xf32, #tpu.memory_space<vmem>> -> memref<1x8x128xf32, #tpu.memory_space<vmem>>
    %dma_start3A_219 = tpu.memref_squeeze %dma_start3A_218 : memref<1x8x128xf32, #tpu.memory_space<vmem>> -> memref<8x128xf32, #tpu.memory_space<vmem>>
    %dma_start3A_220 = arith.constant 0 : i32
    %dma_start3A_221 = tpu.memref_slice %arg2[%select_n3A, %dma_start3A_220, %mul3A_213] : memref<4x8x1000000xf32, #tpu.memory_space<hbm>> -> memref<1x8x128xf32, #tpu.memory_space<hbm>>
    %dma_start3A_222 = tpu.memref_squeeze %dma_start3A_221 : memref<1x8x128xf32, #tpu.memory_space<hbm>> -> memref<8x128xf32, #tpu.memory_space<hbm>>
    %dma_start3A_223 = tpu.memref_slice %arg6[%dma_start3A_215] : memref<3x!tpu.dma_semaphore, #tpu.memory_space<semaphore_mem>> -> memref<1x!tpu.dma_semaphore, #tpu.memory_space<semaphore_mem>>
    %dma_start3A_224 = tpu.memref_squeeze %dma_start3A_223 : memref<1x!tpu.dma_semaphore, #tpu.memory_space<semaphore_mem>> -> memref<!tpu.dma_semaphore, #tpu.memory_space<semaphore_mem>>
    %dma_start3A_225 = arith.constant 64 : i32
    %dma_start3A_226 = arith.constant 0 : i32
    %dma_start3A_227 = tpu.memref_slice %arg4[%dma_start3A_214, %dma_start3A_225, %dma_start3A_226] : memref<3x128x128xf32, #tpu.memory_space<vmem>> -> memref<1x8x128xf32, #tpu.memory_space<vmem>>
    %dma_start3A_228 = tpu.memref_squeeze %dma_start3A_227 : memref<1x8x128xf32, #tpu.memory_space<vmem>> -> memref<8x128xf32, #tpu.memory_space<vmem>>
    %dma_start3A_229 = arith.constant 0 : i32
    %dma_start3A_230 = tpu.memref_slice %arg2[%select_n3A, %dma_start3A_229, %mul3A_213] : memref<4x8x1000000xf32, #tpu.memory_space<hbm>> -> memref<1x8x128xf32, #tpu.memory_space<hbm>>
    %dma_start3A_231 = tpu.memref_squeeze %dma_start3A_230 : memref<1x8x128xf32, #tpu.memory_space<hbm>> -> memref<8x128xf32, #tpu.memory_space<hbm>>
    tpu.enqueue_dma source(%dma_start3A_231 : memref<8x128xf32, #tpu.memory_space<hbm>>) target(%dma_start3A_228 : memref<8x128xf32, #tpu.memory_space<vmem>>) target_semaphore(%dma_start3A_224 : memref<!tpu.dma_semaphore, #tpu.memory_space<semaphore_mem>>)
    %add3A_232 = arith.constant 9 : i32
    %add3A_233 = arith.addi %add3A_34, %add3A_232 : i32
    %mul3A_234 = arith.constant 128 : i32
    %mul3A_235 = arith.muli %add3A_233, %mul3A_234 : i32
    %dma_start3A_236 = arith.constant 0 : i32
    %dma_start3A_237 = arith.constant 0 : i32
    %dma_start3A_238 = arith.constant 72 : i32
    %dma_start3A_239 = arith.constant 0 : i32
    %dma_start3A_240 = tpu.memref_slice %arg4[%dma_start3A_236, %dma_start3A_238, %dma_start3A_239] : memref<3x128x128xf32, #tpu.memory_space<vmem>> -> memref<1x8x128xf32, #tpu.memory_space<vmem>>
    %dma_start3A_241 = tpu.memref_squeeze %dma_start3A_240 : memref<1x8x128xf32, #tpu.memory_space<vmem>> -> memref<8x128xf32, #tpu.memory_space<vmem>>
    %dma_start3A_242 = arith.constant 0 : i32
    %dma_start3A_243 = tpu.memref_slice %arg2[%select_n3A, %dma_start3A_242, %mul3A_235] : memref<4x8x1000000xf32, #tpu.memory_space<hbm>> -> memref<1x8x128xf32, #tpu.memory_space<hbm>>
    %dma_start3A_244 = tpu.memref_squeeze %dma_start3A_243 : memref<1x8x128xf32, #tpu.memory_space<hbm>> -> memref<8x128xf32, #tpu.memory_space<hbm>>
    %dma_start3A_245 = tpu.memref_slice %arg6[%dma_start3A_237] : memref<3x!tpu.dma_semaphore, #tpu.memory_space<semaphore_mem>> -> memref<1x!tpu.dma_semaphore, #tpu.memory_space<semaphore_mem>>
    %dma_start3A_246 = tpu.memref_squeeze %dma_start3A_245 : memref<1x!tpu.dma_semaphore, #tpu.memory_space<semaphore_mem>> -> memref<!tpu.dma_semaphore, #tpu.memory_space<semaphore_mem>>
    %dma_start3A_247 = arith.constant 72 : i32
    %dma_start3A_248 = arith.constant 0 : i32
    %dma_start3A_249 = tpu.memref_slice %arg4[%dma_start3A_236, %dma_start3A_247, %dma_start3A_248] : memref<3x128x128xf32, #tpu.memory_space<vmem>> -> memref<1x8x128xf32, #tpu.memory_space<vmem>>
    %dma_start3A_250 = tpu.memref_squeeze %dma_start3A_249 : memref<1x8x128xf32, #tpu.memory_space<vmem>> -> memref<8x128xf32, #tpu.memory_space<vmem>>
    %dma_start3A_251 = arith.constant 0 : i32
    %dma_start3A_252 = tpu.memref_slice %arg2[%select_n3A, %dma_start3A_251, %mul3A_235] : memref<4x8x1000000xf32, #tpu.memory_space<hbm>> -> memref<1x8x128xf32, #tpu.memory_space<hbm>>
    %dma_start3A_253 = tpu.memref_squeeze %dma_start3A_252 : memref<1x8x128xf32, #tpu.memory_space<hbm>> -> memref<8x128xf32, #tpu.memory_space<hbm>>
    tpu.enqueue_dma source(%dma_start3A_253 : memref<8x128xf32, #tpu.memory_space<hbm>>) target(%dma_start3A_250 : memref<8x128xf32, #tpu.memory_space<vmem>>) target_semaphore(%dma_start3A_246 : memref<!tpu.dma_semaphore, #tpu.memory_space<semaphore_mem>>)
    %add3A_254 = arith.constant 10 : i32
    %add3A_255 = arith.addi %add3A_34, %add3A_254 : i32
    %mul3A_256 = arith.constant 128 : i32
    %mul3A_257 = arith.muli %add3A_255, %mul3A_256 : i32
    %dma_start3A_258 = arith.constant 0 : i32
    %dma_start3A_259 = arith.constant 0 : i32
    %dma_start3A_260 = arith.constant 80 : i32
    %dma_start3A_261 = arith.constant 0 : i32
    %dma_start3A_262 = tpu.memref_slice %arg4[%dma_start3A_258, %dma_start3A_260, %dma_start3A_261] : memref<3x128x128xf32, #tpu.memory_space<vmem>> -> memref<1x8x128xf32, #tpu.memory_space<vmem>>
    %dma_start3A_263 = tpu.memref_squeeze %dma_start3A_262 : memref<1x8x128xf32, #tpu.memory_space<vmem>> -> memref<8x128xf32, #tpu.memory_space<vmem>>
    %dma_start3A_264 = arith.constant 0 : i32
    %dma_start3A_265 = tpu.memref_slice %arg2[%select_n3A, %dma_start3A_264, %mul3A_257] : memref<4x8x1000000xf32, #tpu.memory_space<hbm>> -> memref<1x8x128xf32, #tpu.memory_space<hbm>>
    %dma_start3A_266 = tpu.memref_squeeze %dma_start3A_265 : memref<1x8x128xf32, #tpu.memory_space<hbm>> -> memref<8x128xf32, #tpu.memory_space<hbm>>
    %dma_start3A_267 = tpu.memref_slice %arg6[%dma_start3A_259] : memref<3x!tpu.dma_semaphore, #tpu.memory_space<semaphore_mem>> -> memref<1x!tpu.dma_semaphore, #tpu.memory_space<semaphore_mem>>
    %dma_start3A_268 = tpu.memref_squeeze %dma_start3A_267 : memref<1x!tpu.dma_semaphore, #tpu.memory_space<semaphore_mem>> -> memref<!tpu.dma_semaphore, #tpu.memory_space<semaphore_mem>>
    %dma_start3A_269 = arith.constant 80 : i32
    %dma_start3A_270 = arith.constant 0 : i32
    %dma_start3A_271 = tpu.memref_slice %arg4[%dma_start3A_258, %dma_start3A_269, %dma_start3A_270] : memref<3x128x128xf32, #tpu.memory_space<vmem>> -> memref<1x8x128xf32, #tpu.memory_space<vmem>>
    %dma_start3A_272 = tpu.memref_squeeze %dma_start3A_271 : memref<1x8x128xf32, #tpu.memory_space<vmem>> -> memref<8x128xf32, #tpu.memory_space<vmem>>
    %dma_start3A_273 = arith.constant 0 : i32
    %dma_start3A_274 = tpu.memref_slice %arg2[%select_n3A, %dma_start3A_273, %mul3A_257] : memref<4x8x1000000xf32, #tpu.memory_space<hbm>> -> memref<1x8x128xf32, #tpu.memory_space<hbm>>
    %dma_start3A_275 = tpu.memref_squeeze %dma_start3A_274 : memref<1x8x128xf32, #tpu.memory_space<hbm>> -> memref<8x128xf32, #tpu.memory_space<hbm>>
    tpu.enqueue_dma source(%dma_start3A_275 : memref<8x128xf32, #tpu.memory_space<hbm>>) target(%dma_start3A_272 : memref<8x128xf32, #tpu.memory_space<vmem>>) target_semaphore(%dma_start3A_268 : memref<!tpu.dma_semaphore, #tpu.memory_space<semaphore_mem>>)
    %add3A_276 = arith.constant 11 : i32
    %add3A_277 = arith.addi %add3A_34, %add3A_276 : i32
    %mul3A_278 = arith.constant 128 : i32
    %mul3A_279 = arith.muli %add3A_277, %mul3A_278 : i32
    %dma_start3A_280 = arith.constant 0 : i32
    %dma_start3A_281 = arith.constant 0 : i32
    %dma_start3A_282 = arith.constant 88 : i32
    %dma_start3A_283 = arith.constant 0 : i32
    %dma_start3A_284 = tpu.memref_slice %arg4[%dma_start3A_280, %dma_start3A_282, %dma_start3A_283] : memref<3x128x128xf32, #tpu.memory_space<vmem>> -> memref<1x8x128xf32, #tpu.memory_space<vmem>>
    %dma_start3A_285 = tpu.memref_squeeze %dma_start3A_284 : memref<1x8x128xf32, #tpu.memory_space<vmem>> -> memref<8x128xf32, #tpu.memory_space<vmem>>
    %dma_start3A_286 = arith.constant 0 : i32
    %dma_start3A_287 = tpu.memref_slice %arg2[%select_n3A, %dma_start3A_286, %mul3A_279] : memref<4x8x1000000xf32, #tpu.memory_space<hbm>> -> memref<1x8x128xf32, #tpu.memory_space<hbm>>
    %dma_start3A_288 = tpu.memref_squeeze %dma_start3A_287 : memref<1x8x128xf32, #tpu.memory_space<hbm>> -> memref<8x128xf32, #tpu.memory_space<hbm>>
    %dma_start3A_289 = tpu.memref_slice %arg6[%dma_start3A_281] : memref<3x!tpu.dma_semaphore, #tpu.memory_space<semaphore_mem>> -> memref<1x!tpu.dma_semaphore, #tpu.memory_space<semaphore_mem>>
    %dma_start3A_290 = tpu.memref_squeeze %dma_start3A_289 : memref<1x!tpu.dma_semaphore, #tpu.memory_space<semaphore_mem>> -> memref<!tpu.dma_semaphore, #tpu.memory_space<semaphore_mem>>
    %dma_start3A_291 = arith.constant 88 : i32
    %dma_start3A_292 = arith.constant 0 : i32
    %dma_start3A_293 = tpu.memref_slice %arg4[%dma_start3A_280, %dma_start3A_291, %dma_start3A_292] : memref<3x128x128xf32, #tpu.memory_space<vmem>> -> memref<1x8x128xf32, #tpu.memory_space<vmem>>
    %dma_start3A_294 = tpu.memref_squeeze %dma_start3A_293 : memref<1x8x128xf32, #tpu.memory_space<vmem>> -> memref<8x128xf32, #tpu.memory_space<vmem>>
    %dma_start3A_295 = arith.constant 0 : i32
    %dma_start3A_296 = tpu.memref_slice %arg2[%select_n3A, %dma_start3A_295, %mul3A_279] : memref<4x8x1000000xf32, #tpu.memory_space<hbm>> -> memref<1x8x128xf32, #tpu.memory_space<hbm>>
    %dma_start3A_297 = tpu.memref_squeeze %dma_start3A_296 : memref<1x8x128xf32, #tpu.memory_space<hbm>> -> memref<8x128xf32, #tpu.memory_space<hbm>>
    tpu.enqueue_dma source(%dma_start3A_297 : memref<8x128xf32, #tpu.memory_space<hbm>>) target(%dma_start3A_294 : memref<8x128xf32, #tpu.memory_space<vmem>>) target_semaphore(%dma_start3A_290 : memref<!tpu.dma_semaphore, #tpu.memory_space<semaphore_mem>>)
    %add3A_298 = arith.constant 12 : i32
    %add3A_299 = arith.addi %add3A_34, %add3A_298 : i32
    %mul3A_300 = arith.constant 128 : i32
    %mul3A_301 = arith.muli %add3A_299, %mul3A_300 : i32
    %dma_start3A_302 = arith.constant 0 : i32
    %dma_start3A_303 = arith.constant 0 : i32
    %dma_start3A_304 = arith.constant 96 : i32
    %dma_start3A_305 = arith.constant 0 : i32
    %dma_start3A_306 = tpu.memref_slice %arg4[%dma_start3A_302, %dma_start3A_304, %dma_start3A_305] : memref<3x128x128xf32, #tpu.memory_space<vmem>> -> memref<1x8x128xf32, #tpu.memory_space<vmem>>
    %dma_start3A_307 = tpu.memref_squeeze %dma_start3A_306 : memref<1x8x128xf32, #tpu.memory_space<vmem>> -> memref<8x128xf32, #tpu.memory_space<vmem>>
    %dma_start3A_308 = arith.constant 0 : i32
    %dma_start3A_309 = tpu.memref_slice %arg2[%select_n3A, %dma_start3A_308, %mul3A_301] : memref<4x8x1000000xf32, #tpu.memory_space<hbm>> -> memref<1x8x128xf32, #tpu.memory_space<hbm>>
    %dma_start3A_310 = tpu.memref_squeeze %dma_start3A_309 : memref<1x8x128xf32, #tpu.memory_space<hbm>> -> memref<8x128xf32, #tpu.memory_space<hbm>>
    %dma_start3A_311 = tpu.memref_slice %arg6[%dma_start3A_303] : memref<3x!tpu.dma_semaphore, #tpu.memory_space<semaphore_mem>> -> memref<1x!tpu.dma_semaphore, #tpu.memory_space<semaphore_mem>>
    %dma_start3A_312 = tpu.memref_squeeze %dma_start3A_311 : memref<1x!tpu.dma_semaphore, #tpu.memory_space<semaphore_mem>> -> memref<!tpu.dma_semaphore, #tpu.memory_space<semaphore_mem>>
    %dma_start3A_313 = arith.constant 96 : i32
    %dma_start3A_314 = arith.constant 0 : i32
    %dma_start3A_315 = tpu.memref_slice %arg4[%dma_start3A_302, %dma_start3A_313, %dma_start3A_314] : memref<3x128x128xf32, #tpu.memory_space<vmem>> -> memref<1x8x128xf32, #tpu.memory_space<vmem>>
    %dma_start3A_316 = tpu.memref_squeeze %dma_start3A_315 : memref<1x8x128xf32, #tpu.memory_space<vmem>> -> memref<8x128xf32, #tpu.memory_space<vmem>>
    %dma_start3A_317 = arith.constant 0 : i32
    %dma_start3A_318 = tpu.memref_slice %arg2[%select_n3A, %dma_start3A_317, %mul3A_301] : memref<4x8x1000000xf32, #tpu.memory_space<hbm>> -> memref<1x8x128xf32, #tpu.memory_space<hbm>>
    %dma_start3A_319 = tpu.memref_squeeze %dma_start3A_318 : memref<1x8x128xf32, #tpu.memory_space<hbm>> -> memref<8x128xf32, #tpu.memory_space<hbm>>
    tpu.enqueue_dma source(%dma_start3A_319 : memref<8x128xf32, #tpu.memory_space<hbm>>) target(%dma_start3A_316 : memref<8x128xf32, #tpu.memory_space<vmem>>) target_semaphore(%dma_start3A_312 : memref<!tpu.dma_semaphore, #tpu.memory_space<semaphore_mem>>)
    %add3A_320 = arith.constant 13 : i32
    %add3A_321 = arith.addi %add3A_34, %add3A_320 : i32
    %mul3A_322 = arith.constant 128 : i32
    %mul3A_323 = arith.muli %add3A_321, %mul3A_322 : i32
    %dma_start3A_324 = arith.constant 0 : i32
    %dma_start3A_325 = arith.constant 0 : i32
    %dma_start3A_326 = arith.constant 104 : i32
    %dma_start3A_327 = arith.constant 0 : i32
    %dma_start3A_328 = tpu.memref_slice %arg4[%dma_start3A_324, %dma_start3A_326, %dma_start3A_327] : memref<3x128x128xf32, #tpu.memory_space<vmem>> -> memref<1x8x128xf32, #tpu.memory_space<vmem>>
    %dma_start3A_329 = tpu.memref_squeeze %dma_start3A_328 : memref<1x8x128xf32, #tpu.memory_space<vmem>> -> memref<8x128xf32, #tpu.memory_space<vmem>>
    %dma_start3A_330 = arith.constant 0 : i32
    %dma_start3A_331 = tpu.memref_slice %arg2[%select_n3A, %dma_start3A_330, %mul3A_323] : memref<4x8x1000000xf32, #tpu.memory_space<hbm>> -> memref<1x8x128xf32, #tpu.memory_space<hbm>>
    %dma_start3A_332 = tpu.memref_squeeze %dma_start3A_331 : memref<1x8x128xf32, #tpu.memory_space<hbm>> -> memref<8x128xf32, #tpu.memory_space<hbm>>
    %dma_start3A_333 = tpu.memref_slice %arg6[%dma_start3A_325] : memref<3x!tpu.dma_semaphore, #tpu.memory_space<semaphore_mem>> -> memref<1x!tpu.dma_semaphore, #tpu.memory_space<semaphore_mem>>
    %dma_start3A_334 = tpu.memref_squeeze %dma_start3A_333 : memref<1x!tpu.dma_semaphore, #tpu.memory_space<semaphore_mem>> -> memref<!tpu.dma_semaphore, #tpu.memory_space<semaphore_mem>>
    %dma_start3A_335 = arith.constant 104 : i32
    %dma_start3A_336 = arith.constant 0 : i32
    %dma_start3A_337 = tpu.memref_slice %arg4[%dma_start3A_324, %dma_start3A_335, %dma_start3A_336] : memref<3x128x128xf32, #tpu.memory_space<vmem>> -> memref<1x8x128xf32, #tpu.memory_space<vmem>>
    %dma_start3A_338 = tpu.memref_squeeze %dma_start3A_337 : memref<1x8x128xf32, #tpu.memory_space<vmem>> -> memref<8x128xf32, #tpu.memory_space<vmem>>
    %dma_start3A_339 = arith.constant 0 : i32
    %dma_start3A_340 = tpu.memref_slice %arg2[%select_n3A, %dma_start3A_339, %mul3A_323] : memref<4x8x1000000xf32, #tpu.memory_space<hbm>> -> memref<1x8x128xf32, #tpu.memory_space<hbm>>
    %dma_start3A_341 = tpu.memref_squeeze %dma_start3A_340 : memref<1x8x128xf32, #tpu.memory_space<hbm>> -> memref<8x128xf32, #tpu.memory_space<hbm>>
    tpu.enqueue_dma source(%dma_start3A_341 : memref<8x128xf32, #tpu.memory_space<hbm>>) target(%dma_start3A_338 : memref<8x128xf32, #tpu.memory_space<vmem>>) target_semaphore(%dma_start3A_334 : memref<!tpu.dma_semaphore, #tpu.memory_space<semaphore_mem>>)
    %add3A_342 = arith.constant 14 : i32
    %add3A_343 = arith.addi %add3A_34, %add3A_342 : i32
    %mul3A_344 = arith.constant 128 : i32
    %mul3A_345 = arith.muli %add3A_343, %mul3A_344 : i32
    %dma_start3A_346 = arith.constant 0 : i32
    %dma_start3A_347 = arith.constant 0 : i32
    %dma_start3A_348 = arith.constant 112 : i32
    %dma_start3A_349 = arith.constant 0 : i32
    %dma_start3A_350 = tpu.memref_slice %arg4[%dma_start3A_346, %dma_start3A_348, %dma_start3A_349] : memref<3x128x128xf32, #tpu.memory_space<vmem>> -> memref<1x8x128xf32, #tpu.memory_space<vmem>>
    %dma_start3A_351 = tpu.memref_squeeze %dma_start3A_350 : memref<1x8x128xf32, #tpu.memory_space<vmem>> -> memref<8x128xf32, #tpu.memory_space<vmem>>
    %dma_start3A_352 = arith.constant 0 : i32
    %dma_start3A_353 = tpu.memref_slice %arg2[%select_n3A, %dma_start3A_352, %mul3A_345] : memref<4x8x1000000xf32, #tpu.memory_space<hbm>> -> memref<1x8x128xf32, #tpu.memory_space<hbm>>
    %dma_start3A_354 = tpu.memref_squeeze %dma_start3A_353 : memref<1x8x128xf32, #tpu.memory_space<hbm>> -> memref<8x128xf32, #tpu.memory_space<hbm>>
    %dma_start3A_355 = tpu.memref_slice %arg6[%dma_start3A_347] : memref<3x!tpu.dma_semaphore, #tpu.memory_space<semaphore_mem>> -> memref<1x!tpu.dma_semaphore, #tpu.memory_space<semaphore_mem>>
    %dma_start3A_356 = tpu.memref_squeeze %dma_start3A_355 : memref<1x!tpu.dma_semaphore, #tpu.memory_space<semaphore_mem>> -> memref<!tpu.dma_semaphore, #tpu.memory_space<semaphore_mem>>
    %dma_start3A_357 = arith.constant 112 : i32
    %dma_start3A_358 = arith.constant 0 : i32
    %dma_start3A_359 = tpu.memref_slice %arg4[%dma_start3A_346, %dma_start3A_357, %dma_start3A_358] : memref<3x128x128xf32, #tpu.memory_space<vmem>> -> memref<1x8x128xf32, #tpu.memory_space<vmem>>
    %dma_start3A_360 = tpu.memref_squeeze %dma_start3A_359 : memref<1x8x128xf32, #tpu.memory_space<vmem>> -> memref<8x128xf32, #tpu.memory_space<vmem>>
    %dma_start3A_361 = arith.constant 0 : i32
    %dma_start3A_362 = tpu.memref_slice %arg2[%select_n3A, %dma_start3A_361, %mul3A_345] : memref<4x8x1000000xf32, #tpu.memory_space<hbm>> -> memref<1x8x128xf32, #tpu.memory_space<hbm>>
    %dma_start3A_363 = tpu.memref_squeeze %dma_start3A_362 : memref<1x8x128xf32, #tpu.memory_space<hbm>> -> memref<8x128xf32, #tpu.memory_space<hbm>>
    tpu.enqueue_dma source(%dma_start3A_363 : memref<8x128xf32, #tpu.memory_space<hbm>>) target(%dma_start3A_360 : memref<8x128xf32, #tpu.memory_space<vmem>>) target_semaphore(%dma_start3A_356 : memref<!tpu.dma_semaphore, #tpu.memory_space<semaphore_mem>>)
    %add3A_364 = arith.constant 15 : i32
    %add3A_365 = arith.addi %add3A_34, %add3A_364 : i32
    %mul3A_366 = arith.constant 128 : i32
    %mul3A_367 = arith.muli %add3A_365, %mul3A_366 : i32
    %dma_start3A_368 = arith.constant 0 : i32
    %dma_start3A_369 = arith.constant 0 : i32
    %dma_start3A_370 = arith.constant 120 : i32
    %dma_start3A_371 = arith.constant 0 : i32
    %dma_start3A_372 = tpu.memref_slice %arg4[%dma_start3A_368, %dma_start3A_370, %dma_start3A_371] : memref<3x128x128xf32, #tpu.memory_space<vmem>> -> memref<1x8x128xf32, #tpu.memory_space<vmem>>
    %dma_start3A_373 = tpu.memref_squeeze %dma_start3A_372 : memref<1x8x128xf32, #tpu.memory_space<vmem>> -> memref<8x128xf32, #tpu.memory_space<vmem>>
    %dma_start3A_374 = arith.constant 0 : i32
    %dma_start3A_375 = tpu.memref_slice %arg2[%select_n3A, %dma_start3A_374, %mul3A_367] : memref<4x8x1000000xf32, #tpu.memory_space<hbm>> -> memref<1x8x128xf32, #tpu.memory_space<hbm>>
    %dma_start3A_376 = tpu.memref_squeeze %dma_start3A_375 : memref<1x8x128xf32, #tpu.memory_space<hbm>> -> memref<8x128xf32, #tpu.memory_space<hbm>>
    %dma_start3A_377 = tpu.memref_slice %arg6[%dma_start3A_369] : memref<3x!tpu.dma_semaphore, #tpu.memory_space<semaphore_mem>> -> memref<1x!tpu.dma_semaphore, #tpu.memory_space<semaphore_mem>>
    %dma_start3A_378 = tpu.memref_squeeze %dma_start3A_377 : memref<1x!tpu.dma_semaphore, #tpu.memory_space<semaphore_mem>> -> memref<!tpu.dma_semaphore, #tpu.memory_space<semaphore_mem>>
    %dma_start3A_379 = arith.constant 120 : i32
    %dma_start3A_380 = arith.constant 0 : i32
    %dma_start3A_381 = tpu.memref_slice %arg4[%dma_start3A_368, %dma_start3A_379, %dma_start3A_380] : memref<3x128x128xf32, #tpu.memory_space<vmem>> -> memref<1x8x128xf32, #tpu.memory_space<vmem>>
    %dma_start3A_382 = tpu.memref_squeeze %dma_start3A_381 : memref<1x8x128xf32, #tpu.memory_space<vmem>> -> memref<8x128xf32, #tpu.memory_space<vmem>>
    %dma_start3A_383 = arith.constant 0 : i32
    %dma_start3A_384 = tpu.memref_slice %arg2[%select_n3A, %dma_start3A_383, %mul3A_367] : memref<4x8x1000000xf32, #tpu.memory_space<hbm>> -> memref<1x8x128xf32, #tpu.memory_space<hbm>>
    %dma_start3A_385 = tpu.memref_squeeze %dma_start3A_384 : memref<1x8x128xf32, #tpu.memory_space<hbm>> -> memref<8x128xf32, #tpu.memory_space<hbm>>
    tpu.enqueue_dma source(%dma_start3A_385 : memref<8x128xf32, #tpu.memory_space<hbm>>) target(%dma_start3A_382 : memref<8x128xf32, #tpu.memory_space<vmem>>) target_semaphore(%dma_start3A_378 : memref<!tpu.dma_semaphore, #tpu.memory_space<semaphore_mem>>)
    %add3A_386 = arith.constant 16 : i32
    %add3A_387 = arith.addi %mul3A_32, %add3A_386 : i32
    %add3A_388 = arith.constant 0 : i32
    %add3A_389 = arith.addi %add3A_387, %add3A_388 : i32
    %mul3A_390 = arith.constant 128 : i32
    %mul3A_391 = arith.muli %add3A_389, %mul3A_390 : i32
    %dma_start3A_392 = arith.constant 1 : i32
    %dma_start3A_393 = arith.constant 1 : i32
    %dma_start3A_394 = arith.constant 0 : i32
    %dma_start3A_395 = arith.constant 0 : i32
    %dma_start3A_396 = tpu.memref_slice %arg4[%dma_start3A_392, %dma_start3A_394, %dma_start3A_395] : memref<3x128x128xf32, #tpu.memory_space<vmem>> -> memref<1x8x128xf32, #tpu.memory_space<vmem>>
    %dma_start3A_397 = tpu.memref_squeeze %dma_start3A_396 : memref<1x8x128xf32, #tpu.memory_space<vmem>> -> memref<8x128xf32, #tpu.memory_space<vmem>>
    %dma_start3A_398 = arith.constant 0 : i32
    %dma_start3A_399 = tpu.memref_slice %arg2[%select_n3A, %dma_start3A_398, %mul3A_391] : memref<4x8x1000000xf32, #tpu.memory_space<hbm>> -> memref<1x8x128xf32, #tpu.memory_space<hbm>>
    %dma_start3A_400 = tpu.memref_squeeze %dma_start3A_399 : memref<1x8x128xf32, #tpu.memory_space<hbm>> -> memref<8x128xf32, #tpu.memory_space<hbm>>
    %dma_start3A_401 = tpu.memref_slice %arg6[%dma_start3A_393] : memref<3x!tpu.dma_semaphore, #tpu.memory_space<semaphore_mem>> -> memref<1x!tpu.dma_semaphore, #tpu.memory_space<semaphore_mem>>
    %dma_start3A_402 = tpu.memref_squeeze %dma_start3A_401 : memref<1x!tpu.dma_semaphore, #tpu.memory_space<semaphore_mem>> -> memref<!tpu.dma_semaphore, #tpu.memory_space<semaphore_mem>>
    %dma_start3A_403 = arith.constant 0 : i32
    %dma_start3A_404 = arith.constant 0 : i32
    %dma_start3A_405 = tpu.memref_slice %arg4[%dma_start3A_392, %dma_start3A_403, %dma_start3A_404] : memref<3x128x128xf32, #tpu.memory_space<vmem>> -> memref<1x8x128xf32, #tpu.memory_space<vmem>>
    %dma_start3A_406 = tpu.memref_squeeze %dma_start3A_405 : memref<1x8x128xf32, #tpu.memory_space<vmem>> -> memref<8x128xf32, #tpu.memory_space<vmem>>
    %dma_start3A_407 = arith.constant 0 : i32
    %dma_start3A_408 = tpu.memref_slice %arg2[%select_n3A, %dma_start3A_407, %mul3A_391] : memref<4x8x1000000xf32, #tpu.memory_space<hbm>> -> memref<1x8x128xf32, #tpu.memory_space<hbm>>
    %dma_start3A_409 = tpu.memref_squeeze %dma_start3A_408 : memref<1x8x128xf32, #tpu.memory_space<hbm>> -> memref<8x128xf32, #tpu.memory_space<hbm>>
    tpu.enqueue_dma source(%dma_start3A_409 : memref<8x128xf32, #tpu.memory_space<hbm>>) target(%dma_start3A_406 : memref<8x128xf32, #tpu.memory_space<vmem>>) target_semaphore(%dma_start3A_402 : memref<!tpu.dma_semaphore, #tpu.memory_space<semaphore_mem>>)
    %add3A_410 = arith.constant 1 : i32
    %add3A_411 = arith.addi %add3A_387, %add3A_410 : i32
    %mul3A_412 = arith.constant 128 : i32
    %mul3A_413 = arith.muli %add3A_411, %mul3A_412 : i32
    %dma_start3A_414 = arith.constant 1 : i32
    %dma_start3A_415 = arith.constant 1 : i32
    %dma_start3A_416 = arith.constant 8 : i32
    %dma_start3A_417 = arith.constant 0 : i32
    %dma_start3A_418 = tpu.memref_slice %arg4[%dma_start3A_414, %dma_start3A_416, %dma_start3A_417] : memref<3x128x128xf32, #tpu.memory_space<vmem>> -> memref<1x8x128xf32, #tpu.memory_space<vmem>>
    %dma_start3A_419 = tpu.memref_squeeze %dma_start3A_418 : memref<1x8x128xf32, #tpu.memory_space<vmem>> -> memref<8x128xf32, #tpu.memory_space<vmem>>
    %dma_start3A_420 = arith.constant 0 : i32
    %dma_start3A_421 = tpu.memref_slice %arg2[%select_n3A, %dma_start3A_420, %mul3A_413] : memref<4x8x1000000xf32, #tpu.memory_space<hbm>> -> memref<1x8x128xf32, #tpu.memory_space<hbm>>
    %dma_start3A_422 = tpu.memref_squeeze %dma_start3A_421 : memref<1x8x128xf32, #tpu.memory_space<hbm>> -> memref<8x128xf32, #tpu.memory_space<hbm>>
    %dma_start3A_423 = tpu.memref_slice %arg6[%dma_start3A_415] : memref<3x!tpu.dma_semaphore, #tpu.memory_space<semaphore_mem>> -> memref<1x!tpu.dma_semaphore, #tpu.memory_space<semaphore_mem>>
    %dma_start3A_424 = tpu.memref_squeeze %dma_start3A_423 : memref<1x!tpu.dma_semaphore, #tpu.memory_space<semaphore_mem>> -> memref<!tpu.dma_semaphore, #tpu.memory_space<semaphore_mem>>
    %dma_start3A_425 = arith.constant 8 : i32
    %dma_start3A_426 = arith.constant 0 : i32
    %dma_start3A_427 = tpu.memref_slice %arg4[%dma_start3A_414, %dma_start3A_425, %dma_start3A_426] : memref<3x128x128xf32, #tpu.memory_space<vmem>> -> memref<1x8x128xf32, #tpu.memory_space<vmem>>
    %dma_start3A_428 = tpu.memref_squeeze %dma_start3A_427 : memref<1x8x128xf32, #tpu.memory_space<vmem>> -> memref<8x128xf32, #tpu.memory_space<vmem>>
    %dma_start3A_429 = arith.constant 0 : i32
    %dma_start3A_430 = tpu.memref_slice %arg2[%select_n3A, %dma_start3A_429, %mul3A_413] : memref<4x8x1000000xf32, #tpu.memory_space<hbm>> -> memref<1x8x128xf32, #tpu.memory_space<hbm>>
    %dma_start3A_431 = tpu.memref_squeeze %dma_start3A_430 : memref<1x8x128xf32, #tpu.memory_space<hbm>> -> memref<8x128xf32, #tpu.memory_space<hbm>>
    tpu.enqueue_dma source(%dma_start3A_431 : memref<8x128xf32, #tpu.memory_space<hbm>>) target(%dma_start3A_428 : memref<8x128xf32, #tpu.memory_space<vmem>>) target_semaphore(%dma_start3A_424 : memref<!tpu.dma_semaphore, #tpu.memory_space<semaphore_mem>>)
    %add3A_432 = arith.constant 2 : i32
    %add3A_433 = arith.addi %add3A_387, %add3A_432 : i32
    %mul3A_434 = arith.constant 128 : i32
    %mul3A_435 = arith.muli %add3A_433, %mul3A_434 : i32
    %dma_start3A_436 = arith.constant 1 : i32
    %dma_start3A_437 = arith.constant 1 : i32
    %dma_start3A_438 = arith.constant 16 : i32
    %dma_start3A_439 = arith.constant 0 : i32
    %dma_start3A_440 = tpu.memref_slice %arg4[%dma_start3A_436, %dma_start3A_438, %dma_start3A_439] : memref<3x128x128xf32, #tpu.memory_space<vmem>> -> memref<1x8x128xf32, #tpu.memory_space<vmem>>
    %dma_start3A_441 = tpu.memref_squeeze %dma_start3A_440 : memref<1x8x128xf32, #tpu.memory_space<vmem>> -> memref<8x128xf32, #tpu.memory_space<vmem>>
    %dma_start3A_442 = arith.constant 0 : i32
    %dma_start3A_443 = tpu.memref_slice %arg2[%select_n3A, %dma_start3A_442, %mul3A_435] : memref<4x8x1000000xf32, #tpu.memory_space<hbm>> -> memref<1x8x128xf32, #tpu.memory_space<hbm>>
    %dma_start3A_444 = tpu.memref_squeeze %dma_start3A_443 : memref<1x8x128xf32, #tpu.memory_space<hbm>> -> memref<8x128xf32, #tpu.memory_space<hbm>>
    %dma_start3A_445 = tpu.memref_slice %arg6[%dma_start3A_437] : memref<3x!tpu.dma_semaphore, #tpu.memory_space<semaphore_mem>> -> memref<1x!tpu.dma_semaphore, #tpu.memory_space<semaphore_mem>>
    %dma_start3A_446 = tpu.memref_squeeze %dma_start3A_445 : memref<1x!tpu.dma_semaphore, #tpu.memory_space<semaphore_mem>> -> memref<!tpu.dma_semaphore, #tpu.memory_space<semaphore_mem>>
    %dma_start3A_447 = arith.constant 16 : i32
    %dma_start3A_448 = arith.constant 0 : i32
    %dma_start3A_449 = tpu.memref_slice %arg4[%dma_start3A_436, %dma_start3A_447, %dma_start3A_448] : memref<3x128x128xf32, #tpu.memory_space<vmem>> -> memref<1x8x128xf32, #tpu.memory_space<vmem>>
    %dma_start3A_450 = tpu.memref_squeeze %dma_start3A_449 : memref<1x8x128xf32, #tpu.memory_space<vmem>> -> memref<8x128xf32, #tpu.memory_space<vmem>>
    %dma_start3A_451 = arith.constant 0 : i32
    %dma_start3A_452 = tpu.memref_slice %arg2[%select_n3A, %dma_start3A_451, %mul3A_435] : memref<4x8x1000000xf32, #tpu.memory_space<hbm>> -> memref<1x8x128xf32, #tpu.memory_space<hbm>>
    %dma_start3A_453 = tpu.memref_squeeze %dma_start3A_452 : memref<1x8x128xf32, #tpu.memory_space<hbm>> -> memref<8x128xf32, #tpu.memory_space<hbm>>
    tpu.enqueue_dma source(%dma_start3A_453 : memref<8x128xf32, #tpu.memory_space<hbm>>) target(%dma_start3A_450 : memref<8x128xf32, #tpu.memory_space<vmem>>) target_semaphore(%dma_start3A_446 : memref<!tpu.dma_semaphore, #tpu.memory_space<semaphore_mem>>)
    %add3A_454 = arith.constant 3 : i32
    %add3A_455 = arith.addi %add3A_387, %add3A_454 : i32
    %mul3A_456 = arith.constant 128 : i32
    %mul3A_457 = arith.muli %add3A_455, %mul3A_456 : i32
    %dma_start3A_458 = arith.constant 1 : i32
    %dma_start3A_459 = arith.constant 1 : i32
    %dma_start3A_460 = arith.constant 24 : i32
    %dma_start3A_461 = arith.constant 0 : i32
    %dma_start3A_462 = tpu.memref_slice %arg4[%dma_start3A_458, %dma_start3A_460, %dma_start3A_461] : memref<3x128x128xf32, #tpu.memory_space<vmem>> -> memref<1x8x128xf32, #tpu.memory_space<vmem>>
    %dma_start3A_463 = tpu.memref_squeeze %dma_start3A_462 : memref<1x8x128xf32, #tpu.memory_space<vmem>> -> memref<8x128xf32, #tpu.memory_space<vmem>>
    %dma_start3A_464 = arith.constant 0 : i32
    %dma_start3A_465 = tpu.memref_slice %arg2[%select_n3A, %dma_start3A_464, %mul3A_457] : memref<4x8x1000000xf32, #tpu.memory_space<hbm>> -> memref<1x8x128xf32, #tpu.memory_space<hbm>>
    %dma_start3A_466 = tpu.memref_squeeze %dma_start3A_465 : memref<1x8x128xf32, #tpu.memory_space<hbm>> -> memref<8x128xf32, #tpu.memory_space<hbm>>
    %dma_start3A_467 = tpu.memref_slice %arg6[%dma_start3A_459] : memref<3x!tpu.dma_semaphore, #tpu.memory_space<semaphore_mem>> -> memref<1x!tpu.dma_semaphore, #tpu.memory_space<semaphore_mem>>
    %dma_start3A_468 = tpu.memref_squeeze %dma_start3A_467 : memref<1x!tpu.dma_semaphore, #tpu.memory_space<semaphore_mem>> -> memref<!tpu.dma_semaphore, #tpu.memory_space<semaphore_mem>>
    %dma_start3A_469 = arith.constant 24 : i32
    %dma_start3A_470 = arith.constant 0 : i32
    %dma_start3A_471 = tpu.memref_slice %arg4[%dma_start3A_458, %dma_start3A_469, %dma_start3A_470] : memref<3x128x128xf32, #tpu.memory_space<vmem>> -> memref<1x8x128xf32, #tpu.memory_space<vmem>>
    %dma_start3A_472 = tpu.memref_squeeze %dma_start3A_471 : memref<1x8x128xf32, #tpu.memory_space<vmem>> -> memref<8x128xf32, #tpu.memory_space<vmem>>
    %dma_start3A_473 = arith.constant 0 : i32
    %dma_start3A_474 = tpu.memref_slice %arg2[%select_n3A, %dma_start3A_473, %mul3A_457] : memref<4x8x1000000xf32, #tpu.memory_space<hbm>> -> memref<1x8x128xf32, #tpu.memory_space<hbm>>
    %dma_start3A_475 = tpu.memref_squeeze %dma_start3A_474 : memref<1x8x128xf32, #tpu.memory_space<hbm>> -> memref<8x128xf32, #tpu.memory_space<hbm>>
    tpu.enqueue_dma source(%dma_start3A_475 : memref<8x128xf32, #tpu.memory_space<hbm>>) target(%dma_start3A_472 : memref<8x128xf32, #tpu.memory_space<vmem>>) target_semaphore(%dma_start3A_468 : memref<!tpu.dma_semaphore, #tpu.memory_space<semaphore_mem>>)
    %add3A_476 = arith.constant 4 : i32
    %add3A_477 = arith.addi %add3A_387, %add3A_476 : i32
    %mul3A_478 = arith.constant 128 : i32
    %mul3A_479 = arith.muli %add3A_477, %mul3A_478 : i32
    %dma_start3A_480 = arith.constant 1 : i32
    %dma_start3A_481 = arith.constant 1 : i32
    %dma_start3A_482 = arith.constant 32 : i32
    %dma_start3A_483 = arith.constant 0 : i32
    %dma_start3A_484 = tpu.memref_slice %arg4[%dma_start3A_480, %dma_start3A_482, %dma_start3A_483] : memref<3x128x128xf32, #tpu.memory_space<vmem>> -> memref<1x8x128xf32, #tpu.memory_space<vmem>>
    %dma_start3A_485 = tpu.memref_squeeze %dma_start3A_484 : memref<1x8x128xf32, #tpu.memory_space<vmem>> -> memref<8x128xf32, #tpu.memory_space<vmem>>
    %dma_start3A_486 = arith.constant 0 : i32
    %dma_start3A_487 = tpu.memref_slice %arg2[%select_n3A, %dma_start3A_486, %mul3A_479] : memref<4x8x1000000xf32, #tpu.memory_space<hbm>> -> memref<1x8x128xf32, #tpu.memory_space<hbm>>
    %dma_start3A_488 = tpu.memref_squeeze %dma_start3A_487 : memref<1x8x128xf32, #tpu.memory_space<hbm>> -> memref<8x128xf32, #tpu.memory_space<hbm>>
    %dma_start3A_489 = tpu.memref_slice %arg6[%dma_start3A_481] : memref<3x!tpu.dma_semaphore, #tpu.memory_space<semaphore_mem>> -> memref<1x!tpu.dma_semaphore, #tpu.memory_space<semaphore_mem>>
    %dma_start3A_490 = tpu.memref_squeeze %dma_start3A_489 : memref<1x!tpu.dma_semaphore, #tpu.memory_space<semaphore_mem>> -> memref<!tpu.dma_semaphore, #tpu.memory_space<semaphore_mem>>
    %dma_start3A_491 = arith.constant 32 : i32
    %dma_start3A_492 = arith.constant 0 : i32
    %dma_start3A_493 = tpu.memref_slice %arg4[%dma_start3A_480, %dma_start3A_491, %dma_start3A_492] : memref<3x128x128xf32, #tpu.memory_space<vmem>> -> memref<1x8x128xf32, #tpu.memory_space<vmem>>
    %dma_start3A_494 = tpu.memref_squeeze %dma_start3A_493 : memref<1x8x128xf32, #tpu.memory_space<vmem>> -> memref<8x128xf32, #tpu.memory_space<vmem>>
    %dma_start3A_495 = arith.constant 0 : i32
    %dma_start3A_496 = tpu.memref_slice %arg2[%select_n3A, %dma_start3A_495, %mul3A_479] : memref<4x8x1000000xf32, #tpu.memory_space<hbm>> -> memref<1x8x128xf32, #tpu.memory_space<hbm>>
    %dma_start3A_497 = tpu.memref_squeeze %dma_start3A_496 : memref<1x8x128xf32, #tpu.memory_space<hbm>> -> memref<8x128xf32, #tpu.memory_space<hbm>>
    tpu.enqueue_dma source(%dma_start3A_497 : memref<8x128xf32, #tpu.memory_space<hbm>>) target(%dma_start3A_494 : memref<8x128xf32, #tpu.memory_space<vmem>>) target_semaphore(%dma_start3A_490 : memref<!tpu.dma_semaphore, #tpu.memory_space<semaphore_mem>>)
    %add3A_498 = arith.constant 5 : i32
    %add3A_499 = arith.addi %add3A_387, %add3A_498 : i32
    %mul3A_500 = arith.constant 128 : i32
    %mul3A_501 = arith.muli %add3A_499, %mul3A_500 : i32
    %dma_start3A_502 = arith.constant 1 : i32
    %dma_start3A_503 = arith.constant 1 : i32
    %dma_start3A_504 = arith.constant 40 : i32
    %dma_start3A_505 = arith.constant 0 : i32
    %dma_start3A_506 = tpu.memref_slice %arg4[%dma_start3A_502, %dma_start3A_504, %dma_start3A_505] : memref<3x128x128xf32, #tpu.memory_space<vmem>> -> memref<1x8x128xf32, #tpu.memory_space<vmem>>
    %dma_start3A_507 = tpu.memref_squeeze %dma_start3A_506 : memref<1x8x128xf32, #tpu.memory_space<vmem>> -> memref<8x128xf32, #tpu.memory_space<vmem>>
    %dma_start3A_508 = arith.constant 0 : i32
    %dma_start3A_509 = tpu.memref_slice %arg2[%select_n3A, %dma_start3A_508, %mul3A_501] : memref<4x8x1000000xf32, #tpu.memory_space<hbm>> -> memref<1x8x128xf32, #tpu.memory_space<hbm>>
    %dma_start3A_510 = tpu.memref_squeeze %dma_start3A_509 : memref<1x8x128xf32, #tpu.memory_space<hbm>> -> memref<8x128xf32, #tpu.memory_space<hbm>>
    %dma_start3A_511 = tpu.memref_slice %arg6[%dma_start3A_503] : memref<3x!tpu.dma_semaphore, #tpu.memory_space<semaphore_mem>> -> memref<1x!tpu.dma_semaphore, #tpu.memory_space<semaphore_mem>>
    %dma_start3A_512 = tpu.memref_squeeze %dma_start3A_511 : memref<1x!tpu.dma_semaphore, #tpu.memory_space<semaphore_mem>> -> memref<!tpu.dma_semaphore, #tpu.memory_space<semaphore_mem>>
    %dma_start3A_513 = arith.constant 40 : i32
    %dma_start3A_514 = arith.constant 0 : i32
    %dma_start3A_515 = tpu.memref_slice %arg4[%dma_start3A_502, %dma_start3A_513, %dma_start3A_514] : memref<3x128x128xf32, #tpu.memory_space<vmem>> -> memref<1x8x128xf32, #tpu.memory_space<vmem>>
    %dma_start3A_516 = tpu.memref_squeeze %dma_start3A_515 : memref<1x8x128xf32, #tpu.memory_space<vmem>> -> memref<8x128xf32, #tpu.memory_space<vmem>>
    %dma_start3A_517 = arith.constant 0 : i32
    %dma_start3A_518 = tpu.memref_slice %arg2[%select_n3A, %dma_start3A_517, %mul3A_501] : memref<4x8x1000000xf32, #tpu.memory_space<hbm>> -> memref<1x8x128xf32, #tpu.memory_space<hbm>>
    %dma_start3A_519 = tpu.memref_squeeze %dma_start3A_518 : memref<1x8x128xf32, #tpu.memory_space<hbm>> -> memref<8x128xf32, #tpu.memory_space<hbm>>
    tpu.enqueue_dma source(%dma_start3A_519 : memref<8x128xf32, #tpu.memory_space<hbm>>) target(%dma_start3A_516 : memref<8x128xf32, #tpu.memory_space<vmem>>) target_semaphore(%dma_start3A_512 : memref<!tpu.dma_semaphore, #tpu.memory_space<semaphore_mem>>)
    %add3A_520 = arith.constant 6 : i32
    %add3A_521 = arith.addi %add3A_387, %add3A_520 : i32
    %mul3A_522 = arith.constant 128 : i32
    %mul3A_523 = arith.muli %add3A_521, %mul3A_522 : i32
    %dma_start3A_524 = arith.constant 1 : i32
    %dma_start3A_525 = arith.constant 1 : i32
    %dma_start3A_526 = arith.constant 48 : i32
    %dma_start3A_527 = arith.constant 0 : i32
    %dma_start3A_528 = tpu.memref_slice %arg4[%dma_start3A_524, %dma_start3A_526, %dma_start3A_527] : memref<3x128x128xf32, #tpu.memory_space<vmem>> -> memref<1x8x128xf32, #tpu.memory_space<vmem>>
    %dma_start3A_529 = tpu.memref_squeeze %dma_start3A_528 : memref<1x8x128xf32, #tpu.memory_space<vmem>> -> memref<8x128xf32, #tpu.memory_space<vmem>>
    %dma_start3A_530 = arith.constant 0 : i32
    %dma_start3A_531 = tpu.memref_slice %arg2[%select_n3A, %dma_start3A_530, %mul3A_523] : memref<4x8x1000000xf32, #tpu.memory_space<hbm>> -> memref<1x8x128xf32, #tpu.memory_space<hbm>>
    %dma_start3A_532 = tpu.memref_squeeze %dma_start3A_531 : memref<1x8x128xf32, #tpu.memory_space<hbm>> -> memref<8x128xf32, #tpu.memory_space<hbm>>
    %dma_start3A_533 = tpu.memref_slice %arg6[%dma_start3A_525] : memref<3x!tpu.dma_semaphore, #tpu.memory_space<semaphore_mem>> -> memref<1x!tpu.dma_semaphore, #tpu.memory_space<semaphore_mem>>
    %dma_start3A_534 = tpu.memref_squeeze %dma_start3A_533 : memref<1x!tpu.dma_semaphore, #tpu.memory_space<semaphore_mem>> -> memref<!tpu.dma_semaphore, #tpu.memory_space<semaphore_mem>>
    %dma_start3A_535 = arith.constant 48 : i32
    %dma_start3A_536 = arith.constant 0 : i32
    %dma_start3A_537 = tpu.memref_slice %arg4[%dma_start3A_524, %dma_start3A_535, %dma_start3A_536] : memref<3x128x128xf32, #tpu.memory_space<vmem>> -> memref<1x8x128xf32, #tpu.memory_space<vmem>>
    %dma_start3A_538 = tpu.memref_squeeze %dma_start3A_537 : memref<1x8x128xf32, #tpu.memory_space<vmem>> -> memref<8x128xf32, #tpu.memory_space<vmem>>
    %dma_start3A_539 = arith.constant 0 : i32
    %dma_start3A_540 = tpu.memref_slice %arg2[%select_n3A, %dma_start3A_539, %mul3A_523] : memref<4x8x1000000xf32, #tpu.memory_space<hbm>> -> memref<1x8x128xf32, #tpu.memory_space<hbm>>
    %dma_start3A_541 = tpu.memref_squeeze %dma_start3A_540 : memref<1x8x128xf32, #tpu.memory_space<hbm>> -> memref<8x128xf32, #tpu.memory_space<hbm>>
    tpu.enqueue_dma source(%dma_start3A_541 : memref<8x128xf32, #tpu.memory_space<hbm>>) target(%dma_start3A_538 : memref<8x128xf32, #tpu.memory_space<vmem>>) target_semaphore(%dma_start3A_534 : memref<!tpu.dma_semaphore, #tpu.memory_space<semaphore_mem>>)
    %add3A_542 = arith.constant 7 : i32
    %add3A_543 = arith.addi %add3A_387, %add3A_542 : i32
    %mul3A_544 = arith.constant 128 : i32
    %mul3A_545 = arith.muli %add3A_543, %mul3A_544 : i32
    %dma_start3A_546 = arith.constant 1 : i32
    %dma_start3A_547 = arith.constant 1 : i32
    %dma_start3A_548 = arith.constant 56 : i32
    %dma_start3A_549 = arith.constant 0 : i32
    %dma_start3A_550 = tpu.memref_slice %arg4[%dma_start3A_546, %dma_start3A_548, %dma_start3A_549] : memref<3x128x128xf32, #tpu.memory_space<vmem>> -> memref<1x8x128xf32, #tpu.memory_space<vmem>>
    %dma_start3A_551 = tpu.memref_squeeze %dma_start3A_550 : memref<1x8x128xf32, #tpu.memory_space<vmem>> -> memref<8x128xf32, #tpu.memory_space<vmem>>
    %dma_start3A_552 = arith.constant 0 : i32
    %dma_start3A_553 = tpu.memref_slice %arg2[%select_n3A, %dma_start3A_552, %mul3A_545] : memref<4x8x1000000xf32, #tpu.memory_space<hbm>> -> memref<1x8x128xf32, #tpu.memory_space<hbm>>
    %dma_start3A_554 = tpu.memref_squeeze %dma_start3A_553 : memref<1x8x128xf32, #tpu.memory_space<hbm>> -> memref<8x128xf32, #tpu.memory_space<hbm>>
    %dma_start3A_555 = tpu.memref_slice %arg6[%dma_start3A_547] : memref<3x!tpu.dma_semaphore, #tpu.memory_space<semaphore_mem>> -> memref<1x!tpu.dma_semaphore, #tpu.memory_space<semaphore_mem>>
    %dma_start3A_556 = tpu.memref_squeeze %dma_start3A_555 : memref<1x!tpu.dma_semaphore, #tpu.memory_space<semaphore_mem>> -> memref<!tpu.dma_semaphore, #tpu.memory_space<semaphore_mem>>
    %dma_start3A_557 = arith.constant 56 : i32
    %dma_start3A_558 = arith.constant 0 : i32
    %dma_start3A_559 = tpu.memref_slice %arg4[%dma_start3A_546, %dma_start3A_557, %dma_start3A_558] : memref<3x128x128xf32, #tpu.memory_space<vmem>> -> memref<1x8x128xf32, #tpu.memory_space<vmem>>
    %dma_start3A_560 = tpu.memref_squeeze %dma_start3A_559 : memref<1x8x128xf32, #tpu.memory_space<vmem>> -> memref<8x128xf32, #tpu.memory_space<vmem>>
    %dma_start3A_561 = arith.constant 0 : i32
    %dma_start3A_562 = tpu.memref_slice %arg2[%select_n3A, %dma_start3A_561, %mul3A_545] : memref<4x8x1000000xf32, #tpu.memory_space<hbm>> -> memref<1x8x128xf32, #tpu.memory_space<hbm>>
    %dma_start3A_563 = tpu.memref_squeeze %dma_start3A_562 : memref<1x8x128xf32, #tpu.memory_space<hbm>> -> memref<8x128xf32, #tpu.memory_space<hbm>>
    tpu.enqueue_dma source(%dma_start3A_563 : memref<8x128xf32, #tpu.memory_space<hbm>>) target(%dma_start3A_560 : memref<8x128xf32, #tpu.memory_space<vmem>>) target_semaphore(%dma_start3A_556 : memref<!tpu.dma_semaphore, #tpu.memory_space<semaphore_mem>>)
    %add3A_564 = arith.constant 8 : i32
    %add3A_565 = arith.addi %add3A_387, %add3A_564 : i32
    %mul3A_566 = arith.constant 128 : i32
    %mul3A_567 = arith.muli %add3A_565, %mul3A_566 : i32
    %dma_start3A_568 = arith.constant 1 : i32
    %dma_start3A_569 = arith.constant 1 : i32
    %dma_start3A_570 = arith.constant 64 : i32
    %dma_start3A_571 = arith.constant 0 : i32
    %dma_start3A_572 = tpu.memref_slice %arg4[%dma_start3A_568, %dma_start3A_570, %dma_start3A_571] : memref<3x128x128xf32, #tpu.memory_space<vmem>> -> memref<1x8x128xf32, #tpu.memory_space<vmem>>
    %dma_start3A_573 = tpu.memref_squeeze %dma_start3A_572 : memref<1x8x128xf32, #tpu.memory_space<vmem>> -> memref<8x128xf32, #tpu.memory_space<vmem>>
    %dma_start3A_574 = arith.constant 0 : i32
    %dma_start3A_575 = tpu.memref_slice %arg2[%select_n3A, %dma_start3A_574, %mul3A_567] : memref<4x8x1000000xf32, #tpu.memory_space<hbm>> -> memref<1x8x128xf32, #tpu.memory_space<hbm>>
    %dma_start3A_576 = tpu.memref_squeeze %dma_start3A_575 : memref<1x8x128xf32, #tpu.memory_space<hbm>> -> memref<8x128xf32, #tpu.memory_space<hbm>>
    %dma_start3A_577 = tpu.memref_slice %arg6[%dma_start3A_569] : memref<3x!tpu.dma_semaphore, #tpu.memory_space<semaphore_mem>> -> memref<1x!tpu.dma_semaphore, #tpu.memory_space<semaphore_mem>>
    %dma_start3A_578 = tpu.memref_squeeze %dma_start3A_577 : memref<1x!tpu.dma_semaphore, #tpu.memory_space<semaphore_mem>> -> memref<!tpu.dma_semaphore, #tpu.memory_space<semaphore_mem>>
    %dma_start3A_579 = arith.constant 64 : i32
    %dma_start3A_580 = arith.constant 0 : i32
    %dma_start3A_581 = tpu.memref_slice %arg4[%dma_start3A_568, %dma_start3A_579, %dma_start3A_580] : memref<3x128x128xf32, #tpu.memory_space<vmem>> -> memref<1x8x128xf32, #tpu.memory_space<vmem>>
    %dma_start3A_582 = tpu.memref_squeeze %dma_start3A_581 : memref<1x8x128xf32, #tpu.memory_space<vmem>> -> memref<8x128xf32, #tpu.memory_space<vmem>>
    %dma_start3A_583 = arith.constant 0 : i32
    %dma_start3A_584 = tpu.memref_slice %arg2[%select_n3A, %dma_start3A_583, %mul3A_567] : memref<4x8x1000000xf32, #tpu.memory_space<hbm>> -> memref<1x8x128xf32, #tpu.memory_space<hbm>>
    %dma_start3A_585 = tpu.memref_squeeze %dma_start3A_584 : memref<1x8x128xf32, #tpu.memory_space<hbm>> -> memref<8x128xf32, #tpu.memory_space<hbm>>
    tpu.enqueue_dma source(%dma_start3A_585 : memref<8x128xf32, #tpu.memory_space<hbm>>) target(%dma_start3A_582 : memref<8x128xf32, #tpu.memory_space<vmem>>) target_semaphore(%dma_start3A_578 : memref<!tpu.dma_semaphore, #tpu.memory_space<semaphore_mem>>)
    %add3A_586 = arith.constant 9 : i32
    %add3A_587 = arith.addi %add3A_387, %add3A_586 : i32
    %mul3A_588 = arith.constant 128 : i32
    %mul3A_589 = arith.muli %add3A_587, %mul3A_588 : i32
    %dma_start3A_590 = arith.constant 1 : i32
    %dma_start3A_591 = arith.constant 1 : i32
    %dma_start3A_592 = arith.constant 72 : i32
    %dma_start3A_593 = arith.constant 0 : i32
    %dma_start3A_594 = tpu.memref_slice %arg4[%dma_start3A_590, %dma_start3A_592, %dma_start3A_593] : memref<3x128x128xf32, #tpu.memory_space<vmem>> -> memref<1x8x128xf32, #tpu.memory_space<vmem>>
    %dma_start3A_595 = tpu.memref_squeeze %dma_start3A_594 : memref<1x8x128xf32, #tpu.memory_space<vmem>> -> memref<8x128xf32, #tpu.memory_space<vmem>>
    %dma_start3A_596 = arith.constant 0 : i32
    %dma_start3A_597 = tpu.memref_slice %arg2[%select_n3A, %dma_start3A_596, %mul3A_589] : memref<4x8x1000000xf32, #tpu.memory_space<hbm>> -> memref<1x8x128xf32, #tpu.memory_space<hbm>>
    %dma_start3A_598 = tpu.memref_squeeze %dma_start3A_597 : memref<1x8x128xf32, #tpu.memory_space<hbm>> -> memref<8x128xf32, #tpu.memory_space<hbm>>
    %dma_start3A_599 = tpu.memref_slice %arg6[%dma_start3A_591] : memref<3x!tpu.dma_semaphore, #tpu.memory_space<semaphore_mem>> -> memref<1x!tpu.dma_semaphore, #tpu.memory_space<semaphore_mem>>
    %dma_start3A_600 = tpu.memref_squeeze %dma_start3A_599 : memref<1x!tpu.dma_semaphore, #tpu.memory_space<semaphore_mem>> -> memref<!tpu.dma_semaphore, #tpu.memory_space<semaphore_mem>>
    %dma_start3A_601 = arith.constant 72 : i32
    %dma_start3A_602 = arith.constant 0 : i32
    %dma_start3A_603 = tpu.memref_slice %arg4[%dma_start3A_590, %dma_start3A_601, %dma_start3A_602] : memref<3x128x128xf32, #tpu.memory_space<vmem>> -> memref<1x8x128xf32, #tpu.memory_space<vmem>>
    %dma_start3A_604 = tpu.memref_squeeze %dma_start3A_603 : memref<1x8x128xf32, #tpu.memory_space<vmem>> -> memref<8x128xf32, #tpu.memory_space<vmem>>
    %dma_start3A_605 = arith.constant 0 : i32
    %dma_start3A_606 = tpu.memref_slice %arg2[%select_n3A, %dma_start3A_605, %mul3A_589] : memref<4x8x1000000xf32, #tpu.memory_space<hbm>> -> memref<1x8x128xf32, #tpu.memory_space<hbm>>
    %dma_start3A_607 = tpu.memref_squeeze %dma_start3A_606 : memref<1x8x128xf32, #tpu.memory_space<hbm>> -> memref<8x128xf32, #tpu.memory_space<hbm>>
    tpu.enqueue_dma source(%dma_start3A_607 : memref<8x128xf32, #tpu.memory_space<hbm>>) target(%dma_start3A_604 : memref<8x128xf32, #tpu.memory_space<vmem>>) target_semaphore(%dma_start3A_600 : memref<!tpu.dma_semaphore, #tpu.memory_space<semaphore_mem>>)
    %add3A_608 = arith.constant 10 : i32
    %add3A_609 = arith.addi %add3A_387, %add3A_608 : i32
    %mul3A_610 = arith.constant 128 : i32
    %mul3A_611 = arith.muli %add3A_609, %mul3A_610 : i32
    %dma_start3A_612 = arith.constant 1 : i32
    %dma_start3A_613 = arith.constant 1 : i32
    %dma_start3A_614 = arith.constant 80 : i32
    %dma_start3A_615 = arith.constant 0 : i32
    %dma_start3A_616 = tpu.memref_slice %arg4[%dma_start3A_612, %dma_start3A_614, %dma_start3A_615] : memref<3x128x128xf32, #tpu.memory_space<vmem>> -> memref<1x8x128xf32, #tpu.memory_space<vmem>>
    %dma_start3A_617 = tpu.memref_squeeze %dma_start3A_616 : memref<1x8x128xf32, #tpu.memory_space<vmem>> -> memref<8x128xf32, #tpu.memory_space<vmem>>
    %dma_start3A_618 = arith.constant 0 : i32
    %dma_start3A_619 = tpu.memref_slice %arg2[%select_n3A, %dma_start3A_618, %mul3A_611] : memref<4x8x1000000xf32, #tpu.memory_space<hbm>> -> memref<1x8x128xf32, #tpu.memory_space<hbm>>
    %dma_start3A_620 = tpu.memref_squeeze %dma_start3A_619 : memref<1x8x128xf32, #tpu.memory_space<hbm>> -> memref<8x128xf32, #tpu.memory_space<hbm>>
    %dma_start3A_621 = tpu.memref_slice %arg6[%dma_start3A_613] : memref<3x!tpu.dma_semaphore, #tpu.memory_space<semaphore_mem>> -> memref<1x!tpu.dma_semaphore, #tpu.memory_space<semaphore_mem>>
    %dma_start3A_622 = tpu.memref_squeeze %dma_start3A_621 : memref<1x!tpu.dma_semaphore, #tpu.memory_space<semaphore_mem>> -> memref<!tpu.dma_semaphore, #tpu.memory_space<semaphore_mem>>
    %dma_start3A_623 = arith.constant 80 : i32
    %dma_start3A_624 = arith.constant 0 : i32
    %dma_start3A_625 = tpu.memref_slice %arg4[%dma_start3A_612, %dma_start3A_623, %dma_start3A_624] : memref<3x128x128xf32, #tpu.memory_space<vmem>> -> memref<1x8x128xf32, #tpu.memory_space<vmem>>
    %dma_start3A_626 = tpu.memref_squeeze %dma_start3A_625 : memref<1x8x128xf32, #tpu.memory_space<vmem>> -> memref<8x128xf32, #tpu.memory_space<vmem>>
    %dma_start3A_627 = arith.constant 0 : i32
    %dma_start3A_628 = tpu.memref_slice %arg2[%select_n3A, %dma_start3A_627, %mul3A_611] : memref<4x8x1000000xf32, #tpu.memory_space<hbm>> -> memref<1x8x128xf32, #tpu.memory_space<hbm>>
    %dma_start3A_629 = tpu.memref_squeeze %dma_start3A_628 : memref<1x8x128xf32, #tpu.memory_space<hbm>> -> memref<8x128xf32, #tpu.memory_space<hbm>>
    tpu.enqueue_dma source(%dma_start3A_629 : memref<8x128xf32, #tpu.memory_space<hbm>>) target(%dma_start3A_626 : memref<8x128xf32, #tpu.memory_space<vmem>>) target_semaphore(%dma_start3A_622 : memref<!tpu.dma_semaphore, #tpu.memory_space<semaphore_mem>>)
    %add3A_630 = arith.constant 11 : i32
    %add3A_631 = arith.addi %add3A_387, %add3A_630 : i32
    %mul3A_632 = arith.constant 128 : i32
    %mul3A_633 = arith.muli %add3A_631, %mul3A_632 : i32
    %dma_start3A_634 = arith.constant 1 : i32
    %dma_start3A_635 = arith.constant 1 : i32
    %dma_start3A_636 = arith.constant 88 : i32
    %dma_start3A_637 = arith.constant 0 : i32
    %dma_start3A_638 = tpu.memref_slice %arg4[%dma_start3A_634, %dma_start3A_636, %dma_start3A_637] : memref<3x128x128xf32, #tpu.memory_space<vmem>> -> memref<1x8x128xf32, #tpu.memory_space<vmem>>
    %dma_start3A_639 = tpu.memref_squeeze %dma_start3A_638 : memref<1x8x128xf32, #tpu.memory_space<vmem>> -> memref<8x128xf32, #tpu.memory_space<vmem>>
    %dma_start3A_640 = arith.constant 0 : i32
    %dma_start3A_641 = tpu.memref_slice %arg2[%select_n3A, %dma_start3A_640, %mul3A_633] : memref<4x8x1000000xf32, #tpu.memory_space<hbm>> -> memref<1x8x128xf32, #tpu.memory_space<hbm>>
    %dma_start3A_642 = tpu.memref_squeeze %dma_start3A_641 : memref<1x8x128xf32, #tpu.memory_space<hbm>> -> memref<8x128xf32, #tpu.memory_space<hbm>>
    %dma_start3A_643 = tpu.memref_slice %arg6[%dma_start3A_635] : memref<3x!tpu.dma_semaphore, #tpu.memory_space<semaphore_mem>> -> memref<1x!tpu.dma_semaphore, #tpu.memory_space<semaphore_mem>>
    %dma_start3A_644 = tpu.memref_squeeze %dma_start3A_643 : memref<1x!tpu.dma_semaphore, #tpu.memory_space<semaphore_mem>> -> memref<!tpu.dma_semaphore, #tpu.memory_space<semaphore_mem>>
    %dma_start3A_645 = arith.constant 88 : i32
    %dma_start3A_646 = arith.constant 0 : i32
    %dma_start3A_647 = tpu.memref_slice %arg4[%dma_start3A_634, %dma_start3A_645, %dma_start3A_646] : memref<3x128x128xf32, #tpu.memory_space<vmem>> -> memref<1x8x128xf32, #tpu.memory_space<vmem>>
    %dma_start3A_648 = tpu.memref_squeeze %dma_start3A_647 : memref<1x8x128xf32, #tpu.memory_space<vmem>> -> memref<8x128xf32, #tpu.memory_space<vmem>>
    %dma_start3A_649 = arith.constant 0 : i32
    %dma_start3A_650 = tpu.memref_slice %arg2[%select_n3A, %dma_start3A_649, %mul3A_633] : memref<4x8x1000000xf32, #tpu.memory_space<hbm>> -> memref<1x8x128xf32, #tpu.memory_space<hbm>>
    %dma_start3A_651 = tpu.memref_squeeze %dma_start3A_650 : memref<1x8x128xf32, #tpu.memory_space<hbm>> -> memref<8x128xf32, #tpu.memory_space<hbm>>
    tpu.enqueue_dma source(%dma_start3A_651 : memref<8x128xf32, #tpu.memory_space<hbm>>) target(%dma_start3A_648 : memref<8x128xf32, #tpu.memory_space<vmem>>) target_semaphore(%dma_start3A_644 : memref<!tpu.dma_semaphore, #tpu.memory_space<semaphore_mem>>)
    %add3A_652 = arith.constant 12 : i32
    %add3A_653 = arith.addi %add3A_387, %add3A_652 : i32
    %mul3A_654 = arith.constant 128 : i32
    %mul3A_655 = arith.muli %add3A_653, %mul3A_654 : i32
    %dma_start3A_656 = arith.constant 1 : i32
    %dma_start3A_657 = arith.constant 1 : i32
    %dma_start3A_658 = arith.constant 96 : i32
    %dma_start3A_659 = arith.constant 0 : i32
    %dma_start3A_660 = tpu.memref_slice %arg4[%dma_start3A_656, %dma_start3A_658, %dma_start3A_659] : memref<3x128x128xf32, #tpu.memory_space<vmem>> -> memref<1x8x128xf32, #tpu.memory_space<vmem>>
    %dma_start3A_661 = tpu.memref_squeeze %dma_start3A_660 : memref<1x8x128xf32, #tpu.memory_space<vmem>> -> memref<8x128xf32, #tpu.memory_space<vmem>>
    %dma_start3A_662 = arith.constant 0 : i32
    %dma_start3A_663 = tpu.memref_slice %arg2[%select_n3A, %dma_start3A_662, %mul3A_655] : memref<4x8x1000000xf32, #tpu.memory_space<hbm>> -> memref<1x8x128xf32, #tpu.memory_space<hbm>>
    %dma_start3A_664 = tpu.memref_squeeze %dma_start3A_663 : memref<1x8x128xf32, #tpu.memory_space<hbm>> -> memref<8x128xf32, #tpu.memory_space<hbm>>
    %dma_start3A_665 = tpu.memref_slice %arg6[%dma_start3A_657] : memref<3x!tpu.dma_semaphore, #tpu.memory_space<semaphore_mem>> -> memref<1x!tpu.dma_semaphore, #tpu.memory_space<semaphore_mem>>
    %dma_start3A_666 = tpu.memref_squeeze %dma_start3A_665 : memref<1x!tpu.dma_semaphore, #tpu.memory_space<semaphore_mem>> -> memref<!tpu.dma_semaphore, #tpu.memory_space<semaphore_mem>>
    %dma_start3A_667 = arith.constant 96 : i32
    %dma_start3A_668 = arith.constant 0 : i32
    %dma_start3A_669 = tpu.memref_slice %arg4[%dma_start3A_656, %dma_start3A_667, %dma_start3A_668] : memref<3x128x128xf32, #tpu.memory_space<vmem>> -> memref<1x8x128xf32, #tpu.memory_space<vmem>>
    %dma_start3A_670 = tpu.memref_squeeze %dma_start3A_669 : memref<1x8x128xf32, #tpu.memory_space<vmem>> -> memref<8x128xf32, #tpu.memory_space<vmem>>
    %dma_start3A_671 = arith.constant 0 : i32
    %dma_start3A_672 = tpu.memref_slice %arg2[%select_n3A, %dma_start3A_671, %mul3A_655] : memref<4x8x1000000xf32, #tpu.memory_space<hbm>> -> memref<1x8x128xf32, #tpu.memory_space<hbm>>
    %dma_start3A_673 = tpu.memref_squeeze %dma_start3A_672 : memref<1x8x128xf32, #tpu.memory_space<hbm>> -> memref<8x128xf32, #tpu.memory_space<hbm>>
    tpu.enqueue_dma source(%dma_start3A_673 : memref<8x128xf32, #tpu.memory_space<hbm>>) target(%dma_start3A_670 : memref<8x128xf32, #tpu.memory_space<vmem>>) target_semaphore(%dma_start3A_666 : memref<!tpu.dma_semaphore, #tpu.memory_space<semaphore_mem>>)
    %add3A_674 = arith.constant 13 : i32
    %add3A_675 = arith.addi %add3A_387, %add3A_674 : i32
    %mul3A_676 = arith.constant 128 : i32
    %mul3A_677 = arith.muli %add3A_675, %mul3A_676 : i32
    %dma_start3A_678 = arith.constant 1 : i32
    %dma_start3A_679 = arith.constant 1 : i32
    %dma_start3A_680 = arith.constant 104 : i32
    %dma_start3A_681 = arith.constant 0 : i32
    %dma_start3A_682 = tpu.memref_slice %arg4[%dma_start3A_678, %dma_start3A_680, %dma_start3A_681] : memref<3x128x128xf32, #tpu.memory_space<vmem>> -> memref<1x8x128xf32, #tpu.memory_space<vmem>>
    %dma_start3A_683 = tpu.memref_squeeze %dma_start3A_682 : memref<1x8x128xf32, #tpu.memory_space<vmem>> -> memref<8x128xf32, #tpu.memory_space<vmem>>
    %dma_start3A_684 = arith.constant 0 : i32
    %dma_start3A_685 = tpu.memref_slice %arg2[%select_n3A, %dma_start3A_684, %mul3A_677] : memref<4x8x1000000xf32, #tpu.memory_space<hbm>> -> memref<1x8x128xf32, #tpu.memory_space<hbm>>
    %dma_start3A_686 = tpu.memref_squeeze %dma_start3A_685 : memref<1x8x128xf32, #tpu.memory_space<hbm>> -> memref<8x128xf32, #tpu.memory_space<hbm>>
    %dma_start3A_687 = tpu.memref_slice %arg6[%dma_start3A_679] : memref<3x!tpu.dma_semaphore, #tpu.memory_space<semaphore_mem>> -> memref<1x!tpu.dma_semaphore, #tpu.memory_space<semaphore_mem>>
    %dma_start3A_688 = tpu.memref_squeeze %dma_start3A_687 : memref<1x!tpu.dma_semaphore, #tpu.memory_space<semaphore_mem>> -> memref<!tpu.dma_semaphore, #tpu.memory_space<semaphore_mem>>
    %dma_start3A_689 = arith.constant 104 : i32
    %dma_start3A_690 = arith.constant 0 : i32
    %dma_start3A_691 = tpu.memref_slice %arg4[%dma_start3A_678, %dma_start3A_689, %dma_start3A_690] : memref<3x128x128xf32, #tpu.memory_space<vmem>> -> memref<1x8x128xf32, #tpu.memory_space<vmem>>
    %dma_start3A_692 = tpu.memref_squeeze %dma_start3A_691 : memref<1x8x128xf32, #tpu.memory_space<vmem>> -> memref<8x128xf32, #tpu.memory_space<vmem>>
    %dma_start3A_693 = arith.constant 0 : i32
    %dma_start3A_694 = tpu.memref_slice %arg2[%select_n3A, %dma_start3A_693, %mul3A_677] : memref<4x8x1000000xf32, #tpu.memory_space<hbm>> -> memref<1x8x128xf32, #tpu.memory_space<hbm>>
    %dma_start3A_695 = tpu.memref_squeeze %dma_start3A_694 : memref<1x8x128xf32, #tpu.memory_space<hbm>> -> memref<8x128xf32, #tpu.memory_space<hbm>>
    tpu.enqueue_dma source(%dma_start3A_695 : memref<8x128xf32, #tpu.memory_space<hbm>>) target(%dma_start3A_692 : memref<8x128xf32, #tpu.memory_space<vmem>>) target_semaphore(%dma_start3A_688 : memref<!tpu.dma_semaphore, #tpu.memory_space<semaphore_mem>>)
    %add3A_696 = arith.constant 14 : i32
    %add3A_697 = arith.addi %add3A_387, %add3A_696 : i32
    %mul3A_698 = arith.constant 128 : i32
    %mul3A_699 = arith.muli %add3A_697, %mul3A_698 : i32
    %dma_start3A_700 = arith.constant 1 : i32
    %dma_start3A_701 = arith.constant 1 : i32
    %dma_start3A_702 = arith.constant 112 : i32
    %dma_start3A_703 = arith.constant 0 : i32
    %dma_start3A_704 = tpu.memref_slice %arg4[%dma_start3A_700, %dma_start3A_702, %dma_start3A_703] : memref<3x128x128xf32, #tpu.memory_space<vmem>> -> memref<1x8x128xf32, #tpu.memory_space<vmem>>
    %dma_start3A_705 = tpu.memref_squeeze %dma_start3A_704 : memref<1x8x128xf32, #tpu.memory_space<vmem>> -> memref<8x128xf32, #tpu.memory_space<vmem>>
    %dma_start3A_706 = arith.constant 0 : i32
    %dma_start3A_707 = tpu.memref_slice %arg2[%select_n3A, %dma_start3A_706, %mul3A_699] : memref<4x8x1000000xf32, #tpu.memory_space<hbm>> -> memref<1x8x128xf32, #tpu.memory_space<hbm>>
    %dma_start3A_708 = tpu.memref_squeeze %dma_start3A_707 : memref<1x8x128xf32, #tpu.memory_space<hbm>> -> memref<8x128xf32, #tpu.memory_space<hbm>>
    %dma_start3A_709 = tpu.memref_slice %arg6[%dma_start3A_701] : memref<3x!tpu.dma_semaphore, #tpu.memory_space<semaphore_mem>> -> memref<1x!tpu.dma_semaphore, #tpu.memory_space<semaphore_mem>>
    %dma_start3A_710 = tpu.memref_squeeze %dma_start3A_709 : memref<1x!tpu.dma_semaphore, #tpu.memory_space<semaphore_mem>> -> memref<!tpu.dma_semaphore, #tpu.memory_space<semaphore_mem>>
    %dma_start3A_711 = arith.constant 112 : i32
    %dma_start3A_712 = arith.constant 0 : i32
    %dma_start3A_713 = tpu.memref_slice %arg4[%dma_start3A_700, %dma_start3A_711, %dma_start3A_712] : memref<3x128x128xf32, #tpu.memory_space<vmem>> -> memref<1x8x128xf32, #tpu.memory_space<vmem>>
    %dma_start3A_714 = tpu.memref_squeeze %dma_start3A_713 : memref<1x8x128xf32, #tpu.memory_space<vmem>> -> memref<8x128xf32, #tpu.memory_space<vmem>>
    %dma_start3A_715 = arith.constant 0 : i32
    %dma_start3A_716 = tpu.memref_slice %arg2[%select_n3A, %dma_start3A_715, %mul3A_699] : memref<4x8x1000000xf32, #tpu.memory_space<hbm>> -> memref<1x8x128xf32, #tpu.memory_space<hbm>>
    %dma_start3A_717 = tpu.memref_squeeze %dma_start3A_716 : memref<1x8x128xf32, #tpu.memory_space<hbm>> -> memref<8x128xf32, #tpu.memory_space<hbm>>
    tpu.enqueue_dma source(%dma_start3A_717 : memref<8x128xf32, #tpu.memory_space<hbm>>) target(%dma_start3A_714 : memref<8x128xf32, #tpu.memory_space<vmem>>) target_semaphore(%dma_start3A_710 : memref<!tpu.dma_semaphore, #tpu.memory_space<semaphore_mem>>)
    %add3A_718 = arith.constant 15 : i32
    %add3A_719 = arith.addi %add3A_387, %add3A_718 : i32
    %mul3A_720 = arith.constant 128 : i32
    %mul3A_721 = arith.muli %add3A_719, %mul3A_720 : i32
    %dma_start3A_722 = arith.constant 1 : i32
    %dma_start3A_723 = arith.constant 1 : i32
    %dma_start3A_724 = arith.constant 120 : i32
    %dma_start3A_725 = arith.constant 0 : i32
    %dma_start3A_726 = tpu.memref_slice %arg4[%dma_start3A_722, %dma_start3A_724, %dma_start3A_725] : memref<3x128x128xf32, #tpu.memory_space<vmem>> -> memref<1x8x128xf32, #tpu.memory_space<vmem>>
    %dma_start3A_727 = tpu.memref_squeeze %dma_start3A_726 : memref<1x8x128xf32, #tpu.memory_space<vmem>> -> memref<8x128xf32, #tpu.memory_space<vmem>>
    %dma_start3A_728 = arith.constant 0 : i32
    %dma_start3A_729 = tpu.memref_slice %arg2[%select_n3A, %dma_start3A_728, %mul3A_721] : memref<4x8x1000000xf32, #tpu.memory_space<hbm>> -> memref<1x8x128xf32, #tpu.memory_space<hbm>>
    %dma_start3A_730 = tpu.memref_squeeze %dma_start3A_729 : memref<1x8x128xf32, #tpu.memory_space<hbm>> -> memref<8x128xf32, #tpu.memory_space<hbm>>
    %dma_start3A_731 = tpu.memref_slice %arg6[%dma_start3A_723] : memref<3x!tpu.dma_semaphore, #tpu.memory_space<semaphore_mem>> -> memref<1x!tpu.dma_semaphore, #tpu.memory_space<semaphore_mem>>
    %dma_start3A_732 = tpu.memref_squeeze %dma_start3A_731 : memref<1x!tpu.dma_semaphore, #tpu.memory_space<semaphore_mem>> -> memref<!tpu.dma_semaphore, #tpu.memory_space<semaphore_mem>>
    %dma_start3A_733 = arith.constant 120 : i32
    %dma_start3A_734 = arith.constant 0 : i32
    %dma_start3A_735 = tpu.memref_slice %arg4[%dma_start3A_722, %dma_start3A_733, %dma_start3A_734] : memref<3x128x128xf32, #tpu.memory_space<vmem>> -> memref<1x8x128xf32, #tpu.memory_space<vmem>>
    %dma_start3A_736 = tpu.memref_squeeze %dma_start3A_735 : memref<1x8x128xf32, #tpu.memory_space<vmem>> -> memref<8x128xf32, #tpu.memory_space<vmem>>
    %dma_start3A_737 = arith.constant 0 : i32
    %dma_start3A_738 = tpu.memref_slice %arg2[%select_n3A, %dma_start3A_737, %mul3A_721] : memref<4x8x1000000xf32, #tpu.memory_space<hbm>> -> memref<1x8x128xf32, #tpu.memory_space<hbm>>
    %dma_start3A_739 = tpu.memref_squeeze %dma_start3A_738 : memref<1x8x128xf32, #tpu.memory_space<hbm>> -> memref<8x128xf32, #tpu.memory_space<hbm>>
    tpu.enqueue_dma source(%dma_start3A_739 : memref<8x128xf32, #tpu.memory_space<hbm>>) target(%dma_start3A_736 : memref<8x128xf32, #tpu.memory_space<vmem>>) target_semaphore(%dma_start3A_732 : memref<!tpu.dma_semaphore, #tpu.memory_space<semaphore_mem>>)
    %scan3A = arith.constant 0 : i32
    %scan3A_740 = arith.constant 0 : i32
    %scan3A_741 = arith.constant 61 : i32
    %scan3A_742 = arith.addi %scan3A_740, %scan3A_741 : i32
    %scan3A_743 = arith.constant 1 : i32
    scf.for %scan3A_756 = %scan3A_740 to %scan3A_742 step %scan3A_743  : i32 {
      %jit3A_757 = arith.constant 3 : i32
      %eq3A_758 = arith.constant 0 : i32
      %eq3A_759 = arith.cmpi eq, %jit3A_757, %eq3A_758 : i32
      %jit3A_760 = arith.constant 1 : i32
      %select_n3A_761 = arith.select %eq3A_759, %jit3A_760, %jit3A_757 : i32
      %rem3A_762 = arith.remsi %scan3A_756, %select_n3A_761 : i32
      %ne3A_763 = arith.constant 0 : i32
      %ne3A_764 = arith.cmpi ne, %rem3A_762, %ne3A_763 : i32
      %lt3A_765 = arith.constant 0 : i32
      %lt3A_766 = arith.cmpi slt, %rem3A_762, %lt3A_765 : i32
      %lt3A_767 = arith.constant 0 : i32
      %lt3A_768 = arith.cmpi slt, %select_n3A_761, %lt3A_767 : i32
      %ne3A_769 = arith.xori %lt3A_766, %lt3A_768 : i1
      %and3A_770 = arith.andi %ne3A_769, %ne3A_764 : i1
      %add3A_771 = arith.addi %rem3A_762, %select_n3A_761 : i32
      %select_n3A_772 = arith.select %and3A_770, %add3A_771, %rem3A_762 : i32
      %add3A_773 = arith.constant 2 : i32
      %add3A_774 = arith.addi %scan3A_756, %add3A_773 : i32
      %jit3A_775 = arith.constant 3 : i32
      %eq3A_776 = arith.constant 0 : i32
      %eq3A_777 = arith.cmpi eq, %jit3A_775, %eq3A_776 : i32
      %jit3A_778 = arith.constant 1 : i32
      %select_n3A_779 = arith.select %eq3A_777, %jit3A_778, %jit3A_775 : i32
      %rem3A_780 = arith.remsi %add3A_774, %select_n3A_779 : i32
      %ne3A_781 = arith.constant 0 : i32
      %ne3A_782 = arith.cmpi ne, %rem3A_780, %ne3A_781 : i32
      %lt3A_783 = arith.constant 0 : i32
      %lt3A_784 = arith.cmpi slt, %rem3A_780, %lt3A_783 : i32
      %lt3A_785 = arith.constant 0 : i32
      %lt3A_786 = arith.cmpi slt, %select_n3A_779, %lt3A_785 : i32
      %ne3A_787 = arith.xori %lt3A_784, %lt3A_786 : i1
      %and3A_788 = arith.andi %ne3A_787, %ne3A_782 : i1
      %add3A_789 = arith.addi %rem3A_780, %select_n3A_779 : i32
      %select_n3A_790 = arith.select %and3A_788, %add3A_789, %rem3A_780 : i32
      %ge3A = arith.constant 1 : i32
      %ge3A_791 = arith.cmpi sge, %scan3A_756, %ge3A : i32
      %convert_element_type3A_792 = arith.extui %ge3A_791 : i1 to i32
      %cond3A_793 = arith.constant 0 : i32
      %cond3A_794 = arith.cmpi ne, %convert_element_type3A_792, %cond3A_793 : i32
      scf.if %cond3A_794 {
        %dma_wait3A_832 = arith.constant 0 : i32
        %dma_wait3A_833 = arith.constant 0 : i32
        %dma_wait3A_834 = tpu.memref_slice %arg3[%dma_wait3A_832, %dma_wait3A_833] : memref<249984x128xf32, #tpu.memory_space<hbm>> -> memref<128x128xf32, #tpu.memory_space<hbm>>
        %dma_wait3A_835 = tpu.memref_slice %arg7[%select_n3A_790] : memref<3x!tpu.dma_semaphore, #tpu.memory_space<semaphore_mem>> -> memref<1x!tpu.dma_semaphore, #tpu.memory_space<semaphore_mem>>
        %dma_wait3A_836 = tpu.memref_squeeze %dma_wait3A_835 : memref<1x!tpu.dma_semaphore, #tpu.memory_space<semaphore_mem>> -> memref<!tpu.dma_semaphore, #tpu.memory_space<semaphore_mem>>
        %dma_wait3A_837 = arith.constant 0 : i32
        %dma_wait3A_838 = arith.constant 0 : i32
        %dma_wait3A_839 = tpu.memref_slice %arg3[%dma_wait3A_837, %dma_wait3A_838] : memref<249984x128xf32, #tpu.memory_space<hbm>> -> memref<128x128xf32, #tpu.memory_space<hbm>>
        tpu.wait_dma2 semaphore(%dma_wait3A_836 : memref<!tpu.dma_semaphore, #tpu.memory_space<semaphore_mem>>) src(%dma_wait3A_839 : memref<128x128xf32, #tpu.memory_space<hbm>>) dst(%arg5 : memref<128x128xf32, #tpu.memory_space<vmem>>)
      } else {
      }
      %add3A_795 = arith.constant 2 : i32
      %add3A_796 = arith.addi %scan3A_756, %add3A_795 : i32
      %lt3A_797 = arith.constant 61 : i32
      %lt3A_798 = arith.cmpi slt, %add3A_796, %lt3A_797 : i32
      %convert_element_type3A_799 = arith.extui %lt3A_798 : i1 to i32
      %cond3A_800 = arith.constant 0 : i32
      %cond3A_801 = arith.cmpi ne, %convert_element_type3A_799, %cond3A_800 : i32
      scf.if %cond3A_801 {
        %add3A_832 = arith.constant 2 : i32
        %add3A_833 = arith.addi %scan3A_756, %add3A_832 : i32
        %mul3A_834 = arith.constant 16 : i32
        %mul3A_835 = arith.muli %add3A_833, %mul3A_834 : i32
        %add3A_836 = arith.addi %mul3A_32, %mul3A_835 : i32
        %add3A_837 = arith.constant 0 : i32
        %add3A_838 = arith.addi %add3A_836, %add3A_837 : i32
        %mul3A_839 = arith.constant 128 : i32
        %mul3A_840 = arith.muli %add3A_838, %mul3A_839 : i32
        %dma_start3A_841 = arith.constant 0 : i32
        %dma_start3A_842 = arith.constant 0 : i32
        %dma_start3A_843 = tpu.memref_slice %arg4[%select_n3A_790, %dma_start3A_841, %dma_start3A_842] : memref<3x128x128xf32, #tpu.memory_space<vmem>> -> memref<1x8x128xf32, #tpu.memory_space<vmem>>
        %dma_start3A_844 = tpu.memref_squeeze %dma_start3A_843 : memref<1x8x128xf32, #tpu.memory_space<vmem>> -> memref<8x128xf32, #tpu.memory_space<vmem>>
        %dma_start3A_845 = arith.constant 0 : i32
        %dma_start3A_846 = tpu.memref_slice %arg2[%select_n3A, %dma_start3A_845, %mul3A_840] : memref<4x8x1000000xf32, #tpu.memory_space<hbm>> -> memref<1x8x128xf32, #tpu.memory_space<hbm>>
        %dma_start3A_847 = tpu.memref_squeeze %dma_start3A_846 : memref<1x8x128xf32, #tpu.memory_space<hbm>> -> memref<8x128xf32, #tpu.memory_space<hbm>>
        %dma_start3A_848 = tpu.memref_slice %arg6[%select_n3A_790] : memref<3x!tpu.dma_semaphore, #tpu.memory_space<semaphore_mem>> -> memref<1x!tpu.dma_semaphore, #tpu.memory_space<semaphore_mem>>
        %dma_start3A_849 = tpu.memref_squeeze %dma_start3A_848 : memref<1x!tpu.dma_semaphore, #tpu.memory_space<semaphore_mem>> -> memref<!tpu.dma_semaphore, #tpu.memory_space<semaphore_mem>>
        %dma_start3A_850 = arith.constant 0 : i32
        %dma_start3A_851 = arith.constant 0 : i32
        %dma_start3A_852 = tpu.memref_slice %arg4[%select_n3A_790, %dma_start3A_850, %dma_start3A_851] : memref<3x128x128xf32, #tpu.memory_space<vmem>> -> memref<1x8x128xf32, #tpu.memory_space<vmem>>
        %dma_start3A_853 = tpu.memref_squeeze %dma_start3A_852 : memref<1x8x128xf32, #tpu.memory_space<vmem>> -> memref<8x128xf32, #tpu.memory_space<vmem>>
        %dma_start3A_854 = arith.constant 0 : i32
        %dma_start3A_855 = tpu.memref_slice %arg2[%select_n3A, %dma_start3A_854, %mul3A_840] : memref<4x8x1000000xf32, #tpu.memory_space<hbm>> -> memref<1x8x128xf32, #tpu.memory_space<hbm>>
        %dma_start3A_856 = tpu.memref_squeeze %dma_start3A_855 : memref<1x8x128xf32, #tpu.memory_space<hbm>> -> memref<8x128xf32, #tpu.memory_space<hbm>>
        tpu.enqueue_dma source(%dma_start3A_856 : memref<8x128xf32, #tpu.memory_space<hbm>>) target(%dma_start3A_853 : memref<8x128xf32, #tpu.memory_space<vmem>>) target_semaphore(%dma_start3A_849 : memref<!tpu.dma_semaphore, #tpu.memory_space<semaphore_mem>>)
        %add3A_857 = arith.constant 1 : i32
        %add3A_858 = arith.addi %add3A_836, %add3A_857 : i32
        %mul3A_859 = arith.constant 128 : i32
        %mul3A_860 = arith.muli %add3A_858, %mul3A_859 : i32
        %dma_start3A_861 = arith.constant 8 : i32
        %dma_start3A_862 = arith.constant 0 : i32
        %dma_start3A_863 = tpu.memref_slice %arg4[%select_n3A_790, %dma_start3A_861, %dma_start3A_862] : memref<3x128x128xf32, #tpu.memory_space<vmem>> -> memref<1x8x128xf32, #tpu.memory_space<vmem>>
        %dma_start3A_864 = tpu.memref_squeeze %dma_start3A_863 : memref<1x8x128xf32, #tpu.memory_space<vmem>> -> memref<8x128xf32, #tpu.memory_space<vmem>>
        %dma_start3A_865 = arith.constant 0 : i32
        %dma_start3A_866 = tpu.memref_slice %arg2[%select_n3A, %dma_start3A_865, %mul3A_860] : memref<4x8x1000000xf32, #tpu.memory_space<hbm>> -> memref<1x8x128xf32, #tpu.memory_space<hbm>>
        %dma_start3A_867 = tpu.memref_squeeze %dma_start3A_866 : memref<1x8x128xf32, #tpu.memory_space<hbm>> -> memref<8x128xf32, #tpu.memory_space<hbm>>
        %dma_start3A_868 = tpu.memref_slice %arg6[%select_n3A_790] : memref<3x!tpu.dma_semaphore, #tpu.memory_space<semaphore_mem>> -> memref<1x!tpu.dma_semaphore, #tpu.memory_space<semaphore_mem>>
        %dma_start3A_869 = tpu.memref_squeeze %dma_start3A_868 : memref<1x!tpu.dma_semaphore, #tpu.memory_space<semaphore_mem>> -> memref<!tpu.dma_semaphore, #tpu.memory_space<semaphore_mem>>
        %dma_start3A_870 = arith.constant 8 : i32
        %dma_start3A_871 = arith.constant 0 : i32
        %dma_start3A_872 = tpu.memref_slice %arg4[%select_n3A_790, %dma_start3A_870, %dma_start3A_871] : memref<3x128x128xf32, #tpu.memory_space<vmem>> -> memref<1x8x128xf32, #tpu.memory_space<vmem>>
        %dma_start3A_873 = tpu.memref_squeeze %dma_start3A_872 : memref<1x8x128xf32, #tpu.memory_space<vmem>> -> memref<8x128xf32, #tpu.memory_space<vmem>>
        %dma_start3A_874 = arith.constant 0 : i32
        %dma_start3A_875 = tpu.memref_slice %arg2[%select_n3A, %dma_start3A_874, %mul3A_860] : memref<4x8x1000000xf32, #tpu.memory_space<hbm>> -> memref<1x8x128xf32, #tpu.memory_space<hbm>>
        %dma_start3A_876 = tpu.memref_squeeze %dma_start3A_875 : memref<1x8x128xf32, #tpu.memory_space<hbm>> -> memref<8x128xf32, #tpu.memory_space<hbm>>
        tpu.enqueue_dma source(%dma_start3A_876 : memref<8x128xf32, #tpu.memory_space<hbm>>) target(%dma_start3A_873 : memref<8x128xf32, #tpu.memory_space<vmem>>) target_semaphore(%dma_start3A_869 : memref<!tpu.dma_semaphore, #tpu.memory_space<semaphore_mem>>)
        %add3A_877 = arith.constant 2 : i32
        %add3A_878 = arith.addi %add3A_836, %add3A_877 : i32
        %mul3A_879 = arith.constant 128 : i32
        %mul3A_880 = arith.muli %add3A_878, %mul3A_879 : i32
        %dma_start3A_881 = arith.constant 16 : i32
        %dma_start3A_882 = arith.constant 0 : i32
        %dma_start3A_883 = tpu.memref_slice %arg4[%select_n3A_790, %dma_start3A_881, %dma_start3A_882] : memref<3x128x128xf32, #tpu.memory_space<vmem>> -> memref<1x8x128xf32, #tpu.memory_space<vmem>>
        %dma_start3A_884 = tpu.memref_squeeze %dma_start3A_883 : memref<1x8x128xf32, #tpu.memory_space<vmem>> -> memref<8x128xf32, #tpu.memory_space<vmem>>
        %dma_start3A_885 = arith.constant 0 : i32
        %dma_start3A_886 = tpu.memref_slice %arg2[%select_n3A, %dma_start3A_885, %mul3A_880] : memref<4x8x1000000xf32, #tpu.memory_space<hbm>> -> memref<1x8x128xf32, #tpu.memory_space<hbm>>
        %dma_start3A_887 = tpu.memref_squeeze %dma_start3A_886 : memref<1x8x128xf32, #tpu.memory_space<hbm>> -> memref<8x128xf32, #tpu.memory_space<hbm>>
        %dma_start3A_888 = tpu.memref_slice %arg6[%select_n3A_790] : memref<3x!tpu.dma_semaphore, #tpu.memory_space<semaphore_mem>> -> memref<1x!tpu.dma_semaphore, #tpu.memory_space<semaphore_mem>>
        %dma_start3A_889 = tpu.memref_squeeze %dma_start3A_888 : memref<1x!tpu.dma_semaphore, #tpu.memory_space<semaphore_mem>> -> memref<!tpu.dma_semaphore, #tpu.memory_space<semaphore_mem>>
        %dma_start3A_890 = arith.constant 16 : i32
        %dma_start3A_891 = arith.constant 0 : i32
        %dma_start3A_892 = tpu.memref_slice %arg4[%select_n3A_790, %dma_start3A_890, %dma_start3A_891] : memref<3x128x128xf32, #tpu.memory_space<vmem>> -> memref<1x8x128xf32, #tpu.memory_space<vmem>>
        %dma_start3A_893 = tpu.memref_squeeze %dma_start3A_892 : memref<1x8x128xf32, #tpu.memory_space<vmem>> -> memref<8x128xf32, #tpu.memory_space<vmem>>
        %dma_start3A_894 = arith.constant 0 : i32
        %dma_start3A_895 = tpu.memref_slice %arg2[%select_n3A, %dma_start3A_894, %mul3A_880] : memref<4x8x1000000xf32, #tpu.memory_space<hbm>> -> memref<1x8x128xf32, #tpu.memory_space<hbm>>
        %dma_start3A_896 = tpu.memref_squeeze %dma_start3A_895 : memref<1x8x128xf32, #tpu.memory_space<hbm>> -> memref<8x128xf32, #tpu.memory_space<hbm>>
        tpu.enqueue_dma source(%dma_start3A_896 : memref<8x128xf32, #tpu.memory_space<hbm>>) target(%dma_start3A_893 : memref<8x128xf32, #tpu.memory_space<vmem>>) target_semaphore(%dma_start3A_889 : memref<!tpu.dma_semaphore, #tpu.memory_space<semaphore_mem>>)
        %add3A_897 = arith.constant 3 : i32
        %add3A_898 = arith.addi %add3A_836, %add3A_897 : i32
        %mul3A_899 = arith.constant 128 : i32
        %mul3A_900 = arith.muli %add3A_898, %mul3A_899 : i32
        %dma_start3A_901 = arith.constant 24 : i32
        %dma_start3A_902 = arith.constant 0 : i32
        %dma_start3A_903 = tpu.memref_slice %arg4[%select_n3A_790, %dma_start3A_901, %dma_start3A_902] : memref<3x128x128xf32, #tpu.memory_space<vmem>> -> memref<1x8x128xf32, #tpu.memory_space<vmem>>
        %dma_start3A_904 = tpu.memref_squeeze %dma_start3A_903 : memref<1x8x128xf32, #tpu.memory_space<vmem>> -> memref<8x128xf32, #tpu.memory_space<vmem>>
        %dma_start3A_905 = arith.constant 0 : i32
        %dma_start3A_906 = tpu.memref_slice %arg2[%select_n3A, %dma_start3A_905, %mul3A_900] : memref<4x8x1000000xf32, #tpu.memory_space<hbm>> -> memref<1x8x128xf32, #tpu.memory_space<hbm>>
        %dma_start3A_907 = tpu.memref_squeeze %dma_start3A_906 : memref<1x8x128xf32, #tpu.memory_space<hbm>> -> memref<8x128xf32, #tpu.memory_space<hbm>>
        %dma_start3A_908 = tpu.memref_slice %arg6[%select_n3A_790] : memref<3x!tpu.dma_semaphore, #tpu.memory_space<semaphore_mem>> -> memref<1x!tpu.dma_semaphore, #tpu.memory_space<semaphore_mem>>
        %dma_start3A_909 = tpu.memref_squeeze %dma_start3A_908 : memref<1x!tpu.dma_semaphore, #tpu.memory_space<semaphore_mem>> -> memref<!tpu.dma_semaphore, #tpu.memory_space<semaphore_mem>>
        %dma_start3A_910 = arith.constant 24 : i32
        %dma_start3A_911 = arith.constant 0 : i32
        %dma_start3A_912 = tpu.memref_slice %arg4[%select_n3A_790, %dma_start3A_910, %dma_start3A_911] : memref<3x128x128xf32, #tpu.memory_space<vmem>> -> memref<1x8x128xf32, #tpu.memory_space<vmem>>
        %dma_start3A_913 = tpu.memref_squeeze %dma_start3A_912 : memref<1x8x128xf32, #tpu.memory_space<vmem>> -> memref<8x128xf32, #tpu.memory_space<vmem>>
        %dma_start3A_914 = arith.constant 0 : i32
        %dma_start3A_915 = tpu.memref_slice %arg2[%select_n3A, %dma_start3A_914, %mul3A_900] : memref<4x8x1000000xf32, #tpu.memory_space<hbm>> -> memref<1x8x128xf32, #tpu.memory_space<hbm>>
        %dma_start3A_916 = tpu.memref_squeeze %dma_start3A_915 : memref<1x8x128xf32, #tpu.memory_space<hbm>> -> memref<8x128xf32, #tpu.memory_space<hbm>>
        tpu.enqueue_dma source(%dma_start3A_916 : memref<8x128xf32, #tpu.memory_space<hbm>>) target(%dma_start3A_913 : memref<8x128xf32, #tpu.memory_space<vmem>>) target_semaphore(%dma_start3A_909 : memref<!tpu.dma_semaphore, #tpu.memory_space<semaphore_mem>>)
        %add3A_917 = arith.constant 4 : i32
        %add3A_918 = arith.addi %add3A_836, %add3A_917 : i32
        %mul3A_919 = arith.constant 128 : i32
        %mul3A_920 = arith.muli %add3A_918, %mul3A_919 : i32
        %dma_start3A_921 = arith.constant 32 : i32
        %dma_start3A_922 = arith.constant 0 : i32
        %dma_start3A_923 = tpu.memref_slice %arg4[%select_n3A_790, %dma_start3A_921, %dma_start3A_922] : memref<3x128x128xf32, #tpu.memory_space<vmem>> -> memref<1x8x128xf32, #tpu.memory_space<vmem>>
        %dma_start3A_924 = tpu.memref_squeeze %dma_start3A_923 : memref<1x8x128xf32, #tpu.memory_space<vmem>> -> memref<8x128xf32, #tpu.memory_space<vmem>>
        %dma_start3A_925 = arith.constant 0 : i32
        %dma_start3A_926 = tpu.memref_slice %arg2[%select_n3A, %dma_start3A_925, %mul3A_920] : memref<4x8x1000000xf32, #tpu.memory_space<hbm>> -> memref<1x8x128xf32, #tpu.memory_space<hbm>>
        %dma_start3A_927 = tpu.memref_squeeze %dma_start3A_926 : memref<1x8x128xf32, #tpu.memory_space<hbm>> -> memref<8x128xf32, #tpu.memory_space<hbm>>
        %dma_start3A_928 = tpu.memref_slice %arg6[%select_n3A_790] : memref<3x!tpu.dma_semaphore, #tpu.memory_space<semaphore_mem>> -> memref<1x!tpu.dma_semaphore, #tpu.memory_space<semaphore_mem>>
        %dma_start3A_929 = tpu.memref_squeeze %dma_start3A_928 : memref<1x!tpu.dma_semaphore, #tpu.memory_space<semaphore_mem>> -> memref<!tpu.dma_semaphore, #tpu.memory_space<semaphore_mem>>
        %dma_start3A_930 = arith.constant 32 : i32
        %dma_start3A_931 = arith.constant 0 : i32
        %dma_start3A_932 = tpu.memref_slice %arg4[%select_n3A_790, %dma_start3A_930, %dma_start3A_931] : memref<3x128x128xf32, #tpu.memory_space<vmem>> -> memref<1x8x128xf32, #tpu.memory_space<vmem>>
        %dma_start3A_933 = tpu.memref_squeeze %dma_start3A_932 : memref<1x8x128xf32, #tpu.memory_space<vmem>> -> memref<8x128xf32, #tpu.memory_space<vmem>>
        %dma_start3A_934 = arith.constant 0 : i32
        %dma_start3A_935 = tpu.memref_slice %arg2[%select_n3A, %dma_start3A_934, %mul3A_920] : memref<4x8x1000000xf32, #tpu.memory_space<hbm>> -> memref<1x8x128xf32, #tpu.memory_space<hbm>>
        %dma_start3A_936 = tpu.memref_squeeze %dma_start3A_935 : memref<1x8x128xf32, #tpu.memory_space<hbm>> -> memref<8x128xf32, #tpu.memory_space<hbm>>
        tpu.enqueue_dma source(%dma_start3A_936 : memref<8x128xf32, #tpu.memory_space<hbm>>) target(%dma_start3A_933 : memref<8x128xf32, #tpu.memory_space<vmem>>) target_semaphore(%dma_start3A_929 : memref<!tpu.dma_semaphore, #tpu.memory_space<semaphore_mem>>)
        %add3A_937 = arith.constant 5 : i32
        %add3A_938 = arith.addi %add3A_836, %add3A_937 : i32
        %mul3A_939 = arith.constant 128 : i32
        %mul3A_940 = arith.muli %add3A_938, %mul3A_939 : i32
        %dma_start3A_941 = arith.constant 40 : i32
        %dma_start3A_942 = arith.constant 0 : i32
        %dma_start3A_943 = tpu.memref_slice %arg4[%select_n3A_790, %dma_start3A_941, %dma_start3A_942] : memref<3x128x128xf32, #tpu.memory_space<vmem>> -> memref<1x8x128xf32, #tpu.memory_space<vmem>>
        %dma_start3A_944 = tpu.memref_squeeze %dma_start3A_943 : memref<1x8x128xf32, #tpu.memory_space<vmem>> -> memref<8x128xf32, #tpu.memory_space<vmem>>
        %dma_start3A_945 = arith.constant 0 : i32
        %dma_start3A_946 = tpu.memref_slice %arg2[%select_n3A, %dma_start3A_945, %mul3A_940] : memref<4x8x1000000xf32, #tpu.memory_space<hbm>> -> memref<1x8x128xf32, #tpu.memory_space<hbm>>
        %dma_start3A_947 = tpu.memref_squeeze %dma_start3A_946 : memref<1x8x128xf32, #tpu.memory_space<hbm>> -> memref<8x128xf32, #tpu.memory_space<hbm>>
        %dma_start3A_948 = tpu.memref_slice %arg6[%select_n3A_790] : memref<3x!tpu.dma_semaphore, #tpu.memory_space<semaphore_mem>> -> memref<1x!tpu.dma_semaphore, #tpu.memory_space<semaphore_mem>>
        %dma_start3A_949 = tpu.memref_squeeze %dma_start3A_948 : memref<1x!tpu.dma_semaphore, #tpu.memory_space<semaphore_mem>> -> memref<!tpu.dma_semaphore, #tpu.memory_space<semaphore_mem>>
        %dma_start3A_950 = arith.constant 40 : i32
        %dma_start3A_951 = arith.constant 0 : i32
        %dma_start3A_952 = tpu.memref_slice %arg4[%select_n3A_790, %dma_start3A_950, %dma_start3A_951] : memref<3x128x128xf32, #tpu.memory_space<vmem>> -> memref<1x8x128xf32, #tpu.memory_space<vmem>>
        %dma_start3A_953 = tpu.memref_squeeze %dma_start3A_952 : memref<1x8x128xf32, #tpu.memory_space<vmem>> -> memref<8x128xf32, #tpu.memory_space<vmem>>
        %dma_start3A_954 = arith.constant 0 : i32
        %dma_start3A_955 = tpu.memref_slice %arg2[%select_n3A, %dma_start3A_954, %mul3A_940] : memref<4x8x1000000xf32, #tpu.memory_space<hbm>> -> memref<1x8x128xf32, #tpu.memory_space<hbm>>
        %dma_start3A_956 = tpu.memref_squeeze %dma_start3A_955 : memref<1x8x128xf32, #tpu.memory_space<hbm>> -> memref<8x128xf32, #tpu.memory_space<hbm>>
        tpu.enqueue_dma source(%dma_start3A_956 : memref<8x128xf32, #tpu.memory_space<hbm>>) target(%dma_start3A_953 : memref<8x128xf32, #tpu.memory_space<vmem>>) target_semaphore(%dma_start3A_949 : memref<!tpu.dma_semaphore, #tpu.memory_space<semaphore_mem>>)
        %add3A_957 = arith.constant 6 : i32
        %add3A_958 = arith.addi %add3A_836, %add3A_957 : i32
        %mul3A_959 = arith.constant 128 : i32
        %mul3A_960 = arith.muli %add3A_958, %mul3A_959 : i32
        %dma_start3A_961 = arith.constant 48 : i32
        %dma_start3A_962 = arith.constant 0 : i32
        %dma_start3A_963 = tpu.memref_slice %arg4[%select_n3A_790, %dma_start3A_961, %dma_start3A_962] : memref<3x128x128xf32, #tpu.memory_space<vmem>> -> memref<1x8x128xf32, #tpu.memory_space<vmem>>
        %dma_start3A_964 = tpu.memref_squeeze %dma_start3A_963 : memref<1x8x128xf32, #tpu.memory_space<vmem>> -> memref<8x128xf32, #tpu.memory_space<vmem>>
        %dma_start3A_965 = arith.constant 0 : i32
        %dma_start3A_966 = tpu.memref_slice %arg2[%select_n3A, %dma_start3A_965, %mul3A_960] : memref<4x8x1000000xf32, #tpu.memory_space<hbm>> -> memref<1x8x128xf32, #tpu.memory_space<hbm>>
        %dma_start3A_967 = tpu.memref_squeeze %dma_start3A_966 : memref<1x8x128xf32, #tpu.memory_space<hbm>> -> memref<8x128xf32, #tpu.memory_space<hbm>>
        %dma_start3A_968 = tpu.memref_slice %arg6[%select_n3A_790] : memref<3x!tpu.dma_semaphore, #tpu.memory_space<semaphore_mem>> -> memref<1x!tpu.dma_semaphore, #tpu.memory_space<semaphore_mem>>
        %dma_start3A_969 = tpu.memref_squeeze %dma_start3A_968 : memref<1x!tpu.dma_semaphore, #tpu.memory_space<semaphore_mem>> -> memref<!tpu.dma_semaphore, #tpu.memory_space<semaphore_mem>>
        %dma_start3A_970 = arith.constant 48 : i32
        %dma_start3A_971 = arith.constant 0 : i32
        %dma_start3A_972 = tpu.memref_slice %arg4[%select_n3A_790, %dma_start3A_970, %dma_start3A_971] : memref<3x128x128xf32, #tpu.memory_space<vmem>> -> memref<1x8x128xf32, #tpu.memory_space<vmem>>
        %dma_start3A_973 = tpu.memref_squeeze %dma_start3A_972 : memref<1x8x128xf32, #tpu.memory_space<vmem>> -> memref<8x128xf32, #tpu.memory_space<vmem>>
        %dma_start3A_974 = arith.constant 0 : i32
        %dma_start3A_975 = tpu.memref_slice %arg2[%select_n3A, %dma_start3A_974, %mul3A_960] : memref<4x8x1000000xf32, #tpu.memory_space<hbm>> -> memref<1x8x128xf32, #tpu.memory_space<hbm>>
        %dma_start3A_976 = tpu.memref_squeeze %dma_start3A_975 : memref<1x8x128xf32, #tpu.memory_space<hbm>> -> memref<8x128xf32, #tpu.memory_space<hbm>>
        tpu.enqueue_dma source(%dma_start3A_976 : memref<8x128xf32, #tpu.memory_space<hbm>>) target(%dma_start3A_973 : memref<8x128xf32, #tpu.memory_space<vmem>>) target_semaphore(%dma_start3A_969 : memref<!tpu.dma_semaphore, #tpu.memory_space<semaphore_mem>>)
        %add3A_977 = arith.constant 7 : i32
        %add3A_978 = arith.addi %add3A_836, %add3A_977 : i32
        %mul3A_979 = arith.constant 128 : i32
        %mul3A_980 = arith.muli %add3A_978, %mul3A_979 : i32
        %dma_start3A_981 = arith.constant 56 : i32
        %dma_start3A_982 = arith.constant 0 : i32
        %dma_start3A_983 = tpu.memref_slice %arg4[%select_n3A_790, %dma_start3A_981, %dma_start3A_982] : memref<3x128x128xf32, #tpu.memory_space<vmem>> -> memref<1x8x128xf32, #tpu.memory_space<vmem>>
        %dma_start3A_984 = tpu.memref_squeeze %dma_start3A_983 : memref<1x8x128xf32, #tpu.memory_space<vmem>> -> memref<8x128xf32, #tpu.memory_space<vmem>>
        %dma_start3A_985 = arith.constant 0 : i32
        %dma_start3A_986 = tpu.memref_slice %arg2[%select_n3A, %dma_start3A_985, %mul3A_980] : memref<4x8x1000000xf32, #tpu.memory_space<hbm>> -> memref<1x8x128xf32, #tpu.memory_space<hbm>>
        %dma_start3A_987 = tpu.memref_squeeze %dma_start3A_986 : memref<1x8x128xf32, #tpu.memory_space<hbm>> -> memref<8x128xf32, #tpu.memory_space<hbm>>
        %dma_start3A_988 = tpu.memref_slice %arg6[%select_n3A_790] : memref<3x!tpu.dma_semaphore, #tpu.memory_space<semaphore_mem>> -> memref<1x!tpu.dma_semaphore, #tpu.memory_space<semaphore_mem>>
        %dma_start3A_989 = tpu.memref_squeeze %dma_start3A_988 : memref<1x!tpu.dma_semaphore, #tpu.memory_space<semaphore_mem>> -> memref<!tpu.dma_semaphore, #tpu.memory_space<semaphore_mem>>
        %dma_start3A_990 = arith.constant 56 : i32
        %dma_start3A_991 = arith.constant 0 : i32
        %dma_start3A_992 = tpu.memref_slice %arg4[%select_n3A_790, %dma_start3A_990, %dma_start3A_991] : memref<3x128x128xf32, #tpu.memory_space<vmem>> -> memref<1x8x128xf32, #tpu.memory_space<vmem>>
        %dma_start3A_993 = tpu.memref_squeeze %dma_start3A_992 : memref<1x8x128xf32, #tpu.memory_space<vmem>> -> memref<8x128xf32, #tpu.memory_space<vmem>>
        %dma_start3A_994 = arith.constant 0 : i32
        %dma_start3A_995 = tpu.memref_slice %arg2[%select_n3A, %dma_start3A_994, %mul3A_980] : memref<4x8x1000000xf32, #tpu.memory_space<hbm>> -> memref<1x8x128xf32, #tpu.memory_space<hbm>>
        %dma_start3A_996 = tpu.memref_squeeze %dma_start3A_995 : memref<1x8x128xf32, #tpu.memory_space<hbm>> -> memref<8x128xf32, #tpu.memory_space<hbm>>
        tpu.enqueue_dma source(%dma_start3A_996 : memref<8x128xf32, #tpu.memory_space<hbm>>) target(%dma_start3A_993 : memref<8x128xf32, #tpu.memory_space<vmem>>) target_semaphore(%dma_start3A_989 : memref<!tpu.dma_semaphore, #tpu.memory_space<semaphore_mem>>)
        %add3A_997 = arith.constant 8 : i32
        %add3A_998 = arith.addi %add3A_836, %add3A_997 : i32
        %mul3A_999 = arith.constant 128 : i32
        %mul3A_1000 = arith.muli %add3A_998, %mul3A_999 : i32
        %dma_start3A_1001 = arith.constant 64 : i32
        %dma_start3A_1002 = arith.constant 0 : i32
        %dma_start3A_1003 = tpu.memref_slice %arg4[%select_n3A_790, %dma_start3A_1001, %dma_start3A_1002] : memref<3x128x128xf32, #tpu.memory_space<vmem>> -> memref<1x8x128xf32, #tpu.memory_space<vmem>>
        %dma_start3A_1004 = tpu.memref_squeeze %dma_start3A_1003 : memref<1x8x128xf32, #tpu.memory_space<vmem>> -> memref<8x128xf32, #tpu.memory_space<vmem>>
        %dma_start3A_1005 = arith.constant 0 : i32
        %dma_start3A_1006 = tpu.memref_slice %arg2[%select_n3A, %dma_start3A_1005, %mul3A_1000] : memref<4x8x1000000xf32, #tpu.memory_space<hbm>> -> memref<1x8x128xf32, #tpu.memory_space<hbm>>
        %dma_start3A_1007 = tpu.memref_squeeze %dma_start3A_1006 : memref<1x8x128xf32, #tpu.memory_space<hbm>> -> memref<8x128xf32, #tpu.memory_space<hbm>>
        %dma_start3A_1008 = tpu.memref_slice %arg6[%select_n3A_790] : memref<3x!tpu.dma_semaphore, #tpu.memory_space<semaphore_mem>> -> memref<1x!tpu.dma_semaphore, #tpu.memory_space<semaphore_mem>>
        %dma_start3A_1009 = tpu.memref_squeeze %dma_start3A_1008 : memref<1x!tpu.dma_semaphore, #tpu.memory_space<semaphore_mem>> -> memref<!tpu.dma_semaphore, #tpu.memory_space<semaphore_mem>>
        %dma_start3A_1010 = arith.constant 64 : i32
        %dma_start3A_1011 = arith.constant 0 : i32
        %dma_start3A_1012 = tpu.memref_slice %arg4[%select_n3A_790, %dma_start3A_1010, %dma_start3A_1011] : memref<3x128x128xf32, #tpu.memory_space<vmem>> -> memref<1x8x128xf32, #tpu.memory_space<vmem>>
        %dma_start3A_1013 = tpu.memref_squeeze %dma_start3A_1012 : memref<1x8x128xf32, #tpu.memory_space<vmem>> -> memref<8x128xf32, #tpu.memory_space<vmem>>
        %dma_start3A_1014 = arith.constant 0 : i32
        %dma_start3A_1015 = tpu.memref_slice %arg2[%select_n3A, %dma_start3A_1014, %mul3A_1000] : memref<4x8x1000000xf32, #tpu.memory_space<hbm>> -> memref<1x8x128xf32, #tpu.memory_space<hbm>>
        %dma_start3A_1016 = tpu.memref_squeeze %dma_start3A_1015 : memref<1x8x128xf32, #tpu.memory_space<hbm>> -> memref<8x128xf32, #tpu.memory_space<hbm>>
        tpu.enqueue_dma source(%dma_start3A_1016 : memref<8x128xf32, #tpu.memory_space<hbm>>) target(%dma_start3A_1013 : memref<8x128xf32, #tpu.memory_space<vmem>>) target_semaphore(%dma_start3A_1009 : memref<!tpu.dma_semaphore, #tpu.memory_space<semaphore_mem>>)
        %add3A_1017 = arith.constant 9 : i32
        %add3A_1018 = arith.addi %add3A_836, %add3A_1017 : i32
        %mul3A_1019 = arith.constant 128 : i32
        %mul3A_1020 = arith.muli %add3A_1018, %mul3A_1019 : i32
        %dma_start3A_1021 = arith.constant 72 : i32
        %dma_start3A_1022 = arith.constant 0 : i32
        %dma_start3A_1023 = tpu.memref_slice %arg4[%select_n3A_790, %dma_start3A_1021, %dma_start3A_1022] : memref<3x128x128xf32, #tpu.memory_space<vmem>> -> memref<1x8x128xf32, #tpu.memory_space<vmem>>
        %dma_start3A_1024 = tpu.memref_squeeze %dma_start3A_1023 : memref<1x8x128xf32, #tpu.memory_space<vmem>> -> memref<8x128xf32, #tpu.memory_space<vmem>>
        %dma_start3A_1025 = arith.constant 0 : i32
        %dma_start3A_1026 = tpu.memref_slice %arg2[%select_n3A, %dma_start3A_1025, %mul3A_1020] : memref<4x8x1000000xf32, #tpu.memory_space<hbm>> -> memref<1x8x128xf32, #tpu.memory_space<hbm>>
        %dma_start3A_1027 = tpu.memref_squeeze %dma_start3A_1026 : memref<1x8x128xf32, #tpu.memory_space<hbm>> -> memref<8x128xf32, #tpu.memory_space<hbm>>
        %dma_start3A_1028 = tpu.memref_slice %arg6[%select_n3A_790] : memref<3x!tpu.dma_semaphore, #tpu.memory_space<semaphore_mem>> -> memref<1x!tpu.dma_semaphore, #tpu.memory_space<semaphore_mem>>
        %dma_start3A_1029 = tpu.memref_squeeze %dma_start3A_1028 : memref<1x!tpu.dma_semaphore, #tpu.memory_space<semaphore_mem>> -> memref<!tpu.dma_semaphore, #tpu.memory_space<semaphore_mem>>
        %dma_start3A_1030 = arith.constant 72 : i32
        %dma_start3A_1031 = arith.constant 0 : i32
        %dma_start3A_1032 = tpu.memref_slice %arg4[%select_n3A_790, %dma_start3A_1030, %dma_start3A_1031] : memref<3x128x128xf32, #tpu.memory_space<vmem>> -> memref<1x8x128xf32, #tpu.memory_space<vmem>>
        %dma_start3A_1033 = tpu.memref_squeeze %dma_start3A_1032 : memref<1x8x128xf32, #tpu.memory_space<vmem>> -> memref<8x128xf32, #tpu.memory_space<vmem>>
        %dma_start3A_1034 = arith.constant 0 : i32
        %dma_start3A_1035 = tpu.memref_slice %arg2[%select_n3A, %dma_start3A_1034, %mul3A_1020] : memref<4x8x1000000xf32, #tpu.memory_space<hbm>> -> memref<1x8x128xf32, #tpu.memory_space<hbm>>
        %dma_start3A_1036 = tpu.memref_squeeze %dma_start3A_1035 : memref<1x8x128xf32, #tpu.memory_space<hbm>> -> memref<8x128xf32, #tpu.memory_space<hbm>>
        tpu.enqueue_dma source(%dma_start3A_1036 : memref<8x128xf32, #tpu.memory_space<hbm>>) target(%dma_start3A_1033 : memref<8x128xf32, #tpu.memory_space<vmem>>) target_semaphore(%dma_start3A_1029 : memref<!tpu.dma_semaphore, #tpu.memory_space<semaphore_mem>>)
        %add3A_1037 = arith.constant 10 : i32
        %add3A_1038 = arith.addi %add3A_836, %add3A_1037 : i32
        %mul3A_1039 = arith.constant 128 : i32
        %mul3A_1040 = arith.muli %add3A_1038, %mul3A_1039 : i32
        %dma_start3A_1041 = arith.constant 80 : i32
        %dma_start3A_1042 = arith.constant 0 : i32
        %dma_start3A_1043 = tpu.memref_slice %arg4[%select_n3A_790, %dma_start3A_1041, %dma_start3A_1042] : memref<3x128x128xf32, #tpu.memory_space<vmem>> -> memref<1x8x128xf32, #tpu.memory_space<vmem>>
        %dma_start3A_1044 = tpu.memref_squeeze %dma_start3A_1043 : memref<1x8x128xf32, #tpu.memory_space<vmem>> -> memref<8x128xf32, #tpu.memory_space<vmem>>
        %dma_start3A_1045 = arith.constant 0 : i32
        %dma_start3A_1046 = tpu.memref_slice %arg2[%select_n3A, %dma_start3A_1045, %mul3A_1040] : memref<4x8x1000000xf32, #tpu.memory_space<hbm>> -> memref<1x8x128xf32, #tpu.memory_space<hbm>>
        %dma_start3A_1047 = tpu.memref_squeeze %dma_start3A_1046 : memref<1x8x128xf32, #tpu.memory_space<hbm>> -> memref<8x128xf32, #tpu.memory_space<hbm>>
        %dma_start3A_1048 = tpu.memref_slice %arg6[%select_n3A_790] : memref<3x!tpu.dma_semaphore, #tpu.memory_space<semaphore_mem>> -> memref<1x!tpu.dma_semaphore, #tpu.memory_space<semaphore_mem>>
        %dma_start3A_1049 = tpu.memref_squeeze %dma_start3A_1048 : memref<1x!tpu.dma_semaphore, #tpu.memory_space<semaphore_mem>> -> memref<!tpu.dma_semaphore, #tpu.memory_space<semaphore_mem>>
        %dma_start3A_1050 = arith.constant 80 : i32
        %dma_start3A_1051 = arith.constant 0 : i32
        %dma_start3A_1052 = tpu.memref_slice %arg4[%select_n3A_790, %dma_start3A_1050, %dma_start3A_1051] : memref<3x128x128xf32, #tpu.memory_space<vmem>> -> memref<1x8x128xf32, #tpu.memory_space<vmem>>
        %dma_start3A_1053 = tpu.memref_squeeze %dma_start3A_1052 : memref<1x8x128xf32, #tpu.memory_space<vmem>> -> memref<8x128xf32, #tpu.memory_space<vmem>>
        %dma_start3A_1054 = arith.constant 0 : i32
        %dma_start3A_1055 = tpu.memref_slice %arg2[%select_n3A, %dma_start3A_1054, %mul3A_1040] : memref<4x8x1000000xf32, #tpu.memory_space<hbm>> -> memref<1x8x128xf32, #tpu.memory_space<hbm>>
        %dma_start3A_1056 = tpu.memref_squeeze %dma_start3A_1055 : memref<1x8x128xf32, #tpu.memory_space<hbm>> -> memref<8x128xf32, #tpu.memory_space<hbm>>
        tpu.enqueue_dma source(%dma_start3A_1056 : memref<8x128xf32, #tpu.memory_space<hbm>>) target(%dma_start3A_1053 : memref<8x128xf32, #tpu.memory_space<vmem>>) target_semaphore(%dma_start3A_1049 : memref<!tpu.dma_semaphore, #tpu.memory_space<semaphore_mem>>)
        %add3A_1057 = arith.constant 11 : i32
        %add3A_1058 = arith.addi %add3A_836, %add3A_1057 : i32
        %mul3A_1059 = arith.constant 128 : i32
        %mul3A_1060 = arith.muli %add3A_1058, %mul3A_1059 : i32
        %dma_start3A_1061 = arith.constant 88 : i32
        %dma_start3A_1062 = arith.constant 0 : i32
        %dma_start3A_1063 = tpu.memref_slice %arg4[%select_n3A_790, %dma_start3A_1061, %dma_start3A_1062] : memref<3x128x128xf32, #tpu.memory_space<vmem>> -> memref<1x8x128xf32, #tpu.memory_space<vmem>>
        %dma_start3A_1064 = tpu.memref_squeeze %dma_start3A_1063 : memref<1x8x128xf32, #tpu.memory_space<vmem>> -> memref<8x128xf32, #tpu.memory_space<vmem>>
        %dma_start3A_1065 = arith.constant 0 : i32
        %dma_start3A_1066 = tpu.memref_slice %arg2[%select_n3A, %dma_start3A_1065, %mul3A_1060] : memref<4x8x1000000xf32, #tpu.memory_space<hbm>> -> memref<1x8x128xf32, #tpu.memory_space<hbm>>
        %dma_start3A_1067 = tpu.memref_squeeze %dma_start3A_1066 : memref<1x8x128xf32, #tpu.memory_space<hbm>> -> memref<8x128xf32, #tpu.memory_space<hbm>>
        %dma_start3A_1068 = tpu.memref_slice %arg6[%select_n3A_790] : memref<3x!tpu.dma_semaphore, #tpu.memory_space<semaphore_mem>> -> memref<1x!tpu.dma_semaphore, #tpu.memory_space<semaphore_mem>>
        %dma_start3A_1069 = tpu.memref_squeeze %dma_start3A_1068 : memref<1x!tpu.dma_semaphore, #tpu.memory_space<semaphore_mem>> -> memref<!tpu.dma_semaphore, #tpu.memory_space<semaphore_mem>>
        %dma_start3A_1070 = arith.constant 88 : i32
        %dma_start3A_1071 = arith.constant 0 : i32
        %dma_start3A_1072 = tpu.memref_slice %arg4[%select_n3A_790, %dma_start3A_1070, %dma_start3A_1071] : memref<3x128x128xf32, #tpu.memory_space<vmem>> -> memref<1x8x128xf32, #tpu.memory_space<vmem>>
        %dma_start3A_1073 = tpu.memref_squeeze %dma_start3A_1072 : memref<1x8x128xf32, #tpu.memory_space<vmem>> -> memref<8x128xf32, #tpu.memory_space<vmem>>
        %dma_start3A_1074 = arith.constant 0 : i32
        %dma_start3A_1075 = tpu.memref_slice %arg2[%select_n3A, %dma_start3A_1074, %mul3A_1060] : memref<4x8x1000000xf32, #tpu.memory_space<hbm>> -> memref<1x8x128xf32, #tpu.memory_space<hbm>>
        %dma_start3A_1076 = tpu.memref_squeeze %dma_start3A_1075 : memref<1x8x128xf32, #tpu.memory_space<hbm>> -> memref<8x128xf32, #tpu.memory_space<hbm>>
        tpu.enqueue_dma source(%dma_start3A_1076 : memref<8x128xf32, #tpu.memory_space<hbm>>) target(%dma_start3A_1073 : memref<8x128xf32, #tpu.memory_space<vmem>>) target_semaphore(%dma_start3A_1069 : memref<!tpu.dma_semaphore, #tpu.memory_space<semaphore_mem>>)
        %add3A_1077 = arith.constant 12 : i32
        %add3A_1078 = arith.addi %add3A_836, %add3A_1077 : i32
        %mul3A_1079 = arith.constant 128 : i32
        %mul3A_1080 = arith.muli %add3A_1078, %mul3A_1079 : i32
        %dma_start3A_1081 = arith.constant 96 : i32
        %dma_start3A_1082 = arith.constant 0 : i32
        %dma_start3A_1083 = tpu.memref_slice %arg4[%select_n3A_790, %dma_start3A_1081, %dma_start3A_1082] : memref<3x128x128xf32, #tpu.memory_space<vmem>> -> memref<1x8x128xf32, #tpu.memory_space<vmem>>
        %dma_start3A_1084 = tpu.memref_squeeze %dma_start3A_1083 : memref<1x8x128xf32, #tpu.memory_space<vmem>> -> memref<8x128xf32, #tpu.memory_space<vmem>>
        %dma_start3A_1085 = arith.constant 0 : i32
        %dma_start3A_1086 = tpu.memref_slice %arg2[%select_n3A, %dma_start3A_1085, %mul3A_1080] : memref<4x8x1000000xf32, #tpu.memory_space<hbm>> -> memref<1x8x128xf32, #tpu.memory_space<hbm>>
        %dma_start3A_1087 = tpu.memref_squeeze %dma_start3A_1086 : memref<1x8x128xf32, #tpu.memory_space<hbm>> -> memref<8x128xf32, #tpu.memory_space<hbm>>
        %dma_start3A_1088 = tpu.memref_slice %arg6[%select_n3A_790] : memref<3x!tpu.dma_semaphore, #tpu.memory_space<semaphore_mem>> -> memref<1x!tpu.dma_semaphore, #tpu.memory_space<semaphore_mem>>
        %dma_start3A_1089 = tpu.memref_squeeze %dma_start3A_1088 : memref<1x!tpu.dma_semaphore, #tpu.memory_space<semaphore_mem>> -> memref<!tpu.dma_semaphore, #tpu.memory_space<semaphore_mem>>
        %dma_start3A_1090 = arith.constant 96 : i32
        %dma_start3A_1091 = arith.constant 0 : i32
        %dma_start3A_1092 = tpu.memref_slice %arg4[%select_n3A_790, %dma_start3A_1090, %dma_start3A_1091] : memref<3x128x128xf32, #tpu.memory_space<vmem>> -> memref<1x8x128xf32, #tpu.memory_space<vmem>>
        %dma_start3A_1093 = tpu.memref_squeeze %dma_start3A_1092 : memref<1x8x128xf32, #tpu.memory_space<vmem>> -> memref<8x128xf32, #tpu.memory_space<vmem>>
        %dma_start3A_1094 = arith.constant 0 : i32
        %dma_start3A_1095 = tpu.memref_slice %arg2[%select_n3A, %dma_start3A_1094, %mul3A_1080] : memref<4x8x1000000xf32, #tpu.memory_space<hbm>> -> memref<1x8x128xf32, #tpu.memory_space<hbm>>
        %dma_start3A_1096 = tpu.memref_squeeze %dma_start3A_1095 : memref<1x8x128xf32, #tpu.memory_space<hbm>> -> memref<8x128xf32, #tpu.memory_space<hbm>>
        tpu.enqueue_dma source(%dma_start3A_1096 : memref<8x128xf32, #tpu.memory_space<hbm>>) target(%dma_start3A_1093 : memref<8x128xf32, #tpu.memory_space<vmem>>) target_semaphore(%dma_start3A_1089 : memref<!tpu.dma_semaphore, #tpu.memory_space<semaphore_mem>>)
        %add3A_1097 = arith.constant 13 : i32
        %add3A_1098 = arith.addi %add3A_836, %add3A_1097 : i32
        %mul3A_1099 = arith.constant 128 : i32
        %mul3A_1100 = arith.muli %add3A_1098, %mul3A_1099 : i32
        %dma_start3A_1101 = arith.constant 104 : i32
        %dma_start3A_1102 = arith.constant 0 : i32
        %dma_start3A_1103 = tpu.memref_slice %arg4[%select_n3A_790, %dma_start3A_1101, %dma_start3A_1102] : memref<3x128x128xf32, #tpu.memory_space<vmem>> -> memref<1x8x128xf32, #tpu.memory_space<vmem>>
        %dma_start3A_1104 = tpu.memref_squeeze %dma_start3A_1103 : memref<1x8x128xf32, #tpu.memory_space<vmem>> -> memref<8x128xf32, #tpu.memory_space<vmem>>
        %dma_start3A_1105 = arith.constant 0 : i32
        %dma_start3A_1106 = tpu.memref_slice %arg2[%select_n3A, %dma_start3A_1105, %mul3A_1100] : memref<4x8x1000000xf32, #tpu.memory_space<hbm>> -> memref<1x8x128xf32, #tpu.memory_space<hbm>>
        %dma_start3A_1107 = tpu.memref_squeeze %dma_start3A_1106 : memref<1x8x128xf32, #tpu.memory_space<hbm>> -> memref<8x128xf32, #tpu.memory_space<hbm>>
        %dma_start3A_1108 = tpu.memref_slice %arg6[%select_n3A_790] : memref<3x!tpu.dma_semaphore, #tpu.memory_space<semaphore_mem>> -> memref<1x!tpu.dma_semaphore, #tpu.memory_space<semaphore_mem>>
        %dma_start3A_1109 = tpu.memref_squeeze %dma_start3A_1108 : memref<1x!tpu.dma_semaphore, #tpu.memory_space<semaphore_mem>> -> memref<!tpu.dma_semaphore, #tpu.memory_space<semaphore_mem>>
        %dma_start3A_1110 = arith.constant 104 : i32
        %dma_start3A_1111 = arith.constant 0 : i32
        %dma_start3A_1112 = tpu.memref_slice %arg4[%select_n3A_790, %dma_start3A_1110, %dma_start3A_1111] : memref<3x128x128xf32, #tpu.memory_space<vmem>> -> memref<1x8x128xf32, #tpu.memory_space<vmem>>
        %dma_start3A_1113 = tpu.memref_squeeze %dma_start3A_1112 : memref<1x8x128xf32, #tpu.memory_space<vmem>> -> memref<8x128xf32, #tpu.memory_space<vmem>>
        %dma_start3A_1114 = arith.constant 0 : i32
        %dma_start3A_1115 = tpu.memref_slice %arg2[%select_n3A, %dma_start3A_1114, %mul3A_1100] : memref<4x8x1000000xf32, #tpu.memory_space<hbm>> -> memref<1x8x128xf32, #tpu.memory_space<hbm>>
        %dma_start3A_1116 = tpu.memref_squeeze %dma_start3A_1115 : memref<1x8x128xf32, #tpu.memory_space<hbm>> -> memref<8x128xf32, #tpu.memory_space<hbm>>
        tpu.enqueue_dma source(%dma_start3A_1116 : memref<8x128xf32, #tpu.memory_space<hbm>>) target(%dma_start3A_1113 : memref<8x128xf32, #tpu.memory_space<vmem>>) target_semaphore(%dma_start3A_1109 : memref<!tpu.dma_semaphore, #tpu.memory_space<semaphore_mem>>)
        %add3A_1117 = arith.constant 14 : i32
        %add3A_1118 = arith.addi %add3A_836, %add3A_1117 : i32
        %mul3A_1119 = arith.constant 128 : i32
        %mul3A_1120 = arith.muli %add3A_1118, %mul3A_1119 : i32
        %dma_start3A_1121 = arith.constant 112 : i32
        %dma_start3A_1122 = arith.constant 0 : i32
        %dma_start3A_1123 = tpu.memref_slice %arg4[%select_n3A_790, %dma_start3A_1121, %dma_start3A_1122] : memref<3x128x128xf32, #tpu.memory_space<vmem>> -> memref<1x8x128xf32, #tpu.memory_space<vmem>>
        %dma_start3A_1124 = tpu.memref_squeeze %dma_start3A_1123 : memref<1x8x128xf32, #tpu.memory_space<vmem>> -> memref<8x128xf32, #tpu.memory_space<vmem>>
        %dma_start3A_1125 = arith.constant 0 : i32
        %dma_start3A_1126 = tpu.memref_slice %arg2[%select_n3A, %dma_start3A_1125, %mul3A_1120] : memref<4x8x1000000xf32, #tpu.memory_space<hbm>> -> memref<1x8x128xf32, #tpu.memory_space<hbm>>
        %dma_start3A_1127 = tpu.memref_squeeze %dma_start3A_1126 : memref<1x8x128xf32, #tpu.memory_space<hbm>> -> memref<8x128xf32, #tpu.memory_space<hbm>>
        %dma_start3A_1128 = tpu.memref_slice %arg6[%select_n3A_790] : memref<3x!tpu.dma_semaphore, #tpu.memory_space<semaphore_mem>> -> memref<1x!tpu.dma_semaphore, #tpu.memory_space<semaphore_mem>>
        %dma_start3A_1129 = tpu.memref_squeeze %dma_start3A_1128 : memref<1x!tpu.dma_semaphore, #tpu.memory_space<semaphore_mem>> -> memref<!tpu.dma_semaphore, #tpu.memory_space<semaphore_mem>>
        %dma_start3A_1130 = arith.constant 112 : i32
        %dma_start3A_1131 = arith.constant 0 : i32
        %dma_start3A_1132 = tpu.memref_slice %arg4[%select_n3A_790, %dma_start3A_1130, %dma_start3A_1131] : memref<3x128x128xf32, #tpu.memory_space<vmem>> -> memref<1x8x128xf32, #tpu.memory_space<vmem>>
        %dma_start3A_1133 = tpu.memref_squeeze %dma_start3A_1132 : memref<1x8x128xf32, #tpu.memory_space<vmem>> -> memref<8x128xf32, #tpu.memory_space<vmem>>
        %dma_start3A_1134 = arith.constant 0 : i32
        %dma_start3A_1135 = tpu.memref_slice %arg2[%select_n3A, %dma_start3A_1134, %mul3A_1120] : memref<4x8x1000000xf32, #tpu.memory_space<hbm>> -> memref<1x8x128xf32, #tpu.memory_space<hbm>>
        %dma_start3A_1136 = tpu.memref_squeeze %dma_start3A_1135 : memref<1x8x128xf32, #tpu.memory_space<hbm>> -> memref<8x128xf32, #tpu.memory_space<hbm>>
        tpu.enqueue_dma source(%dma_start3A_1136 : memref<8x128xf32, #tpu.memory_space<hbm>>) target(%dma_start3A_1133 : memref<8x128xf32, #tpu.memory_space<vmem>>) target_semaphore(%dma_start3A_1129 : memref<!tpu.dma_semaphore, #tpu.memory_space<semaphore_mem>>)
        %add3A_1137 = arith.constant 15 : i32
        %add3A_1138 = arith.addi %add3A_836, %add3A_1137 : i32
        %mul3A_1139 = arith.constant 128 : i32
        %mul3A_1140 = arith.muli %add3A_1138, %mul3A_1139 : i32
        %dma_start3A_1141 = arith.constant 120 : i32
        %dma_start3A_1142 = arith.constant 0 : i32
        %dma_start3A_1143 = tpu.memref_slice %arg4[%select_n3A_790, %dma_start3A_1141, %dma_start3A_1142] : memref<3x128x128xf32, #tpu.memory_space<vmem>> -> memref<1x8x128xf32, #tpu.memory_space<vmem>>
        %dma_start3A_1144 = tpu.memref_squeeze %dma_start3A_1143 : memref<1x8x128xf32, #tpu.memory_space<vmem>> -> memref<8x128xf32, #tpu.memory_space<vmem>>
        %dma_start3A_1145 = arith.constant 0 : i32
        %dma_start3A_1146 = tpu.memref_slice %arg2[%select_n3A, %dma_start3A_1145, %mul3A_1140] : memref<4x8x1000000xf32, #tpu.memory_space<hbm>> -> memref<1x8x128xf32, #tpu.memory_space<hbm>>
        %dma_start3A_1147 = tpu.memref_squeeze %dma_start3A_1146 : memref<1x8x128xf32, #tpu.memory_space<hbm>> -> memref<8x128xf32, #tpu.memory_space<hbm>>
        %dma_start3A_1148 = tpu.memref_slice %arg6[%select_n3A_790] : memref<3x!tpu.dma_semaphore, #tpu.memory_space<semaphore_mem>> -> memref<1x!tpu.dma_semaphore, #tpu.memory_space<semaphore_mem>>
        %dma_start3A_1149 = tpu.memref_squeeze %dma_start3A_1148 : memref<1x!tpu.dma_semaphore, #tpu.memory_space<semaphore_mem>> -> memref<!tpu.dma_semaphore, #tpu.memory_space<semaphore_mem>>
        %dma_start3A_1150 = arith.constant 120 : i32
        %dma_start3A_1151 = arith.constant 0 : i32
        %dma_start3A_1152 = tpu.memref_slice %arg4[%select_n3A_790, %dma_start3A_1150, %dma_start3A_1151] : memref<3x128x128xf32, #tpu.memory_space<vmem>> -> memref<1x8x128xf32, #tpu.memory_space<vmem>>
        %dma_start3A_1153 = tpu.memref_squeeze %dma_start3A_1152 : memref<1x8x128xf32, #tpu.memory_space<vmem>> -> memref<8x128xf32, #tpu.memory_space<vmem>>
        %dma_start3A_1154 = arith.constant 0 : i32
        %dma_start3A_1155 = tpu.memref_slice %arg2[%select_n3A, %dma_start3A_1154, %mul3A_1140] : memref<4x8x1000000xf32, #tpu.memory_space<hbm>> -> memref<1x8x128xf32, #tpu.memory_space<hbm>>
        %dma_start3A_1156 = tpu.memref_squeeze %dma_start3A_1155 : memref<1x8x128xf32, #tpu.memory_space<hbm>> -> memref<8x128xf32, #tpu.memory_space<hbm>>
        tpu.enqueue_dma source(%dma_start3A_1156 : memref<8x128xf32, #tpu.memory_space<hbm>>) target(%dma_start3A_1153 : memref<8x128xf32, #tpu.memory_space<vmem>>) target_semaphore(%dma_start3A_1149 : memref<!tpu.dma_semaphore, #tpu.memory_space<semaphore_mem>>)
      } else {
      }
      %dma_wait3A_802 = arith.constant 0 : i32
      %dma_wait3A_803 = arith.constant 0 : i32
      %dma_wait3A_804 = tpu.memref_slice %arg3[%dma_wait3A_802, %dma_wait3A_803] : memref<249984x128xf32, #tpu.memory_space<hbm>> -> memref<128x128xf32, #tpu.memory_space<hbm>>
      %dma_wait3A_805 = tpu.memref_slice %arg6[%select_n3A_772] : memref<3x!tpu.dma_semaphore, #tpu.memory_space<semaphore_mem>> -> memref<1x!tpu.dma_semaphore, #tpu.memory_space<semaphore_mem>>
      %dma_wait3A_806 = tpu.memref_squeeze %dma_wait3A_805 : memref<1x!tpu.dma_semaphore, #tpu.memory_space<semaphore_mem>> -> memref<!tpu.dma_semaphore, #tpu.memory_space<semaphore_mem>>
      %dma_wait3A_807 = arith.constant 0 : i32
      %dma_wait3A_808 = arith.constant 0 : i32
      %dma_wait3A_809 = tpu.memref_slice %arg3[%dma_wait3A_807, %dma_wait3A_808] : memref<249984x128xf32, #tpu.memory_space<hbm>> -> memref<128x128xf32, #tpu.memory_space<hbm>>
      tpu.wait_dma2 semaphore(%dma_wait3A_806 : memref<!tpu.dma_semaphore, #tpu.memory_space<semaphore_mem>>) src(%dma_wait3A_809 : memref<128x128xf32, #tpu.memory_space<hbm>>) dst(%arg5 : memref<128x128xf32, #tpu.memory_space<vmem>>)
      %mul3A_810 = arith.constant 7812 : i32
      %mul3A_811 = arith.muli %select_n3A, %mul3A_810 : i32
      %add3A_812 = arith.addi %mul3A_811, %mul3A_32 : i32
      %mul3A_813 = arith.constant 16 : i32
      %mul3A_814 = arith.muli %scan3A_756, %mul3A_813 : i32
      %add3A_815 = arith.addi %add3A_812, %mul3A_814 : i32
      %mul3A_816 = arith.constant 8 : i32
      %mul3A_817 = arith.muli %add3A_815, %mul3A_816 : i32
      %dma_start3A_818 = arith.constant 0 : i32
      %dma_start3A_819 = arith.constant 0 : i32
      %dma_start3A_820 = tpu.memref_slice %arg4[%select_n3A_772, %dma_start3A_818, %dma_start3A_819] : memref<3x128x128xf32, #tpu.memory_space<vmem>> -> memref<1x128x128xf32, #tpu.memory_space<vmem>>
      %dma_start3A_821 = tpu.memref_squeeze %dma_start3A_820 : memref<1x128x128xf32, #tpu.memory_space<vmem>> -> memref<128x128xf32, #tpu.memory_space<vmem>>
      %dma_start3A_822 = arith.constant 0 : i32
      %dma_start3A_823 = tpu.memref_slice %arg3[%mul3A_817, %dma_start3A_822] : memref<249984x128xf32, #tpu.memory_space<hbm>> -> memref<128x128xf32, #tpu.memory_space<hbm>>
      %dma_start3A_824 = tpu.memref_slice %arg7[%select_n3A_772] : memref<3x!tpu.dma_semaphore, #tpu.memory_space<semaphore_mem>> -> memref<1x!tpu.dma_semaphore, #tpu.memory_space<semaphore_mem>>
      %dma_start3A_825 = tpu.memref_squeeze %dma_start3A_824 : memref<1x!tpu.dma_semaphore, #tpu.memory_space<semaphore_mem>> -> memref<!tpu.dma_semaphore, #tpu.memory_space<semaphore_mem>>
      %dma_start3A_826 = arith.constant 0 : i32
      %dma_start3A_827 = tpu.memref_slice %arg3[%mul3A_817, %dma_start3A_826] : memref<249984x128xf32, #tpu.memory_space<hbm>> -> memref<128x128xf32, #tpu.memory_space<hbm>>
      %dma_start3A_828 = arith.constant 0 : i32
      %dma_start3A_829 = arith.constant 0 : i32
      %dma_start3A_830 = tpu.memref_slice %arg4[%select_n3A_772, %dma_start3A_828, %dma_start3A_829] : memref<3x128x128xf32, #tpu.memory_space<vmem>> -> memref<1x128x128xf32, #tpu.memory_space<vmem>>
      %dma_start3A_831 = tpu.memref_squeeze %dma_start3A_830 : memref<1x128x128xf32, #tpu.memory_space<vmem>> -> memref<128x128xf32, #tpu.memory_space<vmem>>
      tpu.enqueue_dma source(%dma_start3A_831 : memref<128x128xf32, #tpu.memory_space<vmem>>) target(%dma_start3A_827 : memref<128x128xf32, #tpu.memory_space<hbm>>) target_semaphore(%dma_start3A_825 : memref<!tpu.dma_semaphore, #tpu.memory_space<semaphore_mem>>)
    }
    %scan3A_744 = arith.constant 61 : i32
    %dma_wait3A = arith.constant 0 : i32
    %dma_wait3A_745 = arith.constant 0 : i32
    %dma_wait3A_746 = arith.constant 0 : i32
    %dma_wait3A_747 = tpu.memref_slice %arg3[%dma_wait3A_745, %dma_wait3A_746] : memref<249984x128xf32, #tpu.memory_space<hbm>> -> memref<128x128xf32, #tpu.memory_space<hbm>>
    %dma_wait3A_748 = tpu.memref_slice %arg7[%dma_wait3A] : memref<3x!tpu.dma_semaphore, #tpu.memory_space<semaphore_mem>> -> memref<1x!tpu.dma_semaphore, #tpu.memory_space<semaphore_mem>>
    %dma_wait3A_749 = tpu.memref_squeeze %dma_wait3A_748 : memref<1x!tpu.dma_semaphore, #tpu.memory_space<semaphore_mem>> -> memref<!tpu.dma_semaphore, #tpu.memory_space<semaphore_mem>>
    %dma_wait3A_750 = arith.constant 0 : i32
    %dma_wait3A_751 = arith.constant 0 : i32
    %dma_wait3A_752 = tpu.memref_slice %arg3[%dma_wait3A_750, %dma_wait3A_751] : memref<249984x128xf32, #tpu.memory_space<hbm>> -> memref<128x128xf32, #tpu.memory_space<hbm>>
    tpu.wait_dma2 semaphore(%dma_wait3A_749 : memref<!tpu.dma_semaphore, #tpu.memory_space<semaphore_mem>>) src(%dma_wait3A_752 : memref<128x128xf32, #tpu.memory_space<hbm>>) dst(%arg5 : memref<128x128xf32, #tpu.memory_space<vmem>>)
    %eq3A_753 = arith.constant 0 : i32
    %eq3A_754 = arith.cmpi eq, %select_n3A_30, %eq3A_753 : i32
    %convert_element_type3A = arith.extui %eq3A_754 : i1 to i32
    %cond3A = arith.constant 0 : i32
    %cond3A_755 = arith.cmpi ne, %convert_element_type3A, %cond3A : i32
    scf.if %cond3A_755 {
      %dma_start3A_756 = arith.constant 0 : i32
      %dma_start3A_757 = arith.constant 0 : i32
      %dma_start3A_758 = arith.constant 0 : i32
      %dma_start3A_759 = arith.constant 0 : i32
      %dma_start3A_760 = tpu.memref_slice %arg4[%dma_start3A_756, %dma_start3A_758, %dma_start3A_759] : memref<3x128x128xf32, #tpu.memory_space<vmem>> -> memref<1x8x128xf32, #tpu.memory_space<vmem>>
      %dma_start3A_761 = tpu.memref_squeeze %dma_start3A_760 : memref<1x8x128xf32, #tpu.memory_space<vmem>> -> memref<8x128xf32, #tpu.memory_space<vmem>>
      %dma_start3A_762 = arith.constant 0 : i32
      %dma_start3A_763 = arith.constant 999424 : i32
      %dma_start3A_764 = tpu.memref_slice %arg2[%select_n3A, %dma_start3A_762, %dma_start3A_763] : memref<4x8x1000000xf32, #tpu.memory_space<hbm>> -> memref<1x8x128xf32, #tpu.memory_space<hbm>>
      %dma_start3A_765 = tpu.memref_squeeze %dma_start3A_764 : memref<1x8x128xf32, #tpu.memory_space<hbm>> -> memref<8x128xf32, #tpu.memory_space<hbm>>
      %dma_start3A_766 = tpu.memref_slice %arg6[%dma_start3A_757] : memref<3x!tpu.dma_semaphore, #tpu.memory_space<semaphore_mem>> -> memref<1x!tpu.dma_semaphore, #tpu.memory_space<semaphore_mem>>
      %dma_start3A_767 = tpu.memref_squeeze %dma_start3A_766 : memref<1x!tpu.dma_semaphore, #tpu.memory_space<semaphore_mem>> -> memref<!tpu.dma_semaphore, #tpu.memory_space<semaphore_mem>>
      %dma_start3A_768 = arith.constant 0 : i32
      %dma_start3A_769 = arith.constant 0 : i32
      %dma_start3A_770 = tpu.memref_slice %arg4[%dma_start3A_756, %dma_start3A_768, %dma_start3A_769] : memref<3x128x128xf32, #tpu.memory_space<vmem>> -> memref<1x8x128xf32, #tpu.memory_space<vmem>>
      %dma_start3A_771 = tpu.memref_squeeze %dma_start3A_770 : memref<1x8x128xf32, #tpu.memory_space<vmem>> -> memref<8x128xf32, #tpu.memory_space<vmem>>
      %dma_start3A_772 = arith.constant 0 : i32
      %dma_start3A_773 = arith.constant 999424 : i32
      %dma_start3A_774 = tpu.memref_slice %arg2[%select_n3A, %dma_start3A_772, %dma_start3A_773] : memref<4x8x1000000xf32, #tpu.memory_space<hbm>> -> memref<1x8x128xf32, #tpu.memory_space<hbm>>
      %dma_start3A_775 = tpu.memref_squeeze %dma_start3A_774 : memref<1x8x128xf32, #tpu.memory_space<hbm>> -> memref<8x128xf32, #tpu.memory_space<hbm>>
      tpu.enqueue_dma source(%dma_start3A_775 : memref<8x128xf32, #tpu.memory_space<hbm>>) target(%dma_start3A_771 : memref<8x128xf32, #tpu.memory_space<vmem>>) target_semaphore(%dma_start3A_767 : memref<!tpu.dma_semaphore, #tpu.memory_space<semaphore_mem>>)
      %dma_start3A_776 = arith.constant 0 : i32
      %dma_start3A_777 = arith.constant 0 : i32
      %dma_start3A_778 = arith.constant 8 : i32
      %dma_start3A_779 = arith.constant 0 : i32
      %dma_start3A_780 = tpu.memref_slice %arg4[%dma_start3A_776, %dma_start3A_778, %dma_start3A_779] : memref<3x128x128xf32, #tpu.memory_space<vmem>> -> memref<1x8x128xf32, #tpu.memory_space<vmem>>
      %dma_start3A_781 = tpu.memref_squeeze %dma_start3A_780 : memref<1x8x128xf32, #tpu.memory_space<vmem>> -> memref<8x128xf32, #tpu.memory_space<vmem>>
      %dma_start3A_782 = arith.constant 0 : i32
      %dma_start3A_783 = arith.constant 999552 : i32
      %dma_start3A_784 = tpu.memref_slice %arg2[%select_n3A, %dma_start3A_782, %dma_start3A_783] : memref<4x8x1000000xf32, #tpu.memory_space<hbm>> -> memref<1x8x128xf32, #tpu.memory_space<hbm>>
      %dma_start3A_785 = tpu.memref_squeeze %dma_start3A_784 : memref<1x8x128xf32, #tpu.memory_space<hbm>> -> memref<8x128xf32, #tpu.memory_space<hbm>>
      %dma_start3A_786 = tpu.memref_slice %arg6[%dma_start3A_777] : memref<3x!tpu.dma_semaphore, #tpu.memory_space<semaphore_mem>> -> memref<1x!tpu.dma_semaphore, #tpu.memory_space<semaphore_mem>>
      %dma_start3A_787 = tpu.memref_squeeze %dma_start3A_786 : memref<1x!tpu.dma_semaphore, #tpu.memory_space<semaphore_mem>> -> memref<!tpu.dma_semaphore, #tpu.memory_space<semaphore_mem>>
      %dma_start3A_788 = arith.constant 8 : i32
      %dma_start3A_789 = arith.constant 0 : i32
      %dma_start3A_790 = tpu.memref_slice %arg4[%dma_start3A_776, %dma_start3A_788, %dma_start3A_789] : memref<3x128x128xf32, #tpu.memory_space<vmem>> -> memref<1x8x128xf32, #tpu.memory_space<vmem>>
      %dma_start3A_791 = tpu.memref_squeeze %dma_start3A_790 : memref<1x8x128xf32, #tpu.memory_space<vmem>> -> memref<8x128xf32, #tpu.memory_space<vmem>>
      %dma_start3A_792 = arith.constant 0 : i32
      %dma_start3A_793 = arith.constant 999552 : i32
      %dma_start3A_794 = tpu.memref_slice %arg2[%select_n3A, %dma_start3A_792, %dma_start3A_793] : memref<4x8x1000000xf32, #tpu.memory_space<hbm>> -> memref<1x8x128xf32, #tpu.memory_space<hbm>>
      %dma_start3A_795 = tpu.memref_squeeze %dma_start3A_794 : memref<1x8x128xf32, #tpu.memory_space<hbm>> -> memref<8x128xf32, #tpu.memory_space<hbm>>
      tpu.enqueue_dma source(%dma_start3A_795 : memref<8x128xf32, #tpu.memory_space<hbm>>) target(%dma_start3A_791 : memref<8x128xf32, #tpu.memory_space<vmem>>) target_semaphore(%dma_start3A_787 : memref<!tpu.dma_semaphore, #tpu.memory_space<semaphore_mem>>)
      %dma_start3A_796 = arith.constant 0 : i32
      %dma_start3A_797 = arith.constant 0 : i32
      %dma_start3A_798 = arith.constant 16 : i32
      %dma_start3A_799 = arith.constant 0 : i32
      %dma_start3A_800 = tpu.memref_slice %arg4[%dma_start3A_796, %dma_start3A_798, %dma_start3A_799] : memref<3x128x128xf32, #tpu.memory_space<vmem>> -> memref<1x8x128xf32, #tpu.memory_space<vmem>>
      %dma_start3A_801 = tpu.memref_squeeze %dma_start3A_800 : memref<1x8x128xf32, #tpu.memory_space<vmem>> -> memref<8x128xf32, #tpu.memory_space<vmem>>
      %dma_start3A_802 = arith.constant 0 : i32
      %dma_start3A_803 = arith.constant 999680 : i32
      %dma_start3A_804 = tpu.memref_slice %arg2[%select_n3A, %dma_start3A_802, %dma_start3A_803] : memref<4x8x1000000xf32, #tpu.memory_space<hbm>> -> memref<1x8x128xf32, #tpu.memory_space<hbm>>
      %dma_start3A_805 = tpu.memref_squeeze %dma_start3A_804 : memref<1x8x128xf32, #tpu.memory_space<hbm>> -> memref<8x128xf32, #tpu.memory_space<hbm>>
      %dma_start3A_806 = tpu.memref_slice %arg6[%dma_start3A_797] : memref<3x!tpu.dma_semaphore, #tpu.memory_space<semaphore_mem>> -> memref<1x!tpu.dma_semaphore, #tpu.memory_space<semaphore_mem>>
      %dma_start3A_807 = tpu.memref_squeeze %dma_start3A_806 : memref<1x!tpu.dma_semaphore, #tpu.memory_space<semaphore_mem>> -> memref<!tpu.dma_semaphore, #tpu.memory_space<semaphore_mem>>
      %dma_start3A_808 = arith.constant 16 : i32
      %dma_start3A_809 = arith.constant 0 : i32
      %dma_start3A_810 = tpu.memref_slice %arg4[%dma_start3A_796, %dma_start3A_808, %dma_start3A_809] : memref<3x128x128xf32, #tpu.memory_space<vmem>> -> memref<1x8x128xf32, #tpu.memory_space<vmem>>
      %dma_start3A_811 = tpu.memref_squeeze %dma_start3A_810 : memref<1x8x128xf32, #tpu.memory_space<vmem>> -> memref<8x128xf32, #tpu.memory_space<vmem>>
      %dma_start3A_812 = arith.constant 0 : i32
      %dma_start3A_813 = arith.constant 999680 : i32
      %dma_start3A_814 = tpu.memref_slice %arg2[%select_n3A, %dma_start3A_812, %dma_start3A_813] : memref<4x8x1000000xf32, #tpu.memory_space<hbm>> -> memref<1x8x128xf32, #tpu.memory_space<hbm>>
      %dma_start3A_815 = tpu.memref_squeeze %dma_start3A_814 : memref<1x8x128xf32, #tpu.memory_space<hbm>> -> memref<8x128xf32, #tpu.memory_space<hbm>>
      tpu.enqueue_dma source(%dma_start3A_815 : memref<8x128xf32, #tpu.memory_space<hbm>>) target(%dma_start3A_811 : memref<8x128xf32, #tpu.memory_space<vmem>>) target_semaphore(%dma_start3A_807 : memref<!tpu.dma_semaphore, #tpu.memory_space<semaphore_mem>>)
      %dma_start3A_816 = arith.constant 0 : i32
      %dma_start3A_817 = arith.constant 0 : i32
      %dma_start3A_818 = arith.constant 24 : i32
      %dma_start3A_819 = arith.constant 0 : i32
      %dma_start3A_820 = tpu.memref_slice %arg4[%dma_start3A_816, %dma_start3A_818, %dma_start3A_819] : memref<3x128x128xf32, #tpu.memory_space<vmem>> -> memref<1x8x128xf32, #tpu.memory_space<vmem>>
      %dma_start3A_821 = tpu.memref_squeeze %dma_start3A_820 : memref<1x8x128xf32, #tpu.memory_space<vmem>> -> memref<8x128xf32, #tpu.memory_space<vmem>>
      %dma_start3A_822 = arith.constant 0 : i32
      %dma_start3A_823 = arith.constant 999808 : i32
      %dma_start3A_824 = tpu.memref_slice %arg2[%select_n3A, %dma_start3A_822, %dma_start3A_823] : memref<4x8x1000000xf32, #tpu.memory_space<hbm>> -> memref<1x8x128xf32, #tpu.memory_space<hbm>>
      %dma_start3A_825 = tpu.memref_squeeze %dma_start3A_824 : memref<1x8x128xf32, #tpu.memory_space<hbm>> -> memref<8x128xf32, #tpu.memory_space<hbm>>
      %dma_start3A_826 = tpu.memref_slice %arg6[%dma_start3A_817] : memref<3x!tpu.dma_semaphore, #tpu.memory_space<semaphore_mem>> -> memref<1x!tpu.dma_semaphore, #tpu.memory_space<semaphore_mem>>
      %dma_start3A_827 = tpu.memref_squeeze %dma_start3A_826 : memref<1x!tpu.dma_semaphore, #tpu.memory_space<semaphore_mem>> -> memref<!tpu.dma_semaphore, #tpu.memory_space<semaphore_mem>>
      %dma_start3A_828 = arith.constant 24 : i32
      %dma_start3A_829 = arith.constant 0 : i32
      %dma_start3A_830 = tpu.memref_slice %arg4[%dma_start3A_816, %dma_start3A_828, %dma_start3A_829] : memref<3x128x128xf32, #tpu.memory_space<vmem>> -> memref<1x8x128xf32, #tpu.memory_space<vmem>>
      %dma_start3A_831 = tpu.memref_squeeze %dma_start3A_830 : memref<1x8x128xf32, #tpu.memory_space<vmem>> -> memref<8x128xf32, #tpu.memory_space<vmem>>
      %dma_start3A_832 = arith.constant 0 : i32
      %dma_start3A_833 = arith.constant 999808 : i32
      %dma_start3A_834 = tpu.memref_slice %arg2[%select_n3A, %dma_start3A_832, %dma_start3A_833] : memref<4x8x1000000xf32, #tpu.memory_space<hbm>> -> memref<1x8x128xf32, #tpu.memory_space<hbm>>
      %dma_start3A_835 = tpu.memref_squeeze %dma_start3A_834 : memref<1x8x128xf32, #tpu.memory_space<hbm>> -> memref<8x128xf32, #tpu.memory_space<hbm>>
      tpu.enqueue_dma source(%dma_start3A_835 : memref<8x128xf32, #tpu.memory_space<hbm>>) target(%dma_start3A_831 : memref<8x128xf32, #tpu.memory_space<vmem>>) target_semaphore(%dma_start3A_827 : memref<!tpu.dma_semaphore, #tpu.memory_space<semaphore_mem>>)
      %dma_wait3A_836 = arith.constant 0 : i32
      %dma_wait3A_837 = arith.constant 0 : i32
      %dma_wait3A_838 = arith.constant 0 : i32
      %dma_wait3A_839 = arith.constant 0 : i32
      %dma_wait3A_840 = tpu.memref_slice %arg4[%dma_wait3A_836, %dma_wait3A_838, %dma_wait3A_839] : memref<3x128x128xf32, #tpu.memory_space<vmem>> -> memref<1x8x128xf32, #tpu.memory_space<vmem>>
      %dma_wait3A_841 = tpu.memref_squeeze %dma_wait3A_840 : memref<1x8x128xf32, #tpu.memory_space<vmem>> -> memref<8x128xf32, #tpu.memory_space<vmem>>
      %dma_wait3A_842 = arith.constant 0 : i32
      %dma_wait3A_843 = arith.constant 999424 : i32
      %dma_wait3A_844 = tpu.memref_slice %arg2[%select_n3A, %dma_wait3A_842, %dma_wait3A_843] : memref<4x8x1000000xf32, #tpu.memory_space<hbm>> -> memref<1x8x128xf32, #tpu.memory_space<hbm>>
      %dma_wait3A_845 = tpu.memref_squeeze %dma_wait3A_844 : memref<1x8x128xf32, #tpu.memory_space<hbm>> -> memref<8x128xf32, #tpu.memory_space<hbm>>
      %dma_wait3A_846 = tpu.memref_slice %arg6[%dma_wait3A_837] : memref<3x!tpu.dma_semaphore, #tpu.memory_space<semaphore_mem>> -> memref<1x!tpu.dma_semaphore, #tpu.memory_space<semaphore_mem>>
      %dma_wait3A_847 = tpu.memref_squeeze %dma_wait3A_846 : memref<1x!tpu.dma_semaphore, #tpu.memory_space<semaphore_mem>> -> memref<!tpu.dma_semaphore, #tpu.memory_space<semaphore_mem>>
      %dma_wait3A_848 = arith.constant 0 : i32
      %dma_wait3A_849 = arith.constant 0 : i32
      %dma_wait3A_850 = tpu.memref_slice %arg4[%dma_wait3A_836, %dma_wait3A_848, %dma_wait3A_849] : memref<3x128x128xf32, #tpu.memory_space<vmem>> -> memref<1x8x128xf32, #tpu.memory_space<vmem>>
      %dma_wait3A_851 = tpu.memref_squeeze %dma_wait3A_850 : memref<1x8x128xf32, #tpu.memory_space<vmem>> -> memref<8x128xf32, #tpu.memory_space<vmem>>
      %dma_wait3A_852 = arith.constant 0 : i32
      %dma_wait3A_853 = arith.constant 999424 : i32
      %dma_wait3A_854 = tpu.memref_slice %arg2[%select_n3A, %dma_wait3A_852, %dma_wait3A_853] : memref<4x8x1000000xf32, #tpu.memory_space<hbm>> -> memref<1x8x128xf32, #tpu.memory_space<hbm>>
      %dma_wait3A_855 = tpu.memref_squeeze %dma_wait3A_854 : memref<1x8x128xf32, #tpu.memory_space<hbm>> -> memref<8x128xf32, #tpu.memory_space<hbm>>
      tpu.wait_dma2 semaphore(%dma_wait3A_847 : memref<!tpu.dma_semaphore, #tpu.memory_space<semaphore_mem>>) src(%dma_wait3A_855 : memref<8x128xf32, #tpu.memory_space<hbm>>) dst(%dma_wait3A_851 : memref<8x128xf32, #tpu.memory_space<vmem>>)
      %dma_wait3A_856 = arith.constant 0 : i32
      %dma_wait3A_857 = arith.constant 0 : i32
      %dma_wait3A_858 = arith.constant 8 : i32
      %dma_wait3A_859 = arith.constant 0 : i32
      %dma_wait3A_860 = tpu.memref_slice %arg4[%dma_wait3A_856, %dma_wait3A_858, %dma_wait3A_859] : memref<3x128x128xf32, #tpu.memory_space<vmem>> -> memref<1x8x128xf32, #tpu.memory_space<vmem>>
      %dma_wait3A_861 = tpu.memref_squeeze %dma_wait3A_860 : memref<1x8x128xf32, #tpu.memory_space<vmem>> -> memref<8x128xf32, #tpu.memory_space<vmem>>
      %dma_wait3A_862 = arith.constant 0 : i32
      %dma_wait3A_863 = arith.constant 999552 : i32
      %dma_wait3A_864 = tpu.memref_slice %arg2[%select_n3A, %dma_wait3A_862, %dma_wait3A_863] : memref<4x8x1000000xf32, #tpu.memory_space<hbm>> -> memref<1x8x128xf32, #tpu.memory_space<hbm>>
      %dma_wait3A_865 = tpu.memref_squeeze %dma_wait3A_864 : memref<1x8x128xf32, #tpu.memory_space<hbm>> -> memref<8x128xf32, #tpu.memory_space<hbm>>
      %dma_wait3A_866 = tpu.memref_slice %arg6[%dma_wait3A_857] : memref<3x!tpu.dma_semaphore, #tpu.memory_space<semaphore_mem>> -> memref<1x!tpu.dma_semaphore, #tpu.memory_space<semaphore_mem>>
      %dma_wait3A_867 = tpu.memref_squeeze %dma_wait3A_866 : memref<1x!tpu.dma_semaphore, #tpu.memory_space<semaphore_mem>> -> memref<!tpu.dma_semaphore, #tpu.memory_space<semaphore_mem>>
      %dma_wait3A_868 = arith.constant 8 : i32
      %dma_wait3A_869 = arith.constant 0 : i32
      %dma_wait3A_870 = tpu.memref_slice %arg4[%dma_wait3A_856, %dma_wait3A_868, %dma_wait3A_869] : memref<3x128x128xf32, #tpu.memory_space<vmem>> -> memref<1x8x128xf32, #tpu.memory_space<vmem>>
      %dma_wait3A_871 = tpu.memref_squeeze %dma_wait3A_870 : memref<1x8x128xf32, #tpu.memory_space<vmem>> -> memref<8x128xf32, #tpu.memory_space<vmem>>
      %dma_wait3A_872 = arith.constant 0 : i32
      %dma_wait3A_873 = arith.constant 999552 : i32
      %dma_wait3A_874 = tpu.memref_slice %arg2[%select_n3A, %dma_wait3A_872, %dma_wait3A_873] : memref<4x8x1000000xf32, #tpu.memory_space<hbm>> -> memref<1x8x128xf32, #tpu.memory_space<hbm>>
      %dma_wait3A_875 = tpu.memref_squeeze %dma_wait3A_874 : memref<1x8x128xf32, #tpu.memory_space<hbm>> -> memref<8x128xf32, #tpu.memory_space<hbm>>
      tpu.wait_dma2 semaphore(%dma_wait3A_867 : memref<!tpu.dma_semaphore, #tpu.memory_space<semaphore_mem>>) src(%dma_wait3A_875 : memref<8x128xf32, #tpu.memory_space<hbm>>) dst(%dma_wait3A_871 : memref<8x128xf32, #tpu.memory_space<vmem>>)
      %dma_wait3A_876 = arith.constant 0 : i32
      %dma_wait3A_877 = arith.constant 0 : i32
      %dma_wait3A_878 = arith.constant 16 : i32
      %dma_wait3A_879 = arith.constant 0 : i32
      %dma_wait3A_880 = tpu.memref_slice %arg4[%dma_wait3A_876, %dma_wait3A_878, %dma_wait3A_879] : memref<3x128x128xf32, #tpu.memory_space<vmem>> -> memref<1x8x128xf32, #tpu.memory_space<vmem>>
      %dma_wait3A_881 = tpu.memref_squeeze %dma_wait3A_880 : memref<1x8x128xf32, #tpu.memory_space<vmem>> -> memref<8x128xf32, #tpu.memory_space<vmem>>
      %dma_wait3A_882 = arith.constant 0 : i32
      %dma_wait3A_883 = arith.constant 999680 : i32
      %dma_wait3A_884 = tpu.memref_slice %arg2[%select_n3A, %dma_wait3A_882, %dma_wait3A_883] : memref<4x8x1000000xf32, #tpu.memory_space<hbm>> -> memref<1x8x128xf32, #tpu.memory_space<hbm>>
      %dma_wait3A_885 = tpu.memref_squeeze %dma_wait3A_884 : memref<1x8x128xf32, #tpu.memory_space<hbm>> -> memref<8x128xf32, #tpu.memory_space<hbm>>
      %dma_wait3A_886 = tpu.memref_slice %arg6[%dma_wait3A_877] : memref<3x!tpu.dma_semaphore, #tpu.memory_space<semaphore_mem>> -> memref<1x!tpu.dma_semaphore, #tpu.memory_space<semaphore_mem>>
      %dma_wait3A_887 = tpu.memref_squeeze %dma_wait3A_886 : memref<1x!tpu.dma_semaphore, #tpu.memory_space<semaphore_mem>> -> memref<!tpu.dma_semaphore, #tpu.memory_space<semaphore_mem>>
      %dma_wait3A_888 = arith.constant 16 : i32
      %dma_wait3A_889 = arith.constant 0 : i32
      %dma_wait3A_890 = tpu.memref_slice %arg4[%dma_wait3A_876, %dma_wait3A_888, %dma_wait3A_889] : memref<3x128x128xf32, #tpu.memory_space<vmem>> -> memref<1x8x128xf32, #tpu.memory_space<vmem>>
      %dma_wait3A_891 = tpu.memref_squeeze %dma_wait3A_890 : memref<1x8x128xf32, #tpu.memory_space<vmem>> -> memref<8x128xf32, #tpu.memory_space<vmem>>
      %dma_wait3A_892 = arith.constant 0 : i32
      %dma_wait3A_893 = arith.constant 999680 : i32
      %dma_wait3A_894 = tpu.memref_slice %arg2[%select_n3A, %dma_wait3A_892, %dma_wait3A_893] : memref<4x8x1000000xf32, #tpu.memory_space<hbm>> -> memref<1x8x128xf32, #tpu.memory_space<hbm>>
      %dma_wait3A_895 = tpu.memref_squeeze %dma_wait3A_894 : memref<1x8x128xf32, #tpu.memory_space<hbm>> -> memref<8x128xf32, #tpu.memory_space<hbm>>
      tpu.wait_dma2 semaphore(%dma_wait3A_887 : memref<!tpu.dma_semaphore, #tpu.memory_space<semaphore_mem>>) src(%dma_wait3A_895 : memref<8x128xf32, #tpu.memory_space<hbm>>) dst(%dma_wait3A_891 : memref<8x128xf32, #tpu.memory_space<vmem>>)
      %dma_wait3A_896 = arith.constant 0 : i32
      %dma_wait3A_897 = arith.constant 0 : i32
      %dma_wait3A_898 = arith.constant 24 : i32
      %dma_wait3A_899 = arith.constant 0 : i32
      %dma_wait3A_900 = tpu.memref_slice %arg4[%dma_wait3A_896, %dma_wait3A_898, %dma_wait3A_899] : memref<3x128x128xf32, #tpu.memory_space<vmem>> -> memref<1x8x128xf32, #tpu.memory_space<vmem>>
      %dma_wait3A_901 = tpu.memref_squeeze %dma_wait3A_900 : memref<1x8x128xf32, #tpu.memory_space<vmem>> -> memref<8x128xf32, #tpu.memory_space<vmem>>
      %dma_wait3A_902 = arith.constant 0 : i32
      %dma_wait3A_903 = arith.constant 999808 : i32
      %dma_wait3A_904 = tpu.memref_slice %arg2[%select_n3A, %dma_wait3A_902, %dma_wait3A_903] : memref<4x8x1000000xf32, #tpu.memory_space<hbm>> -> memref<1x8x128xf32, #tpu.memory_space<hbm>>
      %dma_wait3A_905 = tpu.memref_squeeze %dma_wait3A_904 : memref<1x8x128xf32, #tpu.memory_space<hbm>> -> memref<8x128xf32, #tpu.memory_space<hbm>>
      %dma_wait3A_906 = tpu.memref_slice %arg6[%dma_wait3A_897] : memref<3x!tpu.dma_semaphore, #tpu.memory_space<semaphore_mem>> -> memref<1x!tpu.dma_semaphore, #tpu.memory_space<semaphore_mem>>
      %dma_wait3A_907 = tpu.memref_squeeze %dma_wait3A_906 : memref<1x!tpu.dma_semaphore, #tpu.memory_space<semaphore_mem>> -> memref<!tpu.dma_semaphore, #tpu.memory_space<semaphore_mem>>
      %dma_wait3A_908 = arith.constant 24 : i32
      %dma_wait3A_909 = arith.constant 0 : i32
      %dma_wait3A_910 = tpu.memref_slice %arg4[%dma_wait3A_896, %dma_wait3A_908, %dma_wait3A_909] : memref<3x128x128xf32, #tpu.memory_space<vmem>> -> memref<1x8x128xf32, #tpu.memory_space<vmem>>
      %dma_wait3A_911 = tpu.memref_squeeze %dma_wait3A_910 : memref<1x8x128xf32, #tpu.memory_space<vmem>> -> memref<8x128xf32, #tpu.memory_space<vmem>>
      %dma_wait3A_912 = arith.constant 0 : i32
      %dma_wait3A_913 = arith.constant 999808 : i32
      %dma_wait3A_914 = tpu.memref_slice %arg2[%select_n3A, %dma_wait3A_912, %dma_wait3A_913] : memref<4x8x1000000xf32, #tpu.memory_space<hbm>> -> memref<1x8x128xf32, #tpu.memory_space<hbm>>
      %dma_wait3A_915 = tpu.memref_squeeze %dma_wait3A_914 : memref<1x8x128xf32, #tpu.memory_space<hbm>> -> memref<8x128xf32, #tpu.memory_space<hbm>>
      tpu.wait_dma2 semaphore(%dma_wait3A_907 : memref<!tpu.dma_semaphore, #tpu.memory_space<semaphore_mem>>) src(%dma_wait3A_915 : memref<8x128xf32, #tpu.memory_space<hbm>>) dst(%dma_wait3A_911 : memref<8x128xf32, #tpu.memory_space<vmem>>)
      %mul3A_916 = arith.constant 7812 : i32
      %mul3A_917 = arith.muli %select_n3A, %mul3A_916 : i32
      %add3A_918 = arith.constant 7808 : i32
      %add3A_919 = arith.addi %mul3A_917, %add3A_918 : i32
      %mul3A_920 = arith.constant 8 : i32
      %mul3A_921 = arith.muli %add3A_919, %mul3A_920 : i32
      %dma_start3A_922 = arith.constant 0 : i32
      %dma_start3A_923 = arith.constant 0 : i32
      %dma_start3A_924 = arith.constant 0 : i32
      %dma_start3A_925 = arith.constant 0 : i32
      %dma_start3A_926 = tpu.memref_slice %arg4[%dma_start3A_922, %dma_start3A_924, %dma_start3A_925] : memref<3x128x128xf32, #tpu.memory_space<vmem>> -> memref<1x32x128xf32, #tpu.memory_space<vmem>>
      %dma_start3A_927 = tpu.memref_squeeze %dma_start3A_926 : memref<1x32x128xf32, #tpu.memory_space<vmem>> -> memref<32x128xf32, #tpu.memory_space<vmem>>
      %dma_start3A_928 = arith.constant 0 : i32
      %dma_start3A_929 = tpu.memref_slice %arg3[%mul3A_921, %dma_start3A_928] : memref<249984x128xf32, #tpu.memory_space<hbm>> -> memref<32x128xf32, #tpu.memory_space<hbm>>
      %dma_start3A_930 = tpu.memref_slice %arg7[%dma_start3A_923] : memref<3x!tpu.dma_semaphore, #tpu.memory_space<semaphore_mem>> -> memref<1x!tpu.dma_semaphore, #tpu.memory_space<semaphore_mem>>
      %dma_start3A_931 = tpu.memref_squeeze %dma_start3A_930 : memref<1x!tpu.dma_semaphore, #tpu.memory_space<semaphore_mem>> -> memref<!tpu.dma_semaphore, #tpu.memory_space<semaphore_mem>>
      %dma_start3A_932 = arith.constant 0 : i32
      %dma_start3A_933 = tpu.memref_slice %arg3[%mul3A_921, %dma_start3A_932] : memref<249984x128xf32, #tpu.memory_space<hbm>> -> memref<32x128xf32, #tpu.memory_space<hbm>>
      %dma_start3A_934 = arith.constant 0 : i32
      %dma_start3A_935 = arith.constant 0 : i32
      %dma_start3A_936 = tpu.memref_slice %arg4[%dma_start3A_922, %dma_start3A_934, %dma_start3A_935] : memref<3x128x128xf32, #tpu.memory_space<vmem>> -> memref<1x32x128xf32, #tpu.memory_space<vmem>>
      %dma_start3A_937 = tpu.memref_squeeze %dma_start3A_936 : memref<1x32x128xf32, #tpu.memory_space<vmem>> -> memref<32x128xf32, #tpu.memory_space<vmem>>
      tpu.enqueue_dma source(%dma_start3A_937 : memref<32x128xf32, #tpu.memory_space<vmem>>) target(%dma_start3A_933 : memref<32x128xf32, #tpu.memory_space<hbm>>) target_semaphore(%dma_start3A_931 : memref<!tpu.dma_semaphore, #tpu.memory_space<semaphore_mem>>)
      %dma_wait3A_938 = arith.constant 0 : i32
      %dma_wait3A_939 = arith.constant 0 : i32
      %dma_wait3A_940 = arith.constant 0 : i32
      %dma_wait3A_941 = arith.constant 0 : i32
      %dma_wait3A_942 = tpu.memref_slice %arg4[%dma_wait3A_938, %dma_wait3A_940, %dma_wait3A_941] : memref<3x128x128xf32, #tpu.memory_space<vmem>> -> memref<1x32x128xf32, #tpu.memory_space<vmem>>
      %dma_wait3A_943 = tpu.memref_squeeze %dma_wait3A_942 : memref<1x32x128xf32, #tpu.memory_space<vmem>> -> memref<32x128xf32, #tpu.memory_space<vmem>>
      %dma_wait3A_944 = arith.constant 0 : i32
      %dma_wait3A_945 = tpu.memref_slice %arg3[%mul3A_921, %dma_wait3A_944] : memref<249984x128xf32, #tpu.memory_space<hbm>> -> memref<32x128xf32, #tpu.memory_space<hbm>>
      %dma_wait3A_946 = tpu.memref_slice %arg7[%dma_wait3A_939] : memref<3x!tpu.dma_semaphore, #tpu.memory_space<semaphore_mem>> -> memref<1x!tpu.dma_semaphore, #tpu.memory_space<semaphore_mem>>
      %dma_wait3A_947 = tpu.memref_squeeze %dma_wait3A_946 : memref<1x!tpu.dma_semaphore, #tpu.memory_space<semaphore_mem>> -> memref<!tpu.dma_semaphore, #tpu.memory_space<semaphore_mem>>
      %dma_wait3A_948 = arith.constant 0 : i32
      %dma_wait3A_949 = tpu.memref_slice %arg3[%mul3A_921, %dma_wait3A_948] : memref<249984x128xf32, #tpu.memory_space<hbm>> -> memref<32x128xf32, #tpu.memory_space<hbm>>
      %dma_wait3A_950 = arith.constant 0 : i32
      %dma_wait3A_951 = arith.constant 0 : i32
      %dma_wait3A_952 = tpu.memref_slice %arg4[%dma_wait3A_938, %dma_wait3A_950, %dma_wait3A_951] : memref<3x128x128xf32, #tpu.memory_space<vmem>> -> memref<1x32x128xf32, #tpu.memory_space<vmem>>
      %dma_wait3A_953 = tpu.memref_squeeze %dma_wait3A_952 : memref<1x32x128xf32, #tpu.memory_space<vmem>> -> memref<32x128xf32, #tpu.memory_space<vmem>>
      tpu.wait_dma2 semaphore(%dma_wait3A_947 : memref<!tpu.dma_semaphore, #tpu.memory_space<semaphore_mem>>) src(%dma_wait3A_953 : memref<32x128xf32, #tpu.memory_space<vmem>>) dst(%dma_wait3A_949 : memref<32x128xf32, #tpu.memory_space<hbm>>)
    } else {
    }
    return
  }
}

#map = affine_map<(d0, d1) -> (0)>
#map1 = affine_map<(d0, d1) -> (0, 0)>
module attributes {stable_mosaic.version = 14 : i64} {
  func.func @_gather_kernel(%arg0: i32, %arg1: i32, %arg2: memref<16384xi32, #tpu.memory_space<hbm>>, %arg3: memref<31997952xf32, #tpu.memory_space<hbm>>, %arg4: memref<64x32xf32, #tpu.memory_space<hbm>>, %arg5: memref<32x16384xf32, #tpu.memory_space<hbm>>, %arg6: memref<512xi32, #tpu.memory_space<vmem>>, %arg7: memref<32x512xi32, #tpu.memory_space<vmem>>, %arg8: memref<32x512xf32, #tpu.memory_space<vmem>>, %arg9: memref<64x32xf32, #tpu.memory_space<vmem>>, %arg10: memref<1024xf32, #tpu.memory_space<vmem>>, %arg11: memref<2x!tpu.dma_semaphore, #tpu.memory_space<semaphore_mem>>) attributes {dimension_semantics = [#tpu.dimension_semantics<core_parallel>, #tpu.dimension_semantics<subcore_parallel>], iteration_bounds = array<i64: 2, 16>, scalar_prefetch = 0 : i64, scratch_operands = 6 : i64, tpu.core_type = #tpu.core_type<sc_vector_subcore>, window_params = [{transform_indices = #map}, {transform_indices = #map}, {transform_indices = #map1}, {transform_indices = #map1}]} {
    %mul3A = arith.constant 2 : i32
    %mul3A_0 = arith.muli %arg1, %mul3A : i32
    %add3A = arith.addi %mul3A_0, %arg0 : i32
    %mul3A_1 = arith.constant 512 : i32
    %mul3A_2 = arith.muli %add3A, %mul3A_1 : i32
    "tpu.region"() ({
      %run_scoped3A = tpu.sem_alloc : memref<!tpu.dma_semaphore, #tpu.memory_space<semaphore_mem>>
      %dma_start3A = tpu.memref_slice %arg2[%mul3A_2] : memref<16384xi32, #tpu.memory_space<hbm>> -> memref<512xi32, #tpu.memory_space<hbm>>
      %dma_start3A_33 = tpu.memref_slice %arg2[%mul3A_2] : memref<16384xi32, #tpu.memory_space<hbm>> -> memref<512xi32, #tpu.memory_space<hbm>>
      tpu.enqueue_dma source(%dma_start3A_33 : memref<512xi32, #tpu.memory_space<hbm>>) target(%arg6 : memref<512xi32, #tpu.memory_space<vmem>>) target_semaphore(%run_scoped3A : memref<!tpu.dma_semaphore, #tpu.memory_space<semaphore_mem>>)
      %dma_wait3A_34 = tpu.memref_slice %arg2[%mul3A_2] : memref<16384xi32, #tpu.memory_space<hbm>> -> memref<512xi32, #tpu.memory_space<hbm>>
      %dma_wait3A_35 = tpu.memref_slice %arg2[%mul3A_2] : memref<16384xi32, #tpu.memory_space<hbm>> -> memref<512xi32, #tpu.memory_space<hbm>>
      tpu.wait_dma2 semaphore(%run_scoped3A : memref<!tpu.dma_semaphore, #tpu.memory_space<semaphore_mem>>) src(%dma_wait3A_35 : memref<512xi32, #tpu.memory_space<hbm>>) dst(%arg6 : memref<512xi32, #tpu.memory_space<vmem>>)
      tpu.yield
    }) : () -> ()
    "tpu.region"() ({
      %run_scoped3A = tpu.sem_alloc : memref<!tpu.dma_semaphore, #tpu.memory_space<semaphore_mem>>
      tpu.enqueue_dma source(%arg4 : memref<64x32xf32, #tpu.memory_space<hbm>>) target(%arg9 : memref<64x32xf32, #tpu.memory_space<vmem>>) target_semaphore(%run_scoped3A : memref<!tpu.dma_semaphore, #tpu.memory_space<semaphore_mem>>)
      tpu.wait_dma2 semaphore(%run_scoped3A : memref<!tpu.dma_semaphore, #tpu.memory_space<semaphore_mem>>) src(%arg4 : memref<64x32xf32, #tpu.memory_space<hbm>>) dst(%arg9 : memref<64x32xf32, #tpu.memory_space<vmem>>)
      tpu.yield
    }) : () -> ()
    %scan3A = arith.constant 0 : i32
    %scan3A_3 = arith.constant 0 : i32
    %scan3A_4 = arith.constant 32 : i32
    %scan3A_5 = arith.addi %scan3A_3, %scan3A_4 : i32
    %scan3A_6 = arith.constant 1 : i32
    scf.for %scan3A_33 = %scan3A_3 to %scan3A_5 step %scan3A_6  : i32 {
      %jit3A = arith.constant 8 : i32
      %div3A = arith.divsi %scan3A_33, %jit3A : i32
      %sign3A = arith.constant 0 : i32
      %sign3A_34 = arith.cmpi sgt, %scan3A_33, %sign3A : i32
      %sign3A_35 = arith.extui %sign3A_34 : i1 to i32
      %sign3A_36 = arith.constant 0 : i32
      %sign3A_37 = arith.cmpi slt, %scan3A_33, %sign3A_36 : i32
      %sign3A_38 = arith.extui %sign3A_37 : i1 to i32
      %sign3A_39 = arith.subi %sign3A_35, %sign3A_38 : i32
      %sign3A_40 = arith.constant 0 : i32
      %sign3A_41 = arith.cmpi sgt, %jit3A, %sign3A_40 : i32
      %sign3A_42 = arith.extui %sign3A_41 : i1 to i32
      %sign3A_43 = arith.constant 0 : i32
      %sign3A_44 = arith.cmpi slt, %jit3A, %sign3A_43 : i32
      %sign3A_45 = arith.extui %sign3A_44 : i1 to i32
      %sign3A_46 = arith.subi %sign3A_42, %sign3A_45 : i32
      %ne3A = arith.cmpi ne, %sign3A_39, %sign3A_46 : i32
      %rem3A = arith.remsi %scan3A_33, %jit3A : i32
      %ne3A_47 = arith.constant 0 : i32
      %ne3A_48 = arith.cmpi ne, %rem3A, %ne3A_47 : i32
      %and3A = arith.andi %ne3A, %ne3A_48 : i1
      %sub3A = arith.constant 1 : i32
      %sub3A_49 = arith.subi %div3A, %sub3A : i32
      %select_n3A = arith.select %and3A, %sub3A_49, %div3A : i32
      %mul3A_50 = arith.constant 7999488 : i32
      %mul3A_51 = arith.muli %select_n3A, %mul3A_50 : i32
      %jit3A_52 = arith.constant 8 : i32
      %eq3A = arith.constant 0 : i32
      %eq3A_53 = arith.cmpi eq, %jit3A_52, %eq3A : i32
      %jit3A_54 = arith.constant 1 : i32
      %select_n3A_55 = arith.select %eq3A_53, %jit3A_54, %jit3A_52 : i32
      %rem3A_56 = arith.remsi %scan3A_33, %select_n3A_55 : i32
      %ne3A_57 = arith.constant 0 : i32
      %ne3A_58 = arith.cmpi ne, %rem3A_56, %ne3A_57 : i32
      %lt3A = arith.constant 0 : i32
      %lt3A_59 = arith.cmpi slt, %rem3A_56, %lt3A : i32
      %lt3A_60 = arith.constant 0 : i32
      %lt3A_61 = arith.cmpi slt, %select_n3A_55, %lt3A_60 : i32
      %ne3A_62 = arith.xori %lt3A_59, %lt3A_61 : i1
      %and3A_63 = arith.andi %ne3A_62, %ne3A_58 : i1
      %add3A_64 = arith.addi %rem3A_56, %select_n3A_55 : i32
      %select_n3A_65 = arith.select %and3A_63, %add3A_64, %rem3A_56 : i32
      %mul3A_66 = arith.constant 128 : i32
      %mul3A_67 = arith.muli %select_n3A_65, %mul3A_66 : i32
      %add3A_68 = arith.addi %mul3A_51, %mul3A_67 : i32
      %get3A = arith.constant 0 : index
      %get3A_69 = tpu.vector_load %arg6[%get3A] {strides = array<i32>} : memref<512xi32, #tpu.memory_space<vmem>>, vector<16xi32>,
      %shift_right_arithmetic3A = arith.constant 7 : i32
      %shift_right_arithmetic3A_70 = vector.broadcast %shift_right_arithmetic3A : i32 to vector<16xi32>
      %shift_right_arithmetic3A_71 = arith.shrsi %get3A_69, %shift_right_arithmetic3A_70 : vector<16xi32>
      %shift_left3A = arith.constant 10 : i32
      %shift_left3A_72 = vector.broadcast %shift_left3A : i32 to vector<16xi32>
      %shift_left3A_73 = arith.shli %shift_right_arithmetic3A_71, %shift_left3A_72 : vector<16xi32>
      %and3A_74 = arith.constant 127 : i32
      %and3A_75 = vector.broadcast %and3A_74 : i32 to vector<16xi32>
      %and3A_76 = arith.andi %get3A_69, %and3A_75 : vector<16xi32>
      %or3A = arith.ori %shift_left3A_73, %and3A_76 : vector<16xi32>
      %add3A_77 = vector.broadcast %add3A_68 : i32 to vector<16xi32>
      %add3A_78 = arith.addi %or3A, %add3A_77 : vector<16xi32>
      %swap3A = arith.index_cast %scan3A_33 : i32 to index
      %swap3A_79 = arith.constant 0 : index
      %swap3A_80 = tpu.vector_load %arg7[%swap3A, %swap3A_79] {strides = array<i32>} : memref<32x512xi32, #tpu.memory_space<vmem>>, vector<16xi32>,
      tpu.vector_store %arg7[%swap3A, %swap3A_79], %add3A_78 {strides = array<i32>} : memref<32x512xi32, #tpu.memory_space<vmem>>, vector<16xi32>,
      %get3A_81 = arith.constant 16 : index
      %get3A_82 = tpu.vector_load %arg6[%get3A_81] {strides = array<i32>} : memref<512xi32, #tpu.memory_space<vmem>>, vector<16xi32>,
      %shift_right_arithmetic3A_83 = arith.constant 7 : i32
      %shift_right_arithmetic3A_84 = vector.broadcast %shift_right_arithmetic3A_83 : i32 to vector<16xi32>
      %shift_right_arithmetic3A_85 = arith.shrsi %get3A_82, %shift_right_arithmetic3A_84 : vector<16xi32>
      %shift_left3A_86 = arith.constant 10 : i32
      %shift_left3A_87 = vector.broadcast %shift_left3A_86 : i32 to vector<16xi32>
      %shift_left3A_88 = arith.shli %shift_right_arithmetic3A_85, %shift_left3A_87 : vector<16xi32>
      %and3A_89 = arith.constant 127 : i32
      %and3A_90 = vector.broadcast %and3A_89 : i32 to vector<16xi32>
      %and3A_91 = arith.andi %get3A_82, %and3A_90 : vector<16xi32>
      %or3A_92 = arith.ori %shift_left3A_88, %and3A_91 : vector<16xi32>
      %add3A_93 = vector.broadcast %add3A_68 : i32 to vector<16xi32>
      %add3A_94 = arith.addi %or3A_92, %add3A_93 : vector<16xi32>
      %swap3A_95 = arith.index_cast %scan3A_33 : i32 to index
      %swap3A_96 = arith.constant 16 : index
      %swap3A_97 = tpu.vector_load %arg7[%swap3A_95, %swap3A_96] {strides = array<i32>} : memref<32x512xi32, #tpu.memory_space<vmem>>, vector<16xi32>,
      tpu.vector_store %arg7[%swap3A_95, %swap3A_96], %add3A_94 {strides = array<i32>} : memref<32x512xi32, #tpu.memory_space<vmem>>, vector<16xi32>,
      %get3A_98 = arith.constant 32 : index
      %get3A_99 = tpu.vector_load %arg6[%get3A_98] {strides = array<i32>} : memref<512xi32, #tpu.memory_space<vmem>>, vector<16xi32>,
      %shift_right_arithmetic3A_100 = arith.constant 7 : i32
      %shift_right_arithmetic3A_101 = vector.broadcast %shift_right_arithmetic3A_100 : i32 to vector<16xi32>
      %shift_right_arithmetic3A_102 = arith.shrsi %get3A_99, %shift_right_arithmetic3A_101 : vector<16xi32>
      %shift_left3A_103 = arith.constant 10 : i32
      %shift_left3A_104 = vector.broadcast %shift_left3A_103 : i32 to vector<16xi32>
      %shift_left3A_105 = arith.shli %shift_right_arithmetic3A_102, %shift_left3A_104 : vector<16xi32>
      %and3A_106 = arith.constant 127 : i32
      %and3A_107 = vector.broadcast %and3A_106 : i32 to vector<16xi32>
      %and3A_108 = arith.andi %get3A_99, %and3A_107 : vector<16xi32>
      %or3A_109 = arith.ori %shift_left3A_105, %and3A_108 : vector<16xi32>
      %add3A_110 = vector.broadcast %add3A_68 : i32 to vector<16xi32>
      %add3A_111 = arith.addi %or3A_109, %add3A_110 : vector<16xi32>
      %swap3A_112 = arith.index_cast %scan3A_33 : i32 to index
      %swap3A_113 = arith.constant 32 : index
      %swap3A_114 = tpu.vector_load %arg7[%swap3A_112, %swap3A_113] {strides = array<i32>} : memref<32x512xi32, #tpu.memory_space<vmem>>, vector<16xi32>,
      tpu.vector_store %arg7[%swap3A_112, %swap3A_113], %add3A_111 {strides = array<i32>} : memref<32x512xi32, #tpu.memory_space<vmem>>, vector<16xi32>,
      %get3A_115 = arith.constant 48 : index
      %get3A_116 = tpu.vector_load %arg6[%get3A_115] {strides = array<i32>} : memref<512xi32, #tpu.memory_space<vmem>>, vector<16xi32>,
      %shift_right_arithmetic3A_117 = arith.constant 7 : i32
      %shift_right_arithmetic3A_118 = vector.broadcast %shift_right_arithmetic3A_117 : i32 to vector<16xi32>
      %shift_right_arithmetic3A_119 = arith.shrsi %get3A_116, %shift_right_arithmetic3A_118 : vector<16xi32>
      %shift_left3A_120 = arith.constant 10 : i32
      %shift_left3A_121 = vector.broadcast %shift_left3A_120 : i32 to vector<16xi32>
      %shift_left3A_122 = arith.shli %shift_right_arithmetic3A_119, %shift_left3A_121 : vector<16xi32>
      %and3A_123 = arith.constant 127 : i32
      %and3A_124 = vector.broadcast %and3A_123 : i32 to vector<16xi32>
      %and3A_125 = arith.andi %get3A_116, %and3A_124 : vector<16xi32>
      %or3A_126 = arith.ori %shift_left3A_122, %and3A_125 : vector<16xi32>
      %add3A_127 = vector.broadcast %add3A_68 : i32 to vector<16xi32>
      %add3A_128 = arith.addi %or3A_126, %add3A_127 : vector<16xi32>
      %swap3A_129 = arith.index_cast %scan3A_33 : i32 to index
      %swap3A_130 = arith.constant 48 : index
      %swap3A_131 = tpu.vector_load %arg7[%swap3A_129, %swap3A_130] {strides = array<i32>} : memref<32x512xi32, #tpu.memory_space<vmem>>, vector<16xi32>,
      tpu.vector_store %arg7[%swap3A_129, %swap3A_130], %add3A_128 {strides = array<i32>} : memref<32x512xi32, #tpu.memory_space<vmem>>, vector<16xi32>,
      %get3A_132 = arith.constant 64 : index
      %get3A_133 = tpu.vector_load %arg6[%get3A_132] {strides = array<i32>} : memref<512xi32, #tpu.memory_space<vmem>>, vector<16xi32>,
      %shift_right_arithmetic3A_134 = arith.constant 7 : i32
      %shift_right_arithmetic3A_135 = vector.broadcast %shift_right_arithmetic3A_134 : i32 to vector<16xi32>
      %shift_right_arithmetic3A_136 = arith.shrsi %get3A_133, %shift_right_arithmetic3A_135 : vector<16xi32>
      %shift_left3A_137 = arith.constant 10 : i32
      %shift_left3A_138 = vector.broadcast %shift_left3A_137 : i32 to vector<16xi32>
      %shift_left3A_139 = arith.shli %shift_right_arithmetic3A_136, %shift_left3A_138 : vector<16xi32>
      %and3A_140 = arith.constant 127 : i32
      %and3A_141 = vector.broadcast %and3A_140 : i32 to vector<16xi32>
      %and3A_142 = arith.andi %get3A_133, %and3A_141 : vector<16xi32>
      %or3A_143 = arith.ori %shift_left3A_139, %and3A_142 : vector<16xi32>
      %add3A_144 = vector.broadcast %add3A_68 : i32 to vector<16xi32>
      %add3A_145 = arith.addi %or3A_143, %add3A_144 : vector<16xi32>
      %swap3A_146 = arith.index_cast %scan3A_33 : i32 to index
      %swap3A_147 = arith.constant 64 : index
      %swap3A_148 = tpu.vector_load %arg7[%swap3A_146, %swap3A_147] {strides = array<i32>} : memref<32x512xi32, #tpu.memory_space<vmem>>, vector<16xi32>,
      tpu.vector_store %arg7[%swap3A_146, %swap3A_147], %add3A_145 {strides = array<i32>} : memref<32x512xi32, #tpu.memory_space<vmem>>, vector<16xi32>,
      %get3A_149 = arith.constant 80 : index
      %get3A_150 = tpu.vector_load %arg6[%get3A_149] {strides = array<i32>} : memref<512xi32, #tpu.memory_space<vmem>>, vector<16xi32>,
      %shift_right_arithmetic3A_151 = arith.constant 7 : i32
      %shift_right_arithmetic3A_152 = vector.broadcast %shift_right_arithmetic3A_151 : i32 to vector<16xi32>
      %shift_right_arithmetic3A_153 = arith.shrsi %get3A_150, %shift_right_arithmetic3A_152 : vector<16xi32>
      %shift_left3A_154 = arith.constant 10 : i32
      %shift_left3A_155 = vector.broadcast %shift_left3A_154 : i32 to vector<16xi32>
      %shift_left3A_156 = arith.shli %shift_right_arithmetic3A_153, %shift_left3A_155 : vector<16xi32>
      %and3A_157 = arith.constant 127 : i32
      %and3A_158 = vector.broadcast %and3A_157 : i32 to vector<16xi32>
      %and3A_159 = arith.andi %get3A_150, %and3A_158 : vector<16xi32>
      %or3A_160 = arith.ori %shift_left3A_156, %and3A_159 : vector<16xi32>
      %add3A_161 = vector.broadcast %add3A_68 : i32 to vector<16xi32>
      %add3A_162 = arith.addi %or3A_160, %add3A_161 : vector<16xi32>
      %swap3A_163 = arith.index_cast %scan3A_33 : i32 to index
      %swap3A_164 = arith.constant 80 : index
      %swap3A_165 = tpu.vector_load %arg7[%swap3A_163, %swap3A_164] {strides = array<i32>} : memref<32x512xi32, #tpu.memory_space<vmem>>, vector<16xi32>,
      tpu.vector_store %arg7[%swap3A_163, %swap3A_164], %add3A_162 {strides = array<i32>} : memref<32x512xi32, #tpu.memory_space<vmem>>, vector<16xi32>,
      %get3A_166 = arith.constant 96 : index
      %get3A_167 = tpu.vector_load %arg6[%get3A_166] {strides = array<i32>} : memref<512xi32, #tpu.memory_space<vmem>>, vector<16xi32>,
      %shift_right_arithmetic3A_168 = arith.constant 7 : i32
      %shift_right_arithmetic3A_169 = vector.broadcast %shift_right_arithmetic3A_168 : i32 to vector<16xi32>
      %shift_right_arithmetic3A_170 = arith.shrsi %get3A_167, %shift_right_arithmetic3A_169 : vector<16xi32>
      %shift_left3A_171 = arith.constant 10 : i32
      %shift_left3A_172 = vector.broadcast %shift_left3A_171 : i32 to vector<16xi32>
      %shift_left3A_173 = arith.shli %shift_right_arithmetic3A_170, %shift_left3A_172 : vector<16xi32>
      %and3A_174 = arith.constant 127 : i32
      %and3A_175 = vector.broadcast %and3A_174 : i32 to vector<16xi32>
      %and3A_176 = arith.andi %get3A_167, %and3A_175 : vector<16xi32>
      %or3A_177 = arith.ori %shift_left3A_173, %and3A_176 : vector<16xi32>
      %add3A_178 = vector.broadcast %add3A_68 : i32 to vector<16xi32>
      %add3A_179 = arith.addi %or3A_177, %add3A_178 : vector<16xi32>
      %swap3A_180 = arith.index_cast %scan3A_33 : i32 to index
      %swap3A_181 = arith.constant 96 : index
      %swap3A_182 = tpu.vector_load %arg7[%swap3A_180, %swap3A_181] {strides = array<i32>} : memref<32x512xi32, #tpu.memory_space<vmem>>, vector<16xi32>,
      tpu.vector_store %arg7[%swap3A_180, %swap3A_181], %add3A_179 {strides = array<i32>} : memref<32x512xi32, #tpu.memory_space<vmem>>, vector<16xi32>,
      %get3A_183 = arith.constant 112 : index
      %get3A_184 = tpu.vector_load %arg6[%get3A_183] {strides = array<i32>} : memref<512xi32, #tpu.memory_space<vmem>>, vector<16xi32>,
      %shift_right_arithmetic3A_185 = arith.constant 7 : i32
      %shift_right_arithmetic3A_186 = vector.broadcast %shift_right_arithmetic3A_185 : i32 to vector<16xi32>
      %shift_right_arithmetic3A_187 = arith.shrsi %get3A_184, %shift_right_arithmetic3A_186 : vector<16xi32>
      %shift_left3A_188 = arith.constant 10 : i32
      %shift_left3A_189 = vector.broadcast %shift_left3A_188 : i32 to vector<16xi32>
      %shift_left3A_190 = arith.shli %shift_right_arithmetic3A_187, %shift_left3A_189 : vector<16xi32>
      %and3A_191 = arith.constant 127 : i32
      %and3A_192 = vector.broadcast %and3A_191 : i32 to vector<16xi32>
      %and3A_193 = arith.andi %get3A_184, %and3A_192 : vector<16xi32>
      %or3A_194 = arith.ori %shift_left3A_190, %and3A_193 : vector<16xi32>
      %add3A_195 = vector.broadcast %add3A_68 : i32 to vector<16xi32>
      %add3A_196 = arith.addi %or3A_194, %add3A_195 : vector<16xi32>
      %swap3A_197 = arith.index_cast %scan3A_33 : i32 to index
      %swap3A_198 = arith.constant 112 : index
      %swap3A_199 = tpu.vector_load %arg7[%swap3A_197, %swap3A_198] {strides = array<i32>} : memref<32x512xi32, #tpu.memory_space<vmem>>, vector<16xi32>,
      tpu.vector_store %arg7[%swap3A_197, %swap3A_198], %add3A_196 {strides = array<i32>} : memref<32x512xi32, #tpu.memory_space<vmem>>, vector<16xi32>,
      %get3A_200 = arith.constant 128 : index
      %get3A_201 = tpu.vector_load %arg6[%get3A_200] {strides = array<i32>} : memref<512xi32, #tpu.memory_space<vmem>>, vector<16xi32>,
      %shift_right_arithmetic3A_202 = arith.constant 7 : i32
      %shift_right_arithmetic3A_203 = vector.broadcast %shift_right_arithmetic3A_202 : i32 to vector<16xi32>
      %shift_right_arithmetic3A_204 = arith.shrsi %get3A_201, %shift_right_arithmetic3A_203 : vector<16xi32>
      %shift_left3A_205 = arith.constant 10 : i32
      %shift_left3A_206 = vector.broadcast %shift_left3A_205 : i32 to vector<16xi32>
      %shift_left3A_207 = arith.shli %shift_right_arithmetic3A_204, %shift_left3A_206 : vector<16xi32>
      %and3A_208 = arith.constant 127 : i32
      %and3A_209 = vector.broadcast %and3A_208 : i32 to vector<16xi32>
      %and3A_210 = arith.andi %get3A_201, %and3A_209 : vector<16xi32>
      %or3A_211 = arith.ori %shift_left3A_207, %and3A_210 : vector<16xi32>
      %add3A_212 = vector.broadcast %add3A_68 : i32 to vector<16xi32>
      %add3A_213 = arith.addi %or3A_211, %add3A_212 : vector<16xi32>
      %swap3A_214 = arith.index_cast %scan3A_33 : i32 to index
      %swap3A_215 = arith.constant 128 : index
      %swap3A_216 = tpu.vector_load %arg7[%swap3A_214, %swap3A_215] {strides = array<i32>} : memref<32x512xi32, #tpu.memory_space<vmem>>, vector<16xi32>,
      tpu.vector_store %arg7[%swap3A_214, %swap3A_215], %add3A_213 {strides = array<i32>} : memref<32x512xi32, #tpu.memory_space<vmem>>, vector<16xi32>,
      %get3A_217 = arith.constant 144 : index
      %get3A_218 = tpu.vector_load %arg6[%get3A_217] {strides = array<i32>} : memref<512xi32, #tpu.memory_space<vmem>>, vector<16xi32>,
      %shift_right_arithmetic3A_219 = arith.constant 7 : i32
      %shift_right_arithmetic3A_220 = vector.broadcast %shift_right_arithmetic3A_219 : i32 to vector<16xi32>
      %shift_right_arithmetic3A_221 = arith.shrsi %get3A_218, %shift_right_arithmetic3A_220 : vector<16xi32>
      %shift_left3A_222 = arith.constant 10 : i32
      %shift_left3A_223 = vector.broadcast %shift_left3A_222 : i32 to vector<16xi32>
      %shift_left3A_224 = arith.shli %shift_right_arithmetic3A_221, %shift_left3A_223 : vector<16xi32>
      %and3A_225 = arith.constant 127 : i32
      %and3A_226 = vector.broadcast %and3A_225 : i32 to vector<16xi32>
      %and3A_227 = arith.andi %get3A_218, %and3A_226 : vector<16xi32>
      %or3A_228 = arith.ori %shift_left3A_224, %and3A_227 : vector<16xi32>
      %add3A_229 = vector.broadcast %add3A_68 : i32 to vector<16xi32>
      %add3A_230 = arith.addi %or3A_228, %add3A_229 : vector<16xi32>
      %swap3A_231 = arith.index_cast %scan3A_33 : i32 to index
      %swap3A_232 = arith.constant 144 : index
      %swap3A_233 = tpu.vector_load %arg7[%swap3A_231, %swap3A_232] {strides = array<i32>} : memref<32x512xi32, #tpu.memory_space<vmem>>, vector<16xi32>,
      tpu.vector_store %arg7[%swap3A_231, %swap3A_232], %add3A_230 {strides = array<i32>} : memref<32x512xi32, #tpu.memory_space<vmem>>, vector<16xi32>,
      %get3A_234 = arith.constant 160 : index
      %get3A_235 = tpu.vector_load %arg6[%get3A_234] {strides = array<i32>} : memref<512xi32, #tpu.memory_space<vmem>>, vector<16xi32>,
      %shift_right_arithmetic3A_236 = arith.constant 7 : i32
      %shift_right_arithmetic3A_237 = vector.broadcast %shift_right_arithmetic3A_236 : i32 to vector<16xi32>
      %shift_right_arithmetic3A_238 = arith.shrsi %get3A_235, %shift_right_arithmetic3A_237 : vector<16xi32>
      %shift_left3A_239 = arith.constant 10 : i32
      %shift_left3A_240 = vector.broadcast %shift_left3A_239 : i32 to vector<16xi32>
      %shift_left3A_241 = arith.shli %shift_right_arithmetic3A_238, %shift_left3A_240 : vector<16xi32>
      %and3A_242 = arith.constant 127 : i32
      %and3A_243 = vector.broadcast %and3A_242 : i32 to vector<16xi32>
      %and3A_244 = arith.andi %get3A_235, %and3A_243 : vector<16xi32>
      %or3A_245 = arith.ori %shift_left3A_241, %and3A_244 : vector<16xi32>
      %add3A_246 = vector.broadcast %add3A_68 : i32 to vector<16xi32>
      %add3A_247 = arith.addi %or3A_245, %add3A_246 : vector<16xi32>
      %swap3A_248 = arith.index_cast %scan3A_33 : i32 to index
      %swap3A_249 = arith.constant 160 : index
      %swap3A_250 = tpu.vector_load %arg7[%swap3A_248, %swap3A_249] {strides = array<i32>} : memref<32x512xi32, #tpu.memory_space<vmem>>, vector<16xi32>,
      tpu.vector_store %arg7[%swap3A_248, %swap3A_249], %add3A_247 {strides = array<i32>} : memref<32x512xi32, #tpu.memory_space<vmem>>, vector<16xi32>,
      %get3A_251 = arith.constant 176 : index
      %get3A_252 = tpu.vector_load %arg6[%get3A_251] {strides = array<i32>} : memref<512xi32, #tpu.memory_space<vmem>>, vector<16xi32>,
      %shift_right_arithmetic3A_253 = arith.constant 7 : i32
      %shift_right_arithmetic3A_254 = vector.broadcast %shift_right_arithmetic3A_253 : i32 to vector<16xi32>
      %shift_right_arithmetic3A_255 = arith.shrsi %get3A_252, %shift_right_arithmetic3A_254 : vector<16xi32>
      %shift_left3A_256 = arith.constant 10 : i32
      %shift_left3A_257 = vector.broadcast %shift_left3A_256 : i32 to vector<16xi32>
      %shift_left3A_258 = arith.shli %shift_right_arithmetic3A_255, %shift_left3A_257 : vector<16xi32>
      %and3A_259 = arith.constant 127 : i32
      %and3A_260 = vector.broadcast %and3A_259 : i32 to vector<16xi32>
      %and3A_261 = arith.andi %get3A_252, %and3A_260 : vector<16xi32>
      %or3A_262 = arith.ori %shift_left3A_258, %and3A_261 : vector<16xi32>
      %add3A_263 = vector.broadcast %add3A_68 : i32 to vector<16xi32>
      %add3A_264 = arith.addi %or3A_262, %add3A_263 : vector<16xi32>
      %swap3A_265 = arith.index_cast %scan3A_33 : i32 to index
      %swap3A_266 = arith.constant 176 : index
      %swap3A_267 = tpu.vector_load %arg7[%swap3A_265, %swap3A_266] {strides = array<i32>} : memref<32x512xi32, #tpu.memory_space<vmem>>, vector<16xi32>,
      tpu.vector_store %arg7[%swap3A_265, %swap3A_266], %add3A_264 {strides = array<i32>} : memref<32x512xi32, #tpu.memory_space<vmem>>, vector<16xi32>,
      %get3A_268 = arith.constant 192 : index
      %get3A_269 = tpu.vector_load %arg6[%get3A_268] {strides = array<i32>} : memref<512xi32, #tpu.memory_space<vmem>>, vector<16xi32>,
      %shift_right_arithmetic3A_270 = arith.constant 7 : i32
      %shift_right_arithmetic3A_271 = vector.broadcast %shift_right_arithmetic3A_270 : i32 to vector<16xi32>
      %shift_right_arithmetic3A_272 = arith.shrsi %get3A_269, %shift_right_arithmetic3A_271 : vector<16xi32>
      %shift_left3A_273 = arith.constant 10 : i32
      %shift_left3A_274 = vector.broadcast %shift_left3A_273 : i32 to vector<16xi32>
      %shift_left3A_275 = arith.shli %shift_right_arithmetic3A_272, %shift_left3A_274 : vector<16xi32>
      %and3A_276 = arith.constant 127 : i32
      %and3A_277 = vector.broadcast %and3A_276 : i32 to vector<16xi32>
      %and3A_278 = arith.andi %get3A_269, %and3A_277 : vector<16xi32>
      %or3A_279 = arith.ori %shift_left3A_275, %and3A_278 : vector<16xi32>
      %add3A_280 = vector.broadcast %add3A_68 : i32 to vector<16xi32>
      %add3A_281 = arith.addi %or3A_279, %add3A_280 : vector<16xi32>
      %swap3A_282 = arith.index_cast %scan3A_33 : i32 to index
      %swap3A_283 = arith.constant 192 : index
      %swap3A_284 = tpu.vector_load %arg7[%swap3A_282, %swap3A_283] {strides = array<i32>} : memref<32x512xi32, #tpu.memory_space<vmem>>, vector<16xi32>,
      tpu.vector_store %arg7[%swap3A_282, %swap3A_283], %add3A_281 {strides = array<i32>} : memref<32x512xi32, #tpu.memory_space<vmem>>, vector<16xi32>,
      %get3A_285 = arith.constant 208 : index
      %get3A_286 = tpu.vector_load %arg6[%get3A_285] {strides = array<i32>} : memref<512xi32, #tpu.memory_space<vmem>>, vector<16xi32>,
      %shift_right_arithmetic3A_287 = arith.constant 7 : i32
      %shift_right_arithmetic3A_288 = vector.broadcast %shift_right_arithmetic3A_287 : i32 to vector<16xi32>
      %shift_right_arithmetic3A_289 = arith.shrsi %get3A_286, %shift_right_arithmetic3A_288 : vector<16xi32>
      %shift_left3A_290 = arith.constant 10 : i32
      %shift_left3A_291 = vector.broadcast %shift_left3A_290 : i32 to vector<16xi32>
      %shift_left3A_292 = arith.shli %shift_right_arithmetic3A_289, %shift_left3A_291 : vector<16xi32>
      %and3A_293 = arith.constant 127 : i32
      %and3A_294 = vector.broadcast %and3A_293 : i32 to vector<16xi32>
      %and3A_295 = arith.andi %get3A_286, %and3A_294 : vector<16xi32>
      %or3A_296 = arith.ori %shift_left3A_292, %and3A_295 : vector<16xi32>
      %add3A_297 = vector.broadcast %add3A_68 : i32 to vector<16xi32>
      %add3A_298 = arith.addi %or3A_296, %add3A_297 : vector<16xi32>
      %swap3A_299 = arith.index_cast %scan3A_33 : i32 to index
      %swap3A_300 = arith.constant 208 : index
      %swap3A_301 = tpu.vector_load %arg7[%swap3A_299, %swap3A_300] {strides = array<i32>} : memref<32x512xi32, #tpu.memory_space<vmem>>, vector<16xi32>,
      tpu.vector_store %arg7[%swap3A_299, %swap3A_300], %add3A_298 {strides = array<i32>} : memref<32x512xi32, #tpu.memory_space<vmem>>, vector<16xi32>,
      %get3A_302 = arith.constant 224 : index
      %get3A_303 = tpu.vector_load %arg6[%get3A_302] {strides = array<i32>} : memref<512xi32, #tpu.memory_space<vmem>>, vector<16xi32>,
      %shift_right_arithmetic3A_304 = arith.constant 7 : i32
      %shift_right_arithmetic3A_305 = vector.broadcast %shift_right_arithmetic3A_304 : i32 to vector<16xi32>
      %shift_right_arithmetic3A_306 = arith.shrsi %get3A_303, %shift_right_arithmetic3A_305 : vector<16xi32>
      %shift_left3A_307 = arith.constant 10 : i32
      %shift_left3A_308 = vector.broadcast %shift_left3A_307 : i32 to vector<16xi32>
      %shift_left3A_309 = arith.shli %shift_right_arithmetic3A_306, %shift_left3A_308 : vector<16xi32>
      %and3A_310 = arith.constant 127 : i32
      %and3A_311 = vector.broadcast %and3A_310 : i32 to vector<16xi32>
      %and3A_312 = arith.andi %get3A_303, %and3A_311 : vector<16xi32>
      %or3A_313 = arith.ori %shift_left3A_309, %and3A_312 : vector<16xi32>
      %add3A_314 = vector.broadcast %add3A_68 : i32 to vector<16xi32>
      %add3A_315 = arith.addi %or3A_313, %add3A_314 : vector<16xi32>
      %swap3A_316 = arith.index_cast %scan3A_33 : i32 to index
      %swap3A_317 = arith.constant 224 : index
      %swap3A_318 = tpu.vector_load %arg7[%swap3A_316, %swap3A_317] {strides = array<i32>} : memref<32x512xi32, #tpu.memory_space<vmem>>, vector<16xi32>,
      tpu.vector_store %arg7[%swap3A_316, %swap3A_317], %add3A_315 {strides = array<i32>} : memref<32x512xi32, #tpu.memory_space<vmem>>, vector<16xi32>,
      %get3A_319 = arith.constant 240 : index
      %get3A_320 = tpu.vector_load %arg6[%get3A_319] {strides = array<i32>} : memref<512xi32, #tpu.memory_space<vmem>>, vector<16xi32>,
      %shift_right_arithmetic3A_321 = arith.constant 7 : i32
      %shift_right_arithmetic3A_322 = vector.broadcast %shift_right_arithmetic3A_321 : i32 to vector<16xi32>
      %shift_right_arithmetic3A_323 = arith.shrsi %get3A_320, %shift_right_arithmetic3A_322 : vector<16xi32>
      %shift_left3A_324 = arith.constant 10 : i32
      %shift_left3A_325 = vector.broadcast %shift_left3A_324 : i32 to vector<16xi32>
      %shift_left3A_326 = arith.shli %shift_right_arithmetic3A_323, %shift_left3A_325 : vector<16xi32>
      %and3A_327 = arith.constant 127 : i32
      %and3A_328 = vector.broadcast %and3A_327 : i32 to vector<16xi32>
      %and3A_329 = arith.andi %get3A_320, %and3A_328 : vector<16xi32>
      %or3A_330 = arith.ori %shift_left3A_326, %and3A_329 : vector<16xi32>
      %add3A_331 = vector.broadcast %add3A_68 : i32 to vector<16xi32>
      %add3A_332 = arith.addi %or3A_330, %add3A_331 : vector<16xi32>
      %swap3A_333 = arith.index_cast %scan3A_33 : i32 to index
      %swap3A_334 = arith.constant 240 : index
      %swap3A_335 = tpu.vector_load %arg7[%swap3A_333, %swap3A_334] {strides = array<i32>} : memref<32x512xi32, #tpu.memory_space<vmem>>, vector<16xi32>,
      tpu.vector_store %arg7[%swap3A_333, %swap3A_334], %add3A_332 {strides = array<i32>} : memref<32x512xi32, #tpu.memory_space<vmem>>, vector<16xi32>,
      %get3A_336 = arith.constant 256 : index
      %get3A_337 = tpu.vector_load %arg6[%get3A_336] {strides = array<i32>} : memref<512xi32, #tpu.memory_space<vmem>>, vector<16xi32>,
      %shift_right_arithmetic3A_338 = arith.constant 7 : i32
      %shift_right_arithmetic3A_339 = vector.broadcast %shift_right_arithmetic3A_338 : i32 to vector<16xi32>
      %shift_right_arithmetic3A_340 = arith.shrsi %get3A_337, %shift_right_arithmetic3A_339 : vector<16xi32>
      %shift_left3A_341 = arith.constant 10 : i32
      %shift_left3A_342 = vector.broadcast %shift_left3A_341 : i32 to vector<16xi32>
      %shift_left3A_343 = arith.shli %shift_right_arithmetic3A_340, %shift_left3A_342 : vector<16xi32>
      %and3A_344 = arith.constant 127 : i32
      %and3A_345 = vector.broadcast %and3A_344 : i32 to vector<16xi32>
      %and3A_346 = arith.andi %get3A_337, %and3A_345 : vector<16xi32>
      %or3A_347 = arith.ori %shift_left3A_343, %and3A_346 : vector<16xi32>
      %add3A_348 = vector.broadcast %add3A_68 : i32 to vector<16xi32>
      %add3A_349 = arith.addi %or3A_347, %add3A_348 : vector<16xi32>
      %swap3A_350 = arith.index_cast %scan3A_33 : i32 to index
      %swap3A_351 = arith.constant 256 : index
      %swap3A_352 = tpu.vector_load %arg7[%swap3A_350, %swap3A_351] {strides = array<i32>} : memref<32x512xi32, #tpu.memory_space<vmem>>, vector<16xi32>,
      tpu.vector_store %arg7[%swap3A_350, %swap3A_351], %add3A_349 {strides = array<i32>} : memref<32x512xi32, #tpu.memory_space<vmem>>, vector<16xi32>,
      %get3A_353 = arith.constant 272 : index
      %get3A_354 = tpu.vector_load %arg6[%get3A_353] {strides = array<i32>} : memref<512xi32, #tpu.memory_space<vmem>>, vector<16xi32>,
      %shift_right_arithmetic3A_355 = arith.constant 7 : i32
      %shift_right_arithmetic3A_356 = vector.broadcast %shift_right_arithmetic3A_355 : i32 to vector<16xi32>
      %shift_right_arithmetic3A_357 = arith.shrsi %get3A_354, %shift_right_arithmetic3A_356 : vector<16xi32>
      %shift_left3A_358 = arith.constant 10 : i32
      %shift_left3A_359 = vector.broadcast %shift_left3A_358 : i32 to vector<16xi32>
      %shift_left3A_360 = arith.shli %shift_right_arithmetic3A_357, %shift_left3A_359 : vector<16xi32>
      %and3A_361 = arith.constant 127 : i32
      %and3A_362 = vector.broadcast %and3A_361 : i32 to vector<16xi32>
      %and3A_363 = arith.andi %get3A_354, %and3A_362 : vector<16xi32>
      %or3A_364 = arith.ori %shift_left3A_360, %and3A_363 : vector<16xi32>
      %add3A_365 = vector.broadcast %add3A_68 : i32 to vector<16xi32>
      %add3A_366 = arith.addi %or3A_364, %add3A_365 : vector<16xi32>
      %swap3A_367 = arith.index_cast %scan3A_33 : i32 to index
      %swap3A_368 = arith.constant 272 : index
      %swap3A_369 = tpu.vector_load %arg7[%swap3A_367, %swap3A_368] {strides = array<i32>} : memref<32x512xi32, #tpu.memory_space<vmem>>, vector<16xi32>,
      tpu.vector_store %arg7[%swap3A_367, %swap3A_368], %add3A_366 {strides = array<i32>} : memref<32x512xi32, #tpu.memory_space<vmem>>, vector<16xi32>,
      %get3A_370 = arith.constant 288 : index
      %get3A_371 = tpu.vector_load %arg6[%get3A_370] {strides = array<i32>} : memref<512xi32, #tpu.memory_space<vmem>>, vector<16xi32>,
      %shift_right_arithmetic3A_372 = arith.constant 7 : i32
      %shift_right_arithmetic3A_373 = vector.broadcast %shift_right_arithmetic3A_372 : i32 to vector<16xi32>
      %shift_right_arithmetic3A_374 = arith.shrsi %get3A_371, %shift_right_arithmetic3A_373 : vector<16xi32>
      %shift_left3A_375 = arith.constant 10 : i32
      %shift_left3A_376 = vector.broadcast %shift_left3A_375 : i32 to vector<16xi32>
      %shift_left3A_377 = arith.shli %shift_right_arithmetic3A_374, %shift_left3A_376 : vector<16xi32>
      %and3A_378 = arith.constant 127 : i32
      %and3A_379 = vector.broadcast %and3A_378 : i32 to vector<16xi32>
      %and3A_380 = arith.andi %get3A_371, %and3A_379 : vector<16xi32>
      %or3A_381 = arith.ori %shift_left3A_377, %and3A_380 : vector<16xi32>
      %add3A_382 = vector.broadcast %add3A_68 : i32 to vector<16xi32>
      %add3A_383 = arith.addi %or3A_381, %add3A_382 : vector<16xi32>
      %swap3A_384 = arith.index_cast %scan3A_33 : i32 to index
      %swap3A_385 = arith.constant 288 : index
      %swap3A_386 = tpu.vector_load %arg7[%swap3A_384, %swap3A_385] {strides = array<i32>} : memref<32x512xi32, #tpu.memory_space<vmem>>, vector<16xi32>,
      tpu.vector_store %arg7[%swap3A_384, %swap3A_385], %add3A_383 {strides = array<i32>} : memref<32x512xi32, #tpu.memory_space<vmem>>, vector<16xi32>,
      %get3A_387 = arith.constant 304 : index
      %get3A_388 = tpu.vector_load %arg6[%get3A_387] {strides = array<i32>} : memref<512xi32, #tpu.memory_space<vmem>>, vector<16xi32>,
      %shift_right_arithmetic3A_389 = arith.constant 7 : i32
      %shift_right_arithmetic3A_390 = vector.broadcast %shift_right_arithmetic3A_389 : i32 to vector<16xi32>
      %shift_right_arithmetic3A_391 = arith.shrsi %get3A_388, %shift_right_arithmetic3A_390 : vector<16xi32>
      %shift_left3A_392 = arith.constant 10 : i32
      %shift_left3A_393 = vector.broadcast %shift_left3A_392 : i32 to vector<16xi32>
      %shift_left3A_394 = arith.shli %shift_right_arithmetic3A_391, %shift_left3A_393 : vector<16xi32>
      %and3A_395 = arith.constant 127 : i32
      %and3A_396 = vector.broadcast %and3A_395 : i32 to vector<16xi32>
      %and3A_397 = arith.andi %get3A_388, %and3A_396 : vector<16xi32>
      %or3A_398 = arith.ori %shift_left3A_394, %and3A_397 : vector<16xi32>
      %add3A_399 = vector.broadcast %add3A_68 : i32 to vector<16xi32>
      %add3A_400 = arith.addi %or3A_398, %add3A_399 : vector<16xi32>
      %swap3A_401 = arith.index_cast %scan3A_33 : i32 to index
      %swap3A_402 = arith.constant 304 : index
      %swap3A_403 = tpu.vector_load %arg7[%swap3A_401, %swap3A_402] {strides = array<i32>} : memref<32x512xi32, #tpu.memory_space<vmem>>, vector<16xi32>,
      tpu.vector_store %arg7[%swap3A_401, %swap3A_402], %add3A_400 {strides = array<i32>} : memref<32x512xi32, #tpu.memory_space<vmem>>, vector<16xi32>,
      %get3A_404 = arith.constant 320 : index
      %get3A_405 = tpu.vector_load %arg6[%get3A_404] {strides = array<i32>} : memref<512xi32, #tpu.memory_space<vmem>>, vector<16xi32>,
      %shift_right_arithmetic3A_406 = arith.constant 7 : i32
      %shift_right_arithmetic3A_407 = vector.broadcast %shift_right_arithmetic3A_406 : i32 to vector<16xi32>
      %shift_right_arithmetic3A_408 = arith.shrsi %get3A_405, %shift_right_arithmetic3A_407 : vector<16xi32>
      %shift_left3A_409 = arith.constant 10 : i32
      %shift_left3A_410 = vector.broadcast %shift_left3A_409 : i32 to vector<16xi32>
      %shift_left3A_411 = arith.shli %shift_right_arithmetic3A_408, %shift_left3A_410 : vector<16xi32>
      %and3A_412 = arith.constant 127 : i32
      %and3A_413 = vector.broadcast %and3A_412 : i32 to vector<16xi32>
      %and3A_414 = arith.andi %get3A_405, %and3A_413 : vector<16xi32>
      %or3A_415 = arith.ori %shift_left3A_411, %and3A_414 : vector<16xi32>
      %add3A_416 = vector.broadcast %add3A_68 : i32 to vector<16xi32>
      %add3A_417 = arith.addi %or3A_415, %add3A_416 : vector<16xi32>
      %swap3A_418 = arith.index_cast %scan3A_33 : i32 to index
      %swap3A_419 = arith.constant 320 : index
      %swap3A_420 = tpu.vector_load %arg7[%swap3A_418, %swap3A_419] {strides = array<i32>} : memref<32x512xi32, #tpu.memory_space<vmem>>, vector<16xi32>,
      tpu.vector_store %arg7[%swap3A_418, %swap3A_419], %add3A_417 {strides = array<i32>} : memref<32x512xi32, #tpu.memory_space<vmem>>, vector<16xi32>,
      %get3A_421 = arith.constant 336 : index
      %get3A_422 = tpu.vector_load %arg6[%get3A_421] {strides = array<i32>} : memref<512xi32, #tpu.memory_space<vmem>>, vector<16xi32>,
      %shift_right_arithmetic3A_423 = arith.constant 7 : i32
      %shift_right_arithmetic3A_424 = vector.broadcast %shift_right_arithmetic3A_423 : i32 to vector<16xi32>
      %shift_right_arithmetic3A_425 = arith.shrsi %get3A_422, %shift_right_arithmetic3A_424 : vector<16xi32>
      %shift_left3A_426 = arith.constant 10 : i32
      %shift_left3A_427 = vector.broadcast %shift_left3A_426 : i32 to vector<16xi32>
      %shift_left3A_428 = arith.shli %shift_right_arithmetic3A_425, %shift_left3A_427 : vector<16xi32>
      %and3A_429 = arith.constant 127 : i32
      %and3A_430 = vector.broadcast %and3A_429 : i32 to vector<16xi32>
      %and3A_431 = arith.andi %get3A_422, %and3A_430 : vector<16xi32>
      %or3A_432 = arith.ori %shift_left3A_428, %and3A_431 : vector<16xi32>
      %add3A_433 = vector.broadcast %add3A_68 : i32 to vector<16xi32>
      %add3A_434 = arith.addi %or3A_432, %add3A_433 : vector<16xi32>
      %swap3A_435 = arith.index_cast %scan3A_33 : i32 to index
      %swap3A_436 = arith.constant 336 : index
      %swap3A_437 = tpu.vector_load %arg7[%swap3A_435, %swap3A_436] {strides = array<i32>} : memref<32x512xi32, #tpu.memory_space<vmem>>, vector<16xi32>,
      tpu.vector_store %arg7[%swap3A_435, %swap3A_436], %add3A_434 {strides = array<i32>} : memref<32x512xi32, #tpu.memory_space<vmem>>, vector<16xi32>,
      %get3A_438 = arith.constant 352 : index
      %get3A_439 = tpu.vector_load %arg6[%get3A_438] {strides = array<i32>} : memref<512xi32, #tpu.memory_space<vmem>>, vector<16xi32>,
      %shift_right_arithmetic3A_440 = arith.constant 7 : i32
      %shift_right_arithmetic3A_441 = vector.broadcast %shift_right_arithmetic3A_440 : i32 to vector<16xi32>
      %shift_right_arithmetic3A_442 = arith.shrsi %get3A_439, %shift_right_arithmetic3A_441 : vector<16xi32>
      %shift_left3A_443 = arith.constant 10 : i32
      %shift_left3A_444 = vector.broadcast %shift_left3A_443 : i32 to vector<16xi32>
      %shift_left3A_445 = arith.shli %shift_right_arithmetic3A_442, %shift_left3A_444 : vector<16xi32>
      %and3A_446 = arith.constant 127 : i32
      %and3A_447 = vector.broadcast %and3A_446 : i32 to vector<16xi32>
      %and3A_448 = arith.andi %get3A_439, %and3A_447 : vector<16xi32>
      %or3A_449 = arith.ori %shift_left3A_445, %and3A_448 : vector<16xi32>
      %add3A_450 = vector.broadcast %add3A_68 : i32 to vector<16xi32>
      %add3A_451 = arith.addi %or3A_449, %add3A_450 : vector<16xi32>
      %swap3A_452 = arith.index_cast %scan3A_33 : i32 to index
      %swap3A_453 = arith.constant 352 : index
      %swap3A_454 = tpu.vector_load %arg7[%swap3A_452, %swap3A_453] {strides = array<i32>} : memref<32x512xi32, #tpu.memory_space<vmem>>, vector<16xi32>,
      tpu.vector_store %arg7[%swap3A_452, %swap3A_453], %add3A_451 {strides = array<i32>} : memref<32x512xi32, #tpu.memory_space<vmem>>, vector<16xi32>,
      %get3A_455 = arith.constant 368 : index
      %get3A_456 = tpu.vector_load %arg6[%get3A_455] {strides = array<i32>} : memref<512xi32, #tpu.memory_space<vmem>>, vector<16xi32>,
      %shift_right_arithmetic3A_457 = arith.constant 7 : i32
      %shift_right_arithmetic3A_458 = vector.broadcast %shift_right_arithmetic3A_457 : i32 to vector<16xi32>
      %shift_right_arithmetic3A_459 = arith.shrsi %get3A_456, %shift_right_arithmetic3A_458 : vector<16xi32>
      %shift_left3A_460 = arith.constant 10 : i32
      %shift_left3A_461 = vector.broadcast %shift_left3A_460 : i32 to vector<16xi32>
      %shift_left3A_462 = arith.shli %shift_right_arithmetic3A_459, %shift_left3A_461 : vector<16xi32>
      %and3A_463 = arith.constant 127 : i32
      %and3A_464 = vector.broadcast %and3A_463 : i32 to vector<16xi32>
      %and3A_465 = arith.andi %get3A_456, %and3A_464 : vector<16xi32>
      %or3A_466 = arith.ori %shift_left3A_462, %and3A_465 : vector<16xi32>
      %add3A_467 = vector.broadcast %add3A_68 : i32 to vector<16xi32>
      %add3A_468 = arith.addi %or3A_466, %add3A_467 : vector<16xi32>
      %swap3A_469 = arith.index_cast %scan3A_33 : i32 to index
      %swap3A_470 = arith.constant 368 : index
      %swap3A_471 = tpu.vector_load %arg7[%swap3A_469, %swap3A_470] {strides = array<i32>} : memref<32x512xi32, #tpu.memory_space<vmem>>, vector<16xi32>,
      tpu.vector_store %arg7[%swap3A_469, %swap3A_470], %add3A_468 {strides = array<i32>} : memref<32x512xi32, #tpu.memory_space<vmem>>, vector<16xi32>,
      %get3A_472 = arith.constant 384 : index
      %get3A_473 = tpu.vector_load %arg6[%get3A_472] {strides = array<i32>} : memref<512xi32, #tpu.memory_space<vmem>>, vector<16xi32>,
      %shift_right_arithmetic3A_474 = arith.constant 7 : i32
      %shift_right_arithmetic3A_475 = vector.broadcast %shift_right_arithmetic3A_474 : i32 to vector<16xi32>
      %shift_right_arithmetic3A_476 = arith.shrsi %get3A_473, %shift_right_arithmetic3A_475 : vector<16xi32>
      %shift_left3A_477 = arith.constant 10 : i32
      %shift_left3A_478 = vector.broadcast %shift_left3A_477 : i32 to vector<16xi32>
      %shift_left3A_479 = arith.shli %shift_right_arithmetic3A_476, %shift_left3A_478 : vector<16xi32>
      %and3A_480 = arith.constant 127 : i32
      %and3A_481 = vector.broadcast %and3A_480 : i32 to vector<16xi32>
      %and3A_482 = arith.andi %get3A_473, %and3A_481 : vector<16xi32>
      %or3A_483 = arith.ori %shift_left3A_479, %and3A_482 : vector<16xi32>
      %add3A_484 = vector.broadcast %add3A_68 : i32 to vector<16xi32>
      %add3A_485 = arith.addi %or3A_483, %add3A_484 : vector<16xi32>
      %swap3A_486 = arith.index_cast %scan3A_33 : i32 to index
      %swap3A_487 = arith.constant 384 : index
      %swap3A_488 = tpu.vector_load %arg7[%swap3A_486, %swap3A_487] {strides = array<i32>} : memref<32x512xi32, #tpu.memory_space<vmem>>, vector<16xi32>,
      tpu.vector_store %arg7[%swap3A_486, %swap3A_487], %add3A_485 {strides = array<i32>} : memref<32x512xi32, #tpu.memory_space<vmem>>, vector<16xi32>,
      %get3A_489 = arith.constant 400 : index
      %get3A_490 = tpu.vector_load %arg6[%get3A_489] {strides = array<i32>} : memref<512xi32, #tpu.memory_space<vmem>>, vector<16xi32>,
      %shift_right_arithmetic3A_491 = arith.constant 7 : i32
      %shift_right_arithmetic3A_492 = vector.broadcast %shift_right_arithmetic3A_491 : i32 to vector<16xi32>
      %shift_right_arithmetic3A_493 = arith.shrsi %get3A_490, %shift_right_arithmetic3A_492 : vector<16xi32>
      %shift_left3A_494 = arith.constant 10 : i32
      %shift_left3A_495 = vector.broadcast %shift_left3A_494 : i32 to vector<16xi32>
      %shift_left3A_496 = arith.shli %shift_right_arithmetic3A_493, %shift_left3A_495 : vector<16xi32>
      %and3A_497 = arith.constant 127 : i32
      %and3A_498 = vector.broadcast %and3A_497 : i32 to vector<16xi32>
      %and3A_499 = arith.andi %get3A_490, %and3A_498 : vector<16xi32>
      %or3A_500 = arith.ori %shift_left3A_496, %and3A_499 : vector<16xi32>
      %add3A_501 = vector.broadcast %add3A_68 : i32 to vector<16xi32>
      %add3A_502 = arith.addi %or3A_500, %add3A_501 : vector<16xi32>
      %swap3A_503 = arith.index_cast %scan3A_33 : i32 to index
      %swap3A_504 = arith.constant 400 : index
      %swap3A_505 = tpu.vector_load %arg7[%swap3A_503, %swap3A_504] {strides = array<i32>} : memref<32x512xi32, #tpu.memory_space<vmem>>, vector<16xi32>,
      tpu.vector_store %arg7[%swap3A_503, %swap3A_504], %add3A_502 {strides = array<i32>} : memref<32x512xi32, #tpu.memory_space<vmem>>, vector<16xi32>,
      %get3A_506 = arith.constant 416 : index
      %get3A_507 = tpu.vector_load %arg6[%get3A_506] {strides = array<i32>} : memref<512xi32, #tpu.memory_space<vmem>>, vector<16xi32>,
      %shift_right_arithmetic3A_508 = arith.constant 7 : i32
      %shift_right_arithmetic3A_509 = vector.broadcast %shift_right_arithmetic3A_508 : i32 to vector<16xi32>
      %shift_right_arithmetic3A_510 = arith.shrsi %get3A_507, %shift_right_arithmetic3A_509 : vector<16xi32>
      %shift_left3A_511 = arith.constant 10 : i32
      %shift_left3A_512 = vector.broadcast %shift_left3A_511 : i32 to vector<16xi32>
      %shift_left3A_513 = arith.shli %shift_right_arithmetic3A_510, %shift_left3A_512 : vector<16xi32>
      %and3A_514 = arith.constant 127 : i32
      %and3A_515 = vector.broadcast %and3A_514 : i32 to vector<16xi32>
      %and3A_516 = arith.andi %get3A_507, %and3A_515 : vector<16xi32>
      %or3A_517 = arith.ori %shift_left3A_513, %and3A_516 : vector<16xi32>
      %add3A_518 = vector.broadcast %add3A_68 : i32 to vector<16xi32>
      %add3A_519 = arith.addi %or3A_517, %add3A_518 : vector<16xi32>
      %swap3A_520 = arith.index_cast %scan3A_33 : i32 to index
      %swap3A_521 = arith.constant 416 : index
      %swap3A_522 = tpu.vector_load %arg7[%swap3A_520, %swap3A_521] {strides = array<i32>} : memref<32x512xi32, #tpu.memory_space<vmem>>, vector<16xi32>,
      tpu.vector_store %arg7[%swap3A_520, %swap3A_521], %add3A_519 {strides = array<i32>} : memref<32x512xi32, #tpu.memory_space<vmem>>, vector<16xi32>,
      %get3A_523 = arith.constant 432 : index
      %get3A_524 = tpu.vector_load %arg6[%get3A_523] {strides = array<i32>} : memref<512xi32, #tpu.memory_space<vmem>>, vector<16xi32>,
      %shift_right_arithmetic3A_525 = arith.constant 7 : i32
      %shift_right_arithmetic3A_526 = vector.broadcast %shift_right_arithmetic3A_525 : i32 to vector<16xi32>
      %shift_right_arithmetic3A_527 = arith.shrsi %get3A_524, %shift_right_arithmetic3A_526 : vector<16xi32>
      %shift_left3A_528 = arith.constant 10 : i32
      %shift_left3A_529 = vector.broadcast %shift_left3A_528 : i32 to vector<16xi32>
      %shift_left3A_530 = arith.shli %shift_right_arithmetic3A_527, %shift_left3A_529 : vector<16xi32>
      %and3A_531 = arith.constant 127 : i32
      %and3A_532 = vector.broadcast %and3A_531 : i32 to vector<16xi32>
      %and3A_533 = arith.andi %get3A_524, %and3A_532 : vector<16xi32>
      %or3A_534 = arith.ori %shift_left3A_530, %and3A_533 : vector<16xi32>
      %add3A_535 = vector.broadcast %add3A_68 : i32 to vector<16xi32>
      %add3A_536 = arith.addi %or3A_534, %add3A_535 : vector<16xi32>
      %swap3A_537 = arith.index_cast %scan3A_33 : i32 to index
      %swap3A_538 = arith.constant 432 : index
      %swap3A_539 = tpu.vector_load %arg7[%swap3A_537, %swap3A_538] {strides = array<i32>} : memref<32x512xi32, #tpu.memory_space<vmem>>, vector<16xi32>,
      tpu.vector_store %arg7[%swap3A_537, %swap3A_538], %add3A_536 {strides = array<i32>} : memref<32x512xi32, #tpu.memory_space<vmem>>, vector<16xi32>,
      %get3A_540 = arith.constant 448 : index
      %get3A_541 = tpu.vector_load %arg6[%get3A_540] {strides = array<i32>} : memref<512xi32, #tpu.memory_space<vmem>>, vector<16xi32>,
      %shift_right_arithmetic3A_542 = arith.constant 7 : i32
      %shift_right_arithmetic3A_543 = vector.broadcast %shift_right_arithmetic3A_542 : i32 to vector<16xi32>
      %shift_right_arithmetic3A_544 = arith.shrsi %get3A_541, %shift_right_arithmetic3A_543 : vector<16xi32>
      %shift_left3A_545 = arith.constant 10 : i32
      %shift_left3A_546 = vector.broadcast %shift_left3A_545 : i32 to vector<16xi32>
      %shift_left3A_547 = arith.shli %shift_right_arithmetic3A_544, %shift_left3A_546 : vector<16xi32>
      %and3A_548 = arith.constant 127 : i32
      %and3A_549 = vector.broadcast %and3A_548 : i32 to vector<16xi32>
      %and3A_550 = arith.andi %get3A_541, %and3A_549 : vector<16xi32>
      %or3A_551 = arith.ori %shift_left3A_547, %and3A_550 : vector<16xi32>
      %add3A_552 = vector.broadcast %add3A_68 : i32 to vector<16xi32>
      %add3A_553 = arith.addi %or3A_551, %add3A_552 : vector<16xi32>
      %swap3A_554 = arith.index_cast %scan3A_33 : i32 to index
      %swap3A_555 = arith.constant 448 : index
      %swap3A_556 = tpu.vector_load %arg7[%swap3A_554, %swap3A_555] {strides = array<i32>} : memref<32x512xi32, #tpu.memory_space<vmem>>, vector<16xi32>,
      tpu.vector_store %arg7[%swap3A_554, %swap3A_555], %add3A_553 {strides = array<i32>} : memref<32x512xi32, #tpu.memory_space<vmem>>, vector<16xi32>,
      %get3A_557 = arith.constant 464 : index
      %get3A_558 = tpu.vector_load %arg6[%get3A_557] {strides = array<i32>} : memref<512xi32, #tpu.memory_space<vmem>>, vector<16xi32>,
      %shift_right_arithmetic3A_559 = arith.constant 7 : i32
      %shift_right_arithmetic3A_560 = vector.broadcast %shift_right_arithmetic3A_559 : i32 to vector<16xi32>
      %shift_right_arithmetic3A_561 = arith.shrsi %get3A_558, %shift_right_arithmetic3A_560 : vector<16xi32>
      %shift_left3A_562 = arith.constant 10 : i32
      %shift_left3A_563 = vector.broadcast %shift_left3A_562 : i32 to vector<16xi32>
      %shift_left3A_564 = arith.shli %shift_right_arithmetic3A_561, %shift_left3A_563 : vector<16xi32>
      %and3A_565 = arith.constant 127 : i32
      %and3A_566 = vector.broadcast %and3A_565 : i32 to vector<16xi32>
      %and3A_567 = arith.andi %get3A_558, %and3A_566 : vector<16xi32>
      %or3A_568 = arith.ori %shift_left3A_564, %and3A_567 : vector<16xi32>
      %add3A_569 = vector.broadcast %add3A_68 : i32 to vector<16xi32>
      %add3A_570 = arith.addi %or3A_568, %add3A_569 : vector<16xi32>
      %swap3A_571 = arith.index_cast %scan3A_33 : i32 to index
      %swap3A_572 = arith.constant 464 : index
      %swap3A_573 = tpu.vector_load %arg7[%swap3A_571, %swap3A_572] {strides = array<i32>} : memref<32x512xi32, #tpu.memory_space<vmem>>, vector<16xi32>,
      tpu.vector_store %arg7[%swap3A_571, %swap3A_572], %add3A_570 {strides = array<i32>} : memref<32x512xi32, #tpu.memory_space<vmem>>, vector<16xi32>,
      %get3A_574 = arith.constant 480 : index
      %get3A_575 = tpu.vector_load %arg6[%get3A_574] {strides = array<i32>} : memref<512xi32, #tpu.memory_space<vmem>>, vector<16xi32>,
      %shift_right_arithmetic3A_576 = arith.constant 7 : i32
      %shift_right_arithmetic3A_577 = vector.broadcast %shift_right_arithmetic3A_576 : i32 to vector<16xi32>
      %shift_right_arithmetic3A_578 = arith.shrsi %get3A_575, %shift_right_arithmetic3A_577 : vector<16xi32>
      %shift_left3A_579 = arith.constant 10 : i32
      %shift_left3A_580 = vector.broadcast %shift_left3A_579 : i32 to vector<16xi32>
      %shift_left3A_581 = arith.shli %shift_right_arithmetic3A_578, %shift_left3A_580 : vector<16xi32>
      %and3A_582 = arith.constant 127 : i32
      %and3A_583 = vector.broadcast %and3A_582 : i32 to vector<16xi32>
      %and3A_584 = arith.andi %get3A_575, %and3A_583 : vector<16xi32>
      %or3A_585 = arith.ori %shift_left3A_581, %and3A_584 : vector<16xi32>
      %add3A_586 = vector.broadcast %add3A_68 : i32 to vector<16xi32>
      %add3A_587 = arith.addi %or3A_585, %add3A_586 : vector<16xi32>
      %swap3A_588 = arith.index_cast %scan3A_33 : i32 to index
      %swap3A_589 = arith.constant 480 : index
      %swap3A_590 = tpu.vector_load %arg7[%swap3A_588, %swap3A_589] {strides = array<i32>} : memref<32x512xi32, #tpu.memory_space<vmem>>, vector<16xi32>,
      tpu.vector_store %arg7[%swap3A_588, %swap3A_589], %add3A_587 {strides = array<i32>} : memref<32x512xi32, #tpu.memory_space<vmem>>, vector<16xi32>,
      %get3A_591 = arith.constant 496 : index
      %get3A_592 = tpu.vector_load %arg6[%get3A_591] {strides = array<i32>} : memref<512xi32, #tpu.memory_space<vmem>>, vector<16xi32>,
      %shift_right_arithmetic3A_593 = arith.constant 7 : i32
      %shift_right_arithmetic3A_594 = vector.broadcast %shift_right_arithmetic3A_593 : i32 to vector<16xi32>
      %shift_right_arithmetic3A_595 = arith.shrsi %get3A_592, %shift_right_arithmetic3A_594 : vector<16xi32>
      %shift_left3A_596 = arith.constant 10 : i32
      %shift_left3A_597 = vector.broadcast %shift_left3A_596 : i32 to vector<16xi32>
      %shift_left3A_598 = arith.shli %shift_right_arithmetic3A_595, %shift_left3A_597 : vector<16xi32>
      %and3A_599 = arith.constant 127 : i32
      %and3A_600 = vector.broadcast %and3A_599 : i32 to vector<16xi32>
      %and3A_601 = arith.andi %get3A_592, %and3A_600 : vector<16xi32>
      %or3A_602 = arith.ori %shift_left3A_598, %and3A_601 : vector<16xi32>
      %add3A_603 = vector.broadcast %add3A_68 : i32 to vector<16xi32>
      %add3A_604 = arith.addi %or3A_602, %add3A_603 : vector<16xi32>
      %swap3A_605 = arith.index_cast %scan3A_33 : i32 to index
      %swap3A_606 = arith.constant 496 : index
      %swap3A_607 = tpu.vector_load %arg7[%swap3A_605, %swap3A_606] {strides = array<i32>} : memref<32x512xi32, #tpu.memory_space<vmem>>, vector<16xi32>,
      tpu.vector_store %arg7[%swap3A_605, %swap3A_606], %add3A_604 {strides = array<i32>} : memref<32x512xi32, #tpu.memory_space<vmem>>, vector<16xi32>,
    }
    %scan3A_7 = arith.constant 32 : i32
    %scan3A_8 = arith.constant 0 : i32
    %scan3A_9 = arith.constant 0 : i32
    %scan3A_10 = arith.constant 16 : i32
    %scan3A_11 = arith.addi %scan3A_9, %scan3A_10 : i32
    %scan3A_12 = arith.constant 1 : i32
    scf.for %scan3A_33 = %scan3A_9 to %scan3A_11 step %scan3A_12  : i32 {
      %jit3A = arith.constant 2 : i32
      %eq3A = arith.constant 0 : i32
      %eq3A_34 = arith.cmpi eq, %jit3A, %eq3A : i32
      %jit3A_35 = arith.constant 1 : i32
      %select_n3A = arith.select %eq3A_34, %jit3A_35, %jit3A : i32
      %rem3A = arith.remsi %scan3A_33, %select_n3A : i32
      %ne3A = arith.constant 0 : i32
      %ne3A_36 = arith.cmpi ne, %rem3A, %ne3A : i32
      %lt3A = arith.constant 0 : i32
      %lt3A_37 = arith.cmpi slt, %rem3A, %lt3A : i32
      %lt3A_38 = arith.constant 0 : i32
      %lt3A_39 = arith.cmpi slt, %select_n3A, %lt3A_38 : i32
      %ne3A_40 = arith.xori %lt3A_37, %lt3A_39 : i1
      %and3A = arith.andi %ne3A_40, %ne3A_36 : i1
      %add3A_41 = arith.addi %rem3A, %select_n3A : i32
      %select_n3A_42 = arith.select %and3A, %add3A_41, %rem3A : i32
      %ge3A = arith.constant 2 : i32
      %ge3A_43 = arith.cmpi sge, %scan3A_33, %ge3A : i32
      %convert_element_type3A = arith.extui %ge3A_43 : i1 to i32
      %cond3A = arith.constant 0 : i32
      %cond3A_44 = arith.cmpi ne, %convert_element_type3A, %cond3A : i32
      scf.if %cond3A_44 {
        %dma_wait3A_473 = arith.constant 0 : i32
        %dma_wait3A_474 = tpu.memref_slice %arg3[%dma_wait3A_473] : memref<31997952xf32, #tpu.memory_space<hbm>> -> memref<1024xf32, #tpu.memory_space<hbm>>
        %dma_wait3A_475 = tpu.memref_slice %arg11[%select_n3A_42] : memref<2x!tpu.dma_semaphore, #tpu.memory_space<semaphore_mem>> -> memref<1x!tpu.dma_semaphore, #tpu.memory_space<semaphore_mem>>
        %dma_wait3A_476 = tpu.memref_squeeze %dma_wait3A_475 : memref<1x!tpu.dma_semaphore, #tpu.memory_space<semaphore_mem>> -> memref<!tpu.dma_semaphore, #tpu.memory_space<semaphore_mem>>
        %dma_wait3A_477 = arith.constant 0 : i32
        %dma_wait3A_478 = tpu.memref_slice %arg3[%dma_wait3A_477] : memref<31997952xf32, #tpu.memory_space<hbm>> -> memref<1024xf32, #tpu.memory_space<hbm>>
        tpu.wait_dma2 semaphore(%dma_wait3A_476 : memref<!tpu.dma_semaphore, #tpu.memory_space<semaphore_mem>>) src(%dma_wait3A_478 : memref<1024xf32, #tpu.memory_space<hbm>>) dst(%arg10 : memref<1024xf32, #tpu.memory_space<vmem>>)
      } else {
      }
      %mul3A_45 = arith.constant 8 : i32
      %mul3A_46 = arith.muli %scan3A_33, %mul3A_45 : i32
      %add3A_47 = arith.constant 0 : i32
      %add3A_48 = arith.addi %mul3A_46, %add3A_47 : i32
      %jit3A_49 = arith.constant 4 : i32
      %div3A = arith.divsi %add3A_48, %jit3A_49 : i32
      %sign3A = arith.constant 0 : i32
      %sign3A_50 = arith.cmpi sgt, %add3A_48, %sign3A : i32
      %sign3A_51 = arith.extui %sign3A_50 : i1 to i32
      %sign3A_52 = arith.constant 0 : i32
      %sign3A_53 = arith.cmpi slt, %add3A_48, %sign3A_52 : i32
      %sign3A_54 = arith.extui %sign3A_53 : i1 to i32
      %sign3A_55 = arith.subi %sign3A_51, %sign3A_54 : i32
      %sign3A_56 = arith.constant 0 : i32
      %sign3A_57 = arith.cmpi sgt, %jit3A_49, %sign3A_56 : i32
      %sign3A_58 = arith.extui %sign3A_57 : i1 to i32
      %sign3A_59 = arith.constant 0 : i32
      %sign3A_60 = arith.cmpi slt, %jit3A_49, %sign3A_59 : i32
      %sign3A_61 = arith.extui %sign3A_60 : i1 to i32
      %sign3A_62 = arith.subi %sign3A_58, %sign3A_61 : i32
      %ne3A_63 = arith.cmpi ne, %sign3A_55, %sign3A_62 : i32
      %rem3A_64 = arith.remsi %add3A_48, %jit3A_49 : i32
      %ne3A_65 = arith.constant 0 : i32
      %ne3A_66 = arith.cmpi ne, %rem3A_64, %ne3A_65 : i32
      %and3A_67 = arith.andi %ne3A_63, %ne3A_66 : i1
      %sub3A = arith.constant 1 : i32
      %sub3A_68 = arith.subi %div3A, %sub3A : i32
      %select_n3A_69 = arith.select %and3A_67, %sub3A_68, %div3A : i32
      %jit3A_70 = arith.constant 4 : i32
      %eq3A_71 = arith.constant 0 : i32
      %eq3A_72 = arith.cmpi eq, %jit3A_70, %eq3A_71 : i32
      %jit3A_73 = arith.constant 1 : i32
      %select_n3A_74 = arith.select %eq3A_72, %jit3A_73, %jit3A_70 : i32
      %rem3A_75 = arith.remsi %add3A_48, %select_n3A_74 : i32
      %ne3A_76 = arith.constant 0 : i32
      %ne3A_77 = arith.cmpi ne, %rem3A_75, %ne3A_76 : i32
      %lt3A_78 = arith.constant 0 : i32
      %lt3A_79 = arith.cmpi slt, %rem3A_75, %lt3A_78 : i32
      %lt3A_80 = arith.constant 0 : i32
      %lt3A_81 = arith.cmpi slt, %select_n3A_74, %lt3A_80 : i32
      %ne3A_82 = arith.xori %lt3A_79, %lt3A_81 : i1
      %and3A_83 = arith.andi %ne3A_82, %ne3A_77 : i1
      %add3A_84 = arith.addi %rem3A_75, %select_n3A_74 : i32
      %select_n3A_85 = arith.select %and3A_83, %add3A_84, %rem3A_75 : i32
      %mul3A_86 = arith.constant 128 : i32
      %mul3A_87 = arith.muli %select_n3A_85, %mul3A_86 : i32
      %dma_start3A = tpu.memref_slice %arg8[%select_n3A_69, %mul3A_87] : memref<32x512xf32, #tpu.memory_space<vmem>> -> memref<1x128xf32, #tpu.memory_space<vmem>>
      %dma_start3A_88 = tpu.memref_squeeze %dma_start3A : memref<1x128xf32, #tpu.memory_space<vmem>> -> memref<128xf32, #tpu.memory_space<vmem>>
      %dma_start3A_89 = tpu.memref_slice %arg7[%select_n3A_69, %mul3A_87] : memref<32x512xi32, #tpu.memory_space<vmem>> -> memref<1x128xi32, #tpu.memory_space<vmem>>
      %dma_start3A_90 = tpu.memref_squeeze %dma_start3A_89 : memref<1x128xi32, #tpu.memory_space<vmem>> -> memref<128xi32, #tpu.memory_space<vmem>>
      %dma_start3A_91 = arith.constant 0 : i32
      %dma_start3A_92 = tpu.memref_slice %arg3[%dma_start3A_91] : memref<31997952xf32, #tpu.memory_space<hbm>> -> memref<31997952xf32, #tpu.memory_space<hbm>>
      %dma_start3A_93 = tpu.memref_slice %arg11[%select_n3A_42] : memref<2x!tpu.dma_semaphore, #tpu.memory_space<semaphore_mem>> -> memref<1x!tpu.dma_semaphore, #tpu.memory_space<semaphore_mem>>
      %dma_start3A_94 = tpu.memref_squeeze %dma_start3A_93 : memref<1x!tpu.dma_semaphore, #tpu.memory_space<semaphore_mem>> -> memref<!tpu.dma_semaphore, #tpu.memory_space<semaphore_mem>>
      tpu.enqueue_indirect_dma source(%dma_start3A_92 : memref<31997952xf32, #tpu.memory_space<hbm>>) target(%dma_start3A_88 : memref<128xf32, #tpu.memory_space<vmem>>) offsets(%dma_start3A_90 : memref<128xi32, #tpu.memory_space<vmem>>) semaphore(%dma_start3A_94 : memref<!tpu.dma_semaphore, #tpu.memory_space<semaphore_mem>>)
      %mul3A_95 = arith.constant 8 : i32
      %mul3A_96 = arith.muli %scan3A_33, %mul3A_95 : i32
      %add3A_97 = arith.constant 1 : i32
      %add3A_98 = arith.addi %mul3A_96, %add3A_97 : i32
      %jit3A_99 = arith.constant 4 : i32
      %div3A_100 = arith.divsi %add3A_98, %jit3A_99 : i32
      %sign3A_101 = arith.constant 0 : i32
      %sign3A_102 = arith.cmpi sgt, %add3A_98, %sign3A_101 : i32
      %sign3A_103 = arith.extui %sign3A_102 : i1 to i32
      %sign3A_104 = arith.constant 0 : i32
      %sign3A_105 = arith.cmpi slt, %add3A_98, %sign3A_104 : i32
      %sign3A_106 = arith.extui %sign3A_105 : i1 to i32
      %sign3A_107 = arith.subi %sign3A_103, %sign3A_106 : i32
      %sign3A_108 = arith.constant 0 : i32
      %sign3A_109 = arith.cmpi sgt, %jit3A_99, %sign3A_108 : i32
      %sign3A_110 = arith.extui %sign3A_109 : i1 to i32
      %sign3A_111 = arith.constant 0 : i32
      %sign3A_112 = arith.cmpi slt, %jit3A_99, %sign3A_111 : i32
      %sign3A_113 = arith.extui %sign3A_112 : i1 to i32
      %sign3A_114 = arith.subi %sign3A_110, %sign3A_113 : i32
      %ne3A_115 = arith.cmpi ne, %sign3A_107, %sign3A_114 : i32
      %rem3A_116 = arith.remsi %add3A_98, %jit3A_99 : i32
      %ne3A_117 = arith.constant 0 : i32
      %ne3A_118 = arith.cmpi ne, %rem3A_116, %ne3A_117 : i32
      %and3A_119 = arith.andi %ne3A_115, %ne3A_118 : i1
      %sub3A_120 = arith.constant 1 : i32
      %sub3A_121 = arith.subi %div3A_100, %sub3A_120 : i32
      %select_n3A_122 = arith.select %and3A_119, %sub3A_121, %div3A_100 : i32
      %jit3A_123 = arith.constant 4 : i32
      %eq3A_124 = arith.constant 0 : i32
      %eq3A_125 = arith.cmpi eq, %jit3A_123, %eq3A_124 : i32
      %jit3A_126 = arith.constant 1 : i32
      %select_n3A_127 = arith.select %eq3A_125, %jit3A_126, %jit3A_123 : i32
      %rem3A_128 = arith.remsi %add3A_98, %select_n3A_127 : i32
      %ne3A_129 = arith.constant 0 : i32
      %ne3A_130 = arith.cmpi ne, %rem3A_128, %ne3A_129 : i32
      %lt3A_131 = arith.constant 0 : i32
      %lt3A_132 = arith.cmpi slt, %rem3A_128, %lt3A_131 : i32
      %lt3A_133 = arith.constant 0 : i32
      %lt3A_134 = arith.cmpi slt, %select_n3A_127, %lt3A_133 : i32
      %ne3A_135 = arith.xori %lt3A_132, %lt3A_134 : i1
      %and3A_136 = arith.andi %ne3A_135, %ne3A_130 : i1
      %add3A_137 = arith.addi %rem3A_128, %select_n3A_127 : i32
      %select_n3A_138 = arith.select %and3A_136, %add3A_137, %rem3A_128 : i32
      %mul3A_139 = arith.constant 128 : i32
      %mul3A_140 = arith.muli %select_n3A_138, %mul3A_139 : i32
      %dma_start3A_141 = tpu.memref_slice %arg8[%select_n3A_122, %mul3A_140] : memref<32x512xf32, #tpu.memory_space<vmem>> -> memref<1x128xf32, #tpu.memory_space<vmem>>
      %dma_start3A_142 = tpu.memref_squeeze %dma_start3A_141 : memref<1x128xf32, #tpu.memory_space<vmem>> -> memref<128xf32, #tpu.memory_space<vmem>>
      %dma_start3A_143 = tpu.memref_slice %arg7[%select_n3A_122, %mul3A_140] : memref<32x512xi32, #tpu.memory_space<vmem>> -> memref<1x128xi32, #tpu.memory_space<vmem>>
      %dma_start3A_144 = tpu.memref_squeeze %dma_start3A_143 : memref<1x128xi32, #tpu.memory_space<vmem>> -> memref<128xi32, #tpu.memory_space<vmem>>
      %dma_start3A_145 = arith.constant 0 : i32
      %dma_start3A_146 = tpu.memref_slice %arg3[%dma_start3A_145] : memref<31997952xf32, #tpu.memory_space<hbm>> -> memref<31997952xf32, #tpu.memory_space<hbm>>
      %dma_start3A_147 = tpu.memref_slice %arg11[%select_n3A_42] : memref<2x!tpu.dma_semaphore, #tpu.memory_space<semaphore_mem>> -> memref<1x!tpu.dma_semaphore, #tpu.memory_space<semaphore_mem>>
      %dma_start3A_148 = tpu.memref_squeeze %dma_start3A_147 : memref<1x!tpu.dma_semaphore, #tpu.memory_space<semaphore_mem>> -> memref<!tpu.dma_semaphore, #tpu.memory_space<semaphore_mem>>
      tpu.enqueue_indirect_dma source(%dma_start3A_146 : memref<31997952xf32, #tpu.memory_space<hbm>>) target(%dma_start3A_142 : memref<128xf32, #tpu.memory_space<vmem>>) offsets(%dma_start3A_144 : memref<128xi32, #tpu.memory_space<vmem>>) semaphore(%dma_start3A_148 : memref<!tpu.dma_semaphore, #tpu.memory_space<semaphore_mem>>)
      %mul3A_149 = arith.constant 8 : i32
      %mul3A_150 = arith.muli %scan3A_33, %mul3A_149 : i32
      %add3A_151 = arith.constant 2 : i32
      %add3A_152 = arith.addi %mul3A_150, %add3A_151 : i32
      %jit3A_153 = arith.constant 4 : i32
      %div3A_154 = arith.divsi %add3A_152, %jit3A_153 : i32
      %sign3A_155 = arith.constant 0 : i32
      %sign3A_156 = arith.cmpi sgt, %add3A_152, %sign3A_155 : i32
      %sign3A_157 = arith.extui %sign3A_156 : i1 to i32
      %sign3A_158 = arith.constant 0 : i32
      %sign3A_159 = arith.cmpi slt, %add3A_152, %sign3A_158 : i32
      %sign3A_160 = arith.extui %sign3A_159 : i1 to i32
      %sign3A_161 = arith.subi %sign3A_157, %sign3A_160 : i32
      %sign3A_162 = arith.constant 0 : i32
      %sign3A_163 = arith.cmpi sgt, %jit3A_153, %sign3A_162 : i32
      %sign3A_164 = arith.extui %sign3A_163 : i1 to i32
      %sign3A_165 = arith.constant 0 : i32
      %sign3A_166 = arith.cmpi slt, %jit3A_153, %sign3A_165 : i32
      %sign3A_167 = arith.extui %sign3A_166 : i1 to i32
      %sign3A_168 = arith.subi %sign3A_164, %sign3A_167 : i32
      %ne3A_169 = arith.cmpi ne, %sign3A_161, %sign3A_168 : i32
      %rem3A_170 = arith.remsi %add3A_152, %jit3A_153 : i32
      %ne3A_171 = arith.constant 0 : i32
      %ne3A_172 = arith.cmpi ne, %rem3A_170, %ne3A_171 : i32
      %and3A_173 = arith.andi %ne3A_169, %ne3A_172 : i1
      %sub3A_174 = arith.constant 1 : i32
      %sub3A_175 = arith.subi %div3A_154, %sub3A_174 : i32
      %select_n3A_176 = arith.select %and3A_173, %sub3A_175, %div3A_154 : i32
      %jit3A_177 = arith.constant 4 : i32
      %eq3A_178 = arith.constant 0 : i32
      %eq3A_179 = arith.cmpi eq, %jit3A_177, %eq3A_178 : i32
      %jit3A_180 = arith.constant 1 : i32
      %select_n3A_181 = arith.select %eq3A_179, %jit3A_180, %jit3A_177 : i32
      %rem3A_182 = arith.remsi %add3A_152, %select_n3A_181 : i32
      %ne3A_183 = arith.constant 0 : i32
      %ne3A_184 = arith.cmpi ne, %rem3A_182, %ne3A_183 : i32
      %lt3A_185 = arith.constant 0 : i32
      %lt3A_186 = arith.cmpi slt, %rem3A_182, %lt3A_185 : i32
      %lt3A_187 = arith.constant 0 : i32
      %lt3A_188 = arith.cmpi slt, %select_n3A_181, %lt3A_187 : i32
      %ne3A_189 = arith.xori %lt3A_186, %lt3A_188 : i1
      %and3A_190 = arith.andi %ne3A_189, %ne3A_184 : i1
      %add3A_191 = arith.addi %rem3A_182, %select_n3A_181 : i32
      %select_n3A_192 = arith.select %and3A_190, %add3A_191, %rem3A_182 : i32
      %mul3A_193 = arith.constant 128 : i32
      %mul3A_194 = arith.muli %select_n3A_192, %mul3A_193 : i32
      %dma_start3A_195 = tpu.memref_slice %arg8[%select_n3A_176, %mul3A_194] : memref<32x512xf32, #tpu.memory_space<vmem>> -> memref<1x128xf32, #tpu.memory_space<vmem>>
      %dma_start3A_196 = tpu.memref_squeeze %dma_start3A_195 : memref<1x128xf32, #tpu.memory_space<vmem>> -> memref<128xf32, #tpu.memory_space<vmem>>
      %dma_start3A_197 = tpu.memref_slice %arg7[%select_n3A_176, %mul3A_194] : memref<32x512xi32, #tpu.memory_space<vmem>> -> memref<1x128xi32, #tpu.memory_space<vmem>>
      %dma_start3A_198 = tpu.memref_squeeze %dma_start3A_197 : memref<1x128xi32, #tpu.memory_space<vmem>> -> memref<128xi32, #tpu.memory_space<vmem>>
      %dma_start3A_199 = arith.constant 0 : i32
      %dma_start3A_200 = tpu.memref_slice %arg3[%dma_start3A_199] : memref<31997952xf32, #tpu.memory_space<hbm>> -> memref<31997952xf32, #tpu.memory_space<hbm>>
      %dma_start3A_201 = tpu.memref_slice %arg11[%select_n3A_42] : memref<2x!tpu.dma_semaphore, #tpu.memory_space<semaphore_mem>> -> memref<1x!tpu.dma_semaphore, #tpu.memory_space<semaphore_mem>>
      %dma_start3A_202 = tpu.memref_squeeze %dma_start3A_201 : memref<1x!tpu.dma_semaphore, #tpu.memory_space<semaphore_mem>> -> memref<!tpu.dma_semaphore, #tpu.memory_space<semaphore_mem>>
      tpu.enqueue_indirect_dma source(%dma_start3A_200 : memref<31997952xf32, #tpu.memory_space<hbm>>) target(%dma_start3A_196 : memref<128xf32, #tpu.memory_space<vmem>>) offsets(%dma_start3A_198 : memref<128xi32, #tpu.memory_space<vmem>>) semaphore(%dma_start3A_202 : memref<!tpu.dma_semaphore, #tpu.memory_space<semaphore_mem>>)
      %mul3A_203 = arith.constant 8 : i32
      %mul3A_204 = arith.muli %scan3A_33, %mul3A_203 : i32
      %add3A_205 = arith.constant 3 : i32
      %add3A_206 = arith.addi %mul3A_204, %add3A_205 : i32
      %jit3A_207 = arith.constant 4 : i32
      %div3A_208 = arith.divsi %add3A_206, %jit3A_207 : i32
      %sign3A_209 = arith.constant 0 : i32
      %sign3A_210 = arith.cmpi sgt, %add3A_206, %sign3A_209 : i32
      %sign3A_211 = arith.extui %sign3A_210 : i1 to i32
      %sign3A_212 = arith.constant 0 : i32
      %sign3A_213 = arith.cmpi slt, %add3A_206, %sign3A_212 : i32
      %sign3A_214 = arith.extui %sign3A_213 : i1 to i32
      %sign3A_215 = arith.subi %sign3A_211, %sign3A_214 : i32
      %sign3A_216 = arith.constant 0 : i32
      %sign3A_217 = arith.cmpi sgt, %jit3A_207, %sign3A_216 : i32
      %sign3A_218 = arith.extui %sign3A_217 : i1 to i32
      %sign3A_219 = arith.constant 0 : i32
      %sign3A_220 = arith.cmpi slt, %jit3A_207, %sign3A_219 : i32
      %sign3A_221 = arith.extui %sign3A_220 : i1 to i32
      %sign3A_222 = arith.subi %sign3A_218, %sign3A_221 : i32
      %ne3A_223 = arith.cmpi ne, %sign3A_215, %sign3A_222 : i32
      %rem3A_224 = arith.remsi %add3A_206, %jit3A_207 : i32
      %ne3A_225 = arith.constant 0 : i32
      %ne3A_226 = arith.cmpi ne, %rem3A_224, %ne3A_225 : i32
      %and3A_227 = arith.andi %ne3A_223, %ne3A_226 : i1
      %sub3A_228 = arith.constant 1 : i32
      %sub3A_229 = arith.subi %div3A_208, %sub3A_228 : i32
      %select_n3A_230 = arith.select %and3A_227, %sub3A_229, %div3A_208 : i32
      %jit3A_231 = arith.constant 4 : i32
      %eq3A_232 = arith.constant 0 : i32
      %eq3A_233 = arith.cmpi eq, %jit3A_231, %eq3A_232 : i32
      %jit3A_234 = arith.constant 1 : i32
      %select_n3A_235 = arith.select %eq3A_233, %jit3A_234, %jit3A_231 : i32
      %rem3A_236 = arith.remsi %add3A_206, %select_n3A_235 : i32
      %ne3A_237 = arith.constant 0 : i32
      %ne3A_238 = arith.cmpi ne, %rem3A_236, %ne3A_237 : i32
      %lt3A_239 = arith.constant 0 : i32
      %lt3A_240 = arith.cmpi slt, %rem3A_236, %lt3A_239 : i32
      %lt3A_241 = arith.constant 0 : i32
      %lt3A_242 = arith.cmpi slt, %select_n3A_235, %lt3A_241 : i32
      %ne3A_243 = arith.xori %lt3A_240, %lt3A_242 : i1
      %and3A_244 = arith.andi %ne3A_243, %ne3A_238 : i1
      %add3A_245 = arith.addi %rem3A_236, %select_n3A_235 : i32
      %select_n3A_246 = arith.select %and3A_244, %add3A_245, %rem3A_236 : i32
      %mul3A_247 = arith.constant 128 : i32
      %mul3A_248 = arith.muli %select_n3A_246, %mul3A_247 : i32
      %dma_start3A_249 = tpu.memref_slice %arg8[%select_n3A_230, %mul3A_248] : memref<32x512xf32, #tpu.memory_space<vmem>> -> memref<1x128xf32, #tpu.memory_space<vmem>>
      %dma_start3A_250 = tpu.memref_squeeze %dma_start3A_249 : memref<1x128xf32, #tpu.memory_space<vmem>> -> memref<128xf32, #tpu.memory_space<vmem>>
      %dma_start3A_251 = tpu.memref_slice %arg7[%select_n3A_230, %mul3A_248] : memref<32x512xi32, #tpu.memory_space<vmem>> -> memref<1x128xi32, #tpu.memory_space<vmem>>
      %dma_start3A_252 = tpu.memref_squeeze %dma_start3A_251 : memref<1x128xi32, #tpu.memory_space<vmem>> -> memref<128xi32, #tpu.memory_space<vmem>>
      %dma_start3A_253 = arith.constant 0 : i32
      %dma_start3A_254 = tpu.memref_slice %arg3[%dma_start3A_253] : memref<31997952xf32, #tpu.memory_space<hbm>> -> memref<31997952xf32, #tpu.memory_space<hbm>>
      %dma_start3A_255 = tpu.memref_slice %arg11[%select_n3A_42] : memref<2x!tpu.dma_semaphore, #tpu.memory_space<semaphore_mem>> -> memref<1x!tpu.dma_semaphore, #tpu.memory_space<semaphore_mem>>
      %dma_start3A_256 = tpu.memref_squeeze %dma_start3A_255 : memref<1x!tpu.dma_semaphore, #tpu.memory_space<semaphore_mem>> -> memref<!tpu.dma_semaphore, #tpu.memory_space<semaphore_mem>>
      tpu.enqueue_indirect_dma source(%dma_start3A_254 : memref<31997952xf32, #tpu.memory_space<hbm>>) target(%dma_start3A_250 : memref<128xf32, #tpu.memory_space<vmem>>) offsets(%dma_start3A_252 : memref<128xi32, #tpu.memory_space<vmem>>) semaphore(%dma_start3A_256 : memref<!tpu.dma_semaphore, #tpu.memory_space<semaphore_mem>>)
      %mul3A_257 = arith.constant 8 : i32
      %mul3A_258 = arith.muli %scan3A_33, %mul3A_257 : i32
      %add3A_259 = arith.constant 4 : i32
      %add3A_260 = arith.addi %mul3A_258, %add3A_259 : i32
      %jit3A_261 = arith.constant 4 : i32
      %div3A_262 = arith.divsi %add3A_260, %jit3A_261 : i32
      %sign3A_263 = arith.constant 0 : i32
      %sign3A_264 = arith.cmpi sgt, %add3A_260, %sign3A_263 : i32
      %sign3A_265 = arith.extui %sign3A_264 : i1 to i32
      %sign3A_266 = arith.constant 0 : i32
      %sign3A_267 = arith.cmpi slt, %add3A_260, %sign3A_266 : i32
      %sign3A_268 = arith.extui %sign3A_267 : i1 to i32
      %sign3A_269 = arith.subi %sign3A_265, %sign3A_268 : i32
      %sign3A_270 = arith.constant 0 : i32
      %sign3A_271 = arith.cmpi sgt, %jit3A_261, %sign3A_270 : i32
      %sign3A_272 = arith.extui %sign3A_271 : i1 to i32
      %sign3A_273 = arith.constant 0 : i32
      %sign3A_274 = arith.cmpi slt, %jit3A_261, %sign3A_273 : i32
      %sign3A_275 = arith.extui %sign3A_274 : i1 to i32
      %sign3A_276 = arith.subi %sign3A_272, %sign3A_275 : i32
      %ne3A_277 = arith.cmpi ne, %sign3A_269, %sign3A_276 : i32
      %rem3A_278 = arith.remsi %add3A_260, %jit3A_261 : i32
      %ne3A_279 = arith.constant 0 : i32
      %ne3A_280 = arith.cmpi ne, %rem3A_278, %ne3A_279 : i32
      %and3A_281 = arith.andi %ne3A_277, %ne3A_280 : i1
      %sub3A_282 = arith.constant 1 : i32
      %sub3A_283 = arith.subi %div3A_262, %sub3A_282 : i32
      %select_n3A_284 = arith.select %and3A_281, %sub3A_283, %div3A_262 : i32
      %jit3A_285 = arith.constant 4 : i32
      %eq3A_286 = arith.constant 0 : i32
      %eq3A_287 = arith.cmpi eq, %jit3A_285, %eq3A_286 : i32
      %jit3A_288 = arith.constant 1 : i32
      %select_n3A_289 = arith.select %eq3A_287, %jit3A_288, %jit3A_285 : i32
      %rem3A_290 = arith.remsi %add3A_260, %select_n3A_289 : i32
      %ne3A_291 = arith.constant 0 : i32
      %ne3A_292 = arith.cmpi ne, %rem3A_290, %ne3A_291 : i32
      %lt3A_293 = arith.constant 0 : i32
      %lt3A_294 = arith.cmpi slt, %rem3A_290, %lt3A_293 : i32
      %lt3A_295 = arith.constant 0 : i32
      %lt3A_296 = arith.cmpi slt, %select_n3A_289, %lt3A_295 : i32
      %ne3A_297 = arith.xori %lt3A_294, %lt3A_296 : i1
      %and3A_298 = arith.andi %ne3A_297, %ne3A_292 : i1
      %add3A_299 = arith.addi %rem3A_290, %select_n3A_289 : i32
      %select_n3A_300 = arith.select %and3A_298, %add3A_299, %rem3A_290 : i32
      %mul3A_301 = arith.constant 128 : i32
      %mul3A_302 = arith.muli %select_n3A_300, %mul3A_301 : i32
      %dma_start3A_303 = tpu.memref_slice %arg8[%select_n3A_284, %mul3A_302] : memref<32x512xf32, #tpu.memory_space<vmem>> -> memref<1x128xf32, #tpu.memory_space<vmem>>
      %dma_start3A_304 = tpu.memref_squeeze %dma_start3A_303 : memref<1x128xf32, #tpu.memory_space<vmem>> -> memref<128xf32, #tpu.memory_space<vmem>>
      %dma_start3A_305 = tpu.memref_slice %arg7[%select_n3A_284, %mul3A_302] : memref<32x512xi32, #tpu.memory_space<vmem>> -> memref<1x128xi32, #tpu.memory_space<vmem>>
      %dma_start3A_306 = tpu.memref_squeeze %dma_start3A_305 : memref<1x128xi32, #tpu.memory_space<vmem>> -> memref<128xi32, #tpu.memory_space<vmem>>
      %dma_start3A_307 = arith.constant 0 : i32
      %dma_start3A_308 = tpu.memref_slice %arg3[%dma_start3A_307] : memref<31997952xf32, #tpu.memory_space<hbm>> -> memref<31997952xf32, #tpu.memory_space<hbm>>
      %dma_start3A_309 = tpu.memref_slice %arg11[%select_n3A_42] : memref<2x!tpu.dma_semaphore, #tpu.memory_space<semaphore_mem>> -> memref<1x!tpu.dma_semaphore, #tpu.memory_space<semaphore_mem>>
      %dma_start3A_310 = tpu.memref_squeeze %dma_start3A_309 : memref<1x!tpu.dma_semaphore, #tpu.memory_space<semaphore_mem>> -> memref<!tpu.dma_semaphore, #tpu.memory_space<semaphore_mem>>
      tpu.enqueue_indirect_dma source(%dma_start3A_308 : memref<31997952xf32, #tpu.memory_space<hbm>>) target(%dma_start3A_304 : memref<128xf32, #tpu.memory_space<vmem>>) offsets(%dma_start3A_306 : memref<128xi32, #tpu.memory_space<vmem>>) semaphore(%dma_start3A_310 : memref<!tpu.dma_semaphore, #tpu.memory_space<semaphore_mem>>)
      %mul3A_311 = arith.constant 8 : i32
      %mul3A_312 = arith.muli %scan3A_33, %mul3A_311 : i32
      %add3A_313 = arith.constant 5 : i32
      %add3A_314 = arith.addi %mul3A_312, %add3A_313 : i32
      %jit3A_315 = arith.constant 4 : i32
      %div3A_316 = arith.divsi %add3A_314, %jit3A_315 : i32
      %sign3A_317 = arith.constant 0 : i32
      %sign3A_318 = arith.cmpi sgt, %add3A_314, %sign3A_317 : i32
      %sign3A_319 = arith.extui %sign3A_318 : i1 to i32
      %sign3A_320 = arith.constant 0 : i32
      %sign3A_321 = arith.cmpi slt, %add3A_314, %sign3A_320 : i32
      %sign3A_322 = arith.extui %sign3A_321 : i1 to i32
      %sign3A_323 = arith.subi %sign3A_319, %sign3A_322 : i32
      %sign3A_324 = arith.constant 0 : i32
      %sign3A_325 = arith.cmpi sgt, %jit3A_315, %sign3A_324 : i32
      %sign3A_326 = arith.extui %sign3A_325 : i1 to i32
      %sign3A_327 = arith.constant 0 : i32
      %sign3A_328 = arith.cmpi slt, %jit3A_315, %sign3A_327 : i32
      %sign3A_329 = arith.extui %sign3A_328 : i1 to i32
      %sign3A_330 = arith.subi %sign3A_326, %sign3A_329 : i32
      %ne3A_331 = arith.cmpi ne, %sign3A_323, %sign3A_330 : i32
      %rem3A_332 = arith.remsi %add3A_314, %jit3A_315 : i32
      %ne3A_333 = arith.constant 0 : i32
      %ne3A_334 = arith.cmpi ne, %rem3A_332, %ne3A_333 : i32
      %and3A_335 = arith.andi %ne3A_331, %ne3A_334 : i1
      %sub3A_336 = arith.constant 1 : i32
      %sub3A_337 = arith.subi %div3A_316, %sub3A_336 : i32
      %select_n3A_338 = arith.select %and3A_335, %sub3A_337, %div3A_316 : i32
      %jit3A_339 = arith.constant 4 : i32
      %eq3A_340 = arith.constant 0 : i32
      %eq3A_341 = arith.cmpi eq, %jit3A_339, %eq3A_340 : i32
      %jit3A_342 = arith.constant 1 : i32
      %select_n3A_343 = arith.select %eq3A_341, %jit3A_342, %jit3A_339 : i32
      %rem3A_344 = arith.remsi %add3A_314, %select_n3A_343 : i32
      %ne3A_345 = arith.constant 0 : i32
      %ne3A_346 = arith.cmpi ne, %rem3A_344, %ne3A_345 : i32
      %lt3A_347 = arith.constant 0 : i32
      %lt3A_348 = arith.cmpi slt, %rem3A_344, %lt3A_347 : i32
      %lt3A_349 = arith.constant 0 : i32
      %lt3A_350 = arith.cmpi slt, %select_n3A_343, %lt3A_349 : i32
      %ne3A_351 = arith.xori %lt3A_348, %lt3A_350 : i1
      %and3A_352 = arith.andi %ne3A_351, %ne3A_346 : i1
      %add3A_353 = arith.addi %rem3A_344, %select_n3A_343 : i32
      %select_n3A_354 = arith.select %and3A_352, %add3A_353, %rem3A_344 : i32
      %mul3A_355 = arith.constant 128 : i32
      %mul3A_356 = arith.muli %select_n3A_354, %mul3A_355 : i32
      %dma_start3A_357 = tpu.memref_slice %arg8[%select_n3A_338, %mul3A_356] : memref<32x512xf32, #tpu.memory_space<vmem>> -> memref<1x128xf32, #tpu.memory_space<vmem>>
      %dma_start3A_358 = tpu.memref_squeeze %dma_start3A_357 : memref<1x128xf32, #tpu.memory_space<vmem>> -> memref<128xf32, #tpu.memory_space<vmem>>
      %dma_start3A_359 = tpu.memref_slice %arg7[%select_n3A_338, %mul3A_356] : memref<32x512xi32, #tpu.memory_space<vmem>> -> memref<1x128xi32, #tpu.memory_space<vmem>>
      %dma_start3A_360 = tpu.memref_squeeze %dma_start3A_359 : memref<1x128xi32, #tpu.memory_space<vmem>> -> memref<128xi32, #tpu.memory_space<vmem>>
      %dma_start3A_361 = arith.constant 0 : i32
      %dma_start3A_362 = tpu.memref_slice %arg3[%dma_start3A_361] : memref<31997952xf32, #tpu.memory_space<hbm>> -> memref<31997952xf32, #tpu.memory_space<hbm>>
      %dma_start3A_363 = tpu.memref_slice %arg11[%select_n3A_42] : memref<2x!tpu.dma_semaphore, #tpu.memory_space<semaphore_mem>> -> memref<1x!tpu.dma_semaphore, #tpu.memory_space<semaphore_mem>>
      %dma_start3A_364 = tpu.memref_squeeze %dma_start3A_363 : memref<1x!tpu.dma_semaphore, #tpu.memory_space<semaphore_mem>> -> memref<!tpu.dma_semaphore, #tpu.memory_space<semaphore_mem>>
      tpu.enqueue_indirect_dma source(%dma_start3A_362 : memref<31997952xf32, #tpu.memory_space<hbm>>) target(%dma_start3A_358 : memref<128xf32, #tpu.memory_space<vmem>>) offsets(%dma_start3A_360 : memref<128xi32, #tpu.memory_space<vmem>>) semaphore(%dma_start3A_364 : memref<!tpu.dma_semaphore, #tpu.memory_space<semaphore_mem>>)
      %mul3A_365 = arith.constant 8 : i32
      %mul3A_366 = arith.muli %scan3A_33, %mul3A_365 : i32
      %add3A_367 = arith.constant 6 : i32
      %add3A_368 = arith.addi %mul3A_366, %add3A_367 : i32
      %jit3A_369 = arith.constant 4 : i32
      %div3A_370 = arith.divsi %add3A_368, %jit3A_369 : i32
      %sign3A_371 = arith.constant 0 : i32
      %sign3A_372 = arith.cmpi sgt, %add3A_368, %sign3A_371 : i32
      %sign3A_373 = arith.extui %sign3A_372 : i1 to i32
      %sign3A_374 = arith.constant 0 : i32
      %sign3A_375 = arith.cmpi slt, %add3A_368, %sign3A_374 : i32
      %sign3A_376 = arith.extui %sign3A_375 : i1 to i32
      %sign3A_377 = arith.subi %sign3A_373, %sign3A_376 : i32
      %sign3A_378 = arith.constant 0 : i32
      %sign3A_379 = arith.cmpi sgt, %jit3A_369, %sign3A_378 : i32
      %sign3A_380 = arith.extui %sign3A_379 : i1 to i32
      %sign3A_381 = arith.constant 0 : i32
      %sign3A_382 = arith.cmpi slt, %jit3A_369, %sign3A_381 : i32
      %sign3A_383 = arith.extui %sign3A_382 : i1 to i32
      %sign3A_384 = arith.subi %sign3A_380, %sign3A_383 : i32
      %ne3A_385 = arith.cmpi ne, %sign3A_377, %sign3A_384 : i32
      %rem3A_386 = arith.remsi %add3A_368, %jit3A_369 : i32
      %ne3A_387 = arith.constant 0 : i32
      %ne3A_388 = arith.cmpi ne, %rem3A_386, %ne3A_387 : i32
      %and3A_389 = arith.andi %ne3A_385, %ne3A_388 : i1
      %sub3A_390 = arith.constant 1 : i32
      %sub3A_391 = arith.subi %div3A_370, %sub3A_390 : i32
      %select_n3A_392 = arith.select %and3A_389, %sub3A_391, %div3A_370 : i32
      %jit3A_393 = arith.constant 4 : i32
      %eq3A_394 = arith.constant 0 : i32
      %eq3A_395 = arith.cmpi eq, %jit3A_393, %eq3A_394 : i32
      %jit3A_396 = arith.constant 1 : i32
      %select_n3A_397 = arith.select %eq3A_395, %jit3A_396, %jit3A_393 : i32
      %rem3A_398 = arith.remsi %add3A_368, %select_n3A_397 : i32
      %ne3A_399 = arith.constant 0 : i32
      %ne3A_400 = arith.cmpi ne, %rem3A_398, %ne3A_399 : i32
      %lt3A_401 = arith.constant 0 : i32
      %lt3A_402 = arith.cmpi slt, %rem3A_398, %lt3A_401 : i32
      %lt3A_403 = arith.constant 0 : i32
      %lt3A_404 = arith.cmpi slt, %select_n3A_397, %lt3A_403 : i32
      %ne3A_405 = arith.xori %lt3A_402, %lt3A_404 : i1
      %and3A_406 = arith.andi %ne3A_405, %ne3A_400 : i1
      %add3A_407 = arith.addi %rem3A_398, %select_n3A_397 : i32
      %select_n3A_408 = arith.select %and3A_406, %add3A_407, %rem3A_398 : i32
      %mul3A_409 = arith.constant 128 : i32
      %mul3A_410 = arith.muli %select_n3A_408, %mul3A_409 : i32
      %dma_start3A_411 = tpu.memref_slice %arg8[%select_n3A_392, %mul3A_410] : memref<32x512xf32, #tpu.memory_space<vmem>> -> memref<1x128xf32, #tpu.memory_space<vmem>>
      %dma_start3A_412 = tpu.memref_squeeze %dma_start3A_411 : memref<1x128xf32, #tpu.memory_space<vmem>> -> memref<128xf32, #tpu.memory_space<vmem>>
      %dma_start3A_413 = tpu.memref_slice %arg7[%select_n3A_392, %mul3A_410] : memref<32x512xi32, #tpu.memory_space<vmem>> -> memref<1x128xi32, #tpu.memory_space<vmem>>
      %dma_start3A_414 = tpu.memref_squeeze %dma_start3A_413 : memref<1x128xi32, #tpu.memory_space<vmem>> -> memref<128xi32, #tpu.memory_space<vmem>>
      %dma_start3A_415 = arith.constant 0 : i32
      %dma_start3A_416 = tpu.memref_slice %arg3[%dma_start3A_415] : memref<31997952xf32, #tpu.memory_space<hbm>> -> memref<31997952xf32, #tpu.memory_space<hbm>>
      %dma_start3A_417 = tpu.memref_slice %arg11[%select_n3A_42] : memref<2x!tpu.dma_semaphore, #tpu.memory_space<semaphore_mem>> -> memref<1x!tpu.dma_semaphore, #tpu.memory_space<semaphore_mem>>
      %dma_start3A_418 = tpu.memref_squeeze %dma_start3A_417 : memref<1x!tpu.dma_semaphore, #tpu.memory_space<semaphore_mem>> -> memref<!tpu.dma_semaphore, #tpu.memory_space<semaphore_mem>>
      tpu.enqueue_indirect_dma source(%dma_start3A_416 : memref<31997952xf32, #tpu.memory_space<hbm>>) target(%dma_start3A_412 : memref<128xf32, #tpu.memory_space<vmem>>) offsets(%dma_start3A_414 : memref<128xi32, #tpu.memory_space<vmem>>) semaphore(%dma_start3A_418 : memref<!tpu.dma_semaphore, #tpu.memory_space<semaphore_mem>>)
      %mul3A_419 = arith.constant 8 : i32
      %mul3A_420 = arith.muli %scan3A_33, %mul3A_419 : i32
      %add3A_421 = arith.constant 7 : i32
      %add3A_422 = arith.addi %mul3A_420, %add3A_421 : i32
      %jit3A_423 = arith.constant 4 : i32
      %div3A_424 = arith.divsi %add3A_422, %jit3A_423 : i32
      %sign3A_425 = arith.constant 0 : i32
      %sign3A_426 = arith.cmpi sgt, %add3A_422, %sign3A_425 : i32
      %sign3A_427 = arith.extui %sign3A_426 : i1 to i32
      %sign3A_428 = arith.constant 0 : i32
      %sign3A_429 = arith.cmpi slt, %add3A_422, %sign3A_428 : i32
      %sign3A_430 = arith.extui %sign3A_429 : i1 to i32
      %sign3A_431 = arith.subi %sign3A_427, %sign3A_430 : i32
      %sign3A_432 = arith.constant 0 : i32
      %sign3A_433 = arith.cmpi sgt, %jit3A_423, %sign3A_432 : i32
      %sign3A_434 = arith.extui %sign3A_433 : i1 to i32
      %sign3A_435 = arith.constant 0 : i32
      %sign3A_436 = arith.cmpi slt, %jit3A_423, %sign3A_435 : i32
      %sign3A_437 = arith.extui %sign3A_436 : i1 to i32
      %sign3A_438 = arith.subi %sign3A_434, %sign3A_437 : i32
      %ne3A_439 = arith.cmpi ne, %sign3A_431, %sign3A_438 : i32
      %rem3A_440 = arith.remsi %add3A_422, %jit3A_423 : i32
      %ne3A_441 = arith.constant 0 : i32
      %ne3A_442 = arith.cmpi ne, %rem3A_440, %ne3A_441 : i32
      %and3A_443 = arith.andi %ne3A_439, %ne3A_442 : i1
      %sub3A_444 = arith.constant 1 : i32
      %sub3A_445 = arith.subi %div3A_424, %sub3A_444 : i32
      %select_n3A_446 = arith.select %and3A_443, %sub3A_445, %div3A_424 : i32
      %jit3A_447 = arith.constant 4 : i32
      %eq3A_448 = arith.constant 0 : i32
      %eq3A_449 = arith.cmpi eq, %jit3A_447, %eq3A_448 : i32
      %jit3A_450 = arith.constant 1 : i32
      %select_n3A_451 = arith.select %eq3A_449, %jit3A_450, %jit3A_447 : i32
      %rem3A_452 = arith.remsi %add3A_422, %select_n3A_451 : i32
      %ne3A_453 = arith.constant 0 : i32
      %ne3A_454 = arith.cmpi ne, %rem3A_452, %ne3A_453 : i32
      %lt3A_455 = arith.constant 0 : i32
      %lt3A_456 = arith.cmpi slt, %rem3A_452, %lt3A_455 : i32
      %lt3A_457 = arith.constant 0 : i32
      %lt3A_458 = arith.cmpi slt, %select_n3A_451, %lt3A_457 : i32
      %ne3A_459 = arith.xori %lt3A_456, %lt3A_458 : i1
      %and3A_460 = arith.andi %ne3A_459, %ne3A_454 : i1
      %add3A_461 = arith.addi %rem3A_452, %select_n3A_451 : i32
      %select_n3A_462 = arith.select %and3A_460, %add3A_461, %rem3A_452 : i32
      %mul3A_463 = arith.constant 128 : i32
      %mul3A_464 = arith.muli %select_n3A_462, %mul3A_463 : i32
      %dma_start3A_465 = tpu.memref_slice %arg8[%select_n3A_446, %mul3A_464] : memref<32x512xf32, #tpu.memory_space<vmem>> -> memref<1x128xf32, #tpu.memory_space<vmem>>
      %dma_start3A_466 = tpu.memref_squeeze %dma_start3A_465 : memref<1x128xf32, #tpu.memory_space<vmem>> -> memref<128xf32, #tpu.memory_space<vmem>>
      %dma_start3A_467 = tpu.memref_slice %arg7[%select_n3A_446, %mul3A_464] : memref<32x512xi32, #tpu.memory_space<vmem>> -> memref<1x128xi32, #tpu.memory_space<vmem>>
      %dma_start3A_468 = tpu.memref_squeeze %dma_start3A_467 : memref<1x128xi32, #tpu.memory_space<vmem>> -> memref<128xi32, #tpu.memory_space<vmem>>
      %dma_start3A_469 = arith.constant 0 : i32
      %dma_start3A_470 = tpu.memref_slice %arg3[%dma_start3A_469] : memref<31997952xf32, #tpu.memory_space<hbm>> -> memref<31997952xf32, #tpu.memory_space<hbm>>
      %dma_start3A_471 = tpu.memref_slice %arg11[%select_n3A_42] : memref<2x!tpu.dma_semaphore, #tpu.memory_space<semaphore_mem>> -> memref<1x!tpu.dma_semaphore, #tpu.memory_space<semaphore_mem>>
      %dma_start3A_472 = tpu.memref_squeeze %dma_start3A_471 : memref<1x!tpu.dma_semaphore, #tpu.memory_space<semaphore_mem>> -> memref<!tpu.dma_semaphore, #tpu.memory_space<semaphore_mem>>
      tpu.enqueue_indirect_dma source(%dma_start3A_470 : memref<31997952xf32, #tpu.memory_space<hbm>>) target(%dma_start3A_466 : memref<128xf32, #tpu.memory_space<vmem>>) offsets(%dma_start3A_468 : memref<128xi32, #tpu.memory_space<vmem>>) semaphore(%dma_start3A_472 : memref<!tpu.dma_semaphore, #tpu.memory_space<semaphore_mem>>)
    }
    %scan3A_13 = arith.constant 16 : i32
    %dma_wait3A = arith.constant 0 : i32
    %dma_wait3A_14 = arith.constant 0 : i32
    %dma_wait3A_15 = tpu.memref_slice %arg3[%dma_wait3A_14] : memref<31997952xf32, #tpu.memory_space<hbm>> -> memref<1024xf32, #tpu.memory_space<hbm>>
    %dma_wait3A_16 = tpu.memref_slice %arg11[%dma_wait3A] : memref<2x!tpu.dma_semaphore, #tpu.memory_space<semaphore_mem>> -> memref<1x!tpu.dma_semaphore, #tpu.memory_space<semaphore_mem>>
    %dma_wait3A_17 = tpu.memref_squeeze %dma_wait3A_16 : memref<1x!tpu.dma_semaphore, #tpu.memory_space<semaphore_mem>> -> memref<!tpu.dma_semaphore, #tpu.memory_space<semaphore_mem>>
    %dma_wait3A_18 = arith.constant 0 : i32
    %dma_wait3A_19 = tpu.memref_slice %arg3[%dma_wait3A_18] : memref<31997952xf32, #tpu.memory_space<hbm>> -> memref<1024xf32, #tpu.memory_space<hbm>>
    tpu.wait_dma2 semaphore(%dma_wait3A_17 : memref<!tpu.dma_semaphore, #tpu.memory_space<semaphore_mem>>) src(%dma_wait3A_19 : memref<1024xf32, #tpu.memory_space<hbm>>) dst(%arg10 : memref<1024xf32, #tpu.memory_space<vmem>>)
    %dma_wait3A_20 = arith.constant 1 : i32
    %dma_wait3A_21 = arith.constant 0 : i32
    %dma_wait3A_22 = tpu.memref_slice %arg3[%dma_wait3A_21] : memref<31997952xf32, #tpu.memory_space<hbm>> -> memref<1024xf32, #tpu.memory_space<hbm>>
    %dma_wait3A_23 = tpu.memref_slice %arg11[%dma_wait3A_20] : memref<2x!tpu.dma_semaphore, #tpu.memory_space<semaphore_mem>> -> memref<1x!tpu.dma_semaphore, #tpu.memory_space<semaphore_mem>>
    %dma_wait3A_24 = tpu.memref_squeeze %dma_wait3A_23 : memref<1x!tpu.dma_semaphore, #tpu.memory_space<semaphore_mem>> -> memref<!tpu.dma_semaphore, #tpu.memory_space<semaphore_mem>>
    %dma_wait3A_25 = arith.constant 0 : i32
    %dma_wait3A_26 = tpu.memref_slice %arg3[%dma_wait3A_25] : memref<31997952xf32, #tpu.memory_space<hbm>> -> memref<1024xf32, #tpu.memory_space<hbm>>
    tpu.wait_dma2 semaphore(%dma_wait3A_24 : memref<!tpu.dma_semaphore, #tpu.memory_space<semaphore_mem>>) src(%dma_wait3A_26 : memref<1024xf32, #tpu.memory_space<hbm>>) dst(%arg10 : memref<1024xf32, #tpu.memory_space<vmem>>)
    %scan3A_27 = arith.constant 0 : i32
    %scan3A_28 = arith.constant 0 : i32
    %scan3A_29 = arith.constant 32 : i32
    %scan3A_30 = arith.addi %scan3A_28, %scan3A_29 : i32
    %scan3A_31 = arith.constant 1 : i32
    scf.for %scan3A_33 = %scan3A_28 to %scan3A_30 step %scan3A_31  : i32 {
      %mul3A_34 = arith.constant 16 : i32
      %mul3A_35 = arith.muli %scan3A_33, %mul3A_34 : i32
      %get3A = arith.index_cast %mul3A_35 : i32 to index
      %get3A_36 = tpu.vector_load %arg6[%get3A] {strides = array<i32>} : memref<512xi32, #tpu.memory_space<vmem>>, vector<16xi32>,
      %ge3A = arith.constant 999936 : i32
      %ge3A_37 = vector.broadcast %ge3A : i32 to vector<16xi32>
      %ge3A_38 = arith.cmpi sge, %get3A_36, %ge3A_37 : vector<16xi32>
      %sub3A = arith.constant 999936 : i32
      %sub3A_39 = vector.broadcast %sub3A : i32 to vector<16xi32>
      %sub3A_40 = arith.subi %get3A_36, %sub3A_39 : vector<16xi32>
      %max3A = arith.constant 0 : i32
      %max3A_41 = vector.broadcast %max3A : i32 to vector<16xi32>
      %max3A_42 = arith.maxsi %sub3A_40, %max3A_41 : vector<16xi32>
      %iota3A = tpu.iota {dimensions = array<i32: 0>} : vector<16xi32>
      %mul3A_43 = arith.constant 16 : i32
      %mul3A_44 = arith.muli %scan3A_33, %mul3A_43 : i32
      %add3A_45 = vector.broadcast %mul3A_44 : i32 to vector<16xi32>
      %add3A_46 = arith.addi %iota3A, %add3A_45 : vector<16xi32>
      %broadcast_in_dim3A = arith.constant 0 : i32
      %broadcast_in_dim3A_47 = vector.broadcast %broadcast_in_dim3A : i32 to vector<16xi32>
      %gather3A = tpu.vector_load_idx %arg9[%max3A_42, %broadcast_in_dim3A_47] : memref<64x32xf32, #tpu.memory_space<vmem>>[vector<16xi32>, vector<16xi32>], vector<16xf32>,
      tpu.vector_store_idx %arg8[%broadcast_in_dim3A_47, %add3A_46], %gather3A masked %ge3A_38 : memref<32x512xf32, #tpu.memory_space<vmem>>[vector<16xi32>, vector<16xi32>], vector<16xf32>, vector<16xi1>
      %broadcast_in_dim3A_48 = arith.constant 1 : i32
      %broadcast_in_dim3A_49 = vector.broadcast %broadcast_in_dim3A_48 : i32 to vector<16xi32>
      %gather3A_50 = tpu.vector_load_idx %arg9[%max3A_42, %broadcast_in_dim3A_49] : memref<64x32xf32, #tpu.memory_space<vmem>>[vector<16xi32>, vector<16xi32>], vector<16xf32>,
      tpu.vector_store_idx %arg8[%broadcast_in_dim3A_49, %add3A_46], %gather3A_50 masked %ge3A_38 : memref<32x512xf32, #tpu.memory_space<vmem>>[vector<16xi32>, vector<16xi32>], vector<16xf32>, vector<16xi1>
      %broadcast_in_dim3A_51 = arith.constant 2 : i32
      %broadcast_in_dim3A_52 = vector.broadcast %broadcast_in_dim3A_51 : i32 to vector<16xi32>
      %gather3A_53 = tpu.vector_load_idx %arg9[%max3A_42, %broadcast_in_dim3A_52] : memref<64x32xf32, #tpu.memory_space<vmem>>[vector<16xi32>, vector<16xi32>], vector<16xf32>,
      tpu.vector_store_idx %arg8[%broadcast_in_dim3A_52, %add3A_46], %gather3A_53 masked %ge3A_38 : memref<32x512xf32, #tpu.memory_space<vmem>>[vector<16xi32>, vector<16xi32>], vector<16xf32>, vector<16xi1>
      %broadcast_in_dim3A_54 = arith.constant 3 : i32
      %broadcast_in_dim3A_55 = vector.broadcast %broadcast_in_dim3A_54 : i32 to vector<16xi32>
      %gather3A_56 = tpu.vector_load_idx %arg9[%max3A_42, %broadcast_in_dim3A_55] : memref<64x32xf32, #tpu.memory_space<vmem>>[vector<16xi32>, vector<16xi32>], vector<16xf32>,
      tpu.vector_store_idx %arg8[%broadcast_in_dim3A_55, %add3A_46], %gather3A_56 masked %ge3A_38 : memref<32x512xf32, #tpu.memory_space<vmem>>[vector<16xi32>, vector<16xi32>], vector<16xf32>, vector<16xi1>
      %broadcast_in_dim3A_57 = arith.constant 4 : i32
      %broadcast_in_dim3A_58 = vector.broadcast %broadcast_in_dim3A_57 : i32 to vector<16xi32>
      %gather3A_59 = tpu.vector_load_idx %arg9[%max3A_42, %broadcast_in_dim3A_58] : memref<64x32xf32, #tpu.memory_space<vmem>>[vector<16xi32>, vector<16xi32>], vector<16xf32>,
      tpu.vector_store_idx %arg8[%broadcast_in_dim3A_58, %add3A_46], %gather3A_59 masked %ge3A_38 : memref<32x512xf32, #tpu.memory_space<vmem>>[vector<16xi32>, vector<16xi32>], vector<16xf32>, vector<16xi1>
      %broadcast_in_dim3A_60 = arith.constant 5 : i32
      %broadcast_in_dim3A_61 = vector.broadcast %broadcast_in_dim3A_60 : i32 to vector<16xi32>
      %gather3A_62 = tpu.vector_load_idx %arg9[%max3A_42, %broadcast_in_dim3A_61] : memref<64x32xf32, #tpu.memory_space<vmem>>[vector<16xi32>, vector<16xi32>], vector<16xf32>,
      tpu.vector_store_idx %arg8[%broadcast_in_dim3A_61, %add3A_46], %gather3A_62 masked %ge3A_38 : memref<32x512xf32, #tpu.memory_space<vmem>>[vector<16xi32>, vector<16xi32>], vector<16xf32>, vector<16xi1>
      %broadcast_in_dim3A_63 = arith.constant 6 : i32
      %broadcast_in_dim3A_64 = vector.broadcast %broadcast_in_dim3A_63 : i32 to vector<16xi32>
      %gather3A_65 = tpu.vector_load_idx %arg9[%max3A_42, %broadcast_in_dim3A_64] : memref<64x32xf32, #tpu.memory_space<vmem>>[vector<16xi32>, vector<16xi32>], vector<16xf32>,
      tpu.vector_store_idx %arg8[%broadcast_in_dim3A_64, %add3A_46], %gather3A_65 masked %ge3A_38 : memref<32x512xf32, #tpu.memory_space<vmem>>[vector<16xi32>, vector<16xi32>], vector<16xf32>, vector<16xi1>
      %broadcast_in_dim3A_66 = arith.constant 7 : i32
      %broadcast_in_dim3A_67 = vector.broadcast %broadcast_in_dim3A_66 : i32 to vector<16xi32>
      %gather3A_68 = tpu.vector_load_idx %arg9[%max3A_42, %broadcast_in_dim3A_67] : memref<64x32xf32, #tpu.memory_space<vmem>>[vector<16xi32>, vector<16xi32>], vector<16xf32>,
      tpu.vector_store_idx %arg8[%broadcast_in_dim3A_67, %add3A_46], %gather3A_68 masked %ge3A_38 : memref<32x512xf32, #tpu.memory_space<vmem>>[vector<16xi32>, vector<16xi32>], vector<16xf32>, vector<16xi1>
      %broadcast_in_dim3A_69 = arith.constant 8 : i32
      %broadcast_in_dim3A_70 = vector.broadcast %broadcast_in_dim3A_69 : i32 to vector<16xi32>
      %gather3A_71 = tpu.vector_load_idx %arg9[%max3A_42, %broadcast_in_dim3A_70] : memref<64x32xf32, #tpu.memory_space<vmem>>[vector<16xi32>, vector<16xi32>], vector<16xf32>,
      tpu.vector_store_idx %arg8[%broadcast_in_dim3A_70, %add3A_46], %gather3A_71 masked %ge3A_38 : memref<32x512xf32, #tpu.memory_space<vmem>>[vector<16xi32>, vector<16xi32>], vector<16xf32>, vector<16xi1>
      %broadcast_in_dim3A_72 = arith.constant 9 : i32
      %broadcast_in_dim3A_73 = vector.broadcast %broadcast_in_dim3A_72 : i32 to vector<16xi32>
      %gather3A_74 = tpu.vector_load_idx %arg9[%max3A_42, %broadcast_in_dim3A_73] : memref<64x32xf32, #tpu.memory_space<vmem>>[vector<16xi32>, vector<16xi32>], vector<16xf32>,
      tpu.vector_store_idx %arg8[%broadcast_in_dim3A_73, %add3A_46], %gather3A_74 masked %ge3A_38 : memref<32x512xf32, #tpu.memory_space<vmem>>[vector<16xi32>, vector<16xi32>], vector<16xf32>, vector<16xi1>
      %broadcast_in_dim3A_75 = arith.constant 10 : i32
      %broadcast_in_dim3A_76 = vector.broadcast %broadcast_in_dim3A_75 : i32 to vector<16xi32>
      %gather3A_77 = tpu.vector_load_idx %arg9[%max3A_42, %broadcast_in_dim3A_76] : memref<64x32xf32, #tpu.memory_space<vmem>>[vector<16xi32>, vector<16xi32>], vector<16xf32>,
      tpu.vector_store_idx %arg8[%broadcast_in_dim3A_76, %add3A_46], %gather3A_77 masked %ge3A_38 : memref<32x512xf32, #tpu.memory_space<vmem>>[vector<16xi32>, vector<16xi32>], vector<16xf32>, vector<16xi1>
      %broadcast_in_dim3A_78 = arith.constant 11 : i32
      %broadcast_in_dim3A_79 = vector.broadcast %broadcast_in_dim3A_78 : i32 to vector<16xi32>
      %gather3A_80 = tpu.vector_load_idx %arg9[%max3A_42, %broadcast_in_dim3A_79] : memref<64x32xf32, #tpu.memory_space<vmem>>[vector<16xi32>, vector<16xi32>], vector<16xf32>,
      tpu.vector_store_idx %arg8[%broadcast_in_dim3A_79, %add3A_46], %gather3A_80 masked %ge3A_38 : memref<32x512xf32, #tpu.memory_space<vmem>>[vector<16xi32>, vector<16xi32>], vector<16xf32>, vector<16xi1>
      %broadcast_in_dim3A_81 = arith.constant 12 : i32
      %broadcast_in_dim3A_82 = vector.broadcast %broadcast_in_dim3A_81 : i32 to vector<16xi32>
      %gather3A_83 = tpu.vector_load_idx %arg9[%max3A_42, %broadcast_in_dim3A_82] : memref<64x32xf32, #tpu.memory_space<vmem>>[vector<16xi32>, vector<16xi32>], vector<16xf32>,
      tpu.vector_store_idx %arg8[%broadcast_in_dim3A_82, %add3A_46], %gather3A_83 masked %ge3A_38 : memref<32x512xf32, #tpu.memory_space<vmem>>[vector<16xi32>, vector<16xi32>], vector<16xf32>, vector<16xi1>
      %broadcast_in_dim3A_84 = arith.constant 13 : i32
      %broadcast_in_dim3A_85 = vector.broadcast %broadcast_in_dim3A_84 : i32 to vector<16xi32>
      %gather3A_86 = tpu.vector_load_idx %arg9[%max3A_42, %broadcast_in_dim3A_85] : memref<64x32xf32, #tpu.memory_space<vmem>>[vector<16xi32>, vector<16xi32>], vector<16xf32>,
      tpu.vector_store_idx %arg8[%broadcast_in_dim3A_85, %add3A_46], %gather3A_86 masked %ge3A_38 : memref<32x512xf32, #tpu.memory_space<vmem>>[vector<16xi32>, vector<16xi32>], vector<16xf32>, vector<16xi1>
      %broadcast_in_dim3A_87 = arith.constant 14 : i32
      %broadcast_in_dim3A_88 = vector.broadcast %broadcast_in_dim3A_87 : i32 to vector<16xi32>
      %gather3A_89 = tpu.vector_load_idx %arg9[%max3A_42, %broadcast_in_dim3A_88] : memref<64x32xf32, #tpu.memory_space<vmem>>[vector<16xi32>, vector<16xi32>], vector<16xf32>,
      tpu.vector_store_idx %arg8[%broadcast_in_dim3A_88, %add3A_46], %gather3A_89 masked %ge3A_38 : memref<32x512xf32, #tpu.memory_space<vmem>>[vector<16xi32>, vector<16xi32>], vector<16xf32>, vector<16xi1>
      %broadcast_in_dim3A_90 = arith.constant 15 : i32
      %broadcast_in_dim3A_91 = vector.broadcast %broadcast_in_dim3A_90 : i32 to vector<16xi32>
      %gather3A_92 = tpu.vector_load_idx %arg9[%max3A_42, %broadcast_in_dim3A_91] : memref<64x32xf32, #tpu.memory_space<vmem>>[vector<16xi32>, vector<16xi32>], vector<16xf32>,
      tpu.vector_store_idx %arg8[%broadcast_in_dim3A_91, %add3A_46], %gather3A_92 masked %ge3A_38 : memref<32x512xf32, #tpu.memory_space<vmem>>[vector<16xi32>, vector<16xi32>], vector<16xf32>, vector<16xi1>
      %broadcast_in_dim3A_93 = arith.constant 16 : i32
      %broadcast_in_dim3A_94 = vector.broadcast %broadcast_in_dim3A_93 : i32 to vector<16xi32>
      %gather3A_95 = tpu.vector_load_idx %arg9[%max3A_42, %broadcast_in_dim3A_94] : memref<64x32xf32, #tpu.memory_space<vmem>>[vector<16xi32>, vector<16xi32>], vector<16xf32>,
      tpu.vector_store_idx %arg8[%broadcast_in_dim3A_94, %add3A_46], %gather3A_95 masked %ge3A_38 : memref<32x512xf32, #tpu.memory_space<vmem>>[vector<16xi32>, vector<16xi32>], vector<16xf32>, vector<16xi1>
      %broadcast_in_dim3A_96 = arith.constant 17 : i32
      %broadcast_in_dim3A_97 = vector.broadcast %broadcast_in_dim3A_96 : i32 to vector<16xi32>
      %gather3A_98 = tpu.vector_load_idx %arg9[%max3A_42, %broadcast_in_dim3A_97] : memref<64x32xf32, #tpu.memory_space<vmem>>[vector<16xi32>, vector<16xi32>], vector<16xf32>,
      tpu.vector_store_idx %arg8[%broadcast_in_dim3A_97, %add3A_46], %gather3A_98 masked %ge3A_38 : memref<32x512xf32, #tpu.memory_space<vmem>>[vector<16xi32>, vector<16xi32>], vector<16xf32>, vector<16xi1>
      %broadcast_in_dim3A_99 = arith.constant 18 : i32
      %broadcast_in_dim3A_100 = vector.broadcast %broadcast_in_dim3A_99 : i32 to vector<16xi32>
      %gather3A_101 = tpu.vector_load_idx %arg9[%max3A_42, %broadcast_in_dim3A_100] : memref<64x32xf32, #tpu.memory_space<vmem>>[vector<16xi32>, vector<16xi32>], vector<16xf32>,
      tpu.vector_store_idx %arg8[%broadcast_in_dim3A_100, %add3A_46], %gather3A_101 masked %ge3A_38 : memref<32x512xf32, #tpu.memory_space<vmem>>[vector<16xi32>, vector<16xi32>], vector<16xf32>, vector<16xi1>
      %broadcast_in_dim3A_102 = arith.constant 19 : i32
      %broadcast_in_dim3A_103 = vector.broadcast %broadcast_in_dim3A_102 : i32 to vector<16xi32>
      %gather3A_104 = tpu.vector_load_idx %arg9[%max3A_42, %broadcast_in_dim3A_103] : memref<64x32xf32, #tpu.memory_space<vmem>>[vector<16xi32>, vector<16xi32>], vector<16xf32>,
      tpu.vector_store_idx %arg8[%broadcast_in_dim3A_103, %add3A_46], %gather3A_104 masked %ge3A_38 : memref<32x512xf32, #tpu.memory_space<vmem>>[vector<16xi32>, vector<16xi32>], vector<16xf32>, vector<16xi1>
      %broadcast_in_dim3A_105 = arith.constant 20 : i32
      %broadcast_in_dim3A_106 = vector.broadcast %broadcast_in_dim3A_105 : i32 to vector<16xi32>
      %gather3A_107 = tpu.vector_load_idx %arg9[%max3A_42, %broadcast_in_dim3A_106] : memref<64x32xf32, #tpu.memory_space<vmem>>[vector<16xi32>, vector<16xi32>], vector<16xf32>,
      tpu.vector_store_idx %arg8[%broadcast_in_dim3A_106, %add3A_46], %gather3A_107 masked %ge3A_38 : memref<32x512xf32, #tpu.memory_space<vmem>>[vector<16xi32>, vector<16xi32>], vector<16xf32>, vector<16xi1>
      %broadcast_in_dim3A_108 = arith.constant 21 : i32
      %broadcast_in_dim3A_109 = vector.broadcast %broadcast_in_dim3A_108 : i32 to vector<16xi32>
      %gather3A_110 = tpu.vector_load_idx %arg9[%max3A_42, %broadcast_in_dim3A_109] : memref<64x32xf32, #tpu.memory_space<vmem>>[vector<16xi32>, vector<16xi32>], vector<16xf32>,
      tpu.vector_store_idx %arg8[%broadcast_in_dim3A_109, %add3A_46], %gather3A_110 masked %ge3A_38 : memref<32x512xf32, #tpu.memory_space<vmem>>[vector<16xi32>, vector<16xi32>], vector<16xf32>, vector<16xi1>
      %broadcast_in_dim3A_111 = arith.constant 22 : i32
      %broadcast_in_dim3A_112 = vector.broadcast %broadcast_in_dim3A_111 : i32 to vector<16xi32>
      %gather3A_113 = tpu.vector_load_idx %arg9[%max3A_42, %broadcast_in_dim3A_112] : memref<64x32xf32, #tpu.memory_space<vmem>>[vector<16xi32>, vector<16xi32>], vector<16xf32>,
      tpu.vector_store_idx %arg8[%broadcast_in_dim3A_112, %add3A_46], %gather3A_113 masked %ge3A_38 : memref<32x512xf32, #tpu.memory_space<vmem>>[vector<16xi32>, vector<16xi32>], vector<16xf32>, vector<16xi1>
      %broadcast_in_dim3A_114 = arith.constant 23 : i32
      %broadcast_in_dim3A_115 = vector.broadcast %broadcast_in_dim3A_114 : i32 to vector<16xi32>
      %gather3A_116 = tpu.vector_load_idx %arg9[%max3A_42, %broadcast_in_dim3A_115] : memref<64x32xf32, #tpu.memory_space<vmem>>[vector<16xi32>, vector<16xi32>], vector<16xf32>,
      tpu.vector_store_idx %arg8[%broadcast_in_dim3A_115, %add3A_46], %gather3A_116 masked %ge3A_38 : memref<32x512xf32, #tpu.memory_space<vmem>>[vector<16xi32>, vector<16xi32>], vector<16xf32>, vector<16xi1>
      %broadcast_in_dim3A_117 = arith.constant 24 : i32
      %broadcast_in_dim3A_118 = vector.broadcast %broadcast_in_dim3A_117 : i32 to vector<16xi32>
      %gather3A_119 = tpu.vector_load_idx %arg9[%max3A_42, %broadcast_in_dim3A_118] : memref<64x32xf32, #tpu.memory_space<vmem>>[vector<16xi32>, vector<16xi32>], vector<16xf32>,
      tpu.vector_store_idx %arg8[%broadcast_in_dim3A_118, %add3A_46], %gather3A_119 masked %ge3A_38 : memref<32x512xf32, #tpu.memory_space<vmem>>[vector<16xi32>, vector<16xi32>], vector<16xf32>, vector<16xi1>
      %broadcast_in_dim3A_120 = arith.constant 25 : i32
      %broadcast_in_dim3A_121 = vector.broadcast %broadcast_in_dim3A_120 : i32 to vector<16xi32>
      %gather3A_122 = tpu.vector_load_idx %arg9[%max3A_42, %broadcast_in_dim3A_121] : memref<64x32xf32, #tpu.memory_space<vmem>>[vector<16xi32>, vector<16xi32>], vector<16xf32>,
      tpu.vector_store_idx %arg8[%broadcast_in_dim3A_121, %add3A_46], %gather3A_122 masked %ge3A_38 : memref<32x512xf32, #tpu.memory_space<vmem>>[vector<16xi32>, vector<16xi32>], vector<16xf32>, vector<16xi1>
      %broadcast_in_dim3A_123 = arith.constant 26 : i32
      %broadcast_in_dim3A_124 = vector.broadcast %broadcast_in_dim3A_123 : i32 to vector<16xi32>
      %gather3A_125 = tpu.vector_load_idx %arg9[%max3A_42, %broadcast_in_dim3A_124] : memref<64x32xf32, #tpu.memory_space<vmem>>[vector<16xi32>, vector<16xi32>], vector<16xf32>,
      tpu.vector_store_idx %arg8[%broadcast_in_dim3A_124, %add3A_46], %gather3A_125 masked %ge3A_38 : memref<32x512xf32, #tpu.memory_space<vmem>>[vector<16xi32>, vector<16xi32>], vector<16xf32>, vector<16xi1>
      %broadcast_in_dim3A_126 = arith.constant 27 : i32
      %broadcast_in_dim3A_127 = vector.broadcast %broadcast_in_dim3A_126 : i32 to vector<16xi32>
      %gather3A_128 = tpu.vector_load_idx %arg9[%max3A_42, %broadcast_in_dim3A_127] : memref<64x32xf32, #tpu.memory_space<vmem>>[vector<16xi32>, vector<16xi32>], vector<16xf32>,
      tpu.vector_store_idx %arg8[%broadcast_in_dim3A_127, %add3A_46], %gather3A_128 masked %ge3A_38 : memref<32x512xf32, #tpu.memory_space<vmem>>[vector<16xi32>, vector<16xi32>], vector<16xf32>, vector<16xi1>
      %broadcast_in_dim3A_129 = arith.constant 28 : i32
      %broadcast_in_dim3A_130 = vector.broadcast %broadcast_in_dim3A_129 : i32 to vector<16xi32>
      %gather3A_131 = tpu.vector_load_idx %arg9[%max3A_42, %broadcast_in_dim3A_130] : memref<64x32xf32, #tpu.memory_space<vmem>>[vector<16xi32>, vector<16xi32>], vector<16xf32>,
      tpu.vector_store_idx %arg8[%broadcast_in_dim3A_130, %add3A_46], %gather3A_131 masked %ge3A_38 : memref<32x512xf32, #tpu.memory_space<vmem>>[vector<16xi32>, vector<16xi32>], vector<16xf32>, vector<16xi1>
      %broadcast_in_dim3A_132 = arith.constant 29 : i32
      %broadcast_in_dim3A_133 = vector.broadcast %broadcast_in_dim3A_132 : i32 to vector<16xi32>
      %gather3A_134 = tpu.vector_load_idx %arg9[%max3A_42, %broadcast_in_dim3A_133] : memref<64x32xf32, #tpu.memory_space<vmem>>[vector<16xi32>, vector<16xi32>], vector<16xf32>,
      tpu.vector_store_idx %arg8[%broadcast_in_dim3A_133, %add3A_46], %gather3A_134 masked %ge3A_38 : memref<32x512xf32, #tpu.memory_space<vmem>>[vector<16xi32>, vector<16xi32>], vector<16xf32>, vector<16xi1>
      %broadcast_in_dim3A_135 = arith.constant 30 : i32
      %broadcast_in_dim3A_136 = vector.broadcast %broadcast_in_dim3A_135 : i32 to vector<16xi32>
      %gather3A_137 = tpu.vector_load_idx %arg9[%max3A_42, %broadcast_in_dim3A_136] : memref<64x32xf32, #tpu.memory_space<vmem>>[vector<16xi32>, vector<16xi32>], vector<16xf32>,
      tpu.vector_store_idx %arg8[%broadcast_in_dim3A_136, %add3A_46], %gather3A_137 masked %ge3A_38 : memref<32x512xf32, #tpu.memory_space<vmem>>[vector<16xi32>, vector<16xi32>], vector<16xf32>, vector<16xi1>
      %broadcast_in_dim3A_138 = arith.constant 31 : i32
      %broadcast_in_dim3A_139 = vector.broadcast %broadcast_in_dim3A_138 : i32 to vector<16xi32>
      %gather3A_140 = tpu.vector_load_idx %arg9[%max3A_42, %broadcast_in_dim3A_139] : memref<64x32xf32, #tpu.memory_space<vmem>>[vector<16xi32>, vector<16xi32>], vector<16xf32>,
      tpu.vector_store_idx %arg8[%broadcast_in_dim3A_139, %add3A_46], %gather3A_140 masked %ge3A_38 : memref<32x512xf32, #tpu.memory_space<vmem>>[vector<16xi32>, vector<16xi32>], vector<16xf32>, vector<16xi1>
    }
    %scan3A_32 = arith.constant 32 : i32
    "tpu.region"() ({
      %run_scoped3A = tpu.sem_alloc : memref<!tpu.dma_semaphore, #tpu.memory_space<semaphore_mem>>
      %dma_start3A = arith.constant 0 : i32
      %dma_start3A_33 = tpu.memref_slice %arg5[%dma_start3A, %mul3A_2] : memref<32x16384xf32, #tpu.memory_space<hbm>> -> memref<32x512xf32, #tpu.memory_space<hbm>>
      %dma_start3A_34 = arith.constant 0 : i32
      %dma_start3A_35 = tpu.memref_slice %arg5[%dma_start3A_34, %mul3A_2] : memref<32x16384xf32, #tpu.memory_space<hbm>> -> memref<32x512xf32, #tpu.memory_space<hbm>>
      tpu.enqueue_dma source(%arg8 : memref<32x512xf32, #tpu.memory_space<vmem>>) target(%dma_start3A_35 : memref<32x512xf32, #tpu.memory_space<hbm>>) target_semaphore(%run_scoped3A : memref<!tpu.dma_semaphore, #tpu.memory_space<semaphore_mem>>)
      %dma_wait3A_36 = arith.constant 0 : i32
      %dma_wait3A_37 = tpu.memref_slice %arg5[%dma_wait3A_36, %mul3A_2] : memref<32x16384xf32, #tpu.memory_space<hbm>> -> memref<32x512xf32, #tpu.memory_space<hbm>>
      %dma_wait3A_38 = arith.constant 0 : i32
      %dma_wait3A_39 = tpu.memref_slice %arg5[%dma_wait3A_38, %mul3A_2] : memref<32x16384xf32, #tpu.memory_space<hbm>> -> memref<32x512xf32, #tpu.memory_space<hbm>>
      tpu.wait_dma2 semaphore(%run_scoped3A : memref<!tpu.dma_semaphore, #tpu.memory_space<semaphore_mem>>) src(%arg8 : memref<32x512xf32, #tpu.memory_space<vmem>>) dst(%dma_wait3A_39 : memref<32x512xf32, #tpu.memory_space<hbm>>)
      tpu.yield
    }) : () -> ()
    return
  }
}

</mosaic_0001>

<sc_bundles>
// kernel: _embedding_lookup.4.cloned.1.call-start
scs
__scs_entry_jumppad:
0x0: {  	(pc) =	sbr.rel $0x88, $3  }
0x1: {  	(tag) =	ssettag $0x0;
	lr =	simm.s32 $0x1  }
0x2: {  	[smem:$0x3F9F] =	sst lr;
	_ =	strace $0xD0000000  }
0x3: {  	_ = 	snop  }
0x4: {  	_ = 	snop  }
0x5: {  	_ = 	snop  }
0x6: {  	_ = 	snop  }
0x7: {  	_ = 	snop  }
__scs_overlays_trampoline_lowered:
0x8: {  	[smem:$0x3FAE] =	sst s0  }
0x9: {  	[smem:$0x3FAF] =	sst s1  }
0xa: {  	[smem:$0x3FB0] =	sst s2  }
0xb: {  	[smem:$0x3FB1] =	sst s3  }
0xc: {  	[smem:$0x3FB2] =	sst s4  }
0xd: {  	[smem:$0x3FB3] =	sst s5  }
0xe: {  	[smem:$0x3FB4] =	sst s6  }
0xf: {  	[smem:$0x3FB5] =	sst s7  }
0x10: {  	[smem:$0x3FB6] =	sst s8  }
0x11: {  	[smem:$0x3FB7] =	sst s9;
	s0 =	simm.s32 @!p0 $0x0  }
0x12: {  	s1 =	sld [smem:$0x3F9D];
	s0 =	simm.s32 @p0 $0x1  }
0x13: {  	[smem:$0x3FB8] =	sst s0;
	s0 =	simm.s32 @!p1 $0x0  }
0x14: {  	s2 =	sld [smem:$0x3F9C];
	s0 =	simm.s32 @p1 $0x1  }
0x15: {  	[smem:$0x3FB9] =	sst s0;
	s0 =	simm.s32 @!p2 $0x0  }
0x16: {  	s3 =	sld [smem:$0x3FDB];
	s0 =	simm.s32 @p2 $0x1  }
0x17: {  	s4 =	simm.s32 $0x1BF5;
	[smem:$0x3FBB] =	sst s0  }
0x18: {  	s0 =	sld [smem:$0x3F9E];
	_ =	swait.ge [sflag:s4], $0x0  }
0x19: {  	s7 =	sld [smem:$0x3F9F]  }
0x1a: {  	s8 =	sadd.s32 $0xFFFFE003, lr  }
0x1b: {  	s9 =	sadd.s32 $0xFFFFFEF7, lr;
	s5 =	simm.s32 $0xFFFFFFFF;
	p2 =	slt.u32 s8, $0xFFFFF086  }
0x1c: {  	p1 =	slt.u32 s9, $0xF7A;
	s5 =	simm.s32 @!p2 $0x0  }
0x1d: {  	s5 =	simm.s32 @p1 $0x1;
	p0 =	seq.s32 s7, s2  }
0x1e: {  	s7 =	smul.u32 @!p0 $0xF7A, s2;
	p2 =	seq.s32 @!p0 s5, $0x0  }
0x1f: {  	s9 =	smul.u32 $0xF7A, s1;
	s8 =	simm.s32 @!p0 $0x1BF5;
	p2 =	por !p2, p0  }
0x20: {  	[sflag:s8] =	ssyncset.s32 @!p0 $0xFFFFF086;
	s6 =	sadd.s32 @!p0 s3, s7;
	s7 =	simm.s32 @!p0 $0x108  }
0x21: {  	s3 =	sadd.s32 s3, s9;
	s6 =	sadd.s32 @!p0 $0x88, s6;
	s7 =	simm.s32 @p2 $0x1082  }
0x22: {  	[simem:s7], [sflag:s8] =	dma.local @!p0 [hbm:s6], $0xF7A  }
0x23: {  	s9 =	sor.u32 $0xD0000000, s2;
	s6 =	simm.s32 $0x108;
	_ =	swait.ge @!p0 [sflag:s8], $0x0  }
0x24: {  	s3 =	sadd.s32 $0x88, s3;
	s6 =	simm.s32 @!p1 $0x1082;
	[sflag:s4] =	ssyncset.s32 $0xFFFFF086  }
0x25: {  	[simem:s6], [sflag:s4] =	dma.local [hbm:s3], $0xF7A  }
0x26: {  	[smem:$0x3F9F] =	sst s1;
	(tag) =	ssettag s2;
	_ =	strace s9  }
0x27: {  	s1 =	sld [smem:$0x3FAF]  }
0x28: {  	s2 =	sld [smem:$0x3FB0]  }
0x29: {  	s4 =	sld [smem:$0x3FB2]  }
0x2a: {  	p0 =	seq.s32 s5, $0x0;
	s5 =	sld [smem:$0x3FB3]  }
0x2b: {  	s6 =	sld [smem:$0x3FB4]  }
0x2c: {  	s7 =	sld [smem:$0x3FB5]  }
0x2d: {  	s3 =	simm.s32 $0x108;
	s8 =	sld [smem:$0x3FB6]  }
0x2e: {  	s3 =	simm.s32 @!p0 $0x1082;
	s9 =	sld [smem:$0x3FB7]  }
0x2f: {  	lr =	sadd.s32 s0, s3;
	s0 =	sld [smem:$0x3FAE]  }
0x30: {  	s3 =	sld [smem:$0x3FB1]  }
0x31: {  	[smem:$0x3FBA] =	sst s10  }
0x32: {  	s10 =	sld [smem:$0x3FB8];
	_ =	sdelay $0x3  }
0x33: {  	p0 =	seq.s32 s10, $0x1;
	s10 =	sld [smem:$0x3FBA];
	_ =	sdelay $0x3  }
0x34: {  	[smem:$0x3FBA] =	sst s10  }
0x35: {  	s10 =	sld [smem:$0x3FB9];
	_ =	sdelay $0x3  }
0x36: {  	p1 =	seq.s32 s10, $0x1;
	s10 =	sld [smem:$0x3FBA];
	_ =	sdelay $0x3  }
0x37: {  	[smem:$0x3FBA] =	sst s10  }
0x38: {  	s10 =	sld [smem:$0x3FBB]  }
0x39: {  	_ = 	snop;
	(pc) =	sbr.ind lr, $3  }
0x3a: {  	_ = 	snop  }
0x3b: {  	_ = 	snop  }
0x3c: {  	p2 =	seq.s32 s10, $0x1;
	s10 =	sld [smem:$0x3FBA]  }
0x3d: {  	_ =	shalt  }
0x3e: {  	_ =	shalt  }
0x3f: {  	_ =	shalt  }
0x40: {  	_ =	shalt  }
0x41: {  	_ =	shalt  }
0x42: {  	_ =	shalt  }
0x43: {  	_ =	shalt  }
0x44: {  	_ =	shalt  }
0x45: {  	_ =	shalt  }
0x46: {  	_ =	shalt  }
0x47: {  	_ =	shalt  }
0x48: {  	_ =	shalt  }
0x49: {  	_ =	shalt  }
0x4a: {  	_ =	shalt  }
0x4b: {  	_ =	shalt  }
0x4c: {  	_ =	shalt  }
0x4d: {  	_ =	shalt  }
0x4e: {  	_ =	shalt  }
0x4f: {  	_ =	shalt  }
0x50: {  	_ =	shalt  }
0x51: {  	_ =	shalt  }
0x52: {  	_ =	shalt  }
0x53: {  	_ =	shalt  }
0x54: {  	_ =	shalt  }
0x55: {  	_ =	shalt  }
0x56: {  	_ =	shalt  }
0x57: {  	_ =	shalt  }
0x58: {  	_ =	shalt  }
0x59: {  	_ =	shalt  }
0x5a: {  	_ =	shalt  }
0x5b: {  	_ =	shalt  }
0x5c: {  	_ =	shalt  }
0x5d: {  	_ =	shalt  }
0x5e: {  	_ =	shalt  }
0x5f: {  	_ =	shalt  }
0x60: {  	_ =	shalt  }
0x61: {  	_ =	shalt  }
0x62: {  	_ =	shalt  }
0x63: {  	_ =	shalt  }
0x64: {  	_ =	shalt  }
0x65: {  	_ =	shalt  }
0x66: {  	_ =	shalt  }
0x67: {  	_ =	shalt  }
0x68: {  	_ =	shalt  }
0x69: {  	_ =	shalt  }
0x6a: {  	_ =	shalt  }
0x6b: {  	_ =	shalt  }
0x6c: {  	_ =	shalt  }
0x6d: {  	_ =	shalt  }
0x6e: {  	_ =	shalt  }
0x6f: {  	_ =	shalt  }
0x70: {  	_ =	shalt  }
0x71: {  	_ =	shalt  }
0x72: {  	_ =	shalt  }
0x73: {  	_ =	shalt  }
0x74: {  	_ =	shalt  }
0x75: {  	_ =	shalt  }
0x76: {  	_ =	shalt  }
0x77: {  	_ =	shalt  }
0x78: {  	_ =	shalt  }
0x79: {  	_ =	shalt  }
0x7a: {  	_ =	shalt  }
0x7b: {  	_ =	shalt  }
0x7c: {  	_ =	shalt  }
0x7d: {  	_ =	shalt  }
0x7e: {  	_ =	shalt  }
0x7f: {  	_ =	shalt  }
0x80: {  	_ =	shalt  }
0x81: {  	_ =	shalt  }
0x82: {  	_ =	shalt  }
0x83: {  	_ =	shalt  }
0x84: {  	_ =	shalt  }
0x85: {  	_ =	shalt  }
0x86: {  	_ =	shalt  }
0x87: {  	_ =	shalt  }
.Lfunc_end0:
.L_simem_size_0:
called_computation_lowered:
.L_overlay_start_0:
0x88: {  	s2 =	sld [smem:$0x3FD9]  }
0x89: {  	s3 =	sld [smem:$0x3FFE];
	_ =	sdelay $0x1  }
0x8a: {  	s1 =	srdreg.scid  }
0x8b: {  	s0 =	sand.u32 $0x1, s1  }
0x8c: {  	s17 =	sshll.u32 s0, $0xA;
	s2 =	sadd.s32 s3, s2  }
0x8d: {  	s2 =	sadd.s32 s2, s17  }
0x8e: {  	[smem:$0x3FC6] =	sst s2  }
0x8f: {  	_ = 	snop  }
0x90: {  	s2 =	sld [smem:$0x3FC8];
	(tm) =	ssettm $0x1  }
0x91: {  	s18 =	sld [smem:$0x3FFB];
	_ =	sdelay $0x3  }
0x92: {  	_ =	strace s18  }
0x93: {  	s3 =	sld [smem:$0x3FFC];
	_ =	sdelay $0x3  }
0x94: {  	_ =	strace s3  }
0x95: {  	s3 =	sld [smem:$0x3FFD];
	_ =	sdelay $0x3  }
0x96: {  	_ =	strace s3  }
0x97: {  	_ =	strace $0x8FFFFFFF  }
0x98: {  	s19 =	sld [smem:$0x3FDB];
	_ =	sdelay $0x1  }
0x99: {  	s4 =	simm.s32 $_scs_section_size  }
0x9a: {  	s5 =	simm.s32 $_size__tile_overlayer_lowered;
	s6 =	simm.s32 $_tile_overlayer_lowered  }
0x9b: {  	s22 =	simm.s32 $0x1BFF;
	s21 =	sshll.u32 s6, $0x1;
	s3 =	sadd.s32 s4, s19  }
0x9c: {  	s7 =	simm.s32 $0x0;
	s20 =	sshll.u32 s5, $0x1;
	s5 =	sadd.s32 s21, s3  }
0x9d: {  	[timem:s7], [sflag:s22] =	dma.local [hbm:s5], s20  }
0x9e: {  	_ =	swait.ge [sflag:s22], s20  }
0x9f: {  	s4 =	ssub.s32 $0x0, s20;
	[sflag:s22] =	ssyncset.done $0x0  }
0xa0: {  	[sflag:s22] =	ssyncadd.s32 s4;
	_ =	sdelay $0x1  }
0xa1: {  	s23 =	simm.s32 $0x1B8B  }
0xa2: {  	_ =	swait.ge [sflag:s23], $0x1  }
0xa3: {  	[sflag:s23] =	ssyncset.done $0x0  }
0xa4: {  	s25 =	simm.s32 $0x1B8E;
	s24 =	sld [smem:$0x3FFE];
	[sflag:s23] =	ssyncadd.s32 $0xFFFFFFFF  }
0xa5: {  	s26 =	simm.s32 $execute0_lowered;
	[smem:$0x3FD2] =	sst s25  }
0xa6: {  	s5 =	sshll.u32 s26, $0x1;
	_ =	strace $0x80000046;
	[dreg:$0x1] =	wrdreg $0xFFFFFFFF  }
0xa7: {  	s28 =	simm.s32 $_size_execute0_lowered;
	s3 =	sadd.s32 s3, s5;
	[dreg:$0x0] =	wrdreg $0x0  }
0xa8: {  	s5 =	sshll.u32 s28, $0x1;
	[dreg:$0x2] =	wrdreg s3  }
0xa9: {  	[dreg:$0x3] =	wrdreg s5  }
0xaa: {  	[dreg:$0x4] =	wrdreg $0xC0  }
0xab: {  	_ =	task [dreg:s7], $0x5FFFF  }
0xac: {  	[dreg:$0x1] =	wrdreg $0xFFFFFFFF  }
0xad: {  	[dreg:$0x0] =	wrdreg $0x60  }
0xae: {  	[dreg:$0x2] =	wrdreg s2  }
0xaf: {  	[dreg:$0x3] =	wrdreg s24  }
0xb0: {  	[dreg:$0x4] =	wrdreg $0x9  }
0xb1: {  	_ =	task.clear_ibuf [dreg:s7], $0x5FFFF;
	_ =	strace $0x90000046  }
0xb2: {  	s29 =	simm.s32 $0x9;
	_ =	strace $0x80000048  }
0xb3: {  	_ =	swait.ge [sflag:s29], $0x1  }
0xb4: {  	[sflag:s29] =	ssyncadd.s32 $0xFFFFFFFF  }
0xb5: {  	_ =	strace $0x90000048  }
0xb6: {  	_ =	sfence  }
0xb7: {  	s30 =	sld [smem:$0x0];
	_ =	sdelay $0x2  }
0xb8: {  	s31 =	sshll.u32 s1, $0xD;
	s1 =	sshrl.u32 s1, $0x2  }
0xb9: {  	s3 =	sand.u32 $0x4000, s31;
	s1 =	sadd.s32 s1, s30  }
0xba: {  	s0 =	sor.u32 s3, s0;
	s1 =	sshll.u32 s1, $0x11  }
0xbb: {  	s0 =	sor.u32 s1, s0  }
0xbc: {  	s0 =	sadd.s32 $0x8F2B, s0  }
0xbd: {  	[sflag:s0] =	ssyncadd.remote.s32 $0x1  }
0xbe: {  	_ =	sfence.sel $0xFFFF  }
0xbf: {  	[dreg:$0x0] =	wrdreg $0xFFFFFFFF;
	(pc) =	sbr.abs _section_cstart, $3  }
0xc0: {  	[dreg:$0x1] =	wrdreg $0xFFFFFFFF  }
0xc1: {  	_ =	task.clear_ibuf [dreg:s7], $0x2FFFF;
	_ =	strace $0x9FFFFFFF  }
0xc2: {  	(tm) =	ssettm $0x7FFFFFFF  }
0xc3: {  	_ =	shalt  }
tec
execute0_lowered:
.L_overlay_start_1:
0x0: {  	(tag) =	ssettag $0x1  }
0x1: {  	s11 =	stileid.u32  }
0x2: {  	s0 =	rddreg [dreg:$0x0];
	s6 =	sshrl.u32 s11, $0x2  }
0x3: {  	s3 =	rddreg [dreg:$0x1];
	s26 =	smul.u32 $0x7A1400, s6  }
0x4: {  	s1 =	srdreg.scid;
	s10 =	smul.u32 $0xF4200, s6  }
0x5: {  	s4 =	sshll.u32 s11, $0x1;
	s11 =	sand.u32 $0x3, s11;
	s6 =	smul.u32 $0x7A1000, s6  }
0x6: {  	s2 =	simm.s32 $0x0;
	s5 =	sand.u32 $0x1, s1;
	s30 =	smul.u32 $0x1E8000, s11  }
0x7: {  	[smem:$0x7FF] =	sst s2;
	s12 =	smul.u32 $0xF4000, s5  }
0x8: {  	s9 =	sadd.s32 $0x800, s3;
	s25 =	sand.u32 $0x6, s4;
	s11 =	smul.u32 $0x3D000, s11  }
0x9: {  	s7 =	ssub.s32 $0x2, s5;
	s1 =	sor.u32 s5, s25;
	s5 =	smul.u32 $0x1E800, s5  }
0xa: {  	_ =	strace $0x80000047;
	s28 =	sshrl.u32 s7, $0x1;
	s8 =	smul.u32 $0xF4000, s1  }
0xb: {  	s21 =	ssub.s32 s7, s28;
	s31 =	sshrl.u32 s26, $0x3;
	s4 =	sadd.s32 s30, s26  }
0xc: {  	s13 =	sadd.s32 s10, s9;
	s14 =	sshrl.u32 s6, $0x3;
	p0 =	sne.s32 s1, $0x0  }
0xd: {  	s22 =	sadd.s32 s0, s31;
	s18 =	sadd.s32 s12, s4;
	s15 =	sadd.s32 s11, s13  }
0xe: {  	s23 =	sadd.s32 s9, s14;
	s8 =	sadd.s32 s26, s8;
	s16 =	sadd.s32 $0xBC00, s18  }
0xf: {  	s4 =	sadd.s32 s5, s15;
	s19 =	sadd.s32 $0xB800, s18;
	s20 =	sadd.s32 $0xB400, s18  }
0x10: {  	s24 =	sadd.s32 $0xB000, s18;
	s25 =	sadd.s32 $0xAC00, s18;
	s26 =	sadd.s32 $0xA800, s18  }
0x11: {  	s28 =	sadd.s32 $0xA400, s18;
	s12 =	sadd.s32 $0xA000, s18;
	s13 =	sadd.s32 $0x9C00, s18  }
0x12: {  	s14 =	sadd.s32 $0x9800, s18;
	s15 =	sadd.s32 $0x9400, s18;
	s30 =	sadd.s32 $0xF4000, s22  }
0x13: {  	s31 =	sadd.s32 $0xF4080, s22;
	s1 =	sadd.s32 $0xF4100, s22;
	s22 =	sadd.s32 $0xF4180, s22  }
0x14: {  	s23 =	sadd.s32 $0xF4000, s23;
	s29 =	sshrl.u32 s8, $0x3;
	s17 =	sshrl.u32 s16, $0x3  }
0x15: {  	s6 =	sshrl.u32 s19, $0x3;
	s7 =	sshrl.u32 s20, $0x3;
	[dreg:$0x3] =	wrdreg s30  }
0x16: {  	s8 =	sshrl.u32 s24, $0x3;
	s9 =	sshrl.u32 s25, $0x3;
	[dreg:$0x4] =	wrdreg s31  }
0x17: {  	s10 =	sshrl.u32 s26, $0x3;
	s11 =	sshrl.u32 s28, $0x3;
	[dreg:$0x5] =	wrdreg s1  }
0x18: {  	s16 =	sadd.s32 $0x9000, s18;
	s19 =	sadd.s32 $0x8800, s18;
	[dreg:$0x6] =	wrdreg s22  }
0x19: {  	s20 =	sadd.s32 $0x8400, s18;
	s24 =	sadd.s32 $0x8000, s18;
	[dreg:$0x7] =	wrdreg s23  }
0x1a: {  	s3 =	sadd.s32 s0, s29;
	s5 =	sadd.s32 s17, s0;
	s17 =	sadd.s32 $0x8C00, s18  }
0x1b: {  	s19 =	sshrl.u32 s19, $0x3;
	s29 =	sshrl.u32 s24, $0x3;
	s24 =	smax.u32 s21, $0x1  }
0x1c: {  	s20 =	sshrl.u32 s20, $0x3;
	[dreg:$0x8] =	wrdreg s24;
	s25 =	sadd.s32 $0x80, s3  }
0x1d: {  	s18 =	sadd.s32 s19, s0;
	s26 =	sadd.s32 $0x100, s3;
	[dreg:$0x9] =	wrdreg s25  }
0x1e: {  	s19 =	sadd.s32 s20, s0;
	s28 =	sadd.s32 $0x180, s3;
	[dreg:$0xa] =	wrdreg s26  }
0x1f: {  	s20 =	sadd.s32 s29, s0;
	s29 =	sadd.s32 $0x200, s3;
	[dreg:$0xb] =	wrdreg s28  }
0x20: {  	s30 =	sadd.s32 $0x280, s3;
	[dreg:$0xc] =	wrdreg s29  }
0x21: {  	s31 =	sadd.s32 $0x300, s3;
	[dreg:$0xd] =	wrdreg s30  }
0x22: {  	s12 =	sshrl.u32 s12, $0x3;
	s1 =	sadd.s32 $0x380, s3;
	[dreg:$0xe] =	wrdreg s31  }
0x23: {  	s13 =	sshrl.u32 s13, $0x3;
	s21 =	sadd.s32 $0x400, s3;
	[dreg:$0xf] =	wrdreg s1  }
0x24: {  	s14 =	sshrl.u32 s14, $0x3;
	s22 =	sadd.s32 $0x480, s3;
	[dreg:$0x10] =	wrdreg s21  }
0x25: {  	s15 =	sshrl.u32 s15, $0x3;
	s23 =	sadd.s32 $0x500, s3;
	[dreg:$0x11] =	wrdreg s22  }
0x26: {  	s6 =	sadd.s32 s6, s0;
	s24 =	sadd.s32 $0x580, s3;
	[dreg:$0x12] =	wrdreg s23  }
0x27: {  	s7 =	sadd.s32 s7, s0;
	[dreg:$0x13] =	wrdreg s24;
	s25 =	sadd.s32 $0x600, s3  }
0x28: {  	s8 =	sadd.s32 s8, s0;
	s26 =	sadd.s32 $0x680, s3;
	[dreg:$0x14] =	wrdreg s25  }
0x29: {  	s9 =	sadd.s32 s9, s0;
	s28 =	sadd.s32 $0x700, s3;
	[dreg:$0x15] =	wrdreg s26  }
0x2a: {  	s10 =	sadd.s32 s10, s0;
	s29 =	sadd.s32 $0x780, s3;
	[dreg:$0x16] =	wrdreg s28  }
0x2b: {  	s11 =	sadd.s32 s11, s0;
	s30 =	sadd.s32 $0x800, s3;
	[dreg:$0x17] =	wrdreg s29  }
0x2c: {  	s12 =	sadd.s32 s12, s0;
	s31 =	sadd.s32 $0x880, s3;
	[dreg:$0x18] =	wrdreg s30  }
0x2d: {  	s13 =	sadd.s32 s13, s0;
	s1 =	sadd.s32 $0x900, s3;
	[dreg:$0x19] =	wrdreg s31  }
0x2e: {  	s14 =	sadd.s32 s14, s0;
	s21 =	sadd.s32 $0x980, s3;
	[dreg:$0x1a] =	wrdreg s1  }
0x2f: {  	s16 =	sshrl.u32 s16, $0x3;
	s22 =	sadd.s32 $0xA00, s3;
	[dreg:$0x1b] =	wrdreg s21  }
0x30: {  	s15 =	sadd.s32 s15, s0;
	s23 =	sadd.s32 $0xA80, s3;
	[dreg:$0x1c] =	wrdreg s22  }
0x31: {  	s16 =	sadd.s32 s16, s0;
	s24 =	sadd.s32 $0xB00, s3;
	[dreg:$0x1d] =	wrdreg s23  }
0x32: {  	s17 =	sshrl.u32 s17, $0x3;
	[dreg:$0x1e] =	wrdreg s24;
	s25 =	sadd.s32 $0xB80, s3  }
0x33: {  	s17 =	sadd.s32 s17, s0;
	s26 =	sadd.s32 $0xC00, s3;
	[dreg:$0x1f] =	wrdreg s25  }
.Ltmp0:
0x34: {  	s28 =	sadd.s32 $0xC80, s3;
	[smem:$0x7F9] =	sst s26;
	(pc) =	sbr.rel .LBB2_1-.Ltmp0, $4  }
0x35: {  	s0 =	sadd.s32 $0xE80, s3;
	s29 =	sadd.s32 $0xD00, s3;
	[smem:$0x7FA] =	sst s28  }
0x36: {  	s30 =	sadd.s32 $0xD80, s3;
	s31 =	sadd.s32 $0xE00, s3;
	[smem:$0x7FB] =	sst s29  }
0x37: {  	s1 =	sadd.s32 $0xF00, s3;
	s21 =	sadd.s32 $0xF80, s3;
	[smem:$0x7FC] =	sst s30  }
0x38: {  	s22 =	simm.s32 $0x4;
	s23 =	simm.s32 $0x0;
	[smem:$0x7FD] =	sst s31  }
.LBB2_5:
0x39: {  	_ =	swait.ge [sflag:s22], $0x4000  }
0x3a: {  	[sflag:s22] =	ssyncset.done $0x0  }
0x3b: {  	s24 =	simm.s32 @!p0 $0x0;
	s25 =	rddreg [dreg:$0x3];
	[sflag:s22] =	ssyncadd.s32 $0xFFFFC000  }
0x3c: {  	[tilespmem:s24], [sflag:$0x1] =	stream.linear.gather @!p0 [hbm4b:s25+s24], $0x400, $0x38;
	[tilespmem:$0xC000] =	vst v63  }
0x3d: {  	s26 =	rddreg [dreg:$0x4];
	s25 =	simm.s32 @!p0 $0x400  }
0x3e: {  	[tilespmem:s25], [sflag:$0x1] =	stream.linear.gather @!p0 [hbm4b:s26+s24], $0x400, $0x38;
	[tilespmem:$0xC000] =	vst v63  }
0x3f: {  	s25 =	simm.s32 @!p0 $0x800;
	s26 =	rddreg [dreg:$0x5]  }
0x40: {  	[tilespmem:s25], [sflag:$0x1] =	stream.linear.gather @!p0 [hbm4b:s26+s24], $0x400, $0x38;
	[tilespmem:$0xC000] =	vst v63  }
0x41: {  	s25 =	simm.s32 @!p0 $0xC00;
	s26 =	rddreg [dreg:$0x6]  }
0x42: {  	[tilespmem:s25], [sflag:$0x1] =	stream.linear.gather @!p0 [hbm4b:s26+s24], $0x400, $0x38;
	[tilespmem:$0xC000] =	vst v63  }
0x43: {  	s25 =	simm.s32 @!p0 $0x1  }
0x44: {  	_ =	swait.ge @!p0 [sflag:s25], $0x400  }
0x45: {  	[sflag:s25] =	ssyncset.done @!p0 $0x0  }
0x46: {  	[sflag:s25] =	ssyncadd.s32 @!p0 $0xFFFFFC00  }
0x47: {  	_ =	swait.ge @!p0 [sflag:s25], $0x400  }
0x48: {  	[sflag:s25] =	ssyncset.done @!p0 $0x0  }
0x49: {  	[sflag:s25] =	ssyncadd.s32 @!p0 $0xFFFFFC00  }
0x4a: {  	_ =	swait.ge @!p0 [sflag:s25], $0x400  }
0x4b: {  	[sflag:s25] =	ssyncset.done @!p0 $0x0  }
0x4c: {  	[sflag:s25] =	ssyncadd.s32 @!p0 $0xFFFFFC00  }
0x4d: {  	_ =	swait.ge @!p0 [sflag:s25], $0x400  }
0x4e: {  	[sflag:s25] =	ssyncset.done @!p0 $0x0  }
0x4f: {  	[sflag:s25] =	ssyncadd.s32 @!p0 $0xFFFFFC00;
	s25 =	rddreg [dreg:$0x7]  }
0x50: {  	[hbm4b:s25+s24] =	stream.linear.scatter @!p0 [tilespmem:s24], [sflag:$0x4], $0x1000, $0x38;
	[tilespmem:$0xC000] =	vst v63  }
0x51: {  	s24 =	simm.s32 @!p0 $0x4  }
0x52: {  	_ =	swait.ge @!p0 [sflag:s24], $0x1000  }
0x53: {  	s23 =	sadd.s32 $0x1, s23;
	s31 =	rddreg [dreg:$0x8]  }
0x54: {  	p1 =	sne.s32 s23, s31  }
.Ltmp1:
0x55: {  	_ = 	snop;
	(pc) =	sbr.rel @!p1 .LBB2_6-.Ltmp1, $3  }
0x56: {  	_ =	sdelay $0x1  }
0x57: {  	[sflag:s24] =	ssyncset.done @!p0 $0x0  }
0x58: {  	[sflag:s24] =	ssyncadd.s32 @!p0 $0xFFFFF000  }
.LBB2_1:
0x59: {  	[tilespmem:s2], [sflag:$0x1] =	stream.linear.gather [hbm4b:s3+s2], $0x400, $0x38;
	[tilespmem:$0xC000] =	vst v63  }
0x5a: {  	s24 =	rddreg [dreg:$0x9]  }
0x5b: {  	s25 =	simm.s32 $0x400;
	s28 =	rddreg [dreg:$0xa]  }
0x5c: {  	[tilespmem:s25], [sflag:$0x1] =	stream.linear.gather [hbm4b:s24+s2], $0x400, $0x38;
	[tilespmem:$0xC000] =	vst v63  }
0x5d: {  	s29 =	simm.s32 $0x800;
	s30 =	rddreg [dreg:$0xb]  }
0x5e: {  	[tilespmem:s29], [sflag:$0x1] =	stream.linear.gather [hbm4b:s28+s2], $0x400, $0x38;
	[tilespmem:$0xC000] =	vst v63  }
0x5f: {  	s31 =	simm.s32 $0xC00;
	s25 =	rddreg [dreg:$0xc]  }
0x60: {  	[tilespmem:s31], [sflag:$0x1] =	stream.linear.gather [hbm4b:s30+s2], $0x400, $0x38;
	[tilespmem:$0xC000] =	vst v63  }
0x61: {  	s26 =	simm.s32 $0x1000;
	s28 =	rddreg [dreg:$0xd]  }
0x62: {  	[tilespmem:s26], [sflag:$0x1] =	stream.linear.gather [hbm4b:s25+s2], $0x400, $0x38;
	[tilespmem:$0xC000] =	vst v63  }
0x63: {  	s29 =	simm.s32 $0x1400;
	s30 =	rddreg [dreg:$0xe]  }
0x64: {  	[tilespmem:s29], [sflag:$0x1] =	stream.linear.gather [hbm4b:s28+s2], $0x400, $0x38;
	[tilespmem:$0xC000] =	vst v63  }
0x65: {  	s31 =	simm.s32 $0x1800;
	s25 =	rddreg [dreg:$0xf]  }
0x66: {  	[tilespmem:s31], [sflag:$0x1] =	stream.linear.gather [hbm4b:s30+s2], $0x400, $0x38;
	[tilespmem:$0xC000] =	vst v63  }
0x67: {  	s26 =	simm.s32 $0x1C00;
	s28 =	rddreg [dreg:$0x10]  }
0x68: {  	[tilespmem:s26], [sflag:$0x1] =	stream.linear.gather [hbm4b:s25+s2], $0x400, $0x38;
	[tilespmem:$0xC000] =	vst v63  }
0x69: {  	s29 =	simm.s32 $0x2000;
	s30 =	rddreg [dreg:$0x11]  }
0x6a: {  	[tilespmem:s29], [sflag:$0x1] =	stream.linear.gather [hbm4b:s28+s2], $0x400, $0x38;
	[tilespmem:$0xC000] =	vst v63  }
0x6b: {  	s31 =	simm.s32 $0x2400;
	s25 =	rddreg [dreg:$0x12]  }
0x6c: {  	[tilespmem:s31], [sflag:$0x1] =	stream.linear.gather [hbm4b:s30+s2], $0x400, $0x38;
	[tilespmem:$0xC000] =	vst v63  }
0x6d: {  	s26 =	simm.s32 $0x2800;
	s28 =	rddreg [dreg:$0x13]  }
0x6e: {  	[tilespmem:s26], [sflag:$0x1] =	stream.linear.gather [hbm4b:s25+s2], $0x400, $0x38;
	[tilespmem:$0xC000] =	vst v63  }
0x6f: {  	s29 =	simm.s32 $0x2C00;
	s30 =	rddreg [dreg:$0x14]  }
0x70: {  	[tilespmem:s29], [sflag:$0x1] =	stream.linear.gather [hbm4b:s28+s2], $0x400, $0x38;
	[tilespmem:$0xC000] =	vst v63  }
0x71: {  	s31 =	simm.s32 $0x3000;
	s25 =	rddreg [dreg:$0x15]  }
0x72: {  	[tilespmem:s31], [sflag:$0x1] =	stream.linear.gather [hbm4b:s30+s2], $0x400, $0x38;
	[tilespmem:$0xC000] =	vst v63  }
0x73: {  	s26 =	simm.s32 $0x3400;
	s28 =	rddreg [dreg:$0x16]  }
0x74: {  	[tilespmem:s26], [sflag:$0x1] =	stream.linear.gather [hbm4b:s25+s2], $0x400, $0x38;
	[tilespmem:$0xC000] =	vst v63  }
0x75: {  	s29 =	simm.s32 $0x3800;
	s30 =	rddreg [dreg:$0x17]  }
0x76: {  	[tilespmem:s29], [sflag:$0x1] =	stream.linear.gather [hbm4b:s28+s2], $0x400, $0x38;
	[tilespmem:$0xC000] =	vst v63  }
0x77: {  	s31 =	simm.s32 $0x3C00;
	s25 =	rddreg [dreg:$0x18]  }
0x78: {  	[tilespmem:s31], [sflag:$0x1] =	stream.linear.gather [hbm4b:s30+s2], $0x400, $0x38;
	[tilespmem:$0xC000] =	vst v63  }
0x79: {  	s26 =	simm.s32 $0x4000;
	s28 =	rddreg [dreg:$0x19]  }
0x7a: {  	[tilespmem:s26], [sflag:$0x2] =	stream.linear.gather [hbm4b:s25+s2], $0x400, $0x38;
	[tilespmem:$0xC000] =	vst v63  }
0x7b: {  	s29 =	simm.s32 $0x4400;
	s30 =	rddreg [dreg:$0x1a]  }
0x7c: {  	[tilespmem:s29], [sflag:$0x2] =	stream.linear.gather [hbm4b:s28+s2], $0x400, $0x38;
	[tilespmem:$0xC000] =	vst v63  }
0x7d: {  	s31 =	simm.s32 $0x4800;
	s25 =	rddreg [dreg:$0x1b]  }
0x7e: {  	[tilespmem:s31], [sflag:$0x2] =	stream.linear.gather [hbm4b:s30+s2], $0x400, $0x38;
	[tilespmem:$0xC000] =	vst v63  }
0x7f: {  	s26 =	simm.s32 $0x4C00;
	s28 =	rddreg [dreg:$0x1c]  }
0x80: {  	[tilespmem:s26], [sflag:$0x2] =	stream.linear.gather [hbm4b:s25+s2], $0x400, $0x38;
	[tilespmem:$0xC000] =	vst v63  }
0x81: {  	s29 =	simm.s32 $0x5000;
	s30 =	rddreg [dreg:$0x1d]  }
0x82: {  	[tilespmem:s29], [sflag:$0x2] =	stream.linear.gather [hbm4b:s28+s2], $0x400, $0x38;
	[tilespmem:$0xC000] =	vst v63  }
0x83: {  	s31 =	simm.s32 $0x5400;
	s25 =	rddreg [dreg:$0x1e]  }
0x84: {  	[tilespmem:s31], [sflag:$0x2] =	stream.linear.gather [hbm4b:s30+s2], $0x400, $0x38;
	[tilespmem:$0xC000] =	vst v63  }
0x85: {  	s26 =	simm.s32 $0x5800;
	s28 =	rddreg [dreg:$0x1f]  }
0x86: {  	[tilespmem:s26], [sflag:$0x2] =	stream.linear.gather [hbm4b:s25+s2], $0x400, $0x38;
	[tilespmem:$0xC000] =	vst v63  }
0x87: {  	s29 =	simm.s32 $0x5C00;
	s30 =	sld [smem:$0x7F9]  }
0x88: {  	[tilespmem:s29], [sflag:$0x2] =	stream.linear.gather [hbm4b:s28+s2], $0x400, $0x38;
	[tilespmem:$0xC000] =	vst v63  }
0x89: {  	s31 =	simm.s32 $0x6000;
	s25 =	sld [smem:$0x7FA]  }
0x8a: {  	[tilespmem:s31], [sflag:$0x2] =	stream.linear.gather [hbm4b:s30+s2], $0x400, $0x38;
	[tilespmem:$0xC000] =	vst v63  }
0x8b: {  	s26 =	simm.s32 $0x6400;
	s28 =	sld [smem:$0x7FB]  }
0x8c: {  	[tilespmem:s26], [sflag:$0x2] =	stream.linear.gather [hbm4b:s25+s2], $0x400, $0x38;
	[tilespmem:$0xC000] =	vst v63  }
0x8d: {  	s29 =	simm.s32 $0x6800;
	s30 =	sld [smem:$0x7FC]  }
0x8e: {  	[tilespmem:s29], [sflag:$0x2] =	stream.linear.gather [hbm4b:s28+s2], $0x400, $0x38;
	[tilespmem:$0xC000] =	vst v63  }
0x8f: {  	s31 =	simm.s32 $0x6C00;
	s26 =	sld [smem:$0x7FD]  }
0x90: {  	[tilespmem:s31], [sflag:$0x2] =	stream.linear.gather [hbm4b:s30+s2], $0x400, $0x38;
	[tilespmem:$0xC000] =	vst v63  }
0x91: {  	s28 =	simm.s32 $0x7000  }
0x92: {  	[tilespmem:s28], [sflag:$0x2] =	stream.linear.gather [hbm4b:s26+s2], $0x400, $0x38;
	[tilespmem:$0xC000] =	vst v63  }
0x93: {  	s29 =	simm.s32 $0x7400  }
0x94: {  	[tilespmem:s29], [sflag:$0x2] =	stream.linear.gather [hbm4b:s0+s2], $0x400, $0x38;
	[tilespmem:$0xC000] =	vst v63  }
.Ltmp2:
0x95: {  	_ = 	snop;
	(pc) =	sbr.rel .LBB2_2-.Ltmp2, $4  }
0x96: {  	s30 =	simm.s32 $0x7800  }
0x97: {  	[tilespmem:s30], [sflag:$0x2] =	stream.linear.gather [hbm4b:s1+s2], $0x400, $0x38;
	[tilespmem:$0xC000] =	vst v63  }
0x98: {  	s24 =	simm.s32 $0x0;
	s25 =	simm.s32 $0x0;
	s31 =	simm.s32 $0x7C00  }
0x99: {  	[tilespmem:s31], [sflag:$0x2] =	stream.linear.gather [hbm4b:s21+s2], $0x400, $0x38;
	[tilespmem:$0xC000] =	vst v63  }
.LBB2_4:
0x9a: {  	s26 =	sshrl.u32 s26, $0x9  }
0x9b: {  	s26 =	sand.u32 $0x7F, s26  }
0x9c: {  	s26 =	smul.u32 $0x3, s26;
	_ =	sdelay $0x1  }
0x9d: {  	s29 =	sadd.s32 s24, s4;
	s24 =	sadd.s32 $0x800, s24;
	s26 =	ssub.s32 s25, s26  }
0x9e: {  	p1 =	sne.s32 s24, $0x1E800;
	s26 =	sand.u32 $0xFF, s26  }
.Ltmp3:
0x9f: {  	s28 =	sadd.s32 $0x1, s26;
	(pc) =	sbr.rel @!p1 .LBB2_5-.Ltmp3, $4  }
0xa0: {  	_ =	swait.ge [sflag:s28], $0x4000  }
0xa1: {  	s25 =	sadd.s32 $0x1, s25;
	[sflag:s28] =	ssyncset.done $0x0  }
0xa2: {  	s31 =	sshll.u32 s26, $0xE;
	s26 =	sadd.s32 $0x4, s26;
	[sflag:s28] =	ssyncadd.s32 $0xFFFFC000  }
0xa3: {  	[hbm4b:s29+s2] =	stream.linear.scatter [tilespmem:s31], [sflag:s26], $0x4000, $0x38;
	[tilespmem:$0xC000] =	vst v63  }
.LBB2_2:
0xa4: {  	s26 =	smul.u32 $0xAB, s25;
	_ =	sdelay $0x1  }
0xa5: {  	s28 =	sadd.s32 $0x156, s26  }
0xa6: {  	s28 =	sshrl.u32 s28, $0x9  }
0xa7: {  	s28 =	sand.u32 $0x7F, s28  }
0xa8: {  	s28 =	smul.u32 $0x3, s28  }
0xa9: {  	p1 =	seq.s32 s24, $0x0  }
0xaa: {  	p2 =	sgt.u32 @!p1 s25, $0x3A;
	s28 =	ssub.s32 s25, s28  }
0xab: {  	p2 =	por p1, !p2;
	s28 =	sadd.s32 $0x2, s28  }
.Ltmp4:
0xac: {  	s28 =	sand.u32 $0xFF, s28;
	(pc) =	sbr.rel @!p2 .LBB2_4-.Ltmp4, $4  }
0xad: {  	s29 =	sadd.s32 @!p1 $0x4, s28  }
0xae: {  	_ =	swait.ge @!p1 [sflag:s29], $0x4000  }
0xaf: {  	[sflag:s29] =	ssyncset.done @!p1 $0x0  }
0xb0: {  	[sflag:s29] =	ssyncadd.s32 @!p1 $0xFFFFC000  }
0xb1: {  	s29 =	sadd.s32 $0x1, s28;
	s28 =	sshll.u32 s28, $0xE;
	s30 =	sadd.s32 s24, s20  }
0xb2: {  	[tilespmem:s28], [sflag:s29] =	stream.linear.gather [hbm4b:s30+s2], $0x400, $0x38;
	[tilespmem:$0xC000] =	vst v63  }
0xb3: {  	s31 =	sadd.s32 s24, s19;
	s30 =	sor.u32 $0x400, s28  }
0xb4: {  	[tilespmem:s30], [sflag:s29] =	stream.linear.gather [hbm4b:s31+s2], $0x400, $0x38;
	[tilespmem:$0xC000] =	vst v63  }
0xb5: {  	s30 =	sor.u32 $0x800, s28;
	s31 =	sadd.s32 s24, s18  }
0xb6: {  	[tilespmem:s30], [sflag:s29] =	stream.linear.gather [hbm4b:s31+s2], $0x400, $0x38;
	[tilespmem:$0xC000] =	vst v63  }
0xb7: {  	s30 =	sor.u32 $0xC00, s28;
	s31 =	sadd.s32 s24, s17  }
0xb8: {  	[tilespmem:s30], [sflag:s29] =	stream.linear.gather [hbm4b:s31+s2], $0x400, $0x38;
	[tilespmem:$0xC000] =	vst v63  }
0xb9: {  	s30 =	sor.u32 $0x1000, s28;
	s31 =	sadd.s32 s24, s16  }
0xba: {  	[tilespmem:s30], [sflag:s29] =	stream.linear.gather [hbm4b:s31+s2], $0x400, $0x38;
	[tilespmem:$0xC000] =	vst v63  }
0xbb: {  	s30 =	sor.u32 $0x1400, s28;
	s31 =	sadd.s32 s24, s15  }
0xbc: {  	[tilespmem:s30], [sflag:s29] =	stream.linear.gather [hbm4b:s31+s2], $0x400, $0x38;
	[tilespmem:$0xC000] =	vst v63  }
0xbd: {  	s30 =	sor.u32 $0x1800, s28;
	s31 =	sadd.s32 s24, s14  }
0xbe: {  	[tilespmem:s30], [sflag:s29] =	stream.linear.gather [hbm4b:s31+s2], $0x400, $0x38;
	[tilespmem:$0xC000] =	vst v63  }
0xbf: {  	s30 =	sor.u32 $0x1C00, s28;
	s31 =	sadd.s32 s24, s13  }
0xc0: {  	[tilespmem:s30], [sflag:s29] =	stream.linear.gather [hbm4b:s31+s2], $0x400, $0x38;
	[tilespmem:$0xC000] =	vst v63  }
0xc1: {  	s30 =	sor.u32 $0x2000, s28;
	s31 =	sadd.s32 s24, s12  }
0xc2: {  	[tilespmem:s30], [sflag:s29] =	stream.linear.gather [hbm4b:s31+s2], $0x400, $0x38;
	[tilespmem:$0xC000] =	vst v63  }
0xc3: {  	s30 =	sor.u32 $0x2400, s28;
	s31 =	sadd.s32 s24, s11  }
0xc4: {  	[tilespmem:s30], [sflag:s29] =	stream.linear.gather [hbm4b:s31+s2], $0x400, $0x38;
	[tilespmem:$0xC000] =	vst v63  }
0xc5: {  	s30 =	sor.u32 $0x2800, s28;
	s31 =	sadd.s32 s24, s10  }
0xc6: {  	[tilespmem:s30], [sflag:s29] =	stream.linear.gather [hbm4b:s31+s2], $0x400, $0x38;
	[tilespmem:$0xC000] =	vst v63  }
0xc7: {  	s30 =	sor.u32 $0x2C00, s28;
	s31 =	sadd.s32 s24, s9  }
0xc8: {  	[tilespmem:s30], [sflag:s29] =	stream.linear.gather [hbm4b:s31+s2], $0x400, $0x38;
	[tilespmem:$0xC000] =	vst v63  }
0xc9: {  	s30 =	sor.u32 $0x3000, s28;
	s31 =	sadd.s32 s24, s8  }
0xca: {  	[tilespmem:s30], [sflag:s29] =	stream.linear.gather [hbm4b:s31+s2], $0x400, $0x38;
	[tilespmem:$0xC000] =	vst v63  }
0xcb: {  	s30 =	sor.u32 $0x3400, s28;
	s31 =	sadd.s32 s24, s7  }
0xcc: {  	[tilespmem:s30], [sflag:s29] =	stream.linear.gather [hbm4b:s31+s2], $0x400, $0x38;
	[tilespmem:$0xC000] =	vst v63  }
.Ltmp5:
0xcd: {  	_ = 	snop;
	(pc) =	sbr.rel .LBB2_4-.Ltmp5, $4  }
0xce: {  	s30 =	sor.u32 $0x3800, s28;
	s31 =	sadd.s32 s24, s6  }
0xcf: {  	[tilespmem:s30], [sflag:s29] =	stream.linear.gather [hbm4b:s31+s2], $0x400, $0x38;
	[tilespmem:$0xC000] =	vst v63  }
0xd0: {  	s28 =	sor.u32 $0x3C00, s28;
	s31 =	sadd.s32 s24, s5  }
0xd1: {  	[tilespmem:s28], [sflag:s29] =	stream.linear.gather [hbm4b:s31+s2], $0x400, $0x38;
	[tilespmem:$0xC000] =	vst v63  }
.LBB2_6:
0xd2: {  	_ =	sfence.sel $0x180000  }
0xd3: {  	[bflag:$0x0] =	sbarrier.arrive $0xFFFF  }
0xd4: {  	_ =	strace $0x90000047  }
0xd5: {  	s0 =	stileid.u32;
	[bflag:$0x2] =	sbarrier.arrive $0xFFFF  }
0xd6: {  	p0 =	sne.s32 s0, $0x0;
	s0 =	rddreg [dreg:$0x2]  }
0xd7: {  	s0 =	sadd.s32 @!p0 $0x100000, s0  }
0xd8: {  	[sflag:s0] =	ssyncadd.tile.s32 @!p0 $0x1;
	_ =	shalt  }
.Lfunc_end2:
_tile_overlayer_lowered:
.L_overlay_start_2:
0xd9: {  	(tag) =	ssettag $0x2  }
0xda: {  	s0 =	rddreg [dreg:$0x0];
	s2 =	stileid.u32  }
0xdb: {  	s1 =	rddreg [dreg:$0x1];
	p0 =	sne.s32 s2, $0x0  }
0xdc: {  	s3 =	rddreg [dreg:$0x2];
	[bflag:$0x3] =	sbarrier.arrive $0xFFFF;
	s2 =	simm.s32 @!p0 $0x1C07  }
0xdd: {  	[timem:s3], [sflag:s2] =	dma.local @!p0 [hbm:s0], s1  }
0xde: {  	s0 =	simm.s32 @!p0 $0x7  }
0xdf: {  	_ =	swait.ge @!p0 [sflag:s0], s1  }
0xe0: {  	s1 =	ssub.s32 @!p0 $0x0, s1;
	[sflag:s0] =	ssyncset.done @!p0 $0x0  }
0xe1: {  	[sflag:s0] =	ssyncadd.s32 @!p0 s1  }
0xe2: {  	[bflag:$0x3] =	sbarrier.arrive $0xFFFF  }
0xe3: {  	_ =	shalt  }

// kernel: _embedding_lookup.7.cloned.1.call-start
scs
__scs_entry_jumppad:
0x0: {  	(pc) =	sbr.rel $0x88, $3  }
0x1: {  	(tag) =	ssettag $0x0;
	lr =	simm.s32 $0x1  }
0x2: {  	[smem:$0x3F9F] =	sst lr;
	_ =	strace $0xD0000000  }
0x3: {  	_ = 	snop  }
0x4: {  	_ = 	snop  }
0x5: {  	_ = 	snop  }
0x6: {  	_ = 	snop  }
0x7: {  	_ = 	snop  }
__scs_overlays_trampoline_lowered:
0x8: {  	[smem:$0x3FAE] =	sst s0  }
0x9: {  	[smem:$0x3FAF] =	sst s1  }
0xa: {  	[smem:$0x3FB0] =	sst s2  }
0xb: {  	[smem:$0x3FB1] =	sst s3  }
0xc: {  	[smem:$0x3FB2] =	sst s4  }
0xd: {  	[smem:$0x3FB3] =	sst s5  }
0xe: {  	[smem:$0x3FB4] =	sst s6  }
0xf: {  	[smem:$0x3FB5] =	sst s7  }
0x10: {  	[smem:$0x3FB6] =	sst s8  }
0x11: {  	[smem:$0x3FB7] =	sst s9;
	s0 =	simm.s32 @!p0 $0x0  }
0x12: {  	s1 =	sld [smem:$0x3F9D];
	s0 =	simm.s32 @p0 $0x1  }
0x13: {  	[smem:$0x3FB8] =	sst s0;
	s0 =	simm.s32 @!p1 $0x0  }
0x14: {  	s2 =	sld [smem:$0x3F9C];
	s0 =	simm.s32 @p1 $0x1  }
0x15: {  	[smem:$0x3FB9] =	sst s0;
	s0 =	simm.s32 @!p2 $0x0  }
0x16: {  	s3 =	sld [smem:$0x3FDB];
	s0 =	simm.s32 @p2 $0x1  }
0x17: {  	s4 =	simm.s32 $0x1BF5;
	[smem:$0x3FBB] =	sst s0  }
0x18: {  	s0 =	sld [smem:$0x3F9E];
	_ =	swait.ge [sflag:s4], $0x0  }
0x19: {  	s7 =	sld [smem:$0x3F9F]  }
0x1a: {  	s8 =	sadd.s32 $0xFFFFE003, lr  }
0x1b: {  	s9 =	sadd.s32 $0xFFFFFEF7, lr;
	s5 =	simm.s32 $0xFFFFFFFF;
	p2 =	slt.u32 s8, $0xFFFFF086  }
0x1c: {  	p1 =	slt.u32 s9, $0xF7A;
	s5 =	simm.s32 @!p2 $0x0  }
0x1d: {  	s5 =	simm.s32 @p1 $0x1;
	p0 =	seq.s32 s7, s2  }
0x1e: {  	s7 =	smul.u32 @!p0 $0xF7A, s2;
	p2 =	seq.s32 @!p0 s5, $0x0  }
0x1f: {  	s9 =	smul.u32 $0xF7A, s1;
	s8 =	simm.s32 @!p0 $0x1BF5;
	p2 =	por !p2, p0  }
0x20: {  	[sflag:s8] =	ssyncset.s32 @!p0 $0xFFFFF086;
	s6 =	sadd.s32 @!p0 s3, s7;
	s7 =	simm.s32 @!p0 $0x108  }
0x21: {  	s3 =	sadd.s32 s3, s9;
	s6 =	sadd.s32 @!p0 $0x88, s6;
	s7 =	simm.s32 @p2 $0x1082  }
0x22: {  	[simem:s7], [sflag:s8] =	dma.local @!p0 [hbm:s6], $0xF7A  }
0x23: {  	s9 =	sor.u32 $0xD0000000, s2;
	s6 =	simm.s32 $0x108;
	_ =	swait.ge @!p0 [sflag:s8], $0x0  }
0x24: {  	s3 =	sadd.s32 $0x88, s3;
	s6 =	simm.s32 @!p1 $0x1082;
	[sflag:s4] =	ssyncset.s32 $0xFFFFF086  }
0x25: {  	[simem:s6], [sflag:s4] =	dma.local [hbm:s3], $0xF7A  }
0x26: {  	[smem:$0x3F9F] =	sst s1;
	(tag) =	ssettag s2;
	_ =	strace s9  }
0x27: {  	s1 =	sld [smem:$0x3FAF]  }
0x28: {  	s2 =	sld [smem:$0x3FB0]  }
0x29: {  	s4 =	sld [smem:$0x3FB2]  }
0x2a: {  	p0 =	seq.s32 s5, $0x0;
	s5 =	sld [smem:$0x3FB3]  }
0x2b: {  	s6 =	sld [smem:$0x3FB4]  }
0x2c: {  	s7 =	sld [smem:$0x3FB5]  }
0x2d: {  	s3 =	simm.s32 $0x108;
	s8 =	sld [smem:$0x3FB6]  }
0x2e: {  	s3 =	simm.s32 @!p0 $0x1082;
	s9 =	sld [smem:$0x3FB7]  }
0x2f: {  	lr =	sadd.s32 s0, s3;
	s0 =	sld [smem:$0x3FAE]  }
0x30: {  	s3 =	sld [smem:$0x3FB1]  }
0x31: {  	[smem:$0x3FBA] =	sst s10  }
0x32: {  	s10 =	sld [smem:$0x3FB8];
	_ =	sdelay $0x3  }
0x33: {  	p0 =	seq.s32 s10, $0x1;
	s10 =	sld [smem:$0x3FBA];
	_ =	sdelay $0x3  }
0x34: {  	[smem:$0x3FBA] =	sst s10  }
0x35: {  	s10 =	sld [smem:$0x3FB9];
	_ =	sdelay $0x3  }
0x36: {  	p1 =	seq.s32 s10, $0x1;
	s10 =	sld [smem:$0x3FBA];
	_ =	sdelay $0x3  }
0x37: {  	[smem:$0x3FBA] =	sst s10  }
0x38: {  	s10 =	sld [smem:$0x3FBB]  }
0x39: {  	_ = 	snop;
	(pc) =	sbr.ind lr, $3  }
0x3a: {  	_ = 	snop  }
0x3b: {  	_ = 	snop  }
0x3c: {  	p2 =	seq.s32 s10, $0x1;
	s10 =	sld [smem:$0x3FBA]  }
0x3d: {  	_ =	shalt  }
0x3e: {  	_ =	shalt  }
0x3f: {  	_ =	shalt  }
0x40: {  	_ =	shalt  }
0x41: {  	_ =	shalt  }
0x42: {  	_ =	shalt  }
0x43: {  	_ =	shalt  }
0x44: {  	_ =	shalt  }
0x45: {  	_ =	shalt  }
0x46: {  	_ =	shalt  }
0x47: {  	_ =	shalt  }
0x48: {  	_ =	shalt  }
0x49: {  	_ =	shalt  }
0x4a: {  	_ =	shalt  }
0x4b: {  	_ =	shalt  }
0x4c: {  	_ =	shalt  }
0x4d: {  	_ =	shalt  }
0x4e: {  	_ =	shalt  }
0x4f: {  	_ =	shalt  }
0x50: {  	_ =	shalt  }
0x51: {  	_ =	shalt  }
0x52: {  	_ =	shalt  }
0x53: {  	_ =	shalt  }
0x54: {  	_ =	shalt  }
0x55: {  	_ =	shalt  }
0x56: {  	_ =	shalt  }
0x57: {  	_ =	shalt  }
0x58: {  	_ =	shalt  }
0x59: {  	_ =	shalt  }
0x5a: {  	_ =	shalt  }
0x5b: {  	_ =	shalt  }
0x5c: {  	_ =	shalt  }
0x5d: {  	_ =	shalt  }
0x5e: {  	_ =	shalt  }
0x5f: {  	_ =	shalt  }
0x60: {  	_ =	shalt  }
0x61: {  	_ =	shalt  }
0x62: {  	_ =	shalt  }
0x63: {  	_ =	shalt  }
0x64: {  	_ =	shalt  }
0x65: {  	_ =	shalt  }
0x66: {  	_ =	shalt  }
0x67: {  	_ =	shalt  }
0x68: {  	_ =	shalt  }
0x69: {  	_ =	shalt  }
0x6a: {  	_ =	shalt  }
0x6b: {  	_ =	shalt  }
0x6c: {  	_ =	shalt  }
0x6d: {  	_ =	shalt  }
0x6e: {  	_ =	shalt  }
0x6f: {  	_ =	shalt  }
0x70: {  	_ =	shalt  }
0x71: {  	_ =	shalt  }
0x72: {  	_ =	shalt  }
0x73: {  	_ =	shalt  }
0x74: {  	_ =	shalt  }
0x75: {  	_ =	shalt  }
0x76: {  	_ =	shalt  }
0x77: {  	_ =	shalt  }
0x78: {  	_ =	shalt  }
0x79: {  	_ =	shalt  }
0x7a: {  	_ =	shalt  }
0x7b: {  	_ =	shalt  }
0x7c: {  	_ =	shalt  }
0x7d: {  	_ =	shalt  }
0x7e: {  	_ =	shalt  }
0x7f: {  	_ =	shalt  }
0x80: {  	_ =	shalt  }
0x81: {  	_ =	shalt  }
0x82: {  	_ =	shalt  }
0x83: {  	_ =	shalt  }
0x84: {  	_ =	shalt  }
0x85: {  	_ =	shalt  }
0x86: {  	_ =	shalt  }
0x87: {  	_ =	shalt  }
.Lfunc_end0:
.L_simem_size_0:
called_computation.1_lowered:
.L_overlay_start_0:
0x88: {  	s2 =	sld [smem:$0x3FD9]  }
0x89: {  	s3 =	sld [smem:$0x3FFE];
	_ =	sdelay $0x1  }
0x8a: {  	s1 =	srdreg.scid  }
0x8b: {  	s0 =	sand.u32 $0x1, s1  }
0x8c: {  	s17 =	sshll.u32 s0, $0xA;
	s2 =	sadd.s32 s3, s2  }
0x8d: {  	s2 =	sadd.s32 s2, s17  }
0x8e: {  	[smem:$0x3FC6] =	sst s2  }
0x8f: {  	_ = 	snop  }
0x90: {  	s2 =	sld [smem:$0x3FC9]  }
0x91: {  	s18 =	sld [smem:$0x3FD0];
	(tm) =	ssettm $0x1  }
0x92: {  	s4 =	sld [smem:$0x3FFB];
	_ =	sdelay $0x3  }
0x93: {  	_ =	strace s4  }
0x94: {  	s4 =	sld [smem:$0x3FFC];
	_ =	sdelay $0x3  }
0x95: {  	_ =	strace s4  }
0x96: {  	s4 =	sld [smem:$0x3FFD];
	_ =	sdelay $0x3  }
0x97: {  	_ =	strace s4  }
0x98: {  	_ =	strace $0x8FFFFFFF  }
0x99: {  	s19 =	sld [smem:$0x3FDB];
	_ =	sdelay $0x1  }
0x9a: {  	s5 =	simm.s32 $_scs_section_size  }
0x9b: {  	s6 =	simm.s32 $_size__tile_overlayer_lowered;
	s7 =	simm.s32 $_tile_overlayer_lowered  }
0x9c: {  	s22 =	simm.s32 $0x1BFF;
	s21 =	sshll.u32 s7, $0x1;
	s4 =	sadd.s32 s5, s19  }
0x9d: {  	s8 =	simm.s32 $0x0;
	s20 =	sshll.u32 s6, $0x1;
	s6 =	sadd.s32 s21, s4  }
0x9e: {  	[timem:s8], [sflag:s22] =	dma.local [hbm:s6], s20  }
0x9f: {  	_ =	swait.ge [sflag:s22], s20  }
0xa0: {  	s5 =	ssub.s32 $0x0, s20;
	[sflag:s22] =	ssyncset.done $0x0  }
0xa1: {  	[sflag:s22] =	ssyncadd.s32 s5;
	_ =	sdelay $0x1  }
0xa2: {  	s23 =	simm.s32 $0x1B8B  }
0xa3: {  	_ =	swait.ge [sflag:s23], $0x1  }
0xa4: {  	[sflag:s23] =	ssyncset.done $0x0  }
0xa5: {  	s25 =	simm.s32 $0x1B8E;
	s24 =	sld [smem:$0x3FFE];
	[sflag:s23] =	ssyncadd.s32 $0xFFFFFFFF  }
0xa6: {  	s26 =	simm.s32 $execute0_lowered;
	[smem:$0x3FD2] =	sst s25  }
0xa7: {  	s6 =	sshll.u32 s26, $0x1;
	_ =	strace $0x80000049;
	[dreg:$0x1] =	wrdreg $0xFFFFFFFF  }
0xa8: {  	s28 =	simm.s32 $_size_execute0_lowered;
	s4 =	sadd.s32 s4, s6;
	[dreg:$0x0] =	wrdreg $0x0  }
0xa9: {  	s6 =	sshll.u32 s28, $0x1;
	[dreg:$0x2] =	wrdreg s4  }
0xaa: {  	[dreg:$0x3] =	wrdreg s6  }
0xab: {  	[dreg:$0x4] =	wrdreg $0xC0  }
0xac: {  	_ =	task [dreg:s8], $0x5FFFF  }
0xad: {  	[dreg:$0x1] =	wrdreg $0xFFFFFFFF  }
0xae: {  	[dreg:$0x0] =	wrdreg $0x60  }
0xaf: {  	[dreg:$0x2] =	wrdreg s2  }
0xb0: {  	[dreg:$0x3] =	wrdreg s24  }
0xb1: {  	[dreg:$0x4] =	wrdreg s18  }
0xb2: {  	[dreg:$0x5] =	wrdreg $0x9  }
0xb3: {  	_ =	task.clear_ibuf [dreg:s8], $0x6FFFF;
	_ =	strace $0x90000049  }
0xb4: {  	s29 =	simm.s32 $0x9;
	_ =	strace $0x8000004B  }
0xb5: {  	_ =	swait.ge [sflag:s29], $0x1  }
0xb6: {  	[sflag:s29] =	ssyncadd.s32 $0xFFFFFFFF  }
0xb7: {  	_ =	strace $0x9000004B  }
0xb8: {  	_ =	sfence  }
0xb9: {  	s30 =	sld [smem:$0x0];
	_ =	sdelay $0x2  }
0xba: {  	s31 =	sshll.u32 s1, $0xD;
	s1 =	sshrl.u32 s1, $0x2  }
0xbb: {  	s3 =	sand.u32 $0x4000, s31;
	s1 =	sadd.s32 s1, s30  }
0xbc: {  	s0 =	sor.u32 s3, s0;
	s1 =	sshll.u32 s1, $0x11  }
0xbd: {  	s0 =	sor.u32 s1, s0  }
0xbe: {  	s0 =	sadd.s32 $0x8F2B, s0  }
0xbf: {  	[sflag:s0] =	ssyncadd.remote.s32 $0x1  }
0xc0: {  	_ =	sfence.sel $0xFFFF  }
0xc1: {  	[dreg:$0x0] =	wrdreg $0xFFFFFFFF;
	(pc) =	sbr.abs _section_cstart, $3  }
0xc2: {  	[dreg:$0x1] =	wrdreg $0xFFFFFFFF  }
0xc3: {  	_ =	task.clear_ibuf [dreg:s8], $0x2FFFF;
	_ =	strace $0x9FFFFFFF  }
0xc4: {  	(tm) =	ssettm $0x7FFFFFFF  }
0xc5: {  	_ =	shalt  }
tec
execute0_lowered:
.L_overlay_start_1:
0x0: {  	(tag) =	ssettag $0x1  }
0x1: {  	s0 =	rddreg [dreg:$0x0]  }
0x2: {  	s1 =	rddreg [dreg:$0x1];
	s3 =	simm.s32 $0x0;
	s2 =	srdreg.scid;
	v0 =	vlaneseq.u32  }
0x3: {  	s4 =	stileid.u32;
	s8 =	simm.s32 $0x3;
	s9 =	simm.s32 $0x8200;
	v1 =	vor.u32 $0x200, v0  }
0x4: {  	s10 =	simm.s32 $0x80;
	s11 =	simm.s32 $0x200;
	s12 =	simm.s32 $0x4200;
	v2 =	vor.u32 $0x400, v0;
	v3 =	vor.u32 $0x600, v0;
	v4 =	vor.u32 $0x800, v0  }
0x5: {  	s15 =	simm.s32 $0x300;
	s14 =	simm.s32 $0x800;
	s16 =	simm.s32 $0x4800;
	v5 =	vor.u32 $0xA00, v0;
	v6 =	vor.u32 $0xC00, v0;
	v7 =	vor.u32 $0xE00, v0  }
0x6: {  	s17 =	simm.s32 $0x880;
	s18 =	simm.s32 $0x4880;
	s19 =	simm.s32 $0x900;
	v8 =	vor.u32 $0x1000, v0;
	v9 =	vor.u32 $0x1200, v0;
	v10 =	vor.u32 $0x1400, v0  }
0x7: {  	s20 =	simm.s32 $0x4900;
	s21 =	simm.s32 $0x980;
	s22 =	simm.s32 $0x4980;
	v11 =	vor.u32 $0x1600, v0;
	v12 =	vor.u32 $0x1800, v0;
	v13 =	vor.u32 $0x1A00, v0  }
0x8: {  	s23 =	simm.s32 $0x1;
	s24 =	simm.s32 $0x2;
	s25 =	simm.s32 $0x4000;
	v14 =	vor.u32 $0x1C00, v0;
	v15 =	vor.u32 $0x1E00, v0;
	v16 =	vor.u32 $0x2000, v0  }
0x9: {  	s26 =	simm.s32 $0x0;
	[smem:$0x7FF] =	sst s3;
	s2 =	sand.u32 $0x1, s2;
	v17 =	vor.u32 $0x2200, v0;
	v18 =	vor.u32 $0x2400, v0;
	v19 =	vor.u32 $0x2600, v0  }
0xa: {  	s4 =	sshll.u32 s4, $0x7;
	v20 =	vor.u32 $0x2800, v0;
	v21 =	vor.u32 $0x2A00, v0;
	v22 =	vor.u32 $0x2C00, v0;
	s5 =	sshll.u32 s2, $0x6;
	s2 =	ssub.s32 $0x2, s2  }
0xb: {  	v23 =	vor.u32 $0x2E00, v0;
	v24 =	vor.u32 $0x3000, v0;
	v25 =	vor.u32 $0x3200, v0;
	_ =	strace $0x8000004A;
	s5 =	sor.u32 s5, s4;
	s6 =	sshrl.u32 s2, $0x1  }
0xc: {  	v26 =	vor.u32 $0x3400, v0;
	v27 =	vor.u32 $0x3600, v0;
	v28 =	vor.u32 $0x3800, v0;
	s4 =	sadd.s32 $0x800, s1;
	s1 =	sadd.s32 s5, s1;
	s2 =	ssub.s32 s2, s6  }
0xd: {  	v29 =	vor.u32 $0x3A00, v0;
	v30 =	vor.u32 $0x3C00, v0;
	v31 =	vor.u32 $0x3E00, v0;
	s5 =	sadd.s32 s0, s5;
	s6 =	sadd.s32 $0x3D1000, s1;
	s7 =	smax.u32 s2, $0x1  }
.LBB2_1:
0xe: {  	[tilespmem:s3], [sflag:$0x3] =	stream.linear.gather [hbm4b:s5+s3], $0x200, $0x38;
	[tilespmem:$0x8A00] =	vst v63  }
0xf: {  	_ =	swait.ge [sflag:s8], $0x200  }
0x10: {  	[sflag:s8] =	ssyncset.done $0x0  }
0x11: {  	[sflag:s8] =	ssyncadd.s32 $0xFFFFFE00  }
0x12: {  	s0 =	rddreg [dreg:$0x2]  }
0x13: {  	[tilespmem:s9], [sflag:$0x3] =	stream.linear.gather [hbm4b:s0+s3], $0x800, $0x38;
	[tilespmem:$0x8A00] =	vst v63  }
0x14: {  	_ =	swait.ge [sflag:s8], $0x800  }
0x15: {  	[sflag:s8] =	ssyncset.done $0x0  }
0x16: {  	[sflag:s8] =	ssyncadd.s32 $0xFFFFF800  }
0x17: {  	v32 =	vld [tilespmem:$0x0];
	_ =	sdelay $0x1  }
0x18: {  	s13 =	simm.s32 $0x0  }
0x19: {  	s0 =	smul.u32 $0x7A1000, s13  }
0x1a: {  	s1 =	sand.u32 $0x380, s3  }
0x1b: {  	s0 =	sor.u32 s1, s0;
	v33 =	vshll.u32 v32, $0x3;
	v32 =	vand.u32 $0x7F, v32  }
0x1c: {  	v33 =	vand.u32 $0xFFFFFC00, v33;
	v32 =	vor.u32 s0, v32  }
0x1d: {  	v32 =	vadd.s32 v33, v32  }
0x1e: {  	[tilespmem:s15+$0xFFFFFF00] =	vst v32  }
0x1f: {  	v32 =	vld [tilespmem:$0x10];
	_ =	sdelay $0x4  }
0x20: {  	v61 =	vshll.u32 v32, $0x3;
	v32 =	vand.u32 $0x7F, v32  }
0x21: {  	v33 =	vand.u32 $0xFFFFFC00, v61;
	v32 =	vor.u32 s0, v32  }
0x22: {  	v32 =	vadd.s32 v33, v32  }
0x23: {  	[tilespmem:s15+$0xFFFFFF10] =	vst v32  }
0x24: {  	v32 =	vld [tilespmem:$0x20];
	_ =	sdelay $0x4  }
0x25: {  	v62 =	vshll.u32 v32, $0x3;
	v32 =	vand.u32 $0x7F, v32  }
0x26: {  	v33 =	vand.u32 $0xFFFFFC00, v62;
	v32 =	vor.u32 s0, v32  }
0x27: {  	v32 =	vadd.s32 v33, v32  }
0x28: {  	[tilespmem:s15+$0xFFFFFF20] =	vst v32  }
0x29: {  	v32 =	vld [tilespmem:$0x30];
	_ =	sdelay $0x4  }
0x2a: {  	v63 =	vshll.u32 v32, $0x3;
	v32 =	vand.u32 $0x7F, v32  }
0x2b: {  	v33 =	vand.u32 $0xFFFFFC00, v63;
	v32 =	vor.u32 s0, v32  }
0x2c: {  	v32 =	vadd.s32 v33, v32  }
0x2d: {  	[tilespmem:s15+$0xFFFFFF30] =	vst v32  }
0x2e: {  	v32 =	vld [tilespmem:$0x40];
	_ =	sdelay $0x4  }
0x2f: {  	v36 =	vshll.u32 v32, $0x3;
	v32 =	vand.u32 $0x7F, v32  }
0x30: {  	v33 =	vand.u32 $0xFFFFFC00, v36;
	v32 =	vor.u32 s0, v32  }
0x31: {  	v32 =	vadd.s32 v33, v32  }
0x32: {  	[tilespmem:s15+$0xFFFFFF40] =	vst v32  }
0x33: {  	v32 =	vld [tilespmem:$0x50];
	_ =	sdelay $0x4  }
0x34: {  	v37 =	vshll.u32 v32, $0x3;
	v32 =	vand.u32 $0x7F, v32  }
0x35: {  	v33 =	vand.u32 $0xFFFFFC00, v37;
	v32 =	vor.u32 s0, v32  }
0x36: {  	v32 =	vadd.s32 v33, v32  }
0x37: {  	[tilespmem:s15+$0xFFFFFF50] =	vst v32  }
0x38: {  	v32 =	vld [tilespmem:$0x60];
	_ =	sdelay $0x4  }
0x39: {  	v38 =	vshll.u32 v32, $0x3;
	v32 =	vand.u32 $0x7F, v32  }
0x3a: {  	v33 =	vand.u32 $0xFFFFFC00, v38;
	v32 =	vor.u32 s0, v32  }
0x3b: {  	v32 =	vadd.s32 v33, v32  }
0x3c: {  	[tilespmem:s15+$0xFFFFFF60] =	vst v32  }
0x3d: {  	v32 =	vld [tilespmem:$0x70];
	_ =	sdelay $0x4  }
0x3e: {  	v39 =	vshll.u32 v32, $0x3;
	v32 =	vand.u32 $0x7F, v32  }
0x3f: {  	v33 =	vand.u32 $0xFFFFFC00, v39;
	v32 =	vor.u32 s0, v32  }
0x40: {  	v32 =	vadd.s32 v33, v32  }
0x41: {  	[tilespmem:s15+$0xFFFFFF70] =	vst v32  }
0x42: {  	v32 =	vld [tilespmem:$0x80];
	_ =	sdelay $0x4  }
0x43: {  	v40 =	vshll.u32 v32, $0x3;
	v32 =	vand.u32 $0x7F, v32  }
0x44: {  	v33 =	vand.u32 $0xFFFFFC00, v40;
	v32 =	vor.u32 s0, v32  }
0x45: {  	v32 =	vadd.s32 v33, v32  }
0x46: {  	[tilespmem:s15+$0xFFFFFF80] =	vst v32  }
0x47: {  	v32 =	vld [tilespmem:$0x90];
	_ =	sdelay $0x4  }
0x48: {  	v41 =	vshll.u32 v32, $0x3;
	v32 =	vand.u32 $0x7F, v32  }
0x49: {  	v33 =	vand.u32 $0xFFFFFC00, v41;
	v32 =	vor.u32 s0, v32  }
0x4a: {  	v32 =	vadd.s32 v33, v32  }
0x4b: {  	[tilespmem:s15+$0xFFFFFF90] =	vst v32  }
0x4c: {  	v32 =	vld [tilespmem:$0xA0];
	_ =	sdelay $0x4  }
0x4d: {  	v42 =	vshll.u32 v32, $0x3;
	v32 =	vand.u32 $0x7F, v32  }
0x4e: {  	v33 =	vand.u32 $0xFFFFFC00, v42;
	v32 =	vor.u32 s0, v32  }
0x4f: {  	v32 =	vadd.s32 v33, v32  }
0x50: {  	[tilespmem:s15+$0xFFFFFFA0] =	vst v32  }
0x51: {  	v32 =	vld [tilespmem:$0xB0];
	_ =	sdelay $0x4  }
0x52: {  	v43 =	vshll.u32 v32, $0x3;
	v32 =	vand.u32 $0x7F, v32  }
0x53: {  	v33 =	vand.u32 $0xFFFFFC00, v43;
	v32 =	vor.u32 s0, v32  }
0x54: {  	v32 =	vadd.s32 v33, v32  }
0x55: {  	[tilespmem:s15+$0xFFFFFFB0] =	vst v32  }
0x56: {  	v32 =	vld [tilespmem:$0xC0];
	_ =	sdelay $0x4  }
0x57: {  	v44 =	vshll.u32 v32, $0x3;
	v32 =	vand.u32 $0x7F, v32  }
0x58: {  	v33 =	vand.u32 $0xFFFFFC00, v44;
	v32 =	vor.u32 s0, v32  }
0x59: {  	v32 =	vadd.s32 v33, v32  }
0x5a: {  	[tilespmem:s15+$0xFFFFFFC0] =	vst v32  }
0x5b: {  	v32 =	vld [tilespmem:$0xD0];
	_ =	sdelay $0x4  }
0x5c: {  	v45 =	vshll.u32 v32, $0x3;
	v32 =	vand.u32 $0x7F, v32  }
0x5d: {  	v33 =	vand.u32 $0xFFFFFC00, v45;
	v32 =	vor.u32 s0, v32  }
0x5e: {  	v32 =	vadd.s32 v33, v32  }
0x5f: {  	[tilespmem:s15+$0xFFFFFFD0] =	vst v32  }
0x60: {  	v32 =	vld [tilespmem:$0xE0];
	_ =	sdelay $0x4  }
0x61: {  	v46 =	vshll.u32 v32, $0x3;
	v32 =	vand.u32 $0x7F, v32  }
0x62: {  	v33 =	vand.u32 $0xFFFFFC00, v46;
	v32 =	vor.u32 s0, v32  }
0x63: {  	v32 =	vadd.s32 v33, v32  }
0x64: {  	[tilespmem:s15+$0xFFFFFFE0] =	vst v32  }
0x65: {  	v32 =	vld [tilespmem:$0xF0];
	_ =	sdelay $0x4  }
0x66: {  	v47 =	vshll.u32 v32, $0x3;
	v32 =	vand.u32 $0x7F, v32  }
0x67: {  	v33 =	vand.u32 $0xFFFFFC00, v47;
	v32 =	vor.u32 s0, v32  }
0x68: {  	v32 =	vadd.s32 v33, v32  }
0x69: {  	[tilespmem:s15+$0xFFFFFFF0] =	vst v32  }
0x6a: {  	v32 =	vld [tilespmem:$0x100];
	_ =	sdelay $0x4  }
0x6b: {  	v48 =	vshll.u32 v32, $0x3;
	v32 =	vand.u32 $0x7F, v32  }
0x6c: {  	v33 =	vand.u32 $0xFFFFFC00, v48;
	v32 =	vor.u32 s0, v32  }
0x6d: {  	v32 =	vadd.s32 v33, v32  }
0x6e: {  	[tilespmem:s15+$0x0] =	vst v32  }
0x6f: {  	v32 =	vld [tilespmem:$0x110];
	_ =	sdelay $0x4  }
0x70: {  	v49 =	vshll.u32 v32, $0x3;
	v32 =	vand.u32 $0x7F, v32  }
0x71: {  	v33 =	vand.u32 $0xFFFFFC00, v49;
	v32 =	vor.u32 s0, v32  }
0x72: {  	v32 =	vadd.s32 v33, v32  }
0x73: {  	[tilespmem:s15+$0x10] =	vst v32  }
0x74: {  	v32 =	vld [tilespmem:$0x120];
	_ =	sdelay $0x4  }
0x75: {  	v50 =	vshll.u32 v32, $0x3;
	v32 =	vand.u32 $0x7F, v32  }
0x76: {  	v33 =	vand.u32 $0xFFFFFC00, v50;
	v32 =	vor.u32 s0, v32  }
0x77: {  	v32 =	vadd.s32 v33, v32  }
0x78: {  	[tilespmem:s15+$0x20] =	vst v32  }
0x79: {  	v32 =	vld [tilespmem:$0x130];
	_ =	sdelay $0x4  }
0x7a: {  	v51 =	vshll.u32 v32, $0x3;
	v32 =	vand.u32 $0x7F, v32  }
0x7b: {  	v33 =	vand.u32 $0xFFFFFC00, v51;
	v32 =	vor.u32 s0, v32  }
0x7c: {  	v32 =	vadd.s32 v33, v32  }
0x7d: {  	[tilespmem:s15+$0x30] =	vst v32  }
0x7e: {  	v32 =	vld [tilespmem:$0x140];
	_ =	sdelay $0x4  }
0x7f: {  	v52 =	vshll.u32 v32, $0x3;
	v32 =	vand.u32 $0x7F, v32  }
0x80: {  	v33 =	vand.u32 $0xFFFFFC00, v52;
	v32 =	vor.u32 s0, v32  }
0x81: {  	v32 =	vadd.s32 v33, v32  }
0x82: {  	[tilespmem:s15+$0x40] =	vst v32  }
0x83: {  	v32 =	vld [tilespmem:$0x150];
	_ =	sdelay $0x4  }
0x84: {  	v53 =	vshll.u32 v32, $0x3;
	v32 =	vand.u32 $0x7F, v32  }
0x85: {  	v33 =	vand.u32 $0xFFFFFC00, v53;
	v32 =	vor.u32 s0, v32  }
0x86: {  	v32 =	vadd.s32 v33, v32  }
0x87: {  	[tilespmem:s15+$0x50] =	vst v32  }
0x88: {  	v32 =	vld [tilespmem:$0x160];
	_ =	sdelay $0x4  }
0x89: {  	v54 =	vshll.u32 v32, $0x3;
	v32 =	vand.u32 $0x7F, v32  }
0x8a: {  	v33 =	vand.u32 $0xFFFFFC00, v54;
	v32 =	vor.u32 s0, v32  }
0x8b: {  	v32 =	vadd.s32 v33, v32  }
0x8c: {  	[tilespmem:s15+$0x60] =	vst v32  }
0x8d: {  	v32 =	vld [tilespmem:$0x170];
	_ =	sdelay $0x4  }
0x8e: {  	v55 =	vshll.u32 v32, $0x3;
	v32 =	vand.u32 $0x7F, v32  }
0x8f: {  	v33 =	vand.u32 $0xFFFFFC00, v55;
	v32 =	vor.u32 s0, v32  }
0x90: {  	v32 =	vadd.s32 v33, v32  }
0x91: {  	[tilespmem:s15+$0x70] =	vst v32  }
0x92: {  	v32 =	vld [tilespmem:$0x180];
	_ =	sdelay $0x4  }
0x93: {  	v56 =	vshll.u32 v32, $0x3;
	v32 =	vand.u32 $0x7F, v32  }
0x94: {  	v33 =	vand.u32 $0xFFFFFC00, v56;
	v32 =	vor.u32 s0, v32  }
0x95: {  	v32 =	vadd.s32 v33, v32  }
0x96: {  	[tilespmem:s15+$0x80] =	vst v32  }
0x97: {  	v32 =	vld [tilespmem:$0x190];
	_ =	sdelay $0x4  }
0x98: {  	v57 =	vshll.u32 v32, $0x3;
	v32 =	vand.u32 $0x7F, v32  }
0x99: {  	v33 =	vand.u32 $0xFFFFFC00, v57;
	v32 =	vor.u32 s0, v32  }
0x9a: {  	v32 =	vadd.s32 v33, v32  }
0x9b: {  	[tilespmem:s15+$0x90] =	vst v32  }
0x9c: {  	v32 =	vld [tilespmem:$0x1A0];
	_ =	sdelay $0x4  }
0x9d: {  	v58 =	vshll.u32 v32, $0x3;
	v32 =	vand.u32 $0x7F, v32  }
0x9e: {  	v33 =	vand.u32 $0xFFFFFC00, v58;
	v32 =	vor.u32 s0, v32  }
0x9f: {  	v32 =	vadd.s32 v33, v32  }
0xa0: {  	[tilespmem:s15+$0xA0] =	vst v32  }
0xa1: {  	v32 =	vld [tilespmem:$0x1B0];
	_ =	sdelay $0x4  }
0xa2: {  	v59 =	vshll.u32 v32, $0x3;
	v32 =	vand.u32 $0x7F, v32  }
0xa3: {  	v33 =	vand.u32 $0xFFFFFC00, v59;
	v32 =	vor.u32 s0, v32  }
0xa4: {  	v32 =	vadd.s32 v33, v32  }
0xa5: {  	[tilespmem:s15+$0xB0] =	vst v32  }
0xa6: {  	v32 =	vld [tilespmem:$0x1C0];
	_ =	sdelay $0x4  }
0xa7: {  	v60 =	vshll.u32 v32, $0x3;
	v32 =	vand.u32 $0x7F, v32  }
0xa8: {  	v33 =	vand.u32 $0xFFFFFC00, v60;
	v32 =	vor.u32 s0, v32  }
0xa9: {  	v32 =	vadd.s32 v33, v32  }
0xaa: {  	[tilespmem:s15+$0xC0] =	vst v32  }
0xab: {  	v32 =	vld [tilespmem:$0x1D0];
	_ =	sdelay $0x4  }
0xac: {  	v61 =	vshll.u32 v32, $0x3;
	v32 =	vand.u32 $0x7F, v32  }
0xad: {  	v33 =	vand.u32 $0xFFFFFC00, v61;
	v32 =	vor.u32 s0, v32  }
0xae: {  	v32 =	vadd.s32 v33, v32  }
0xaf: {  	[tilespmem:s15+$0xD0] =	vst v32  }
0xb0: {  	v32 =	vld [tilespmem:$0x1E0];
	_ =	sdelay $0x4  }
0xb1: {  	v62 =	vshll.u32 v32, $0x3;
	v32 =	vand.u32 $0x7F, v32  }
0xb2: {  	v33 =	vand.u32 $0xFFFFFC00, v62;
	v32 =	vor.u32 s0, v32  }
0xb3: {  	v32 =	vadd.s32 v33, v32  }
0xb4: {  	[tilespmem:s15+$0xE0] =	vst v32  }
0xb5: {  	v32 =	vld [tilespmem:$0x1F0];
	_ =	sdelay $0x4  }
0xb6: {  	v63 =	vshll.u32 v32, $0x3;
	v32 =	vand.u32 $0x7F, v32  }
0xb7: {  	v33 =	vand.u32 $0xFFFFFC00, v63;
	v32 =	vor.u32 s0, v32  }
0xb8: {  	v32 =	vadd.s32 v33, v32  }
0xb9: {  	s29 =	simm.s32 $0x1;
	[tilespmem:s15+$0xF0] =	vst v32  }
0xba: {  	s31 =	simm.s32 $0x2;
	s30 =	simm.s32 $0x0;
	s28 =	simm.s32 $0x300;
	v32 =	vld [tilespmem:$0x0]  }
.LBB2_2:
0xbb: {  	p0 =	sne.s32 s31, $0x1F  }
0xbc: {  	s0 =	sshrl.u32 s29, $0x3;
	s29 =	smov.u32 s31  }
0xbd: {  	s30 =	sadd.s32 $0x80, s30;
	s0 =	smul.u32 $0x7A1000, s0  }
0xbe: {  	s1 =	sand.u32 $0x380, s30  }
0xbf: {  	s0 =	sor.u32 s1, s0;
	v33 =	vshll.u32 v32, $0x3;
	v32 =	vand.u32 $0x7F, v32  }
0xc0: {  	v33 =	vand.u32 $0xFFFFFC00, v33;
	v32 =	vor.u32 s0, v32  }
0xc1: {  	s28 =	sadd.s32 $0x200, s28;
	v32 =	vadd.s32 v33, v32  }
0xc2: {  	[tilespmem:s28+$0xFFFFFF00] =	vst v32  }
0xc3: {  	v32 =	vld [tilespmem:$0x10];
	_ =	sdelay $0x4  }
0xc4: {  	v33 =	vshll.u32 v32, $0x3;
	v32 =	vand.u32 $0x7F, v32  }
0xc5: {  	v33 =	vand.u32 $0xFFFFFC00, v33;
	v32 =	vor.u32 s0, v32  }
0xc6: {  	v32 =	vadd.s32 v33, v32  }
0xc7: {  	[tilespmem:s28+$0xFFFFFF10] =	vst v32  }
0xc8: {  	v32 =	vld [tilespmem:$0x20];
	_ =	sdelay $0x4  }
0xc9: {  	v33 =	vshll.u32 v32, $0x3;
	v32 =	vand.u32 $0x7F, v32  }
0xca: {  	v33 =	vand.u32 $0xFFFFFC00, v33;
	v32 =	vor.u32 s0, v32  }
0xcb: {  	v32 =	vadd.s32 v33, v32  }
0xcc: {  	[tilespmem:s28+$0xFFFFFF20] =	vst v32  }
0xcd: {  	v32 =	vld [tilespmem:$0x30];
	_ =	sdelay $0x4  }
0xce: {  	v33 =	vshll.u32 v32, $0x3;
	v32 =	vand.u32 $0x7F, v32  }
0xcf: {  	v33 =	vand.u32 $0xFFFFFC00, v33;
	v32 =	vor.u32 s0, v32  }
0xd0: {  	v32 =	vadd.s32 v33, v32  }
0xd1: {  	[tilespmem:s28+$0xFFFFFF30] =	vst v32  }
0xd2: {  	v32 =	vld [tilespmem:$0x40];
	_ =	sdelay $0x4  }
0xd3: {  	v33 =	vshll.u32 v32, $0x3;
	v32 =	vand.u32 $0x7F, v32  }
0xd4: {  	v33 =	vand.u32 $0xFFFFFC00, v33;
	v32 =	vor.u32 s0, v32  }
0xd5: {  	v32 =	vadd.s32 v33, v32  }
0xd6: {  	[tilespmem:s28+$0xFFFFFF40] =	vst v32  }
0xd7: {  	v32 =	vld [tilespmem:$0x50];
	_ =	sdelay $0x4  }
0xd8: {  	v33 =	vshll.u32 v32, $0x3;
	v32 =	vand.u32 $0x7F, v32  }
0xd9: {  	v33 =	vand.u32 $0xFFFFFC00, v33;
	v32 =	vor.u32 s0, v32  }
0xda: {  	v32 =	vadd.s32 v33, v32  }
0xdb: {  	[tilespmem:s28+$0xFFFFFF50] =	vst v32  }
0xdc: {  	v32 =	vld [tilespmem:$0x60];
	_ =	sdelay $0x4  }
0xdd: {  	v33 =	vshll.u32 v32, $0x3;
	v32 =	vand.u32 $0x7F, v32  }
0xde: {  	v33 =	vand.u32 $0xFFFFFC00, v33;
	v32 =	vor.u32 s0, v32  }
0xdf: {  	v32 =	vadd.s32 v33, v32  }
0xe0: {  	[tilespmem:s28+$0xFFFFFF60] =	vst v32  }
0xe1: {  	v32 =	vld [tilespmem:$0x70];
	_ =	sdelay $0x4  }
0xe2: {  	v33 =	vshll.u32 v32, $0x3;
	v32 =	vand.u32 $0x7F, v32  }
0xe3: {  	v33 =	vand.u32 $0xFFFFFC00, v33;
	v32 =	vor.u32 s0, v32  }
0xe4: {  	v32 =	vadd.s32 v33, v32  }
0xe5: {  	[tilespmem:s28+$0xFFFFFF70] =	vst v32  }
0xe6: {  	v32 =	vld [tilespmem:$0x80];
	_ =	sdelay $0x4  }
0xe7: {  	v33 =	vshll.u32 v32, $0x3;
	v32 =	vand.u32 $0x7F, v32  }
0xe8: {  	v33 =	vand.u32 $0xFFFFFC00, v33;
	v32 =	vor.u32 s0, v32  }
0xe9: {  	v32 =	vadd.s32 v33, v32  }
0xea: {  	[tilespmem:s28+$0xFFFFFF80] =	vst v32  }
0xeb: {  	v32 =	vld [tilespmem:$0x90];
	_ =	sdelay $0x4  }
0xec: {  	v33 =	vshll.u32 v32, $0x3;
	v32 =	vand.u32 $0x7F, v32  }
0xed: {  	v33 =	vand.u32 $0xFFFFFC00, v33;
	v32 =	vor.u32 s0, v32  }
0xee: {  	v32 =	vadd.s32 v33, v32  }
0xef: {  	[tilespmem:s28+$0xFFFFFF90] =	vst v32  }
0xf0: {  	v32 =	vld [tilespmem:$0xA0];
	_ =	sdelay $0x4  }
0xf1: {  	v33 =	vshll.u32 v32, $0x3;
	v32 =	vand.u32 $0x7F, v32  }
0xf2: {  	v33 =	vand.u32 $0xFFFFFC00, v33;
	v32 =	vor.u32 s0, v32  }
0xf3: {  	v32 =	vadd.s32 v33, v32  }
0xf4: {  	[tilespmem:s28+$0xFFFFFFA0] =	vst v32  }
0xf5: {  	v32 =	vld [tilespmem:$0xB0];
	_ =	sdelay $0x4  }
0xf6: {  	v33 =	vshll.u32 v32, $0x3;
	v32 =	vand.u32 $0x7F, v32  }
0xf7: {  	v33 =	vand.u32 $0xFFFFFC00, v33;
	v32 =	vor.u32 s0, v32  }
0xf8: {  	v32 =	vadd.s32 v33, v32  }
0xf9: {  	[tilespmem:s28+$0xFFFFFFB0] =	vst v32  }
0xfa: {  	v32 =	vld [tilespmem:$0xC0];
	_ =	sdelay $0x4  }
0xfb: {  	v33 =	vshll.u32 v32, $0x3;
	v32 =	vand.u32 $0x7F, v32  }
0xfc: {  	v33 =	vand.u32 $0xFFFFFC00, v33;
	v32 =	vor.u32 s0, v32  }
0xfd: {  	v32 =	vadd.s32 v33, v32  }
0xfe: {  	[tilespmem:s28+$0xFFFFFFC0] =	vst v32  }
0xff: {  	v32 =	vld [tilespmem:$0xD0];
	_ =	sdelay $0x4  }
0x100: {  	v33 =	vshll.u32 v32, $0x3;
	v32 =	vand.u32 $0x7F, v32  }
0x101: {  	v33 =	vand.u32 $0xFFFFFC00, v33;
	v32 =	vor.u32 s0, v32  }
0x102: {  	v32 =	vadd.s32 v33, v32  }
0x103: {  	[tilespmem:s28+$0xFFFFFFD0] =	vst v32  }
0x104: {  	v32 =	vld [tilespmem:$0xE0];
	_ =	sdelay $0x4  }
0x105: {  	v33 =	vshll.u32 v32, $0x3;
	v32 =	vand.u32 $0x7F, v32  }
0x106: {  	v33 =	vand.u32 $0xFFFFFC00, v33;
	v32 =	vor.u32 s0, v32  }
0x107: {  	v32 =	vadd.s32 v33, v32  }
0x108: {  	[tilespmem:s28+$0xFFFFFFE0] =	vst v32  }
0x109: {  	v32 =	vld [tilespmem:$0xF0];
	_ =	sdelay $0x4  }
0x10a: {  	v33 =	vshll.u32 v32, $0x3;
	v32 =	vand.u32 $0x7F, v32  }
0x10b: {  	v33 =	vand.u32 $0xFFFFFC00, v33;
	v32 =	vor.u32 s0, v32  }
0x10c: {  	v32 =	vadd.s32 v33, v32  }
0x10d: {  	[tilespmem:s28+$0xFFFFFFF0] =	vst v32  }
0x10e: {  	v32 =	vld [tilespmem:$0x100];
	_ =	sdelay $0x4  }
0x10f: {  	v33 =	vshll.u32 v32, $0x3;
	v32 =	vand.u32 $0x7F, v32  }
0x110: {  	v33 =	vand.u32 $0xFFFFFC00, v33;
	v32 =	vor.u32 s0, v32  }
0x111: {  	v32 =	vadd.s32 v33, v32  }
0x112: {  	[tilespmem:s28+$0x0] =	vst v32  }
0x113: {  	v32 =	vld [tilespmem:$0x110];
	_ =	sdelay $0x4  }
0x114: {  	v33 =	vshll.u32 v32, $0x3;
	v32 =	vand.u32 $0x7F, v32  }
0x115: {  	v33 =	vand.u32 $0xFFFFFC00, v33;
	v32 =	vor.u32 s0, v32  }
0x116: {  	v32 =	vadd.s32 v33, v32  }
0x117: {  	[tilespmem:s28+$0x10] =	vst v32  }
0x118: {  	v32 =	vld [tilespmem:$0x120];
	_ =	sdelay $0x4  }
0x119: {  	v33 =	vshll.u32 v32, $0x3;
	v32 =	vand.u32 $0x7F, v32  }
0x11a: {  	v33 =	vand.u32 $0xFFFFFC00, v33;
	v32 =	vor.u32 s0, v32  }
0x11b: {  	v32 =	vadd.s32 v33, v32  }
0x11c: {  	[tilespmem:s28+$0x20] =	vst v32  }
0x11d: {  	v32 =	vld [tilespmem:$0x130];
	_ =	sdelay $0x4  }
0x11e: {  	v33 =	vshll.u32 v32, $0x3;
	v32 =	vand.u32 $0x7F, v32  }
0x11f: {  	v33 =	vand.u32 $0xFFFFFC00, v33;
	v32 =	vor.u32 s0, v32  }
0x120: {  	v32 =	vadd.s32 v33, v32  }
0x121: {  	[tilespmem:s28+$0x30] =	vst v32  }
0x122: {  	v32 =	vld [tilespmem:$0x140];
	_ =	sdelay $0x4  }
0x123: {  	v33 =	vshll.u32 v32, $0x3;
	v32 =	vand.u32 $0x7F, v32  }
0x124: {  	v33 =	vand.u32 $0xFFFFFC00, v33;
	v32 =	vor.u32 s0, v32  }
0x125: {  	v32 =	vadd.s32 v33, v32  }
0x126: {  	[tilespmem:s28+$0x40] =	vst v32  }
0x127: {  	v32 =	vld [tilespmem:$0x150];
	_ =	sdelay $0x4  }
0x128: {  	v33 =	vshll.u32 v32, $0x3;
	v32 =	vand.u32 $0x7F, v32  }
0x129: {  	v33 =	vand.u32 $0xFFFFFC00, v33;
	v32 =	vor.u32 s0, v32  }
0x12a: {  	v32 =	vadd.s32 v33, v32  }
0x12b: {  	[tilespmem:s28+$0x50] =	vst v32  }
0x12c: {  	v32 =	vld [tilespmem:$0x160];
	_ =	sdelay $0x4  }
0x12d: {  	v33 =	vshll.u32 v32, $0x3;
	v32 =	vand.u32 $0x7F, v32  }
0x12e: {  	v33 =	vand.u32 $0xFFFFFC00, v33;
	v32 =	vor.u32 s0, v32  }
0x12f: {  	v32 =	vadd.s32 v33, v32  }
0x130: {  	[tilespmem:s28+$0x60] =	vst v32  }
0x131: {  	v32 =	vld [tilespmem:$0x170];
	_ =	sdelay $0x4  }
0x132: {  	v33 =	vshll.u32 v32, $0x3;
	v32 =	vand.u32 $0x7F, v32  }
0x133: {  	v33 =	vand.u32 $0xFFFFFC00, v33;
	v32 =	vor.u32 s0, v32  }
0x134: {  	v32 =	vadd.s32 v33, v32  }
0x135: {  	[tilespmem:s28+$0x70] =	vst v32  }
0x136: {  	v32 =	vld [tilespmem:$0x180];
	_ =	sdelay $0x4  }
0x137: {  	v33 =	vshll.u32 v32, $0x3;
	v32 =	vand.u32 $0x7F, v32  }
0x138: {  	v33 =	vand.u32 $0xFFFFFC00, v33;
	v32 =	vor.u32 s0, v32  }
0x139: {  	v32 =	vadd.s32 v33, v32  }
0x13a: {  	[tilespmem:s28+$0x80] =	vst v32  }
0x13b: {  	v32 =	vld [tilespmem:$0x190];
	_ =	sdelay $0x4  }
0x13c: {  	v33 =	vshll.u32 v32, $0x3;
	v32 =	vand.u32 $0x7F, v32  }
0x13d: {  	v33 =	vand.u32 $0xFFFFFC00, v33;
	v32 =	vor.u32 s0, v32  }
0x13e: {  	v32 =	vadd.s32 v33, v32  }
0x13f: {  	[tilespmem:s28+$0x90] =	vst v32  }
0x140: {  	v32 =	vld [tilespmem:$0x1A0];
	_ =	sdelay $0x4  }
0x141: {  	v33 =	vshll.u32 v32, $0x3;
	v32 =	vand.u32 $0x7F, v32  }
0x142: {  	v33 =	vand.u32 $0xFFFFFC00, v33;
	v32 =	vor.u32 s0, v32  }
0x143: {  	v32 =	vadd.s32 v33, v32  }
0x144: {  	[tilespmem:s28+$0xA0] =	vst v32  }
0x145: {  	v32 =	vld [tilespmem:$0x1B0];
	_ =	sdelay $0x4  }
0x146: {  	v33 =	vshll.u32 v32, $0x3;
	v32 =	vand.u32 $0x7F, v32  }
0x147: {  	v33 =	vand.u32 $0xFFFFFC00, v33;
	v32 =	vor.u32 s0, v32  }
0x148: {  	v32 =	vadd.s32 v33, v32  }
0x149: {  	[tilespmem:s28+$0xB0] =	vst v32  }
0x14a: {  	v32 =	vld [tilespmem:$0x1C0];
	_ =	sdelay $0x4  }
0x14b: {  	v33 =	vshll.u32 v32, $0x3;
	v32 =	vand.u32 $0x7F, v32  }
0x14c: {  	v33 =	vand.u32 $0xFFFFFC00, v33;
	v32 =	vor.u32 s0, v32  }
0x14d: {  	v32 =	vadd.s32 v33, v32  }
0x14e: {  	[tilespmem:s28+$0xC0] =	vst v32  }
0x14f: {  	v32 =	vld [tilespmem:$0x1D0];
	_ =	sdelay $0x4  }
0x150: {  	v33 =	vshll.u32 v32, $0x3;
	v32 =	vand.u32 $0x7F, v32  }
0x151: {  	v33 =	vand.u32 $0xFFFFFC00, v33;
	v32 =	vor.u32 s0, v32  }
0x152: {  	v32 =	vadd.s32 v33, v32  }
0x153: {  	[tilespmem:s28+$0xD0] =	vst v32  }
0x154: {  	v32 =	vld [tilespmem:$0x1E0];
	_ =	sdelay $0x4  }
0x155: {  	v33 =	vshll.u32 v32, $0x3;
	v32 =	vand.u32 $0x7F, v32  }
0x156: {  	v33 =	vand.u32 $0xFFFFFC00, v33;
	v32 =	vor.u32 s0, v32  }
0x157: {  	v32 =	vadd.s32 v33, v32  }
0x158: {  	[tilespmem:s28+$0xE0] =	vst v32  }
0x159: {  	v32 =	vld [tilespmem:$0x1F0];
	_ =	sdelay $0x4  }
.Ltmp0:
0x15a: {  	v33 =	vshll.u32 v32, $0x3;
	v32 =	vand.u32 $0x7F, v32;
	(pc) =	sbr.rel @p0 .LBB2_2-.Ltmp0, $4  }
0x15b: {  	v33 =	vand.u32 $0xFFFFFC00, v33;
	v32 =	vor.u32 s0, v32  }
0x15c: {  	v32 =	vadd.s32 v33, v32  }
0x15d: {  	[tilespmem:s28+$0xF0] =	vst v32  }
0x15e: {  	s31 =	sadd.s32 $0x1, s31;
	v32 =	vld [tilespmem:$0x0]  }
0x15f: {  	_ = 	snop  }
0x160: {  	s0 =	sshrl.u32 s29, $0x3  }
0x161: {  	s1 =	sadd.s32 $0x80, s30;
	s0 =	smul.u32 $0x7A1000, s0  }
0x162: {  	s1 =	sand.u32 $0x380, s1  }
0x163: {  	s0 =	sor.u32 s1, s0;
	v33 =	vshll.u32 v32, $0x3;
	v60 =	vand.u32 $0x7F, v32  }
0x164: {  	v33 =	vand.u32 $0xFFFFFC00, v33;
	v32 =	vor.u32 s0, v60  }
0x165: {  	s28 =	sadd.s32 $0x200, s28;
	v32 =	vadd.s32 v33, v32  }
0x166: {  	[tilespmem:s28+$0xFFFFFF00] =	vst v32  }
0x167: {  	v32 =	vld [tilespmem:$0x10];
	_ =	sdelay $0x4  }
0x168: {  	v61 =	vshll.u32 v32, $0x3;
	v32 =	vand.u32 $0x7F, v32  }
0x169: {  	v33 =	vand.u32 $0xFFFFFC00, v61;
	v32 =	vor.u32 s0, v32  }
0x16a: {  	v32 =	vadd.s32 v33, v32  }
0x16b: {  	[tilespmem:s28+$0xFFFFFF10] =	vst v32  }
0x16c: {  	v32 =	vld [tilespmem:$0x20];
	_ =	sdelay $0x4  }
0x16d: {  	v62 =	vshll.u32 v32, $0x3;
	v32 =	vand.u32 $0x7F, v32  }
0x16e: {  	v33 =	vand.u32 $0xFFFFFC00, v62;
	v32 =	vor.u32 s0, v32  }
0x16f: {  	v32 =	vadd.s32 v33, v32  }
0x170: {  	[tilespmem:s28+$0xFFFFFF20] =	vst v32  }
0x171: {  	v32 =	vld [tilespmem:$0x30];
	_ =	sdelay $0x4  }
0x172: {  	v63 =	vshll.u32 v32, $0x3;
	v32 =	vand.u32 $0x7F, v32  }
0x173: {  	v33 =	vand.u32 $0xFFFFFC00, v63;
	v32 =	vor.u32 s0, v32  }
0x174: {  	v32 =	vadd.s32 v33, v32  }
0x175: {  	[tilespmem:s28+$0xFFFFFF30] =	vst v32  }
0x176: {  	v32 =	vld [tilespmem:$0x40];
	_ =	sdelay $0x4  }
0x177: {  	v36 =	vshll.u32 v32, $0x3;
	v32 =	vand.u32 $0x7F, v32  }
0x178: {  	v33 =	vand.u32 $0xFFFFFC00, v36;
	v32 =	vor.u32 s0, v32  }
0x179: {  	v32 =	vadd.s32 v33, v32  }
0x17a: {  	[tilespmem:s28+$0xFFFFFF40] =	vst v32  }
0x17b: {  	v32 =	vld [tilespmem:$0x50];
	_ =	sdelay $0x4  }
0x17c: {  	v37 =	vshll.u32 v32, $0x3;
	v32 =	vand.u32 $0x7F, v32  }
0x17d: {  	v33 =	vand.u32 $0xFFFFFC00, v37;
	v32 =	vor.u32 s0, v32  }
0x17e: {  	v32 =	vadd.s32 v33, v32  }
0x17f: {  	[tilespmem:s28+$0xFFFFFF50] =	vst v32  }
0x180: {  	v32 =	vld [tilespmem:$0x60];
	_ =	sdelay $0x4  }
0x181: {  	v38 =	vshll.u32 v32, $0x3;
	v32 =	vand.u32 $0x7F, v32  }
0x182: {  	v33 =	vand.u32 $0xFFFFFC00, v38;
	v32 =	vor.u32 s0, v32  }
0x183: {  	v32 =	vadd.s32 v33, v32  }
0x184: {  	[tilespmem:s28+$0xFFFFFF60] =	vst v32  }
0x185: {  	v32 =	vld [tilespmem:$0x70];
	_ =	sdelay $0x4  }
0x186: {  	v39 =	vshll.u32 v32, $0x3;
	v32 =	vand.u32 $0x7F, v32  }
0x187: {  	v33 =	vand.u32 $0xFFFFFC00, v39;
	v32 =	vor.u32 s0, v32  }
0x188: {  	v32 =	vadd.s32 v33, v32  }
0x189: {  	[tilespmem:s28+$0xFFFFFF70] =	vst v32  }
0x18a: {  	v32 =	vld [tilespmem:$0x80];
	_ =	sdelay $0x4  }
0x18b: {  	v40 =	vshll.u32 v32, $0x3;
	v32 =	vand.u32 $0x7F, v32  }
0x18c: {  	v33 =	vand.u32 $0xFFFFFC00, v40;
	v32 =	vor.u32 s0, v32  }
0x18d: {  	v32 =	vadd.s32 v33, v32  }
0x18e: {  	[tilespmem:s28+$0xFFFFFF80] =	vst v32  }
0x18f: {  	v32 =	vld [tilespmem:$0x90];
	_ =	sdelay $0x4  }
0x190: {  	v41 =	vshll.u32 v32, $0x3;
	v32 =	vand.u32 $0x7F, v32  }
0x191: {  	v33 =	vand.u32 $0xFFFFFC00, v41;
	v32 =	vor.u32 s0, v32  }
0x192: {  	v32 =	vadd.s32 v33, v32  }
0x193: {  	[tilespmem:s28+$0xFFFFFF90] =	vst v32  }
0x194: {  	v32 =	vld [tilespmem:$0xA0];
	_ =	sdelay $0x4  }
0x195: {  	v42 =	vshll.u32 v32, $0x3;
	v32 =	vand.u32 $0x7F, v32  }
0x196: {  	v33 =	vand.u32 $0xFFFFFC00, v42;
	v32 =	vor.u32 s0, v32  }
0x197: {  	v32 =	vadd.s32 v33, v32  }
0x198: {  	[tilespmem:s28+$0xFFFFFFA0] =	vst v32  }
0x199: {  	v32 =	vld [tilespmem:$0xB0];
	_ =	sdelay $0x4  }
0x19a: {  	v43 =	vshll.u32 v32, $0x3;
	v32 =	vand.u32 $0x7F, v32  }
0x19b: {  	v33 =	vand.u32 $0xFFFFFC00, v43;
	v32 =	vor.u32 s0, v32  }
0x19c: {  	v32 =	vadd.s32 v33, v32  }
0x19d: {  	[tilespmem:s28+$0xFFFFFFB0] =	vst v32  }
0x19e: {  	v32 =	vld [tilespmem:$0xC0];
	_ =	sdelay $0x4  }
0x19f: {  	v44 =	vshll.u32 v32, $0x3;
	v32 =	vand.u32 $0x7F, v32  }
0x1a0: {  	v33 =	vand.u32 $0xFFFFFC00, v44;
	v32 =	vor.u32 s0, v32  }
0x1a1: {  	v32 =	vadd.s32 v33, v32  }
0x1a2: {  	[tilespmem:s28+$0xFFFFFFC0] =	vst v32  }
0x1a3: {  	v32 =	vld [tilespmem:$0xD0];
	_ =	sdelay $0x4  }
0x1a4: {  	v45 =	vshll.u32 v32, $0x3;
	v32 =	vand.u32 $0x7F, v32  }
0x1a5: {  	v33 =	vand.u32 $0xFFFFFC00, v45;
	v32 =	vor.u32 s0, v32  }
0x1a6: {  	v32 =	vadd.s32 v33, v32  }
0x1a7: {  	[tilespmem:s28+$0xFFFFFFD0] =	vst v32  }
0x1a8: {  	v32 =	vld [tilespmem:$0xE0];
	_ =	sdelay $0x4  }
0x1a9: {  	v46 =	vshll.u32 v32, $0x3;
	v32 =	vand.u32 $0x7F, v32  }
0x1aa: {  	v33 =	vand.u32 $0xFFFFFC00, v46;
	v32 =	vor.u32 s0, v32  }
0x1ab: {  	v32 =	vadd.s32 v33, v32  }
0x1ac: {  	[tilespmem:s28+$0xFFFFFFE0] =	vst v32  }
0x1ad: {  	v32 =	vld [tilespmem:$0xF0];
	_ =	sdelay $0x4  }
0x1ae: {  	v47 =	vshll.u32 v32, $0x3;
	v32 =	vand.u32 $0x7F, v32  }
0x1af: {  	v33 =	vand.u32 $0xFFFFFC00, v47;
	v32 =	vor.u32 s0, v32  }
0x1b0: {  	v32 =	vadd.s32 v33, v32  }
0x1b1: {  	[tilespmem:s28+$0xFFFFFFF0] =	vst v32  }
0x1b2: {  	v32 =	vld [tilespmem:$0x100];
	_ =	sdelay $0x4  }
0x1b3: {  	v48 =	vshll.u32 v32, $0x3;
	v32 =	vand.u32 $0x7F, v32  }
0x1b4: {  	v33 =	vand.u32 $0xFFFFFC00, v48;
	v32 =	vor.u32 s0, v32  }
0x1b5: {  	v32 =	vadd.s32 v33, v32  }
0x1b6: {  	[tilespmem:s28+$0x0] =	vst v32  }
0x1b7: {  	v32 =	vld [tilespmem:$0x110];
	_ =	sdelay $0x4  }
0x1b8: {  	v49 =	vshll.u32 v32, $0x3;
	v32 =	vand.u32 $0x7F, v32  }
0x1b9: {  	v33 =	vand.u32 $0xFFFFFC00, v49;
	v32 =	vor.u32 s0, v32  }
0x1ba: {  	v32 =	vadd.s32 v33, v32  }
0x1bb: {  	[tilespmem:s28+$0x10] =	vst v32  }
0x1bc: {  	v32 =	vld [tilespmem:$0x120];
	_ =	sdelay $0x4  }
0x1bd: {  	v50 =	vshll.u32 v32, $0x3;
	v32 =	vand.u32 $0x7F, v32  }
0x1be: {  	v33 =	vand.u32 $0xFFFFFC00, v50;
	v32 =	vor.u32 s0, v32  }
0x1bf: {  	v32 =	vadd.s32 v33, v32  }
0x1c0: {  	[tilespmem:s28+$0x20] =	vst v32  }
0x1c1: {  	v32 =	vld [tilespmem:$0x130];
	_ =	sdelay $0x4  }
0x1c2: {  	v51 =	vshll.u32 v32, $0x3;
	v32 =	vand.u32 $0x7F, v32  }
0x1c3: {  	v33 =	vand.u32 $0xFFFFFC00, v51;
	v32 =	vor.u32 s0, v32  }
0x1c4: {  	v32 =	vadd.s32 v33, v32  }
0x1c5: {  	[tilespmem:s28+$0x30] =	vst v32  }
0x1c6: {  	v32 =	vld [tilespmem:$0x140];
	_ =	sdelay $0x4  }
0x1c7: {  	v52 =	vshll.u32 v32, $0x3;
	v32 =	vand.u32 $0x7F, v32  }
0x1c8: {  	v33 =	vand.u32 $0xFFFFFC00, v52;
	v32 =	vor.u32 s0, v32  }
0x1c9: {  	v32 =	vadd.s32 v33, v32  }
0x1ca: {  	[tilespmem:s28+$0x40] =	vst v32  }
0x1cb: {  	v32 =	vld [tilespmem:$0x150];
	_ =	sdelay $0x4  }
0x1cc: {  	v53 =	vshll.u32 v32, $0x3;
	v32 =	vand.u32 $0x7F, v32  }
0x1cd: {  	v33 =	vand.u32 $0xFFFFFC00, v53;
	v32 =	vor.u32 s0, v32  }
0x1ce: {  	v32 =	vadd.s32 v33, v32  }
0x1cf: {  	[tilespmem:s28+$0x50] =	vst v32  }
0x1d0: {  	v32 =	vld [tilespmem:$0x160];
	_ =	sdelay $0x4  }
0x1d1: {  	v54 =	vshll.u32 v32, $0x3;
	v32 =	vand.u32 $0x7F, v32  }
0x1d2: {  	v33 =	vand.u32 $0xFFFFFC00, v54;
	v32 =	vor.u32 s0, v32  }
0x1d3: {  	v32 =	vadd.s32 v33, v32  }
0x1d4: {  	[tilespmem:s28+$0x60] =	vst v32  }
0x1d5: {  	v32 =	vld [tilespmem:$0x170];
	_ =	sdelay $0x4  }
0x1d6: {  	v55 =	vshll.u32 v32, $0x3;
	v32 =	vand.u32 $0x7F, v32  }
0x1d7: {  	v33 =	vand.u32 $0xFFFFFC00, v55;
	v32 =	vor.u32 s0, v32  }
0x1d8: {  	v32 =	vadd.s32 v33, v32  }
0x1d9: {  	[tilespmem:s28+$0x70] =	vst v32  }
0x1da: {  	v32 =	vld [tilespmem:$0x180];
	_ =	sdelay $0x4  }
0x1db: {  	v56 =	vshll.u32 v32, $0x3;
	v32 =	vand.u32 $0x7F, v32  }
0x1dc: {  	v33 =	vand.u32 $0xFFFFFC00, v56;
	v32 =	vor.u32 s0, v32  }
0x1dd: {  	v32 =	vadd.s32 v33, v32  }
0x1de: {  	[tilespmem:s28+$0x80] =	vst v32  }
0x1df: {  	v32 =	vld [tilespmem:$0x190];
	_ =	sdelay $0x4  }
0x1e0: {  	v57 =	vshll.u32 v32, $0x3;
	v32 =	vand.u32 $0x7F, v32  }
0x1e1: {  	v33 =	vand.u32 $0xFFFFFC00, v57;
	v32 =	vor.u32 s0, v32  }
0x1e2: {  	v32 =	vadd.s32 v33, v32  }
0x1e3: {  	[tilespmem:s28+$0x90] =	vst v32  }
0x1e4: {  	v32 =	vld [tilespmem:$0x1A0];
	_ =	sdelay $0x4  }
0x1e5: {  	v58 =	vshll.u32 v32, $0x3;
	v32 =	vand.u32 $0x7F, v32  }
0x1e6: {  	v33 =	vand.u32 $0xFFFFFC00, v58;
	v32 =	vor.u32 s0, v32  }
0x1e7: {  	v32 =	vadd.s32 v33, v32  }
0x1e8: {  	[tilespmem:s28+$0xA0] =	vst v32  }
0x1e9: {  	v32 =	vld [tilespmem:$0x1B0];
	_ =	sdelay $0x4  }
0x1ea: {  	v59 =	vshll.u32 v32, $0x3;
	v32 =	vand.u32 $0x7F, v32  }
0x1eb: {  	v33 =	vand.u32 $0xFFFFFC00, v59;
	v32 =	vor.u32 s0, v32  }
0x1ec: {  	v32 =	vadd.s32 v33, v32  }
0x1ed: {  	[tilespmem:s28+$0xB0] =	vst v32  }
0x1ee: {  	v32 =	vld [tilespmem:$0x1C0];
	_ =	sdelay $0x4  }
0x1ef: {  	v60 =	vshll.u32 v32, $0x3;
	v32 =	vand.u32 $0x7F, v32  }
0x1f0: {  	v33 =	vand.u32 $0xFFFFFC00, v60;
	v32 =	vor.u32 s0, v32  }
0x1f1: {  	v32 =	vadd.s32 v33, v32  }
0x1f2: {  	[tilespmem:s28+$0xC0] =	vst v32  }
0x1f3: {  	v32 =	vld [tilespmem:$0x1D0];
	_ =	sdelay $0x4  }
0x1f4: {  	v61 =	vshll.u32 v32, $0x3;
	v32 =	vand.u32 $0x7F, v32  }
0x1f5: {  	v33 =	vand.u32 $0xFFFFFC00, v61;
	v32 =	vor.u32 s0, v32  }
0x1f6: {  	v32 =	vadd.s32 v33, v32  }
0x1f7: {  	[tilespmem:s28+$0xD0] =	vst v32  }
0x1f8: {  	v32 =	vld [tilespmem:$0x1E0];
	_ =	sdelay $0x4  }
0x1f9: {  	v62 =	vshll.u32 v32, $0x3;
	v32 =	vand.u32 $0x7F, v32  }
0x1fa: {  	v33 =	vand.u32 $0xFFFFFC00, v62;
	v32 =	vor.u32 s0, v32  }
0x1fb: {  	v32 =	vadd.s32 v33, v32  }
0x1fc: {  	[tilespmem:s28+$0xE0] =	vst v32  }
0x1fd: {  	v32 =	vld [tilespmem:$0x1F0];
	_ =	sdelay $0x4  }
0x1fe: {  	v63 =	vshll.u32 v32, $0x3;
	v32 =	vand.u32 $0x7F, v32  }
0x1ff: {  	v33 =	vand.u32 $0xFFFFFC00, v63;
	v32 =	vor.u32 s0, v32  }
0x200: {  	v32 =	vadd.s32 v33, v32  }
0x201: {  	[tilespmem:s28+$0xF0] =	vst v32  }
0x202: {  	[tilespmem:s12], [sflag:$0x1] =	stream.indirect.gather [hbm4b:s4+s10], $0x1, s11, s10, $0xb8;
	[tilespmem:$0x8A00] =	vst v63  }
0x203: {  	s2 =	simm.s32 $0x280;
	s13 =	simm.s32 $0x4280  }
0x204: {  	[tilespmem:s13], [sflag:$0x1] =	stream.indirect.gather [hbm4b:s4+s10], $0x1, s2, s10, $0xb8;
	[tilespmem:$0x8A00] =	vst v63  }
0x205: {  	s1 =	simm.s32 $0x4300  }
0x206: {  	[tilespmem:s1], [sflag:$0x1] =	stream.indirect.gather [hbm4b:s4+s10], $0x1, s15, s10, $0xb8;
	[tilespmem:$0x8A00] =	vst v63  }
0x207: {  	s2 =	simm.s32 $0x380;
	s13 =	simm.s32 $0x4380  }
0x208: {  	[tilespmem:s13], [sflag:$0x1] =	stream.indirect.gather [hbm4b:s4+s10], $0x1, s2, s10, $0xb8;
	[tilespmem:$0x8A00] =	vst v63  }
0x209: {  	s2 =	simm.s32 $0x400;
	s13 =	simm.s32 $0x4400  }
0x20a: {  	[tilespmem:s13], [sflag:$0x1] =	stream.indirect.gather [hbm4b:s4+s10], $0x1, s2, s10, $0xb8;
	[tilespmem:$0x8A00] =	vst v63  }
0x20b: {  	s2 =	simm.s32 $0x480;
	s13 =	simm.s32 $0x4480  }
0x20c: {  	[tilespmem:s13], [sflag:$0x1] =	stream.indirect.gather [hbm4b:s4+s10], $0x1, s2, s10, $0xb8;
	[tilespmem:$0x8A00] =	vst v63  }
0x20d: {  	s2 =	simm.s32 $0x500;
	s13 =	simm.s32 $0x4500  }
0x20e: {  	[tilespmem:s13], [sflag:$0x1] =	stream.indirect.gather [hbm4b:s4+s10], $0x1, s2, s10, $0xb8;
	[tilespmem:$0x8A00] =	vst v63  }
0x20f: {  	s2 =	simm.s32 $0x580;
	s13 =	simm.s32 $0x4580  }
0x210: {  	[tilespmem:s13], [sflag:$0x1] =	stream.indirect.gather [hbm4b:s4+s10], $0x1, s2, s10, $0xb8;
	[tilespmem:$0x8A00] =	vst v63  }
0x211: {  	s2 =	simm.s32 $0x600;
	s13 =	simm.s32 $0x4600  }
0x212: {  	[tilespmem:s13], [sflag:$0x2] =	stream.indirect.gather [hbm4b:s4+s10], $0x1, s2, s10, $0xb8;
	[tilespmem:$0x8A00] =	vst v63  }
0x213: {  	s2 =	simm.s32 $0x680;
	s13 =	simm.s32 $0x4680  }
0x214: {  	[tilespmem:s13], [sflag:$0x2] =	stream.indirect.gather [hbm4b:s4+s10], $0x1, s2, s10, $0xb8;
	[tilespmem:$0x8A00] =	vst v63  }
0x215: {  	s2 =	simm.s32 $0x700;
	s13 =	simm.s32 $0x4700  }
0x216: {  	[tilespmem:s13], [sflag:$0x2] =	stream.indirect.gather [hbm4b:s4+s10], $0x1, s2, s10, $0xb8;
	[tilespmem:$0x8A00] =	vst v63  }
0x217: {  	s2 =	simm.s32 $0x780;
	s13 =	simm.s32 $0x4780  }
0x218: {  	[tilespmem:s13], [sflag:$0x2] =	stream.indirect.gather [hbm4b:s4+s10], $0x1, s2, s10, $0xb8;
	[tilespmem:$0x8A00] =	vst v63  }
0x219: {  	_ = 	snop  }
0x21a: {  	[tilespmem:s16], [sflag:$0x2] =	stream.indirect.gather [hbm4b:s4+s10], $0x1, s14, s10, $0xb8;
	[tilespmem:$0x8A00] =	vst v63  }
0x21b: {  	s2 =	simm.s32 $0x2  }
0x21c: {  	[tilespmem:s18], [sflag:$0x2] =	stream.indirect.gather [hbm4b:s4+s10], $0x1, s17, s10, $0xb8;
	[tilespmem:$0x8A00] =	vst v63  }
0x21d: {  	s0 =	sand.u32 $0x1, s2  }
0x21e: {  	[tilespmem:s20], [sflag:$0x2] =	stream.indirect.gather [hbm4b:s4+s10], $0x1, s19, s10, $0xb8;
	[tilespmem:$0x8A00] =	vst v63  }
0x21f: {  	s0 =	sadd.s32 $0x1, s0  }
0x220: {  	[tilespmem:s22], [sflag:$0x2] =	stream.indirect.gather [hbm4b:s4+s10], $0x1, s21, s10, $0xb8;
	[tilespmem:$0x8A00] =	vst v63  }
0x221: {  	_ =	swait.ge [sflag:s0], $0x400  }
0x222: {  	[sflag:s0] =	ssyncset.done $0x0  }
0x223: {  	s13 =	simm.s32 $0x4A00;
	s2 =	simm.s32 $0xA00;
	[sflag:s0] =	ssyncadd.s32 $0xFFFFFC00  }
0x224: {  	[tilespmem:s13], [sflag:s0] =	stream.indirect.gather [hbm4b:s4+s10], $0x1, s2, s10, $0xb8;
	[tilespmem:$0x8A00] =	vst v63  }
0x225: {  	s2 =	simm.s32 $0x4A80;
	s13 =	simm.s32 $0xA80  }
0x226: {  	[tilespmem:s2], [sflag:s0] =	stream.indirect.gather [hbm4b:s4+s10], $0x1, s13, s10, $0xb8;
	[tilespmem:$0x8A00] =	vst v63  }
0x227: {  	s2 =	simm.s32 $0x4B00;
	s13 =	simm.s32 $0xB00  }
0x228: {  	[tilespmem:s2], [sflag:s0] =	stream.indirect.gather [hbm4b:s4+s10], $0x1, s13, s10, $0xb8;
	[tilespmem:$0x8A00] =	vst v63  }
0x229: {  	s30 =	simm.s32 $0x2000;
	s2 =	simm.s32 $0x4B80;
	s13 =	simm.s32 $0xB80  }
0x22a: {  	[tilespmem:s2], [sflag:s0] =	stream.indirect.gather [hbm4b:s4+s10], $0x1, s13, s10, $0xb8;
	[tilespmem:$0x8A00] =	vst v63  }
0x22b: {  	s31 =	simm.s32 $0x4;
	s2 =	simm.s32 $0x4C00;
	s13 =	simm.s32 $0xC00  }
0x22c: {  	[tilespmem:s2], [sflag:s0] =	stream.indirect.gather [hbm4b:s4+s10], $0x1, s13, s10, $0xb8;
	[tilespmem:$0x8A00] =	vst v63  }
0x22d: {  	s1 =	simm.s32 $0x3;
	s2 =	simm.s32 $0x4C80;
	s13 =	simm.s32 $0xC80  }
0x22e: {  	[tilespmem:s2], [sflag:s0] =	stream.indirect.gather [hbm4b:s4+s10], $0x1, s13, s10, $0xb8;
	[tilespmem:$0x8A00] =	vst v63  }
0x22f: {  	s28 =	simm.s32 $0xD00;
	s29 =	sand.u32 $0x1, s1;
	s13 =	simm.s32 $0x4D00  }
0x230: {  	[tilespmem:s13], [sflag:s0] =	stream.indirect.gather [hbm4b:s4+s10], $0x1, s28, s10, $0xb8;
	[tilespmem:$0x8A00] =	vst v63  }
0x231: {  	s1 =	simm.s32 $0xD80;
	s2 =	simm.s32 $0x4D80;
	s28 =	simm.s32 $0x1000  }
.LBB2_4:
0x232: {  	[tilespmem:s2], [sflag:s0] =	stream.indirect.gather [hbm4b:s4+s10], $0x1, s1, s10, $0xb8;
	[tilespmem:$0x8A00] =	vst v63  }
0x233: {  	p0 =	sne.s32 s30, $0xD000;
	s0 =	sadd.s32 $0x1, s29;
	s29 =	sand.u32 $0x1, s31  }
0x234: {  	s1 =	smov.u32 s30;
	s30 =	sadd.s32 $0x1000, s30;
	_ =	swait.ge [sflag:s0], $0x400  }
0x235: {  	s13 =	sshra.s32 s28, $0x2;
	s28 =	smov.u32 s1;
	[sflag:s0] =	ssyncset.done $0x0  }
0x236: {  	s1 =	sadd.s32 $0x4A00, s13;
	s2 =	sadd.s32 $0xA00, s13;
	[sflag:s0] =	ssyncadd.s32 $0xFFFFFC00  }
0x237: {  	[tilespmem:s1], [sflag:s0] =	stream.indirect.gather [hbm4b:s4+s10], $0x1, s2, s10, $0xb8;
	[tilespmem:$0x8A00] =	vst v63  }
0x238: {  	s1 =	sadd.s32 $0x4A80, s13;
	s2 =	sadd.s32 $0xA80, s13  }
0x239: {  	[tilespmem:s1], [sflag:s0] =	stream.indirect.gather [hbm4b:s4+s10], $0x1, s2, s10, $0xb8;
	[tilespmem:$0x8A00] =	vst v63  }
0x23a: {  	s1 =	sadd.s32 $0x4B00, s13;
	s2 =	sadd.s32 $0xB00, s13  }
0x23b: {  	[tilespmem:s1], [sflag:s0] =	stream.indirect.gather [hbm4b:s4+s10], $0x1, s2, s10, $0xb8;
	[tilespmem:$0x8A00] =	vst v63  }
0x23c: {  	s1 =	sadd.s32 $0x4B80, s13;
	s2 =	sadd.s32 $0xB80, s13  }
0x23d: {  	[tilespmem:s1], [sflag:s0] =	stream.indirect.gather [hbm4b:s4+s10], $0x1, s2, s10, $0xb8;
	[tilespmem:$0x8A00] =	vst v63  }
0x23e: {  	s1 =	sadd.s32 $0x4C00, s13;
	s2 =	sadd.s32 $0xC00, s13  }
0x23f: {  	[tilespmem:s1], [sflag:s0] =	stream.indirect.gather [hbm4b:s4+s10], $0x1, s2, s10, $0xb8;
	[tilespmem:$0x8A00] =	vst v63  }
.Ltmp1:
0x240: {  	s1 =	sadd.s32 $0x4C80, s13;
	s2 =	sadd.s32 $0xC80, s13;
	(pc) =	sbr.rel @p0 .LBB2_4-.Ltmp1, $4  }
0x241: {  	[tilespmem:s1], [sflag:s0] =	stream.indirect.gather [hbm4b:s4+s10], $0x1, s2, s10, $0xb8;
	[tilespmem:$0x8A00] =	vst v63  }
0x242: {  	s1 =	sadd.s32 $0x4D00, s13;
	s2 =	sadd.s32 $0xD00, s13  }
0x243: {  	[tilespmem:s1], [sflag:s0] =	stream.indirect.gather [hbm4b:s4+s10], $0x1, s2, s10, $0xb8;
	[tilespmem:$0x8A00] =	vst v63  }
0x244: {  	s31 =	sadd.s32 $0x1, s31;
	s2 =	sadd.s32 $0x4D80, s13;
	s1 =	sadd.s32 $0xD80, s13  }
0x245: {  	[tilespmem:s2], [sflag:s0] =	stream.indirect.gather [hbm4b:s4+s10], $0x1, s1, s10, $0xb8;
	[tilespmem:$0x8A00] =	vst v63  }
0x246: {  	s0 =	sadd.s32 $0x1, s29  }
0x247: {  	_ =	swait.ge [sflag:s0], $0x400  }
0x248: {  	s1 =	sshra.s32 s28, $0x2;
	[sflag:s0] =	ssyncset.done $0x0  }
0x249: {  	s29 =	sadd.s32 $0x4A00, s1;
	s13 =	sadd.s32 $0xA00, s1;
	[sflag:s0] =	ssyncadd.s32 $0xFFFFFC00  }
0x24a: {  	[tilespmem:s29], [sflag:s0] =	stream.indirect.gather [hbm4b:s4+s10], $0x1, s13, s10, $0xb8;
	[tilespmem:$0x8A00] =	vst v63  }
0x24b: {  	s30 =	sadd.s32 $0x4A80, s1;
	s31 =	sadd.s32 $0xA80, s1  }
0x24c: {  	[tilespmem:s30], [sflag:s0] =	stream.indirect.gather [hbm4b:s4+s10], $0x1, s31, s10, $0xb8;
	[tilespmem:$0x8A00] =	vst v63  }
0x24d: {  	s13 =	sadd.s32 $0x4B00, s1;
	s29 =	sadd.s32 $0xB00, s1  }
0x24e: {  	[tilespmem:s13], [sflag:s0] =	stream.indirect.gather [hbm4b:s4+s10], $0x1, s29, s10, $0xb8;
	[tilespmem:$0x8A00] =	vst v63  }
0x24f: {  	s30 =	sadd.s32 $0x4B80, s1;
	s31 =	sadd.s32 $0xB80, s1  }
0x250: {  	[tilespmem:s30], [sflag:s0] =	stream.indirect.gather [hbm4b:s4+s10], $0x1, s31, s10, $0xb8;
	[tilespmem:$0x8A00] =	vst v63  }
0x251: {  	s13 =	sadd.s32 $0x4C00, s1;
	s29 =	sadd.s32 $0xC00, s1  }
0x252: {  	[tilespmem:s13], [sflag:s0] =	stream.indirect.gather [hbm4b:s4+s10], $0x1, s29, s10, $0xb8;
	[tilespmem:$0x8A00] =	vst v63  }
0x253: {  	s30 =	sadd.s32 $0x4C80, s1;
	s31 =	sadd.s32 $0xC80, s1  }
0x254: {  	[tilespmem:s30], [sflag:s0] =	stream.indirect.gather [hbm4b:s4+s10], $0x1, s31, s10, $0xb8;
	[tilespmem:$0x8A00] =	vst v63  }
0x255: {  	s29 =	sadd.s32 $0x4D00, s1;
	s30 =	sadd.s32 $0xD00, s1  }
0x256: {  	[tilespmem:s29], [sflag:s0] =	stream.indirect.gather [hbm4b:s4+s10], $0x1, s30, s10, $0xb8;
	[tilespmem:$0x8A00] =	vst v63  }
0x257: {  	s31 =	sadd.s32 $0x4D80, s1;
	s1 =	sadd.s32 $0xD80, s1  }
0x258: {  	[tilespmem:s31], [sflag:s0] =	stream.indirect.gather [hbm4b:s4+s10], $0x1, s1, s10, $0xb8;
	[tilespmem:$0x8A00] =	vst v63  }
0x259: {  	_ =	swait.ge [sflag:s23], $0x400  }
0x25a: {  	[sflag:s23] =	ssyncset.done $0x0  }
0x25b: {  	[sflag:s23] =	ssyncadd.s32 $0xFFFFFC00  }
0x25c: {  	_ =	swait.ge [sflag:s24], $0x400  }
0x25d: {  	[sflag:s24] =	ssyncset.done $0x0  }
0x25e: {  	s28 =	simm.s32 $0x0;
	[sflag:s24] =	ssyncadd.s32 $0xFFFFFC00  }
0x25f: {  	v32 =	vld [tilespmem:s28+$0x0];
	_ =	sdelay $0x4  }
0x260: {  	v33 =	vadd.s32 $0xFFF0BE00, v32  }
0x261: {  	vm0 =	vgt.s32 v33, $0x0  }
0x262: {  	v33 =	vnsel vm0, $0x0, v33  }
0x263: {  	v33 =	vshll.u32 v33, $0x5;
	_ =	sdelay $0x3  }
0x264: {  	vm0 =	vgt.s32 v32, $0xF41FF  }
0x265: {  	v34 =	vor.u32 s28, v0;
	v60 =	vld.idx.msk [tilespmem:v33+s9+$0x0], $0xffff  }
0x266: {  	v35 =	vor.u32 $0x1, v33;
	_ =	sdelay $0x3  }
0x267: {  	[tilespmem:v34+s12+$0x0] =	vst.idx.msk vm0, v60  }
0x268: {  	v61 =	vor.u32 s28, v1;
	v32 =	vld.idx.msk [tilespmem:v35+s9+$0x0], $0xffff  }
0x269: {  	v62 =	vor.u32 $0x2, v33;
	_ =	sdelay $0x3  }
0x26a: {  	[tilespmem:v61+s12+$0x0] =	vst.idx.msk vm0, v32  }
0x26b: {  	v63 =	vor.u32 s28, v2;
	v32 =	vld.idx.msk [tilespmem:v62+s9+$0x0], $0xffff  }
0x26c: {  	v36 =	vor.u32 $0x3, v33;
	_ =	sdelay $0x3  }
0x26d: {  	[tilespmem:v63+s12+$0x0] =	vst.idx.msk vm0, v32  }
0x26e: {  	v37 =	vor.u32 s28, v3;
	v32 =	vld.idx.msk [tilespmem:v36+s9+$0x0], $0xffff  }
0x26f: {  	v38 =	vor.u32 $0x4, v33;
	_ =	sdelay $0x3  }
0x270: {  	[tilespmem:v37+s12+$0x0] =	vst.idx.msk vm0, v32  }
0x271: {  	v39 =	vor.u32 s28, v4;
	v32 =	vld.idx.msk [tilespmem:v38+s9+$0x0], $0xffff  }
0x272: {  	v40 =	vor.u32 $0x5, v33;
	_ =	sdelay $0x3  }
0x273: {  	[tilespmem:v39+s12+$0x0] =	vst.idx.msk vm0, v32  }
0x274: {  	v41 =	vor.u32 s28, v5;
	v32 =	vld.idx.msk [tilespmem:v40+s9+$0x0], $0xffff  }
0x275: {  	v42 =	vor.u32 $0x6, v33;
	_ =	sdelay $0x3  }
0x276: {  	[tilespmem:v41+s12+$0x0] =	vst.idx.msk vm0, v32  }
0x277: {  	v43 =	vor.u32 s28, v6;
	v32 =	vld.idx.msk [tilespmem:v42+s9+$0x0], $0xffff  }
0x278: {  	v44 =	vor.u32 $0x7, v33;
	_ =	sdelay $0x3  }
0x279: {  	[tilespmem:v43+s12+$0x0] =	vst.idx.msk vm0, v32  }
0x27a: {  	v45 =	vor.u32 s28, v7;
	v32 =	vld.idx.msk [tilespmem:v44+s9+$0x0], $0xffff  }
0x27b: {  	v46 =	vor.u32 $0x8, v33;
	_ =	sdelay $0x3  }
0x27c: {  	[tilespmem:v45+s12+$0x0] =	vst.idx.msk vm0, v32  }
0x27d: {  	v47 =	vor.u32 s28, v8;
	v32 =	vld.idx.msk [tilespmem:v46+s9+$0x0], $0xffff  }
0x27e: {  	v48 =	vor.u32 $0x9, v33;
	_ =	sdelay $0x3  }
0x27f: {  	[tilespmem:v47+s12+$0x0] =	vst.idx.msk vm0, v32  }
0x280: {  	v49 =	vor.u32 s28, v9;
	v32 =	vld.idx.msk [tilespmem:v48+s9+$0x0], $0xffff  }
0x281: {  	v50 =	vor.u32 $0xA, v33;
	_ =	sdelay $0x3  }
0x282: {  	[tilespmem:v49+s12+$0x0] =	vst.idx.msk vm0, v32  }
0x283: {  	v51 =	vor.u32 s28, v10;
	v32 =	vld.idx.msk [tilespmem:v50+s9+$0x0], $0xffff  }
0x284: {  	v52 =	vor.u32 $0xB, v33;
	_ =	sdelay $0x3  }
0x285: {  	[tilespmem:v51+s12+$0x0] =	vst.idx.msk vm0, v32  }
0x286: {  	v53 =	vor.u32 s28, v11;
	v32 =	vld.idx.msk [tilespmem:v52+s9+$0x0], $0xffff  }
0x287: {  	v54 =	vor.u32 $0xC, v33;
	_ =	sdelay $0x3  }
0x288: {  	[tilespmem:v53+s12+$0x0] =	vst.idx.msk vm0, v32  }
0x289: {  	v55 =	vor.u32 s28, v12;
	v32 =	vld.idx.msk [tilespmem:v54+s9+$0x0], $0xffff  }
0x28a: {  	v56 =	vor.u32 $0xD, v33;
	_ =	sdelay $0x3  }
0x28b: {  	[tilespmem:v55+s12+$0x0] =	vst.idx.msk vm0, v32  }
0x28c: {  	v57 =	vor.u32 s28, v13;
	v32 =	vld.idx.msk [tilespmem:v56+s9+$0x0], $0xffff  }
0x28d: {  	v58 =	vor.u32 $0xE, v33;
	_ =	sdelay $0x3  }
0x28e: {  	[tilespmem:v57+s12+$0x0] =	vst.idx.msk vm0, v32  }
0x28f: {  	v59 =	vor.u32 s28, v14;
	v32 =	vld.idx.msk [tilespmem:v58+s9+$0x0], $0xffff  }
0x290: {  	v60 =	vor.u32 $0xF, v33;
	_ =	sdelay $0x3  }
0x291: {  	[tilespmem:v59+s12+$0x0] =	vst.idx.msk vm0, v32  }
0x292: {  	v61 =	vor.u32 s28, v15;
	v32 =	vld.idx.msk [tilespmem:v60+s9+$0x0], $0xffff  }
0x293: {  	v62 =	vor.u32 $0x10, v33;
	_ =	sdelay $0x3  }
0x294: {  	[tilespmem:v61+s12+$0x0] =	vst.idx.msk vm0, v32  }
0x295: {  	v63 =	vor.u32 s28, v16;
	v32 =	vld.idx.msk [tilespmem:v62+s9+$0x0], $0xffff  }
0x296: {  	v36 =	vor.u32 $0x11, v33;
	_ =	sdelay $0x3  }
0x297: {  	[tilespmem:v63+s12+$0x0] =	vst.idx.msk vm0, v32  }
0x298: {  	v37 =	vor.u32 s28, v17;
	v32 =	vld.idx.msk [tilespmem:v36+s9+$0x0], $0xffff  }
0x299: {  	v38 =	vor.u32 $0x12, v33;
	_ =	sdelay $0x3  }
0x29a: {  	[tilespmem:v37+s12+$0x0] =	vst.idx.msk vm0, v32  }
0x29b: {  	v39 =	vor.u32 s28, v18;
	v32 =	vld.idx.msk [tilespmem:v38+s9+$0x0], $0xffff  }
0x29c: {  	v40 =	vor.u32 $0x13, v33;
	_ =	sdelay $0x3  }
0x29d: {  	[tilespmem:v39+s12+$0x0] =	vst.idx.msk vm0, v32  }
0x29e: {  	v41 =	vor.u32 s28, v19;
	v32 =	vld.idx.msk [tilespmem:v40+s9+$0x0], $0xffff  }
0x29f: {  	v42 =	vor.u32 $0x14, v33;
	_ =	sdelay $0x3  }
0x2a0: {  	[tilespmem:v41+s12+$0x0] =	vst.idx.msk vm0, v32  }
0x2a1: {  	v43 =	vor.u32 s28, v20;
	v32 =	vld.idx.msk [tilespmem:v42+s9+$0x0], $0xffff  }
0x2a2: {  	v44 =	vor.u32 $0x15, v33;
	_ =	sdelay $0x3  }
0x2a3: {  	[tilespmem:v43+s12+$0x0] =	vst.idx.msk vm0, v32  }
0x2a4: {  	v45 =	vor.u32 s28, v21;
	v32 =	vld.idx.msk [tilespmem:v44+s9+$0x0], $0xffff  }
0x2a5: {  	v46 =	vor.u32 $0x16, v33;
	_ =	sdelay $0x3  }
0x2a6: {  	[tilespmem:v45+s12+$0x0] =	vst.idx.msk vm0, v32  }
0x2a7: {  	v47 =	vor.u32 s28, v22;
	v32 =	vld.idx.msk [tilespmem:v46+s9+$0x0], $0xffff  }
0x2a8: {  	v48 =	vor.u32 $0x17, v33;
	_ =	sdelay $0x3  }
0x2a9: {  	[tilespmem:v47+s12+$0x0] =	vst.idx.msk vm0, v32  }
0x2aa: {  	v49 =	vor.u32 s28, v23;
	v32 =	vld.idx.msk [tilespmem:v48+s9+$0x0], $0xffff  }
0x2ab: {  	v50 =	vor.u32 $0x18, v33;
	_ =	sdelay $0x3  }
0x2ac: {  	[tilespmem:v49+s12+$0x0] =	vst.idx.msk vm0, v32  }
0x2ad: {  	v51 =	vor.u32 s28, v24;
	v32 =	vld.idx.msk [tilespmem:v50+s9+$0x0], $0xffff  }
0x2ae: {  	v52 =	vor.u32 $0x19, v33;
	_ =	sdelay $0x3  }
0x2af: {  	[tilespmem:v51+s12+$0x0] =	vst.idx.msk vm0, v32  }
0x2b0: {  	v53 =	vor.u32 s28, v25;
	v32 =	vld.idx.msk [tilespmem:v52+s9+$0x0], $0xffff  }
0x2b1: {  	v54 =	vor.u32 $0x1A, v33;
	_ =	sdelay $0x3  }
0x2b2: {  	[tilespmem:v53+s12+$0x0] =	vst.idx.msk vm0, v32  }
0x2b3: {  	v55 =	vor.u32 s28, v26;
	v32 =	vld.idx.msk [tilespmem:v54+s9+$0x0], $0xffff  }
0x2b4: {  	v56 =	vor.u32 $0x1B, v33;
	_ =	sdelay $0x3  }
0x2b5: {  	[tilespmem:v55+s12+$0x0] =	vst.idx.msk vm0, v32  }
0x2b6: {  	v57 =	vor.u32 s28, v27;
	v32 =	vld.idx.msk [tilespmem:v56+s9+$0x0], $0xffff  }
0x2b7: {  	v58 =	vor.u32 $0x1C, v33;
	_ =	sdelay $0x3  }
0x2b8: {  	[tilespmem:v57+s12+$0x0] =	vst.idx.msk vm0, v32  }
0x2b9: {  	v59 =	vor.u32 s28, v28;
	v32 =	vld.idx.msk [tilespmem:v58+s9+$0x0], $0xffff  }
0x2ba: {  	v60 =	vor.u32 $0x1D, v33;
	_ =	sdelay $0x3  }
0x2bb: {  	[tilespmem:v59+s12+$0x0] =	vst.idx.msk vm0, v32  }
0x2bc: {  	v61 =	vor.u32 s28, v29;
	v32 =	vld.idx.msk [tilespmem:v60+s9+$0x0], $0xffff  }
0x2bd: {  	v62 =	vor.u32 $0x1E, v33;
	_ =	sdelay $0x3  }
0x2be: {  	[tilespmem:v61+s12+$0x0] =	vst.idx.msk vm0, v32  }
0x2bf: {  	v63 =	vor.u32 s28, v30;
	v32 =	vld.idx.msk [tilespmem:v62+s9+$0x0], $0xffff  }
0x2c0: {  	v33 =	vor.u32 $0x1F, v33;
	_ =	sdelay $0x3  }
0x2c1: {  	[tilespmem:v63+s12+$0x0] =	vst.idx.msk vm0, v32  }
0x2c2: {  	s0 =	simm.s32 $0x10;
	v32 =	vld.idx.msk [tilespmem:v33+s9+$0x0], $0xffff;
	v33 =	vor.u32 s28, v31  }
.LBB2_6:
0x2c3: {  	_ =	sdelay $0x2  }
0x2c4: {  	p0 =	sne.s32 s0, $0x1F0  }
0x2c5: {  	s28 =	sadd.s32 $0x10, s28;
	s29 =	smov.u32 s0;
	s0 =	sadd.s32 $0x10, s0;
	[tilespmem:v33+s12+$0x0] =	vst.idx.msk vm0, v32  }
0x2c6: {  	v33 =	vld [tilespmem:s28+$0x0];
	_ =	sdelay $0x4  }
0x2c7: {  	v32 =	vadd.s32 $0xFFF0BE00, v33  }
0x2c8: {  	vm0 =	vgt.s32 v32, $0x0  }
0x2c9: {  	v32 =	vnsel vm0, $0x0, v32  }
0x2ca: {  	v32 =	vshll.u32 v32, $0x5;
	_ =	sdelay $0x4  }
0x2cb: {  	vm0 =	vgt.s32 v33, $0xF41FF;
	v33 =	vld.idx.msk [tilespmem:v32+s9+$0x0], $0xffff  }
0x2cc: {  	v34 =	vor.u32 s29, v0  }
0x2cd: {  	v35 =	vor.u32 $0x1, v32;
	_ =	sdelay $0x3  }
0x2ce: {  	[tilespmem:v34+s12+$0x0] =	vst.idx.msk vm0, v33  }
0x2cf: {  	v33 =	vld.idx.msk [tilespmem:v35+s9+$0x0], $0xffff  }
0x2d0: {  	v34 =	vor.u32 s29, v1  }
0x2d1: {  	v35 =	vor.u32 $0x2, v32;
	_ =	sdelay $0x3  }
0x2d2: {  	[tilespmem:v34+s12+$0x0] =	vst.idx.msk vm0, v33  }
0x2d3: {  	v33 =	vld.idx.msk [tilespmem:v35+s9+$0x0], $0xffff  }
0x2d4: {  	v34 =	vor.u32 s29, v2  }
0x2d5: {  	v35 =	vor.u32 $0x3, v32;
	_ =	sdelay $0x3  }
0x2d6: {  	[tilespmem:v34+s12+$0x0] =	vst.idx.msk vm0, v33  }
0x2d7: {  	v33 =	vld.idx.msk [tilespmem:v35+s9+$0x0], $0xffff  }
0x2d8: {  	v34 =	vor.u32 s29, v3  }
0x2d9: {  	v35 =	vor.u32 $0x4, v32;
	_ =	sdelay $0x3  }
0x2da: {  	[tilespmem:v34+s12+$0x0] =	vst.idx.msk vm0, v33  }
0x2db: {  	v33 =	vld.idx.msk [tilespmem:v35+s9+$0x0], $0xffff  }
0x2dc: {  	v34 =	vor.u32 s29, v4  }
0x2dd: {  	v35 =	vor.u32 $0x5, v32;
	_ =	sdelay $0x3  }
0x2de: {  	[tilespmem:v34+s12+$0x0] =	vst.idx.msk vm0, v33  }
0x2df: {  	v33 =	vld.idx.msk [tilespmem:v35+s9+$0x0], $0xffff  }
0x2e0: {  	v34 =	vor.u32 s29, v5  }
0x2e1: {  	v35 =	vor.u32 $0x6, v32;
	_ =	sdelay $0x3  }
0x2e2: {  	[tilespmem:v34+s12+$0x0] =	vst.idx.msk vm0, v33  }
0x2e3: {  	v33 =	vld.idx.msk [tilespmem:v35+s9+$0x0], $0xffff  }
0x2e4: {  	v34 =	vor.u32 s29, v6  }
0x2e5: {  	v35 =	vor.u32 $0x7, v32;
	_ =	sdelay $0x3  }
0x2e6: {  	[tilespmem:v34+s12+$0x0] =	vst.idx.msk vm0, v33  }
0x2e7: {  	v33 =	vld.idx.msk [tilespmem:v35+s9+$0x0], $0xffff  }
0x2e8: {  	v34 =	vor.u32 s29, v7  }
0x2e9: {  	v35 =	vor.u32 $0x8, v32;
	_ =	sdelay $0x3  }
0x2ea: {  	[tilespmem:v34+s12+$0x0] =	vst.idx.msk vm0, v33  }
0x2eb: {  	v33 =	vld.idx.msk [tilespmem:v35+s9+$0x0], $0xffff  }
0x2ec: {  	v34 =	vor.u32 s29, v8  }
0x2ed: {  	v35 =	vor.u32 $0x9, v32;
	_ =	sdelay $0x3  }
0x2ee: {  	[tilespmem:v34+s12+$0x0] =	vst.idx.msk vm0, v33  }
0x2ef: {  	v33 =	vld.idx.msk [tilespmem:v35+s9+$0x0], $0xffff  }
0x2f0: {  	v34 =	vor.u32 s29, v9  }
0x2f1: {  	v35 =	vor.u32 $0xA, v32;
	_ =	sdelay $0x3  }
0x2f2: {  	[tilespmem:v34+s12+$0x0] =	vst.idx.msk vm0, v33  }
0x2f3: {  	v33 =	vld.idx.msk [tilespmem:v35+s9+$0x0], $0xffff  }
0x2f4: {  	v34 =	vor.u32 s29, v10  }
0x2f5: {  	v35 =	vor.u32 $0xB, v32;
	_ =	sdelay $0x3  }
0x2f6: {  	[tilespmem:v34+s12+$0x0] =	vst.idx.msk vm0, v33  }
0x2f7: {  	v33 =	vld.idx.msk [tilespmem:v35+s9+$0x0], $0xffff  }
0x2f8: {  	v34 =	vor.u32 s29, v11  }
0x2f9: {  	v35 =	vor.u32 $0xC, v32;
	_ =	sdelay $0x3  }
0x2fa: {  	[tilespmem:v34+s12+$0x0] =	vst.idx.msk vm0, v33  }
0x2fb: {  	v33 =	vld.idx.msk [tilespmem:v35+s9+$0x0], $0xffff  }
0x2fc: {  	v34 =	vor.u32 s29, v12  }
0x2fd: {  	v35 =	vor.u32 $0xD, v32;
	_ =	sdelay $0x3  }
0x2fe: {  	[tilespmem:v34+s12+$0x0] =	vst.idx.msk vm0, v33  }
0x2ff: {  	v33 =	vld.idx.msk [tilespmem:v35+s9+$0x0], $0xffff  }
0x300: {  	v34 =	vor.u32 s29, v13  }
0x301: {  	v35 =	vor.u32 $0xE, v32;
	_ =	sdelay $0x3  }
0x302: {  	[tilespmem:v34+s12+$0x0] =	vst.idx.msk vm0, v33  }
0x303: {  	v33 =	vld.idx.msk [tilespmem:v35+s9+$0x0], $0xffff  }
0x304: {  	v34 =	vor.u32 s29, v14  }
0x305: {  	v35 =	vor.u32 $0xF, v32;
	_ =	sdelay $0x3  }
0x306: {  	[tilespmem:v34+s12+$0x0] =	vst.idx.msk vm0, v33  }
0x307: {  	v33 =	vld.idx.msk [tilespmem:v35+s9+$0x0], $0xffff  }
0x308: {  	v34 =	vor.u32 s29, v15  }
0x309: {  	v35 =	vor.u32 $0x10, v32;
	_ =	sdelay $0x3  }
0x30a: {  	[tilespmem:v34+s12+$0x0] =	vst.idx.msk vm0, v33  }
0x30b: {  	v33 =	vld.idx.msk [tilespmem:v35+s9+$0x0], $0xffff  }
0x30c: {  	v34 =	vor.u32 s29, v16  }
0x30d: {  	v35 =	vor.u32 $0x11, v32;
	_ =	sdelay $0x3  }
0x30e: {  	[tilespmem:v34+s12+$0x0] =	vst.idx.msk vm0, v33  }
0x30f: {  	v33 =	vld.idx.msk [tilespmem:v35+s9+$0x0], $0xffff  }
0x310: {  	v34 =	vor.u32 s29, v17  }
0x311: {  	v35 =	vor.u32 $0x12, v32;
	_ =	sdelay $0x3  }
0x312: {  	[tilespmem:v34+s12+$0x0] =	vst.idx.msk vm0, v33  }
0x313: {  	v33 =	vld.idx.msk [tilespmem:v35+s9+$0x0], $0xffff  }
0x314: {  	v34 =	vor.u32 s29, v18  }
0x315: {  	v35 =	vor.u32 $0x13, v32;
	_ =	sdelay $0x3  }
0x316: {  	[tilespmem:v34+s12+$0x0] =	vst.idx.msk vm0, v33  }
0x317: {  	v33 =	vld.idx.msk [tilespmem:v35+s9+$0x0], $0xffff  }
0x318: {  	v34 =	vor.u32 s29, v19  }
0x319: {  	v35 =	vor.u32 $0x14, v32;
	_ =	sdelay $0x3  }
0x31a: {  	[tilespmem:v34+s12+$0x0] =	vst.idx.msk vm0, v33  }
0x31b: {  	v33 =	vld.idx.msk [tilespmem:v35+s9+$0x0], $0xffff  }
0x31c: {  	v34 =	vor.u32 s29, v20  }
0x31d: {  	v35 =	vor.u32 $0x15, v32;
	_ =	sdelay $0x3  }
0x31e: {  	[tilespmem:v34+s12+$0x0] =	vst.idx.msk vm0, v33  }
0x31f: {  	v33 =	vld.idx.msk [tilespmem:v35+s9+$0x0], $0xffff  }
0x320: {  	v34 =	vor.u32 s29, v21  }
0x321: {  	v35 =	vor.u32 $0x16, v32;
	_ =	sdelay $0x3  }
0x322: {  	[tilespmem:v34+s12+$0x0] =	vst.idx.msk vm0, v33  }
0x323: {  	v33 =	vld.idx.msk [tilespmem:v35+s9+$0x0], $0xffff  }
0x324: {  	v34 =	vor.u32 s29, v22  }
0x325: {  	v35 =	vor.u32 $0x17, v32;
	_ =	sdelay $0x3  }
0x326: {  	[tilespmem:v34+s12+$0x0] =	vst.idx.msk vm0, v33  }
0x327: {  	v33 =	vld.idx.msk [tilespmem:v35+s9+$0x0], $0xffff  }
0x328: {  	v34 =	vor.u32 s29, v23  }
0x329: {  	v35 =	vor.u32 $0x18, v32;
	_ =	sdelay $0x3  }
0x32a: {  	[tilespmem:v34+s12+$0x0] =	vst.idx.msk vm0, v33  }
0x32b: {  	v33 =	vld.idx.msk [tilespmem:v35+s9+$0x0], $0xffff  }
0x32c: {  	v34 =	vor.u32 s29, v24  }
0x32d: {  	v35 =	vor.u32 $0x19, v32;
	_ =	sdelay $0x3  }
0x32e: {  	[tilespmem:v34+s12+$0x0] =	vst.idx.msk vm0, v33  }
0x32f: {  	v33 =	vld.idx.msk [tilespmem:v35+s9+$0x0], $0xffff  }
0x330: {  	v34 =	vor.u32 s29, v25  }
0x331: {  	v35 =	vor.u32 $0x1A, v32;
	_ =	sdelay $0x3  }
0x332: {  	[tilespmem:v34+s12+$0x0] =	vst.idx.msk vm0, v33  }
0x333: {  	v33 =	vld.idx.msk [tilespmem:v35+s9+$0x0], $0xffff  }
0x334: {  	v34 =	vor.u32 s29, v26  }
0x335: {  	v35 =	vor.u32 $0x1B, v32;
	_ =	sdelay $0x3  }
0x336: {  	[tilespmem:v34+s12+$0x0] =	vst.idx.msk vm0, v33  }
0x337: {  	v33 =	vld.idx.msk [tilespmem:v35+s9+$0x0], $0xffff  }
0x338: {  	v34 =	vor.u32 s29, v27  }
0x339: {  	v35 =	vor.u32 $0x1C, v32;
	_ =	sdelay $0x3  }
0x33a: {  	[tilespmem:v34+s12+$0x0] =	vst.idx.msk vm0, v33  }
0x33b: {  	v33 =	vld.idx.msk [tilespmem:v35+s9+$0x0], $0xffff  }
0x33c: {  	v34 =	vor.u32 s29, v28  }
0x33d: {  	v35 =	vor.u32 $0x1D, v32;
	_ =	sdelay $0x3  }
0x33e: {  	[tilespmem:v34+s12+$0x0] =	vst.idx.msk vm0, v33  }
0x33f: {  	v33 =	vld.idx.msk [tilespmem:v35+s9+$0x0], $0xffff  }
0x340: {  	v34 =	vor.u32 s29, v29  }
0x341: {  	v35 =	vor.u32 $0x1E, v32;
	_ =	sdelay $0x3  }
0x342: {  	[tilespmem:v34+s12+$0x0] =	vst.idx.msk vm0, v33  }
0x343: {  	v33 =	vld.idx.msk [tilespmem:v35+s9+$0x0], $0xffff  }
0x344: {  	v34 =	vor.u32 s29, v30  }
0x345: {  	v32 =	vor.u32 $0x1F, v32;
	_ =	sdelay $0x1  }
.Ltmp2:
0x346: {  	(pc) =	sbr.rel @p0 .LBB2_6-.Ltmp2, $4  }
0x347: {  	_ = 	snop  }
0x348: {  	[tilespmem:v34+s12+$0x0] =	vst.idx.msk vm0, v33  }
0x349: {  	v32 =	vld.idx.msk [tilespmem:v32+s9+$0x0], $0xffff  }
0x34a: {  	v33 =	vor.u32 s29, v31  }
0x34b: {  	_ =	sdelay $0x2  }
0x34c: {  	s26 =	sadd.s32 $0x1, s26  }
0x34d: {  	p0 =	sne.s32 s26, s7  }
.Ltmp3:
0x34e: {  	[tilespmem:v33+s12+$0x0] =	vst.idx.msk vm0, v32;
	(pc) =	sbr.rel @p0 .LBB2_1-.Ltmp3, $4  }
0x34f: {  	[hbm4b:s6+s11] =	stream.strided.scatter [tilespmem:s12], [sflag:$0x3], $0x4000, s25, s11, $0x38;
	[tilespmem:$0x8A00] =	vst v63  }
0x350: {  	_ =	swait.ge [sflag:s8], $0x4000  }
0x351: {  	[sflag:s8] =	ssyncset.done $0x0  }
0x352: {  	[sflag:s8] =	ssyncadd.s32 $0xFFFFC000  }
0x353: {  	_ =	sfence.sel $0x180000  }
0x354: {  	[bflag:$0x0] =	sbarrier.arrive $0xFFFF  }
0x355: {  	_ =	strace $0x9000004A  }
0x356: {  	s0 =	stileid.u32;
	[bflag:$0x2] =	sbarrier.arrive $0xFFFF  }
0x357: {  	p0 =	sne.s32 s0, $0x0;
	s0 =	rddreg [dreg:$0x3]  }
0x358: {  	s0 =	sadd.s32 @!p0 $0x100000, s0  }
0x359: {  	[sflag:s0] =	ssyncadd.tile.s32 @!p0 $0x1;
	_ =	shalt  }
.Lfunc_end2:
_tile_overlayer_lowered:
.L_overlay_start_2:
0x35a: {  	(tag) =	ssettag $0x2  }
0x35b: {  	s0 =	rddreg [dreg:$0x0];
	s2 =	stileid.u32  }
0x35c: {  	s1 =	rddreg [dreg:$0x1];
	p0 =	sne.s32 s2, $0x0  }
0x35d: {  	s3 =	rddreg [dreg:$0x2];
	[bflag:$0x3] =	sbarrier.arrive $0xFFFF;
	s2 =	simm.s32 @!p0 $0x1C03  }
0x35e: {  	[timem:s3], [sflag:s2] =	dma.local @!p0 [hbm:s0], s1  }
0x35f: {  	s0 =	simm.s32 @!p0 $0x3  }
0x360: {  	_ =	swait.ge @!p0 [sflag:s0], s1  }
0x361: {  	s1 =	ssub.s32 @!p0 $0x0, s1;
	[sflag:s0] =	ssyncset.done @!p0 $0x0  }
0x362: {  	[sflag:s0] =	ssyncadd.s32 @!p0 s1  }
0x363: {  	[bflag:$0x3] =	sbarrier.arrive $0xFFFF  }
0x364: {  	_ =	shalt  }

</sc_bundles>
